<compile_context>
chip_gen: v7x
topology: tpu7x:2x2x1
jax: 0.10.2.dev20260603
libtpu: 0.0.44.dev20260713+nightly
codegen_flags: <defaults>
</compile_context>

<pallas_src>
import functools

import jax
import jax.numpy as jnp
from jax import lax
from jax.experimental import pallas as pl
from jax.experimental.pallas import tpu as pltpu
from jax.experimental.pallas import tpu_sc as plsc

N_NODES = 10000
N_EDGES = 320000
D = 128
N_CLASSES = 40

NC = 2
NS = 16
NW = NC * NS

NPAD = 10240
ECHUNK = 128
EPT = NPAD
E_PAD = EPT * NW
NCHUNKS = EPT // ECHUNK
HCHUNKS = NCHUNKS // 2
QSPLIT = 2
STRIPE = NPAD // NS
SCHUNKS = STRIPE // ECHUNK

BLK = 512
NBLK = NPAD // BLK



def _sc_aggregate_body(h_hbm, srcb_hbm, dstb_hbm, zrows_hbm, part_hbm,
                       sidx, didx, rows0, rows1, aggr, gsem0, gsem1):
  c = lax.axis_index("c")
  s = lax.axis_index("s")
  wid = c * NS + s

  pltpu.sync_copy(zrows_hbm, rows0)
  for k in range(SCHUNKS):
    pltpu.sync_copy(rows0, aggr.at[pl.ds(s * STRIPE + k * ECHUNK, ECHUNK)])
  plsc.subcore_barrier()

  def gather(t, buf, sem):
    pltpu.async_copy(h_hbm.at[sidx.at[t]], buf, sem)

  def drain(buf, sem):
    pltpu.make_async_copy(h_hbm.at[pl.ds(0, ECHUNK)], buf, sem).wait()

  def scatter(t, buf):
    pltpu.sync_copy(buf, aggr.at[didx.at[t]], add=True)

  nq_light = QSPLIT
  nq_heavy = 2 * NC - QSPLIT
  light_rows = NS * nq_light * HCHUNKS
  nq = jnp.where(c == 0, nq_light, nq_heavy)
  my_base = jnp.where(c == 0, s * (nq_light * HCHUNKS),
                      light_rows + s * (nq_heavy * HCHUNKS))

  def stage_q(q, carry):
    base_row = my_base + q * HCHUNKS
    pltpu.sync_copy(srcb_hbm.at[pl.ds(base_row, HCHUNKS)], sidx)
    pltpu.sync_copy(dstb_hbm.at[pl.ds(base_row, HCHUNKS)], didx)

    gather(0, rows0, gsem0)

    def body(i, carry2):
      a = 2 * i
      gather(a + 1, rows1, gsem1)
      drain(rows0, gsem0)
      scatter(a, rows0)
      gather(a + 2, rows0, gsem0)
      drain(rows1, gsem1)
      scatter(a + 1, rows1)
      return carry2

    lax.fori_loop(0, HCHUNKS // 2 - 1, body, 0)
    gather(HCHUNKS - 1, rows1, gsem1)
    drain(rows0, gsem0)
    scatter(HCHUNKS - 2, rows0)
    drain(rows1, gsem1)
    scatter(HCHUNKS - 1, rows1)
    return carry

  lax.fori_loop(0, nq, stage_q, 0)
  plsc.subcore_barrier()

  for k in range(SCHUNKS):
    r0 = s * STRIPE + k * ECHUNK
    pltpu.sync_copy(aggr.at[pl.ds(r0, ECHUNK)], rows0)
    pltpu.sync_copy(rows0, part_hbm.at[pl.ds(c * NPAD + r0, ECHUNK)])


@functools.lru_cache(maxsize=None)
def _build_sc_aggregate():
  return pl.kernel(
      _sc_aggregate_body,
      out_type=jax.ShapeDtypeStruct((NC * NPAD, D), jnp.float32),
      mesh=plsc.VectorSubcoreMesh(core_axis_name="c", subcore_axis_name="s"),
      scratch_types=[
          pltpu.VMEM((HCHUNKS, ECHUNK), jnp.int32),
          pltpu.VMEM((HCHUNKS, ECHUNK), jnp.int32),
          pltpu.VMEM((ECHUNK, D), jnp.float32),
          pltpu.VMEM((ECHUNK, D), jnp.float32),
          pltpu.VMEM_SHARED((NPAD, D), jnp.float32),
          pltpu.SemaphoreType.DMA,
          pltpu.SemaphoreType.DMA,
      ],
  )


def _sc_aggregate(h, src, dst, zrows):
  return _build_sc_aggregate()(h, src, dst, zrows)



def _bn_stats_body(x_ref, o_ref):
  @pl.when(pl.program_id(0) == 0)
  def _():
    o_ref[...] = jnp.zeros_like(o_ref)

  x = x_ref[...]
  o_ref[0:1, :] += jnp.sum(x, axis=0, keepdims=True)
  o_ref[1:2, :] += jnp.sum(x * x, axis=0, keepdims=True)


def _bn_apply_body(x_ref, st_ref, w_ref, b_ref, o_ref):
  st = st_ref[...]
  mean = st[0:1, :] * (1.0 / N_NODES)
  var = st[1:2, :] * (1.0 / N_NODES) - mean * mean
  inv = lax.rsqrt(var + 1e-5) * w_ref[...]
  o_ref[...] = (x_ref[...] - mean) * inv + b_ref[...]


def _batchnorm(x_pad, bn_w, bn_b):
  stats = pl.pallas_call(
      _bn_stats_body,
      out_shape=jax.ShapeDtypeStruct((2, D), jnp.float32),
      grid=(NBLK,),
      in_specs=[pl.BlockSpec((BLK, D), lambda i: (i, 0))],
      out_specs=pl.BlockSpec((2, D), lambda i: (0, 0)),
  )(x_pad)
  return pl.pallas_call(
      _bn_apply_body,
      out_shape=jax.ShapeDtypeStruct((NPAD, D), jnp.float32),
      grid=(NBLK,),
      in_specs=[
          pl.BlockSpec((BLK, D), lambda i: (i, 0)),
          pl.BlockSpec((2, D), lambda i: (0, 0)),
          pl.BlockSpec((1, D), lambda i: (0, 0)),
          pl.BlockSpec((1, D), lambda i: (0, 0)),
      ],
      out_specs=pl.BlockSpec((BLK, D), lambda i: (i, 0)),
  )(x_pad, stats, bn_w.reshape(1, D), bn_b.reshape(1, D))



def _combine_body(relu, p0_ref, p1_ref, h_ref, wr_ref, ww_ref, b_ref, o_ref):
  aggr = p0_ref[...] + p1_ref[...]
  acc = jnp.dot(aggr, wr_ref[...], preferred_element_type=jnp.float32)
  acc += jnp.dot(h_ref[...], ww_ref[...], preferred_element_type=jnp.float32)
  acc += b_ref[...]
  if relu:
    acc = jnp.maximum(acc, 0.0)
  o_ref[...] = acc


def _combine(part, h, w_rel, w_root, b, relu):
  return pl.pallas_call(
      functools.partial(_combine_body, relu),
      out_shape=jax.ShapeDtypeStruct((NPAD, D), jnp.float32),
      grid=(NBLK,),
      in_specs=[
          pl.BlockSpec((BLK, D), lambda i: (i, 0)),
          pl.BlockSpec((BLK, D), lambda i: (i, 0)),
          pl.BlockSpec((BLK, D), lambda i: (i, 0)),
          pl.BlockSpec((D, D), lambda i: (0, 0)),
          pl.BlockSpec((D, D), lambda i: (0, 0)),
          pl.BlockSpec((1, D), lambda i: (0, 0)),
      ],
      out_specs=pl.BlockSpec((BLK, D), lambda i: (i, 0)),
  )(part[:NPAD], part[NPAD:], h, w_rel, w_root, b.reshape(1, D))



def _head_body(h_ref, lw_ref, lb_ref, o_ref, s_ref):
  i = pl.program_id(0)

  @pl.when(i == 0)
  def _():
    s_ref[...] = jnp.zeros_like(s_ref)

  rows = i * BLK + lax.broadcasted_iota(jnp.int32, (BLK, 1), 0)
  x = jnp.where(rows < N_NODES, h_ref[...], 0.0)
  s_ref[...] += jnp.sum(x, axis=0, keepdims=True)

  @pl.when(i == NBLK - 1)
  def _():
    pooled = s_ref[...] * (1.0 / N_NODES)
    o_ref[...] = (
        jnp.dot(pooled, lw_ref[...], preferred_element_type=jnp.float32)
        + lb_ref[...]
    )


def _head(h, lin_w, lin_b):
  return pl.pallas_call(
      _head_body,
      out_shape=jax.ShapeDtypeStruct((1, N_CLASSES), jnp.float32),
      grid=(NBLK,),
      in_specs=[
          pl.BlockSpec((BLK, D), lambda i: (i, 0)),
          pl.BlockSpec((D, N_CLASSES), lambda i: (0, 0)),
          pl.BlockSpec((1, N_CLASSES), lambda i: (0, 0)),
      ],
      out_specs=pl.BlockSpec((1, N_CLASSES), lambda i: (0, 0)),
      scratch_shapes=[pltpu.VMEM((1, D), jnp.float32)],
  )(h, lin_w, lin_b.reshape(1, N_CLASSES))



def kernel(x, edge_index, bn_weight, bn_bias,
           w_rel0, w_root0, b0, w_rel1, w_root1, b1,
           w_rel2, w_root2, b2, w_rel3, w_root3, b3,
           lin_w, lin_b):
  x_pad = jnp.zeros((NPAD, D), jnp.float32).at[:N_NODES].set(x)

  src = edge_index[0].astype(jnp.int32)
  dst = edge_index[1].astype(jnp.int32)
  npadedge = E_PAD - N_EDGES
  pad_dst = N_NODES + jnp.arange(npadedge, dtype=jnp.int32) % (NPAD - N_NODES)
  src = jnp.concatenate([src, jnp.zeros((npadedge,), jnp.int32)])
  dst = jnp.concatenate([dst, pad_dst])
  src = src.reshape(E_PAD // ECHUNK, ECHUNK)
  dst = dst.reshape(E_PAD // ECHUNK, ECHUNK)
  zrows = jnp.zeros((ECHUNK, D), jnp.float32)

  h = _batchnorm(x_pad, bn_weight, bn_bias)
  layers = [(w_rel0, w_root0, b0, True), (w_rel1, w_root1, b1, True),
            (w_rel2, w_root2, b2, True), (w_rel3, w_root3, b3, False)]
  for w_rel, w_root, b, relu in layers:
    part = _sc_aggregate(h, src, dst, zrows)
    h = _combine(part, h, w_rel, w_root, b, relu)

  return _head(h, lin_w, lin_b)

# --- scband reference (transcript-rebuilt; emitter-appended) ---
"""Pipeline reference for scband-gnnv2-63840393888561 (READ-ONLY COPY).

The authoritative reference and input builder live on the scoring server;
editing this copy changes nothing except your own understanding.
"""

import jax, jax.numpy as jnp
import numpy as np

N_NODES = 10000
N_EDGES = 320000
D_FEAT = 128
HIDDEN = 128
N_CLASSES = 40

def setup_inputs(seed: int = 0) -> dict:
    key = jax.random.key(seed)
    ks = jax.random.split(key, 32)
    inp = {}
    inp["x"] = jax.random.normal(ks[0], (N_NODES, D_FEAT), dtype=jnp.float32)
    inp["edge_index"] = jax.random.randint(ks[1], (2, N_EDGES), 0, N_NODES)
    inp["bn_weight"] = jnp.ones((D_FEAT,), jnp.float32)
    inp["bn_bias"] = jnp.zeros((D_FEAT,), jnp.float32)
    dims = [(D_FEAT, HIDDEN), (HIDDEN, HIDDEN), (HIDDEN, HIDDEN), (HIDDEN, HIDDEN)]
    for i, (di, do) in enumerate(dims):
        s = 1.0 / np.sqrt(di)
        inp[f"w_rel{i}"] = jax.random.uniform(ks[2 + 3 * i], (di, do), jnp.float32, -s, s)
        inp[f"w_root{i}"] = jax.random.uniform(ks[3 + 3 * i], (di, do), jnp.float32, -s, s)
        inp[f"b{i}"] = jax.random.uniform(ks[4 + 3 * i], (do,), jnp.float32, -s, s)
    s = 1.0 / np.sqrt(HIDDEN)
    inp["lin_w"] = jax.random.uniform(ks[20], (HIDDEN, N_CLASSES), jnp.float32, -s, s)
    inp["lin_b"] = jax.random.uniform(ks[21], (N_CLASSES,), jnp.float32, -s, s)
    return inp

def _graph_conv(x, src, dst, w_rel, w_root, b):
    # PyG GraphConv: out_i = lin_rel(sum_{j in N(i)} x_j) + lin_root(x_i)
    msgs = jnp.take(x, src, axis=0)
    aggr = jax.ops.segment_sum(msgs, dst, num_segments=x.shape[0])
    return aggr @ w_rel + b + x @ w_root

def reference(x, edge_index, bn_weight, bn_bias,
              w_rel0, w_root0, b0, w_rel1, w_root1, b1,
              w_rel2, w_root2, b2, w_rel3, w_root3, b3,
              lin_w, lin_b):
    eps = 1e-5
    # BatchNorm1d in training mode (module default): batch statistics
    mean = x.mean(axis=0)
    var = x.var(axis=0)
    h = (x - mean) / jnp.sqrt(var + eps) * bn_weight + bn_bias
    src = edge_index[0]
    dst = edge_index[1]
    h = jax.nn.relu(_graph_conv(h, src, dst, w_rel0, w_root0, b0))
    h = jax.nn.relu(_graph_conv(h, src, dst, w_rel1, w_root1, b1))
    h = jax.nn.relu(_graph_conv(h, src, dst, w_rel2, w_root2, b2))
    h = _graph_conv(h, src, dst, w_rel3, w_root3, b3)
    # global_mean_pool with batch=None -> single graph
    pooled = h.mean(axis=0, keepdims=True)
    # dropout p=0.0 -> no-op
    return pooled @ lin_w + lin_b

if __name__ == "__main__":
    import jax
    _d = setup_inputs()
    print(jax.jit(kernel)(*tuple(_d.values())))

</pallas_src>

<mosaic_0001>
#map = affine_map<(d0, d1) -> (0, 0)>
module attributes {stable_mosaic.version = 14 : i64} {
  func.func @_sc_aggregate_body(%arg0: i32, %arg1: i32, %arg2: memref<10240x128xf32, #tpu.memory_space<hbm>>, %arg3: memref<2560x128xi32, #tpu.memory_space<hbm>>, %arg4: memref<2560x128xi32, #tpu.memory_space<hbm>>, %arg5: memref<128x128xf32, #tpu.memory_space<hbm>>, %arg6: memref<20480x128xf32, #tpu.memory_space<hbm>>, %arg7: memref<40x128xi32, #tpu.memory_space<vmem>>, %arg8: memref<40x128xi32, #tpu.memory_space<vmem>>, %arg9: memref<128x128xf32, #tpu.memory_space<vmem>>, %arg10: memref<128x128xf32, #tpu.memory_space<vmem>>, %arg11: memref<10240x128xf32, #tpu.memory_space<vmem_shared>>, %arg12: memref<!tpu.dma_semaphore, #tpu.memory_space<semaphore_mem>>, %arg13: memref<!tpu.dma_semaphore, #tpu.memory_space<semaphore_mem>>) attributes {dimension_semantics = [#tpu.dimension_semantics<core_parallel>, #tpu.dimension_semantics<subcore_parallel>], iteration_bounds = array<i64: 2, 16>, scalar_prefetch = 0 : i64, scratch_operands = 7 : i64, tpu.core_type = #tpu.core_type<sc_vector_subcore>, window_params = [{transform_indices = #map}, {transform_indices = #map}, {transform_indices = #map}, {transform_indices = #map}, {transform_indices = #map}]} {
    %mul3A = arith.constant 16 : i32
    %mul3A_0 = arith.muli %arg0, %mul3A : i32
    %add3A = arith.addi %mul3A_0, %arg1 : i32
    "tpu.region"() ({
      %run_scoped3A = tpu.sem_alloc : memref<!tpu.dma_semaphore, #tpu.memory_space<semaphore_mem>>
      tpu.enqueue_dma source(%arg5 : memref<128x128xf32, #tpu.memory_space<hbm>>) target(%arg9 : memref<128x128xf32, #tpu.memory_space<vmem>>) target_semaphore(%run_scoped3A : memref<!tpu.dma_semaphore, #tpu.memory_space<semaphore_mem>>)
      tpu.wait_dma2 semaphore(%run_scoped3A : memref<!tpu.dma_semaphore, #tpu.memory_space<semaphore_mem>>) src(%arg5 : memref<128x128xf32, #tpu.memory_space<hbm>>) dst(%arg9 : memref<128x128xf32, #tpu.memory_space<vmem>>)
      tpu.yield
    }) : () -> ()
    %mul3A_1 = arith.constant 640 : i32
    %mul3A_2 = arith.muli %arg1, %mul3A_1 : i32
    %add3A_3 = arith.constant 0 : i32
    %add3A_4 = arith.addi %mul3A_2, %add3A_3 : i32
    "tpu.region"() ({
      %run_scoped3A = tpu.sem_alloc : memref<!tpu.dma_semaphore, #tpu.memory_space<semaphore_mem>>
      %dma_start3A = arith.constant 0 : i32
      %dma_start3A_77 = tpu.memref_slice %arg11[%add3A_4, %dma_start3A] : memref<10240x128xf32, #tpu.memory_space<vmem_shared>> -> memref<128x128xf32, #tpu.memory_space<vmem_shared>>
      %dma_start3A_78 = arith.constant 0 : i32
      %dma_start3A_79 = tpu.memref_slice %arg11[%add3A_4, %dma_start3A_78] : memref<10240x128xf32, #tpu.memory_space<vmem_shared>> -> memref<128x128xf32, #tpu.memory_space<vmem_shared>>
      tpu.enqueue_dma source(%arg9 : memref<128x128xf32, #tpu.memory_space<vmem>>) target(%dma_start3A_79 : memref<128x128xf32, #tpu.memory_space<vmem_shared>>) target_semaphore(%run_scoped3A : memref<!tpu.dma_semaphore, #tpu.memory_space<semaphore_mem>>)
      %dma_wait3A = arith.constant 0 : i32
      %dma_wait3A_80 = tpu.memref_slice %arg11[%add3A_4, %dma_wait3A] : memref<10240x128xf32, #tpu.memory_space<vmem_shared>> -> memref<128x128xf32, #tpu.memory_space<vmem_shared>>
      %dma_wait3A_81 = arith.constant 0 : i32
      %dma_wait3A_82 = tpu.memref_slice %arg11[%add3A_4, %dma_wait3A_81] : memref<10240x128xf32, #tpu.memory_space<vmem_shared>> -> memref<128x128xf32, #tpu.memory_space<vmem_shared>>
      tpu.wait_dma2 semaphore(%run_scoped3A : memref<!tpu.dma_semaphore, #tpu.memory_space<semaphore_mem>>) src(%arg9 : memref<128x128xf32, #tpu.memory_space<vmem>>) dst(%dma_wait3A_82 : memref<128x128xf32, #tpu.memory_space<vmem_shared>>)
      tpu.yield
    }) : () -> ()
    %mul3A_5 = arith.constant 640 : i32
    %mul3A_6 = arith.muli %arg1, %mul3A_5 : i32
    %add3A_7 = arith.constant 128 : i32
    %add3A_8 = arith.addi %mul3A_6, %add3A_7 : i32
    "tpu.region"() ({
      %run_scoped3A = tpu.sem_alloc : memref<!tpu.dma_semaphore, #tpu.memory_space<semaphore_mem>>
      %dma_start3A = arith.constant 0 : i32
      %dma_start3A_77 = tpu.memref_slice %arg11[%add3A_8, %dma_start3A] : memref<10240x128xf32, #tpu.memory_space<vmem_shared>> -> memref<128x128xf32, #tpu.memory_space<vmem_shared>>
      %dma_start3A_78 = arith.constant 0 : i32
      %dma_start3A_79 = tpu.memref_slice %arg11[%add3A_8, %dma_start3A_78] : memref<10240x128xf32, #tpu.memory_space<vmem_shared>> -> memref<128x128xf32, #tpu.memory_space<vmem_shared>>
      tpu.enqueue_dma source(%arg9 : memref<128x128xf32, #tpu.memory_space<vmem>>) target(%dma_start3A_79 : memref<128x128xf32, #tpu.memory_space<vmem_shared>>) target_semaphore(%run_scoped3A : memref<!tpu.dma_semaphore, #tpu.memory_space<semaphore_mem>>)
      %dma_wait3A = arith.constant 0 : i32
      %dma_wait3A_80 = tpu.memref_slice %arg11[%add3A_8, %dma_wait3A] : memref<10240x128xf32, #tpu.memory_space<vmem_shared>> -> memref<128x128xf32, #tpu.memory_space<vmem_shared>>
      %dma_wait3A_81 = arith.constant 0 : i32
      %dma_wait3A_82 = tpu.memref_slice %arg11[%add3A_8, %dma_wait3A_81] : memref<10240x128xf32, #tpu.memory_space<vmem_shared>> -> memref<128x128xf32, #tpu.memory_space<vmem_shared>>
      tpu.wait_dma2 semaphore(%run_scoped3A : memref<!tpu.dma_semaphore, #tpu.memory_space<semaphore_mem>>) src(%arg9 : memref<128x128xf32, #tpu.memory_space<vmem>>) dst(%dma_wait3A_82 : memref<128x128xf32, #tpu.memory_space<vmem_shared>>)
      tpu.yield
    }) : () -> ()
    %mul3A_9 = arith.constant 640 : i32
    %mul3A_10 = arith.muli %arg1, %mul3A_9 : i32
    %add3A_11 = arith.constant 256 : i32
    %add3A_12 = arith.addi %mul3A_10, %add3A_11 : i32
    "tpu.region"() ({
      %run_scoped3A = tpu.sem_alloc : memref<!tpu.dma_semaphore, #tpu.memory_space<semaphore_mem>>
      %dma_start3A = arith.constant 0 : i32
      %dma_start3A_77 = tpu.memref_slice %arg11[%add3A_12, %dma_start3A] : memref<10240x128xf32, #tpu.memory_space<vmem_shared>> -> memref<128x128xf32, #tpu.memory_space<vmem_shared>>
      %dma_start3A_78 = arith.constant 0 : i32
      %dma_start3A_79 = tpu.memref_slice %arg11[%add3A_12, %dma_start3A_78] : memref<10240x128xf32, #tpu.memory_space<vmem_shared>> -> memref<128x128xf32, #tpu.memory_space<vmem_shared>>
      tpu.enqueue_dma source(%arg9 : memref<128x128xf32, #tpu.memory_space<vmem>>) target(%dma_start3A_79 : memref<128x128xf32, #tpu.memory_space<vmem_shared>>) target_semaphore(%run_scoped3A : memref<!tpu.dma_semaphore, #tpu.memory_space<semaphore_mem>>)
      %dma_wait3A = arith.constant 0 : i32
      %dma_wait3A_80 = tpu.memref_slice %arg11[%add3A_12, %dma_wait3A] : memref<10240x128xf32, #tpu.memory_space<vmem_shared>> -> memref<128x128xf32, #tpu.memory_space<vmem_shared>>
      %dma_wait3A_81 = arith.constant 0 : i32
      %dma_wait3A_82 = tpu.memref_slice %arg11[%add3A_12, %dma_wait3A_81] : memref<10240x128xf32, #tpu.memory_space<vmem_shared>> -> memref<128x128xf32, #tpu.memory_space<vmem_shared>>
      tpu.wait_dma2 semaphore(%run_scoped3A : memref<!tpu.dma_semaphore, #tpu.memory_space<semaphore_mem>>) src(%arg9 : memref<128x128xf32, #tpu.memory_space<vmem>>) dst(%dma_wait3A_82 : memref<128x128xf32, #tpu.memory_space<vmem_shared>>)
      tpu.yield
    }) : () -> ()
    %mul3A_13 = arith.constant 640 : i32
    %mul3A_14 = arith.muli %arg1, %mul3A_13 : i32
    %add3A_15 = arith.constant 384 : i32
    %add3A_16 = arith.addi %mul3A_14, %add3A_15 : i32
    "tpu.region"() ({
      %run_scoped3A = tpu.sem_alloc : memref<!tpu.dma_semaphore, #tpu.memory_space<semaphore_mem>>
      %dma_start3A = arith.constant 0 : i32
      %dma_start3A_77 = tpu.memref_slice %arg11[%add3A_16, %dma_start3A] : memref<10240x128xf32, #tpu.memory_space<vmem_shared>> -> memref<128x128xf32, #tpu.memory_space<vmem_shared>>
      %dma_start3A_78 = arith.constant 0 : i32
      %dma_start3A_79 = tpu.memref_slice %arg11[%add3A_16, %dma_start3A_78] : memref<10240x128xf32, #tpu.memory_space<vmem_shared>> -> memref<128x128xf32, #tpu.memory_space<vmem_shared>>
      tpu.enqueue_dma source(%arg9 : memref<128x128xf32, #tpu.memory_space<vmem>>) target(%dma_start3A_79 : memref<128x128xf32, #tpu.memory_space<vmem_shared>>) target_semaphore(%run_scoped3A : memref<!tpu.dma_semaphore, #tpu.memory_space<semaphore_mem>>)
      %dma_wait3A = arith.constant 0 : i32
      %dma_wait3A_80 = tpu.memref_slice %arg11[%add3A_16, %dma_wait3A] : memref<10240x128xf32, #tpu.memory_space<vmem_shared>> -> memref<128x128xf32, #tpu.memory_space<vmem_shared>>
      %dma_wait3A_81 = arith.constant 0 : i32
      %dma_wait3A_82 = tpu.memref_slice %arg11[%add3A_16, %dma_wait3A_81] : memref<10240x128xf32, #tpu.memory_space<vmem_shared>> -> memref<128x128xf32, #tpu.memory_space<vmem_shared>>
      tpu.wait_dma2 semaphore(%run_scoped3A : memref<!tpu.dma_semaphore, #tpu.memory_space<semaphore_mem>>) src(%arg9 : memref<128x128xf32, #tpu.memory_space<vmem>>) dst(%dma_wait3A_82 : memref<128x128xf32, #tpu.memory_space<vmem_shared>>)
      tpu.yield
    }) : () -> ()
    %mul3A_17 = arith.constant 640 : i32
    %mul3A_18 = arith.muli %arg1, %mul3A_17 : i32
    %add3A_19 = arith.constant 512 : i32
    %add3A_20 = arith.addi %mul3A_18, %add3A_19 : i32
    "tpu.region"() ({
      %run_scoped3A = tpu.sem_alloc : memref<!tpu.dma_semaphore, #tpu.memory_space<semaphore_mem>>
      %dma_start3A = arith.constant 0 : i32
      %dma_start3A_77 = tpu.memref_slice %arg11[%add3A_20, %dma_start3A] : memref<10240x128xf32, #tpu.memory_space<vmem_shared>> -> memref<128x128xf32, #tpu.memory_space<vmem_shared>>
      %dma_start3A_78 = arith.constant 0 : i32
      %dma_start3A_79 = tpu.memref_slice %arg11[%add3A_20, %dma_start3A_78] : memref<10240x128xf32, #tpu.memory_space<vmem_shared>> -> memref<128x128xf32, #tpu.memory_space<vmem_shared>>
      tpu.enqueue_dma source(%arg9 : memref<128x128xf32, #tpu.memory_space<vmem>>) target(%dma_start3A_79 : memref<128x128xf32, #tpu.memory_space<vmem_shared>>) target_semaphore(%run_scoped3A : memref<!tpu.dma_semaphore, #tpu.memory_space<semaphore_mem>>)
      %dma_wait3A = arith.constant 0 : i32
      %dma_wait3A_80 = tpu.memref_slice %arg11[%add3A_20, %dma_wait3A] : memref<10240x128xf32, #tpu.memory_space<vmem_shared>> -> memref<128x128xf32, #tpu.memory_space<vmem_shared>>
      %dma_wait3A_81 = arith.constant 0 : i32
      %dma_wait3A_82 = tpu.memref_slice %arg11[%add3A_20, %dma_wait3A_81] : memref<10240x128xf32, #tpu.memory_space<vmem_shared>> -> memref<128x128xf32, #tpu.memory_space<vmem_shared>>
      tpu.wait_dma2 semaphore(%run_scoped3A : memref<!tpu.dma_semaphore, #tpu.memory_space<semaphore_mem>>) src(%arg9 : memref<128x128xf32, #tpu.memory_space<vmem>>) dst(%dma_wait3A_82 : memref<128x128xf32, #tpu.memory_space<vmem_shared>>)
      tpu.yield
    }) : () -> ()
    %barrier3A = arith.constant 0 : index
    tpu.barrier barrier_id(%barrier3A)
    %eq3A = arith.constant 0 : i32
    %eq3A_21 = arith.cmpi eq, %arg0, %eq3A : i32
    %jit3A = arith.constant 2 : i32
    %jit3A_22 = arith.constant 2 : i32
    %select_n3A = arith.select %eq3A_21, %jit3A, %jit3A_22 : i32
    %eq3A_23 = arith.constant 0 : i32
    %eq3A_24 = arith.cmpi eq, %arg0, %eq3A_23 : i32
    %mul3A_25 = arith.constant 80 : i32
    %mul3A_26 = arith.muli %arg1, %mul3A_25 : i32
    %mul3A_27 = arith.constant 80 : i32
    %mul3A_28 = arith.muli %arg1, %mul3A_27 : i32
    %add3A_29 = arith.constant 1280 : i32
    %add3A_30 = arith.addi %add3A_29, %mul3A_28 : i32
    %select_n3A_31 = arith.select %eq3A_24, %mul3A_26, %add3A_30 : i32
    %while3A = arith.constant 0 : i32
    %while3A_32 = arith.constant 0 : i32
    %while3A_33 = arith.subi %select_n3A, %while3A_32 : i32
    %while3A_34 = arith.addi %while3A_32, %while3A_33 : i32
    %while3A_35 = arith.constant 1 : i32
    %while3A_36 = arith.divsi %while3A_33, %while3A_35 : i32
    %while3A_37 = arith.muli %while3A_36, %while3A_35 : i32
    %while3A_38 = arith.addi %while3A_32, %while3A_37 : i32
    %while3A_39 = arith.constant 1 : i32
    scf.for %while3A_77 = %while3A_32 to %while3A_38 step %while3A_39  : i32 {
      %mul3A_78 = arith.constant 40 : i32
      %mul3A_79 = arith.muli %while3A_77, %mul3A_78 : i32
      %add3A_80 = arith.addi %select_n3A_31, %mul3A_79 : i32
      "tpu.region"() ({
        %run_scoped3A_111 = tpu.sem_alloc : memref<!tpu.dma_semaphore, #tpu.memory_space<semaphore_mem>>
        %dma_start3A_112 = arith.constant 0 : i32
        %dma_start3A_113 = tpu.memref_slice %arg3[%add3A_80, %dma_start3A_112] : memref<2560x128xi32, #tpu.memory_space<hbm>> -> memref<40x128xi32, #tpu.memory_space<hbm>>
        %dma_start3A_114 = arith.constant 0 : i32
        %dma_start3A_115 = tpu.memref_slice %arg3[%add3A_80, %dma_start3A_114] : memref<2560x128xi32, #tpu.memory_space<hbm>> -> memref<40x128xi32, #tpu.memory_space<hbm>>
        tpu.enqueue_dma source(%dma_start3A_115 : memref<40x128xi32, #tpu.memory_space<hbm>>) target(%arg7 : memref<40x128xi32, #tpu.memory_space<vmem>>) target_semaphore(%run_scoped3A_111 : memref<!tpu.dma_semaphore, #tpu.memory_space<semaphore_mem>>)
        %dma_wait3A_116 = arith.constant 0 : i32
        %dma_wait3A_117 = tpu.memref_slice %arg3[%add3A_80, %dma_wait3A_116] : memref<2560x128xi32, #tpu.memory_space<hbm>> -> memref<40x128xi32, #tpu.memory_space<hbm>>
        %dma_wait3A_118 = arith.constant 0 : i32
        %dma_wait3A_119 = tpu.memref_slice %arg3[%add3A_80, %dma_wait3A_118] : memref<2560x128xi32, #tpu.memory_space<hbm>> -> memref<40x128xi32, #tpu.memory_space<hbm>>
        tpu.wait_dma2 semaphore(%run_scoped3A_111 : memref<!tpu.dma_semaphore, #tpu.memory_space<semaphore_mem>>) src(%dma_wait3A_119 : memref<40x128xi32, #tpu.memory_space<hbm>>) dst(%arg7 : memref<40x128xi32, #tpu.memory_space<vmem>>)
        tpu.yield
      }) : () -> ()
      "tpu.region"() ({
        %run_scoped3A_111 = tpu.sem_alloc : memref<!tpu.dma_semaphore, #tpu.memory_space<semaphore_mem>>
        %dma_start3A_112 = arith.constant 0 : i32
        %dma_start3A_113 = tpu.memref_slice %arg4[%add3A_80, %dma_start3A_112] : memref<2560x128xi32, #tpu.memory_space<hbm>> -> memref<40x128xi32, #tpu.memory_space<hbm>>
        %dma_start3A_114 = arith.constant 0 : i32
        %dma_start3A_115 = tpu.memref_slice %arg4[%add3A_80, %dma_start3A_114] : memref<2560x128xi32, #tpu.memory_space<hbm>> -> memref<40x128xi32, #tpu.memory_space<hbm>>
        tpu.enqueue_dma source(%dma_start3A_115 : memref<40x128xi32, #tpu.memory_space<hbm>>) target(%arg8 : memref<40x128xi32, #tpu.memory_space<vmem>>) target_semaphore(%run_scoped3A_111 : memref<!tpu.dma_semaphore, #tpu.memory_space<semaphore_mem>>)
        %dma_wait3A_116 = arith.constant 0 : i32
        %dma_wait3A_117 = tpu.memref_slice %arg4[%add3A_80, %dma_wait3A_116] : memref<2560x128xi32, #tpu.memory_space<hbm>> -> memref<40x128xi32, #tpu.memory_space<hbm>>
        %dma_wait3A_118 = arith.constant 0 : i32
        %dma_wait3A_119 = tpu.memref_slice %arg4[%add3A_80, %dma_wait3A_118] : memref<2560x128xi32, #tpu.memory_space<hbm>> -> memref<40x128xi32, #tpu.memory_space<hbm>>
        tpu.wait_dma2 semaphore(%run_scoped3A_111 : memref<!tpu.dma_semaphore, #tpu.memory_space<semaphore_mem>>) src(%dma_wait3A_119 : memref<40x128xi32, #tpu.memory_space<hbm>>) dst(%arg8 : memref<40x128xi32, #tpu.memory_space<vmem>>)
        tpu.yield
      }) : () -> ()
      %dma_start3A = arith.constant 0 : i32
      %dma_start3A_81 = arith.constant 0 : i32
      %dma_start3A_82 = tpu.memref_slice %arg7[%dma_start3A, %dma_start3A_81] : memref<40x128xi32, #tpu.memory_space<vmem>> -> memref<1x128xi32, #tpu.memory_space<vmem>>
      %dma_start3A_83 = tpu.memref_squeeze %dma_start3A_82 : memref<1x128xi32, #tpu.memory_space<vmem>> -> memref<128xi32, #tpu.memory_space<vmem>>
      %dma_start3A_84 = arith.constant 0 : i32
      %dma_start3A_85 = arith.constant 0 : i32
      %dma_start3A_86 = tpu.memref_slice %arg2[%dma_start3A_84, %dma_start3A_85] : memref<10240x128xf32, #tpu.memory_space<hbm>> -> memref<10240x128xf32, #tpu.memory_space<hbm>>
      tpu.enqueue_indirect_dma source(%dma_start3A_86 : memref<10240x128xf32, #tpu.memory_space<hbm>>) target(%arg9 : memref<128x128xf32, #tpu.memory_space<vmem>>) offsets(%dma_start3A_83 : memref<128xi32, #tpu.memory_space<vmem>>) semaphore(%arg12 : memref<!tpu.dma_semaphore, #tpu.memory_space<semaphore_mem>>)
      %scan3A = arith.constant 0 : i32
      %scan3A_87 = arith.constant 0 : i32
      %scan3A_88 = arith.constant 19 : i32
      %scan3A_89 = arith.addi %scan3A_87, %scan3A_88 : i32
      %scan3A_90 = arith.constant 1 : i32
      scf.for %scan3A_111 = %scan3A_87 to %scan3A_89 step %scan3A_90  : i32 {
        %mul3A_112 = arith.constant 2 : i32
        %mul3A_113 = arith.muli %mul3A_112, %scan3A_111 : i32
        %add3A_114 = arith.constant 1 : i32
        %add3A_115 = arith.addi %mul3A_113, %add3A_114 : i32
        %dma_start3A_116 = arith.constant 0 : i32
        %dma_start3A_117 = tpu.memref_slice %arg7[%add3A_115, %dma_start3A_116] : memref<40x128xi32, #tpu.memory_space<vmem>> -> memref<1x128xi32, #tpu.memory_space<vmem>>
        %dma_start3A_118 = tpu.memref_squeeze %dma_start3A_117 : memref<1x128xi32, #tpu.memory_space<vmem>> -> memref<128xi32, #tpu.memory_space<vmem>>
        %dma_start3A_119 = arith.constant 0 : i32
        %dma_start3A_120 = arith.constant 0 : i32
        %dma_start3A_121 = tpu.memref_slice %arg2[%dma_start3A_119, %dma_start3A_120] : memref<10240x128xf32, #tpu.memory_space<hbm>> -> memref<10240x128xf32, #tpu.memory_space<hbm>>
        tpu.enqueue_indirect_dma source(%dma_start3A_121 : memref<10240x128xf32, #tpu.memory_space<hbm>>) target(%arg10 : memref<128x128xf32, #tpu.memory_space<vmem>>) offsets(%dma_start3A_118 : memref<128xi32, #tpu.memory_space<vmem>>) semaphore(%arg13 : memref<!tpu.dma_semaphore, #tpu.memory_space<semaphore_mem>>)
        %dma_wait3A_122 = arith.constant 0 : i32
        %dma_wait3A_123 = arith.constant 0 : i32
        %dma_wait3A_124 = tpu.memref_slice %arg2[%dma_wait3A_122, %dma_wait3A_123] : memref<10240x128xf32, #tpu.memory_space<hbm>> -> memref<128x128xf32, #tpu.memory_space<hbm>>
        %dma_wait3A_125 = arith.constant 0 : i32
        %dma_wait3A_126 = arith.constant 0 : i32
        %dma_wait3A_127 = tpu.memref_slice %arg2[%dma_wait3A_125, %dma_wait3A_126] : memref<10240x128xf32, #tpu.memory_space<hbm>> -> memref<128x128xf32, #tpu.memory_space<hbm>>
        tpu.wait_dma2 semaphore(%arg12 : memref<!tpu.dma_semaphore, #tpu.memory_space<semaphore_mem>>) src(%dma_wait3A_127 : memref<128x128xf32, #tpu.memory_space<hbm>>) dst(%arg9 : memref<128x128xf32, #tpu.memory_space<vmem>>)
        "tpu.region"() ({
          %run_scoped3A_144 = tpu.sem_alloc : memref<!tpu.dma_semaphore, #tpu.memory_space<semaphore_mem>>
          %dma_start3A_145 = arith.constant 0 : i32
          %dma_start3A_146 = tpu.memref_slice %arg8[%mul3A_113, %dma_start3A_145] : memref<40x128xi32, #tpu.memory_space<vmem>> -> memref<1x128xi32, #tpu.memory_space<vmem>>
          %dma_start3A_147 = tpu.memref_squeeze %dma_start3A_146 : memref<1x128xi32, #tpu.memory_space<vmem>> -> memref<128xi32, #tpu.memory_space<vmem>>
          %dma_start3A_148 = arith.constant 0 : i32
          %dma_start3A_149 = arith.constant 0 : i32
          %dma_start3A_150 = tpu.memref_slice %arg11[%dma_start3A_148, %dma_start3A_149] : memref<10240x128xf32, #tpu.memory_space<vmem_shared>> -> memref<10240x128xf32, #tpu.memory_space<vmem_shared>>
          tpu.enqueue_indirect_dma source(%arg9 : memref<128x128xf32, #tpu.memory_space<vmem>>) target(%dma_start3A_150 : memref<10240x128xf32, #tpu.memory_space<vmem_shared>>) offsets(%dma_start3A_147 : memref<128xi32, #tpu.memory_space<vmem>>) semaphore(%run_scoped3A_144 : memref<!tpu.dma_semaphore, #tpu.memory_space<semaphore_mem>>) {add = true}
          %dma_wait3A_151 = arith.constant 0 : i32
          %dma_wait3A_152 = tpu.memref_slice %arg8[%mul3A_113, %dma_wait3A_151] : memref<40x128xi32, #tpu.memory_space<vmem>> -> memref<1x128xi32, #tpu.memory_space<vmem>>
          %dma_wait3A_153 = tpu.memref_squeeze %dma_wait3A_152 : memref<1x128xi32, #tpu.memory_space<vmem>> -> memref<128xi32, #tpu.memory_space<vmem>>
          %dma_wait3A_154 = arith.constant 0 : i32
          %dma_wait3A_155 = arith.constant 0 : i32
          %dma_wait3A_156 = tpu.memref_slice %arg11[%dma_wait3A_154, %dma_wait3A_155] : memref<10240x128xf32, #tpu.memory_space<vmem_shared>> -> memref<10240x128xf32, #tpu.memory_space<vmem_shared>>
          tpu.wait_indirect_dma semaphore(%run_scoped3A_144 : memref<!tpu.dma_semaphore, #tpu.memory_space<semaphore_mem>>) src(%arg9 : memref<128x128xf32, #tpu.memory_space<vmem>>) dst(%dma_wait3A_156 : memref<10240x128xf32, #tpu.memory_space<vmem_shared>>)
          tpu.yield
        }) : () -> ()
        %add3A_128 = arith.constant 2 : i32
        %add3A_129 = arith.addi %mul3A_113, %add3A_128 : i32
        %dma_start3A_130 = arith.constant 0 : i32
        %dma_start3A_131 = tpu.memref_slice %arg7[%add3A_129, %dma_start3A_130] : memref<40x128xi32, #tpu.memory_space<vmem>> -> memref<1x128xi32, #tpu.memory_space<vmem>>
        %dma_start3A_132 = tpu.memref_squeeze %dma_start3A_131 : memref<1x128xi32, #tpu.memory_space<vmem>> -> memref<128xi32, #tpu.memory_space<vmem>>
        %dma_start3A_133 = arith.constant 0 : i32
        %dma_start3A_134 = arith.constant 0 : i32
        %dma_start3A_135 = tpu.memref_slice %arg2[%dma_start3A_133, %dma_start3A_134] : memref<10240x128xf32, #tpu.memory_space<hbm>> -> memref<10240x128xf32, #tpu.memory_space<hbm>>
        tpu.enqueue_indirect_dma source(%dma_start3A_135 : memref<10240x128xf32, #tpu.memory_space<hbm>>) target(%arg9 : memref<128x128xf32, #tpu.memory_space<vmem>>) offsets(%dma_start3A_132 : memref<128xi32, #tpu.memory_space<vmem>>) semaphore(%arg12 : memref<!tpu.dma_semaphore, #tpu.memory_space<semaphore_mem>>)
        %dma_wait3A_136 = arith.constant 0 : i32
        %dma_wait3A_137 = arith.constant 0 : i32
        %dma_wait3A_138 = tpu.memref_slice %arg2[%dma_wait3A_136, %dma_wait3A_137] : memref<10240x128xf32, #tpu.memory_space<hbm>> -> memref<128x128xf32, #tpu.memory_space<hbm>>
        %dma_wait3A_139 = arith.constant 0 : i32
        %dma_wait3A_140 = arith.constant 0 : i32
        %dma_wait3A_141 = tpu.memref_slice %arg2[%dma_wait3A_139, %dma_wait3A_140] : memref<10240x128xf32, #tpu.memory_space<hbm>> -> memref<128x128xf32, #tpu.memory_space<hbm>>
        tpu.wait_dma2 semaphore(%arg13 : memref<!tpu.dma_semaphore, #tpu.memory_space<semaphore_mem>>) src(%dma_wait3A_141 : memref<128x128xf32, #tpu.memory_space<hbm>>) dst(%arg10 : memref<128x128xf32, #tpu.memory_space<vmem>>)
        %add3A_142 = arith.constant 1 : i32
        %add3A_143 = arith.addi %mul3A_113, %add3A_142 : i32
        "tpu.region"() ({
          %run_scoped3A_144 = tpu.sem_alloc : memref<!tpu.dma_semaphore, #tpu.memory_space<semaphore_mem>>
          %dma_start3A_145 = arith.constant 0 : i32
          %dma_start3A_146 = tpu.memref_slice %arg8[%add3A_143, %dma_start3A_145] : memref<40x128xi32, #tpu.memory_space<vmem>> -> memref<1x128xi32, #tpu.memory_space<vmem>>
          %dma_start3A_147 = tpu.memref_squeeze %dma_start3A_146 : memref<1x128xi32, #tpu.memory_space<vmem>> -> memref<128xi32, #tpu.memory_space<vmem>>
          %dma_start3A_148 = arith.constant 0 : i32
          %dma_start3A_149 = arith.constant 0 : i32
          %dma_start3A_150 = tpu.memref_slice %arg11[%dma_start3A_148, %dma_start3A_149] : memref<10240x128xf32, #tpu.memory_space<vmem_shared>> -> memref<10240x128xf32, #tpu.memory_space<vmem_shared>>
          tpu.enqueue_indirect_dma source(%arg10 : memref<128x128xf32, #tpu.memory_space<vmem>>) target(%dma_start3A_150 : memref<10240x128xf32, #tpu.memory_space<vmem_shared>>) offsets(%dma_start3A_147 : memref<128xi32, #tpu.memory_space<vmem>>) semaphore(%run_scoped3A_144 : memref<!tpu.dma_semaphore, #tpu.memory_space<semaphore_mem>>) {add = true}
          %dma_wait3A_151 = arith.constant 0 : i32
          %dma_wait3A_152 = tpu.memref_slice %arg8[%add3A_143, %dma_wait3A_151] : memref<40x128xi32, #tpu.memory_space<vmem>> -> memref<1x128xi32, #tpu.memory_space<vmem>>
          %dma_wait3A_153 = tpu.memref_squeeze %dma_wait3A_152 : memref<1x128xi32, #tpu.memory_space<vmem>> -> memref<128xi32, #tpu.memory_space<vmem>>
          %dma_wait3A_154 = arith.constant 0 : i32
          %dma_wait3A_155 = arith.constant 0 : i32
          %dma_wait3A_156 = tpu.memref_slice %arg11[%dma_wait3A_154, %dma_wait3A_155] : memref<10240x128xf32, #tpu.memory_space<vmem_shared>> -> memref<10240x128xf32, #tpu.memory_space<vmem_shared>>
          tpu.wait_indirect_dma semaphore(%run_scoped3A_144 : memref<!tpu.dma_semaphore, #tpu.memory_space<semaphore_mem>>) src(%arg10 : memref<128x128xf32, #tpu.memory_space<vmem>>) dst(%dma_wait3A_156 : memref<10240x128xf32, #tpu.memory_space<vmem_shared>>)
          tpu.yield
        }) : () -> ()
      }
      %scan3A_91 = arith.constant 19 : i32
      %dma_start3A_92 = arith.constant 39 : i32
      %dma_start3A_93 = arith.constant 0 : i32
      %dma_start3A_94 = tpu.memref_slice %arg7[%dma_start3A_92, %dma_start3A_93] : memref<40x128xi32, #tpu.memory_space<vmem>> -> memref<1x128xi32, #tpu.memory_space<vmem>>
      %dma_start3A_95 = tpu.memref_squeeze %dma_start3A_94 : memref<1x128xi32, #tpu.memory_space<vmem>> -> memref<128xi32, #tpu.memory_space<vmem>>
      %dma_start3A_96 = arith.constant 0 : i32
      %dma_start3A_97 = arith.constant 0 : i32
      %dma_start3A_98 = tpu.memref_slice %arg2[%dma_start3A_96, %dma_start3A_97] : memref<10240x128xf32, #tpu.memory_space<hbm>> -> memref<10240x128xf32, #tpu.memory_space<hbm>>
      tpu.enqueue_indirect_dma source(%dma_start3A_98 : memref<10240x128xf32, #tpu.memory_space<hbm>>) target(%arg10 : memref<128x128xf32, #tpu.memory_space<vmem>>) offsets(%dma_start3A_95 : memref<128xi32, #tpu.memory_space<vmem>>) semaphore(%arg13 : memref<!tpu.dma_semaphore, #tpu.memory_space<semaphore_mem>>)
      %dma_wait3A = arith.constant 0 : i32
      %dma_wait3A_99 = arith.constant 0 : i32
      %dma_wait3A_100 = tpu.memref_slice %arg2[%dma_wait3A, %dma_wait3A_99] : memref<10240x128xf32, #tpu.memory_space<hbm>> -> memref<128x128xf32, #tpu.memory_space<hbm>>
      %dma_wait3A_101 = arith.constant 0 : i32
      %dma_wait3A_102 = arith.constant 0 : i32
      %dma_wait3A_103 = tpu.memref_slice %arg2[%dma_wait3A_101, %dma_wait3A_102] : memref<10240x128xf32, #tpu.memory_space<hbm>> -> memref<128x128xf32, #tpu.memory_space<hbm>>
      tpu.wait_dma2 semaphore(%arg12 : memref<!tpu.dma_semaphore, #tpu.memory_space<semaphore_mem>>) src(%dma_wait3A_103 : memref<128x128xf32, #tpu.memory_space<hbm>>) dst(%arg9 : memref<128x128xf32, #tpu.memory_space<vmem>>)
      %run_scoped3A = arith.constant 38 : i32
      "tpu.region"() ({
        %run_scoped3A_111 = tpu.sem_alloc : memref<!tpu.dma_semaphore, #tpu.memory_space<semaphore_mem>>
        %dma_start3A_112 = arith.constant 0 : i32
        %dma_start3A_113 = tpu.memref_slice %arg8[%run_scoped3A, %dma_start3A_112] : memref<40x128xi32, #tpu.memory_space<vmem>> -> memref<1x128xi32, #tpu.memory_space<vmem>>
        %dma_start3A_114 = tpu.memref_squeeze %dma_start3A_113 : memref<1x128xi32, #tpu.memory_space<vmem>> -> memref<128xi32, #tpu.memory_space<vmem>>
        %dma_start3A_115 = arith.constant 0 : i32
        %dma_start3A_116 = arith.constant 0 : i32
        %dma_start3A_117 = tpu.memref_slice %arg11[%dma_start3A_115, %dma_start3A_116] : memref<10240x128xf32, #tpu.memory_space<vmem_shared>> -> memref<10240x128xf32, #tpu.memory_space<vmem_shared>>
        tpu.enqueue_indirect_dma source(%arg9 : memref<128x128xf32, #tpu.memory_space<vmem>>) target(%dma_start3A_117 : memref<10240x128xf32, #tpu.memory_space<vmem_shared>>) offsets(%dma_start3A_114 : memref<128xi32, #tpu.memory_space<vmem>>) semaphore(%run_scoped3A_111 : memref<!tpu.dma_semaphore, #tpu.memory_space<semaphore_mem>>) {add = true}
        %dma_wait3A_118 = arith.constant 0 : i32
        %dma_wait3A_119 = tpu.memref_slice %arg8[%run_scoped3A, %dma_wait3A_118] : memref<40x128xi32, #tpu.memory_space<vmem>> -> memref<1x128xi32, #tpu.memory_space<vmem>>
        %dma_wait3A_120 = tpu.memref_squeeze %dma_wait3A_119 : memref<1x128xi32, #tpu.memory_space<vmem>> -> memref<128xi32, #tpu.memory_space<vmem>>
        %dma_wait3A_121 = arith.constant 0 : i32
        %dma_wait3A_122 = arith.constant 0 : i32
        %dma_wait3A_123 = tpu.memref_slice %arg11[%dma_wait3A_121, %dma_wait3A_122] : memref<10240x128xf32, #tpu.memory_space<vmem_shared>> -> memref<10240x128xf32, #tpu.memory_space<vmem_shared>>
        tpu.wait_indirect_dma semaphore(%run_scoped3A_111 : memref<!tpu.dma_semaphore, #tpu.memory_space<semaphore_mem>>) src(%arg9 : memref<128x128xf32, #tpu.memory_space<vmem>>) dst(%dma_wait3A_123 : memref<10240x128xf32, #tpu.memory_space<vmem_shared>>)
        tpu.yield
      }) : () -> ()
      %dma_wait3A_104 = arith.constant 0 : i32
      %dma_wait3A_105 = arith.constant 0 : i32
      %dma_wait3A_106 = tpu.memref_slice %arg2[%dma_wait3A_104, %dma_wait3A_105] : memref<10240x128xf32, #tpu.memory_space<hbm>> -> memref<128x128xf32, #tpu.memory_space<hbm>>
      %dma_wait3A_107 = arith.constant 0 : i32
      %dma_wait3A_108 = arith.constant 0 : i32
      %dma_wait3A_109 = tpu.memref_slice %arg2[%dma_wait3A_107, %dma_wait3A_108] : memref<10240x128xf32, #tpu.memory_space<hbm>> -> memref<128x128xf32, #tpu.memory_space<hbm>>
      tpu.wait_dma2 semaphore(%arg13 : memref<!tpu.dma_semaphore, #tpu.memory_space<semaphore_mem>>) src(%dma_wait3A_109 : memref<128x128xf32, #tpu.memory_space<hbm>>) dst(%arg10 : memref<128x128xf32, #tpu.memory_space<vmem>>)
      %run_scoped3A_110 = arith.constant 39 : i32
      "tpu.region"() ({
        %run_scoped3A_111 = tpu.sem_alloc : memref<!tpu.dma_semaphore, #tpu.memory_space<semaphore_mem>>
        %dma_start3A_112 = arith.constant 0 : i32
        %dma_start3A_113 = tpu.memref_slice %arg8[%run_scoped3A_110, %dma_start3A_112] : memref<40x128xi32, #tpu.memory_space<vmem>> -> memref<1x128xi32, #tpu.memory_space<vmem>>
        %dma_start3A_114 = tpu.memref_squeeze %dma_start3A_113 : memref<1x128xi32, #tpu.memory_space<vmem>> -> memref<128xi32, #tpu.memory_space<vmem>>
        %dma_start3A_115 = arith.constant 0 : i32
        %dma_start3A_116 = arith.constant 0 : i32
        %dma_start3A_117 = tpu.memref_slice %arg11[%dma_start3A_115, %dma_start3A_116] : memref<10240x128xf32, #tpu.memory_space<vmem_shared>> -> memref<10240x128xf32, #tpu.memory_space<vmem_shared>>
        tpu.enqueue_indirect_dma source(%arg10 : memref<128x128xf32, #tpu.memory_space<vmem>>) target(%dma_start3A_117 : memref<10240x128xf32, #tpu.memory_space<vmem_shared>>) offsets(%dma_start3A_114 : memref<128xi32, #tpu.memory_space<vmem>>) semaphore(%run_scoped3A_111 : memref<!tpu.dma_semaphore, #tpu.memory_space<semaphore_mem>>) {add = true}
        %dma_wait3A_118 = arith.constant 0 : i32
        %dma_wait3A_119 = tpu.memref_slice %arg8[%run_scoped3A_110, %dma_wait3A_118] : memref<40x128xi32, #tpu.memory_space<vmem>> -> memref<1x128xi32, #tpu.memory_space<vmem>>
        %dma_wait3A_120 = tpu.memref_squeeze %dma_wait3A_119 : memref<1x128xi32, #tpu.memory_space<vmem>> -> memref<128xi32, #tpu.memory_space<vmem>>
        %dma_wait3A_121 = arith.constant 0 : i32
        %dma_wait3A_122 = arith.constant 0 : i32
        %dma_wait3A_123 = tpu.memref_slice %arg11[%dma_wait3A_121, %dma_wait3A_122] : memref<10240x128xf32, #tpu.memory_space<vmem_shared>> -> memref<10240x128xf32, #tpu.memory_space<vmem_shared>>
        tpu.wait_indirect_dma semaphore(%run_scoped3A_111 : memref<!tpu.dma_semaphore, #tpu.memory_space<semaphore_mem>>) src(%arg10 : memref<128x128xf32, #tpu.memory_space<vmem>>) dst(%dma_wait3A_123 : memref<10240x128xf32, #tpu.memory_space<vmem_shared>>)
        tpu.yield
      }) : () -> ()
    }
    %while3A_40 = arith.constant 1 : i32
    scf.for %while3A_77 = %while3A_38 to %while3A_34 step %while3A_40  : i32 {
      %mul3A_78 = arith.constant 40 : i32
      %mul3A_79 = arith.muli %while3A_77, %mul3A_78 : i32
      %add3A_80 = arith.addi %select_n3A_31, %mul3A_79 : i32
      "tpu.region"() ({
        %run_scoped3A_111 = tpu.sem_alloc : memref<!tpu.dma_semaphore, #tpu.memory_space<semaphore_mem>>
        %dma_start3A_112 = arith.constant 0 : i32
        %dma_start3A_113 = tpu.memref_slice %arg3[%add3A_80, %dma_start3A_112] : memref<2560x128xi32, #tpu.memory_space<hbm>> -> memref<40x128xi32, #tpu.memory_space<hbm>>
        %dma_start3A_114 = arith.constant 0 : i32
        %dma_start3A_115 = tpu.memref_slice %arg3[%add3A_80, %dma_start3A_114] : memref<2560x128xi32, #tpu.memory_space<hbm>> -> memref<40x128xi32, #tpu.memory_space<hbm>>
        tpu.enqueue_dma source(%dma_start3A_115 : memref<40x128xi32, #tpu.memory_space<hbm>>) target(%arg7 : memref<40x128xi32, #tpu.memory_space<vmem>>) target_semaphore(%run_scoped3A_111 : memref<!tpu.dma_semaphore, #tpu.memory_space<semaphore_mem>>)
        %dma_wait3A_116 = arith.constant 0 : i32
        %dma_wait3A_117 = tpu.memref_slice %arg3[%add3A_80, %dma_wait3A_116] : memref<2560x128xi32, #tpu.memory_space<hbm>> -> memref<40x128xi32, #tpu.memory_space<hbm>>
        %dma_wait3A_118 = arith.constant 0 : i32
        %dma_wait3A_119 = tpu.memref_slice %arg3[%add3A_80, %dma_wait3A_118] : memref<2560x128xi32, #tpu.memory_space<hbm>> -> memref<40x128xi32, #tpu.memory_space<hbm>>
        tpu.wait_dma2 semaphore(%run_scoped3A_111 : memref<!tpu.dma_semaphore, #tpu.memory_space<semaphore_mem>>) src(%dma_wait3A_119 : memref<40x128xi32, #tpu.memory_space<hbm>>) dst(%arg7 : memref<40x128xi32, #tpu.memory_space<vmem>>)
        tpu.yield
      }) : () -> ()
      "tpu.region"() ({
        %run_scoped3A_111 = tpu.sem_alloc : memref<!tpu.dma_semaphore, #tpu.memory_space<semaphore_mem>>
        %dma_start3A_112 = arith.constant 0 : i32
        %dma_start3A_113 = tpu.memref_slice %arg4[%add3A_80, %dma_start3A_112] : memref<2560x128xi32, #tpu.memory_space<hbm>> -> memref<40x128xi32, #tpu.memory_space<hbm>>
        %dma_start3A_114 = arith.constant 0 : i32
        %dma_start3A_115 = tpu.memref_slice %arg4[%add3A_80, %dma_start3A_114] : memref<2560x128xi32, #tpu.memory_space<hbm>> -> memref<40x128xi32, #tpu.memory_space<hbm>>
        tpu.enqueue_dma source(%dma_start3A_115 : memref<40x128xi32, #tpu.memory_space<hbm>>) target(%arg8 : memref<40x128xi32, #tpu.memory_space<vmem>>) target_semaphore(%run_scoped3A_111 : memref<!tpu.dma_semaphore, #tpu.memory_space<semaphore_mem>>)
        %dma_wait3A_116 = arith.constant 0 : i32
        %dma_wait3A_117 = tpu.memref_slice %arg4[%add3A_80, %dma_wait3A_116] : memref<2560x128xi32, #tpu.memory_space<hbm>> -> memref<40x128xi32, #tpu.memory_space<hbm>>
        %dma_wait3A_118 = arith.constant 0 : i32
        %dma_wait3A_119 = tpu.memref_slice %arg4[%add3A_80, %dma_wait3A_118] : memref<2560x128xi32, #tpu.memory_space<hbm>> -> memref<40x128xi32, #tpu.memory_space<hbm>>
        tpu.wait_dma2 semaphore(%run_scoped3A_111 : memref<!tpu.dma_semaphore, #tpu.memory_space<semaphore_mem>>) src(%dma_wait3A_119 : memref<40x128xi32, #tpu.memory_space<hbm>>) dst(%arg8 : memref<40x128xi32, #tpu.memory_space<vmem>>)
        tpu.yield
      }) : () -> ()
      %dma_start3A = arith.constant 0 : i32
      %dma_start3A_81 = arith.constant 0 : i32
      %dma_start3A_82 = tpu.memref_slice %arg7[%dma_start3A, %dma_start3A_81] : memref<40x128xi32, #tpu.memory_space<vmem>> -> memref<1x128xi32, #tpu.memory_space<vmem>>
      %dma_start3A_83 = tpu.memref_squeeze %dma_start3A_82 : memref<1x128xi32, #tpu.memory_space<vmem>> -> memref<128xi32, #tpu.memory_space<vmem>>
      %dma_start3A_84 = arith.constant 0 : i32
      %dma_start3A_85 = arith.constant 0 : i32
      %dma_start3A_86 = tpu.memref_slice %arg2[%dma_start3A_84, %dma_start3A_85] : memref<10240x128xf32, #tpu.memory_space<hbm>> -> memref<10240x128xf32, #tpu.memory_space<hbm>>
      tpu.enqueue_indirect_dma source(%dma_start3A_86 : memref<10240x128xf32, #tpu.memory_space<hbm>>) target(%arg9 : memref<128x128xf32, #tpu.memory_space<vmem>>) offsets(%dma_start3A_83 : memref<128xi32, #tpu.memory_space<vmem>>) semaphore(%arg12 : memref<!tpu.dma_semaphore, #tpu.memory_space<semaphore_mem>>)
      %scan3A = arith.constant 0 : i32
      %scan3A_87 = arith.constant 0 : i32
      %scan3A_88 = arith.constant 19 : i32
      %scan3A_89 = arith.addi %scan3A_87, %scan3A_88 : i32
      %scan3A_90 = arith.constant 1 : i32
      scf.for %scan3A_111 = %scan3A_87 to %scan3A_89 step %scan3A_90  : i32 {
        %mul3A_112 = arith.constant 2 : i32
        %mul3A_113 = arith.muli %mul3A_112, %scan3A_111 : i32
        %add3A_114 = arith.constant 1 : i32
        %add3A_115 = arith.addi %mul3A_113, %add3A_114 : i32
        %dma_start3A_116 = arith.constant 0 : i32
        %dma_start3A_117 = tpu.memref_slice %arg7[%add3A_115, %dma_start3A_116] : memref<40x128xi32, #tpu.memory_space<vmem>> -> memref<1x128xi32, #tpu.memory_space<vmem>>
        %dma_start3A_118 = tpu.memref_squeeze %dma_start3A_117 : memref<1x128xi32, #tpu.memory_space<vmem>> -> memref<128xi32, #tpu.memory_space<vmem>>
        %dma_start3A_119 = arith.constant 0 : i32
        %dma_start3A_120 = arith.constant 0 : i32
        %dma_start3A_121 = tpu.memref_slice %arg2[%dma_start3A_119, %dma_start3A_120] : memref<10240x128xf32, #tpu.memory_space<hbm>> -> memref<10240x128xf32, #tpu.memory_space<hbm>>
        tpu.enqueue_indirect_dma source(%dma_start3A_121 : memref<10240x128xf32, #tpu.memory_space<hbm>>) target(%arg10 : memref<128x128xf32, #tpu.memory_space<vmem>>) offsets(%dma_start3A_118 : memref<128xi32, #tpu.memory_space<vmem>>) semaphore(%arg13 : memref<!tpu.dma_semaphore, #tpu.memory_space<semaphore_mem>>)
        %dma_wait3A_122 = arith.constant 0 : i32
        %dma_wait3A_123 = arith.constant 0 : i32
        %dma_wait3A_124 = tpu.memref_slice %arg2[%dma_wait3A_122, %dma_wait3A_123] : memref<10240x128xf32, #tpu.memory_space<hbm>> -> memref<128x128xf32, #tpu.memory_space<hbm>>
        %dma_wait3A_125 = arith.constant 0 : i32
        %dma_wait3A_126 = arith.constant 0 : i32
        %dma_wait3A_127 = tpu.memref_slice %arg2[%dma_wait3A_125, %dma_wait3A_126] : memref<10240x128xf32, #tpu.memory_space<hbm>> -> memref<128x128xf32, #tpu.memory_space<hbm>>
        tpu.wait_dma2 semaphore(%arg12 : memref<!tpu.dma_semaphore, #tpu.memory_space<semaphore_mem>>) src(%dma_wait3A_127 : memref<128x128xf32, #tpu.memory_space<hbm>>) dst(%arg9 : memref<128x128xf32, #tpu.memory_space<vmem>>)
        "tpu.region"() ({
          %run_scoped3A_144 = tpu.sem_alloc : memref<!tpu.dma_semaphore, #tpu.memory_space<semaphore_mem>>
          %dma_start3A_145 = arith.constant 0 : i32
          %dma_start3A_146 = tpu.memref_slice %arg8[%mul3A_113, %dma_start3A_145] : memref<40x128xi32, #tpu.memory_space<vmem>> -> memref<1x128xi32, #tpu.memory_space<vmem>>
          %dma_start3A_147 = tpu.memref_squeeze %dma_start3A_146 : memref<1x128xi32, #tpu.memory_space<vmem>> -> memref<128xi32, #tpu.memory_space<vmem>>
          %dma_start3A_148 = arith.constant 0 : i32
          %dma_start3A_149 = arith.constant 0 : i32
          %dma_start3A_150 = tpu.memref_slice %arg11[%dma_start3A_148, %dma_start3A_149] : memref<10240x128xf32, #tpu.memory_space<vmem_shared>> -> memref<10240x128xf32, #tpu.memory_space<vmem_shared>>
          tpu.enqueue_indirect_dma source(%arg9 : memref<128x128xf32, #tpu.memory_space<vmem>>) target(%dma_start3A_150 : memref<10240x128xf32, #tpu.memory_space<vmem_shared>>) offsets(%dma_start3A_147 : memref<128xi32, #tpu.memory_space<vmem>>) semaphore(%run_scoped3A_144 : memref<!tpu.dma_semaphore, #tpu.memory_space<semaphore_mem>>) {add = true}
          %dma_wait3A_151 = arith.constant 0 : i32
          %dma_wait3A_152 = tpu.memref_slice %arg8[%mul3A_113, %dma_wait3A_151] : memref<40x128xi32, #tpu.memory_space<vmem>> -> memref<1x128xi32, #tpu.memory_space<vmem>>
          %dma_wait3A_153 = tpu.memref_squeeze %dma_wait3A_152 : memref<1x128xi32, #tpu.memory_space<vmem>> -> memref<128xi32, #tpu.memory_space<vmem>>
          %dma_wait3A_154 = arith.constant 0 : i32
          %dma_wait3A_155 = arith.constant 0 : i32
          %dma_wait3A_156 = tpu.memref_slice %arg11[%dma_wait3A_154, %dma_wait3A_155] : memref<10240x128xf32, #tpu.memory_space<vmem_shared>> -> memref<10240x128xf32, #tpu.memory_space<vmem_shared>>
          tpu.wait_indirect_dma semaphore(%run_scoped3A_144 : memref<!tpu.dma_semaphore, #tpu.memory_space<semaphore_mem>>) src(%arg9 : memref<128x128xf32, #tpu.memory_space<vmem>>) dst(%dma_wait3A_156 : memref<10240x128xf32, #tpu.memory_space<vmem_shared>>)
          tpu.yield
        }) : () -> ()
        %add3A_128 = arith.constant 2 : i32
        %add3A_129 = arith.addi %mul3A_113, %add3A_128 : i32
        %dma_start3A_130 = arith.constant 0 : i32
        %dma_start3A_131 = tpu.memref_slice %arg7[%add3A_129, %dma_start3A_130] : memref<40x128xi32, #tpu.memory_space<vmem>> -> memref<1x128xi32, #tpu.memory_space<vmem>>
        %dma_start3A_132 = tpu.memref_squeeze %dma_start3A_131 : memref<1x128xi32, #tpu.memory_space<vmem>> -> memref<128xi32, #tpu.memory_space<vmem>>
        %dma_start3A_133 = arith.constant 0 : i32
        %dma_start3A_134 = arith.constant 0 : i32
        %dma_start3A_135 = tpu.memref_slice %arg2[%dma_start3A_133, %dma_start3A_134] : memref<10240x128xf32, #tpu.memory_space<hbm>> -> memref<10240x128xf32, #tpu.memory_space<hbm>>
        tpu.enqueue_indirect_dma source(%dma_start3A_135 : memref<10240x128xf32, #tpu.memory_space<hbm>>) target(%arg9 : memref<128x128xf32, #tpu.memory_space<vmem>>) offsets(%dma_start3A_132 : memref<128xi32, #tpu.memory_space<vmem>>) semaphore(%arg12 : memref<!tpu.dma_semaphore, #tpu.memory_space<semaphore_mem>>)
        %dma_wait3A_136 = arith.constant 0 : i32
        %dma_wait3A_137 = arith.constant 0 : i32
        %dma_wait3A_138 = tpu.memref_slice %arg2[%dma_wait3A_136, %dma_wait3A_137] : memref<10240x128xf32, #tpu.memory_space<hbm>> -> memref<128x128xf32, #tpu.memory_space<hbm>>
        %dma_wait3A_139 = arith.constant 0 : i32
        %dma_wait3A_140 = arith.constant 0 : i32
        %dma_wait3A_141 = tpu.memref_slice %arg2[%dma_wait3A_139, %dma_wait3A_140] : memref<10240x128xf32, #tpu.memory_space<hbm>> -> memref<128x128xf32, #tpu.memory_space<hbm>>
        tpu.wait_dma2 semaphore(%arg13 : memref<!tpu.dma_semaphore, #tpu.memory_space<semaphore_mem>>) src(%dma_wait3A_141 : memref<128x128xf32, #tpu.memory_space<hbm>>) dst(%arg10 : memref<128x128xf32, #tpu.memory_space<vmem>>)
        %add3A_142 = arith.constant 1 : i32
        %add3A_143 = arith.addi %mul3A_113, %add3A_142 : i32
        "tpu.region"() ({
          %run_scoped3A_144 = tpu.sem_alloc : memref<!tpu.dma_semaphore, #tpu.memory_space<semaphore_mem>>
          %dma_start3A_145 = arith.constant 0 : i32
          %dma_start3A_146 = tpu.memref_slice %arg8[%add3A_143, %dma_start3A_145] : memref<40x128xi32, #tpu.memory_space<vmem>> -> memref<1x128xi32, #tpu.memory_space<vmem>>
          %dma_start3A_147 = tpu.memref_squeeze %dma_start3A_146 : memref<1x128xi32, #tpu.memory_space<vmem>> -> memref<128xi32, #tpu.memory_space<vmem>>
          %dma_start3A_148 = arith.constant 0 : i32
          %dma_start3A_149 = arith.constant 0 : i32
          %dma_start3A_150 = tpu.memref_slice %arg11[%dma_start3A_148, %dma_start3A_149] : memref<10240x128xf32, #tpu.memory_space<vmem_shared>> -> memref<10240x128xf32, #tpu.memory_space<vmem_shared>>
          tpu.enqueue_indirect_dma source(%arg10 : memref<128x128xf32, #tpu.memory_space<vmem>>) target(%dma_start3A_150 : memref<10240x128xf32, #tpu.memory_space<vmem_shared>>) offsets(%dma_start3A_147 : memref<128xi32, #tpu.memory_space<vmem>>) semaphore(%run_scoped3A_144 : memref<!tpu.dma_semaphore, #tpu.memory_space<semaphore_mem>>) {add = true}
          %dma_wait3A_151 = arith.constant 0 : i32
          %dma_wait3A_152 = tpu.memref_slice %arg8[%add3A_143, %dma_wait3A_151] : memref<40x128xi32, #tpu.memory_space<vmem>> -> memref<1x128xi32, #tpu.memory_space<vmem>>
          %dma_wait3A_153 = tpu.memref_squeeze %dma_wait3A_152 : memref<1x128xi32, #tpu.memory_space<vmem>> -> memref<128xi32, #tpu.memory_space<vmem>>
          %dma_wait3A_154 = arith.constant 0 : i32
          %dma_wait3A_155 = arith.constant 0 : i32
          %dma_wait3A_156 = tpu.memref_slice %arg11[%dma_wait3A_154, %dma_wait3A_155] : memref<10240x128xf32, #tpu.memory_space<vmem_shared>> -> memref<10240x128xf32, #tpu.memory_space<vmem_shared>>
          tpu.wait_indirect_dma semaphore(%run_scoped3A_144 : memref<!tpu.dma_semaphore, #tpu.memory_space<semaphore_mem>>) src(%arg10 : memref<128x128xf32, #tpu.memory_space<vmem>>) dst(%dma_wait3A_156 : memref<10240x128xf32, #tpu.memory_space<vmem_shared>>)
          tpu.yield
        }) : () -> ()
      }
      %scan3A_91 = arith.constant 19 : i32
      %dma_start3A_92 = arith.constant 39 : i32
      %dma_start3A_93 = arith.constant 0 : i32
      %dma_start3A_94 = tpu.memref_slice %arg7[%dma_start3A_92, %dma_start3A_93] : memref<40x128xi32, #tpu.memory_space<vmem>> -> memref<1x128xi32, #tpu.memory_space<vmem>>
      %dma_start3A_95 = tpu.memref_squeeze %dma_start3A_94 : memref<1x128xi32, #tpu.memory_space<vmem>> -> memref<128xi32, #tpu.memory_space<vmem>>
      %dma_start3A_96 = arith.constant 0 : i32
      %dma_start3A_97 = arith.constant 0 : i32
      %dma_start3A_98 = tpu.memref_slice %arg2[%dma_start3A_96, %dma_start3A_97] : memref<10240x128xf32, #tpu.memory_space<hbm>> -> memref<10240x128xf32, #tpu.memory_space<hbm>>
      tpu.enqueue_indirect_dma source(%dma_start3A_98 : memref<10240x128xf32, #tpu.memory_space<hbm>>) target(%arg10 : memref<128x128xf32, #tpu.memory_space<vmem>>) offsets(%dma_start3A_95 : memref<128xi32, #tpu.memory_space<vmem>>) semaphore(%arg13 : memref<!tpu.dma_semaphore, #tpu.memory_space<semaphore_mem>>)
      %dma_wait3A = arith.constant 0 : i32
      %dma_wait3A_99 = arith.constant 0 : i32
      %dma_wait3A_100 = tpu.memref_slice %arg2[%dma_wait3A, %dma_wait3A_99] : memref<10240x128xf32, #tpu.memory_space<hbm>> -> memref<128x128xf32, #tpu.memory_space<hbm>>
      %dma_wait3A_101 = arith.constant 0 : i32
      %dma_wait3A_102 = arith.constant 0 : i32
      %dma_wait3A_103 = tpu.memref_slice %arg2[%dma_wait3A_101, %dma_wait3A_102] : memref<10240x128xf32, #tpu.memory_space<hbm>> -> memref<128x128xf32, #tpu.memory_space<hbm>>
      tpu.wait_dma2 semaphore(%arg12 : memref<!tpu.dma_semaphore, #tpu.memory_space<semaphore_mem>>) src(%dma_wait3A_103 : memref<128x128xf32, #tpu.memory_space<hbm>>) dst(%arg9 : memref<128x128xf32, #tpu.memory_space<vmem>>)
      %run_scoped3A = arith.constant 38 : i32
      "tpu.region"() ({
        %run_scoped3A_111 = tpu.sem_alloc : memref<!tpu.dma_semaphore, #tpu.memory_space<semaphore_mem>>
        %dma_start3A_112 = arith.constant 0 : i32
        %dma_start3A_113 = tpu.memref_slice %arg8[%run_scoped3A, %dma_start3A_112] : memref<40x128xi32, #tpu.memory_space<vmem>> -> memref<1x128xi32, #tpu.memory_space<vmem>>
        %dma_start3A_114 = tpu.memref_squeeze %dma_start3A_113 : memref<1x128xi32, #tpu.memory_space<vmem>> -> memref<128xi32, #tpu.memory_space<vmem>>
        %dma_start3A_115 = arith.constant 0 : i32
        %dma_start3A_116 = arith.constant 0 : i32
        %dma_start3A_117 = tpu.memref_slice %arg11[%dma_start3A_115, %dma_start3A_116] : memref<10240x128xf32, #tpu.memory_space<vmem_shared>> -> memref<10240x128xf32, #tpu.memory_space<vmem_shared>>
        tpu.enqueue_indirect_dma source(%arg9 : memref<128x128xf32, #tpu.memory_space<vmem>>) target(%dma_start3A_117 : memref<10240x128xf32, #tpu.memory_space<vmem_shared>>) offsets(%dma_start3A_114 : memref<128xi32, #tpu.memory_space<vmem>>) semaphore(%run_scoped3A_111 : memref<!tpu.dma_semaphore, #tpu.memory_space<semaphore_mem>>) {add = true}
        %dma_wait3A_118 = arith.constant 0 : i32
        %dma_wait3A_119 = tpu.memref_slice %arg8[%run_scoped3A, %dma_wait3A_118] : memref<40x128xi32, #tpu.memory_space<vmem>> -> memref<1x128xi32, #tpu.memory_space<vmem>>
        %dma_wait3A_120 = tpu.memref_squeeze %dma_wait3A_119 : memref<1x128xi32, #tpu.memory_space<vmem>> -> memref<128xi32, #tpu.memory_space<vmem>>
        %dma_wait3A_121 = arith.constant 0 : i32
        %dma_wait3A_122 = arith.constant 0 : i32
        %dma_wait3A_123 = tpu.memref_slice %arg11[%dma_wait3A_121, %dma_wait3A_122] : memref<10240x128xf32, #tpu.memory_space<vmem_shared>> -> memref<10240x128xf32, #tpu.memory_space<vmem_shared>>
        tpu.wait_indirect_dma semaphore(%run_scoped3A_111 : memref<!tpu.dma_semaphore, #tpu.memory_space<semaphore_mem>>) src(%arg9 : memref<128x128xf32, #tpu.memory_space<vmem>>) dst(%dma_wait3A_123 : memref<10240x128xf32, #tpu.memory_space<vmem_shared>>)
        tpu.yield
      }) : () -> ()
      %dma_wait3A_104 = arith.constant 0 : i32
      %dma_wait3A_105 = arith.constant 0 : i32
      %dma_wait3A_106 = tpu.memref_slice %arg2[%dma_wait3A_104, %dma_wait3A_105] : memref<10240x128xf32, #tpu.memory_space<hbm>> -> memref<128x128xf32, #tpu.memory_space<hbm>>
      %dma_wait3A_107 = arith.constant 0 : i32
      %dma_wait3A_108 = arith.constant 0 : i32
      %dma_wait3A_109 = tpu.memref_slice %arg2[%dma_wait3A_107, %dma_wait3A_108] : memref<10240x128xf32, #tpu.memory_space<hbm>> -> memref<128x128xf32, #tpu.memory_space<hbm>>
      tpu.wait_dma2 semaphore(%arg13 : memref<!tpu.dma_semaphore, #tpu.memory_space<semaphore_mem>>) src(%dma_wait3A_109 : memref<128x128xf32, #tpu.memory_space<hbm>>) dst(%arg10 : memref<128x128xf32, #tpu.memory_space<vmem>>)
      %run_scoped3A_110 = arith.constant 39 : i32
      "tpu.region"() ({
        %run_scoped3A_111 = tpu.sem_alloc : memref<!tpu.dma_semaphore, #tpu.memory_space<semaphore_mem>>
        %dma_start3A_112 = arith.constant 0 : i32
        %dma_start3A_113 = tpu.memref_slice %arg8[%run_scoped3A_110, %dma_start3A_112] : memref<40x128xi32, #tpu.memory_space<vmem>> -> memref<1x128xi32, #tpu.memory_space<vmem>>
        %dma_start3A_114 = tpu.memref_squeeze %dma_start3A_113 : memref<1x128xi32, #tpu.memory_space<vmem>> -> memref<128xi32, #tpu.memory_space<vmem>>
        %dma_start3A_115 = arith.constant 0 : i32
        %dma_start3A_116 = arith.constant 0 : i32
        %dma_start3A_117 = tpu.memref_slice %arg11[%dma_start3A_115, %dma_start3A_116] : memref<10240x128xf32, #tpu.memory_space<vmem_shared>> -> memref<10240x128xf32, #tpu.memory_space<vmem_shared>>
        tpu.enqueue_indirect_dma source(%arg10 : memref<128x128xf32, #tpu.memory_space<vmem>>) target(%dma_start3A_117 : memref<10240x128xf32, #tpu.memory_space<vmem_shared>>) offsets(%dma_start3A_114 : memref<128xi32, #tpu.memory_space<vmem>>) semaphore(%run_scoped3A_111 : memref<!tpu.dma_semaphore, #tpu.memory_space<semaphore_mem>>) {add = true}
        %dma_wait3A_118 = arith.constant 0 : i32
        %dma_wait3A_119 = tpu.memref_slice %arg8[%run_scoped3A_110, %dma_wait3A_118] : memref<40x128xi32, #tpu.memory_space<vmem>> -> memref<1x128xi32, #tpu.memory_space<vmem>>
        %dma_wait3A_120 = tpu.memref_squeeze %dma_wait3A_119 : memref<1x128xi32, #tpu.memory_space<vmem>> -> memref<128xi32, #tpu.memory_space<vmem>>
        %dma_wait3A_121 = arith.constant 0 : i32
        %dma_wait3A_122 = arith.constant 0 : i32
        %dma_wait3A_123 = tpu.memref_slice %arg11[%dma_wait3A_121, %dma_wait3A_122] : memref<10240x128xf32, #tpu.memory_space<vmem_shared>> -> memref<10240x128xf32, #tpu.memory_space<vmem_shared>>
        tpu.wait_indirect_dma semaphore(%run_scoped3A_111 : memref<!tpu.dma_semaphore, #tpu.memory_space<semaphore_mem>>) src(%arg10 : memref<128x128xf32, #tpu.memory_space<vmem>>) dst(%dma_wait3A_123 : memref<10240x128xf32, #tpu.memory_space<vmem_shared>>)
        tpu.yield
      }) : () -> ()
    }
    %barrier3A_41 = arith.constant 0 : index
    tpu.barrier barrier_id(%barrier3A_41)
    %mul3A_42 = arith.constant 640 : i32
    %mul3A_43 = arith.muli %arg1, %mul3A_42 : i32
    %add3A_44 = arith.constant 0 : i32
    %add3A_45 = arith.addi %mul3A_43, %add3A_44 : i32
    "tpu.region"() ({
      %run_scoped3A = tpu.sem_alloc : memref<!tpu.dma_semaphore, #tpu.memory_space<semaphore_mem>>
      %dma_start3A = arith.constant 0 : i32
      %dma_start3A_77 = tpu.memref_slice %arg11[%add3A_45, %dma_start3A] : memref<10240x128xf32, #tpu.memory_space<vmem_shared>> -> memref<128x128xf32, #tpu.memory_space<vmem_shared>>
      %dma_start3A_78 = arith.constant 0 : i32
      %dma_start3A_79 = tpu.memref_slice %arg11[%add3A_45, %dma_start3A_78] : memref<10240x128xf32, #tpu.memory_space<vmem_shared>> -> memref<128x128xf32, #tpu.memory_space<vmem_shared>>
      tpu.enqueue_dma source(%dma_start3A_79 : memref<128x128xf32, #tpu.memory_space<vmem_shared>>) target(%arg9 : memref<128x128xf32, #tpu.memory_space<vmem>>) target_semaphore(%run_scoped3A : memref<!tpu.dma_semaphore, #tpu.memory_space<semaphore_mem>>)
      %dma_wait3A = arith.constant 0 : i32
      %dma_wait3A_80 = tpu.memref_slice %arg11[%add3A_45, %dma_wait3A] : memref<10240x128xf32, #tpu.memory_space<vmem_shared>> -> memref<128x128xf32, #tpu.memory_space<vmem_shared>>
      %dma_wait3A_81 = arith.constant 0 : i32
      %dma_wait3A_82 = tpu.memref_slice %arg11[%add3A_45, %dma_wait3A_81] : memref<10240x128xf32, #tpu.memory_space<vmem_shared>> -> memref<128x128xf32, #tpu.memory_space<vmem_shared>>
      tpu.wait_dma2 semaphore(%run_scoped3A : memref<!tpu.dma_semaphore, #tpu.memory_space<semaphore_mem>>) src(%dma_wait3A_82 : memref<128x128xf32, #tpu.memory_space<vmem_shared>>) dst(%arg9 : memref<128x128xf32, #tpu.memory_space<vmem>>)
      tpu.yield
    }) : () -> ()
    %mul3A_46 = arith.constant 10240 : i32
    %mul3A_47 = arith.muli %arg0, %mul3A_46 : i32
    %add3A_48 = arith.addi %mul3A_47, %add3A_45 : i32
    "tpu.region"() ({
      %run_scoped3A = tpu.sem_alloc : memref<!tpu.dma_semaphore, #tpu.memory_space<semaphore_mem>>
      %dma_start3A = arith.constant 0 : i32
      %dma_start3A_77 = tpu.memref_slice %arg6[%add3A_48, %dma_start3A] : memref<20480x128xf32, #tpu.memory_space<hbm>> -> memref<128x128xf32, #tpu.memory_space<hbm>>
      %dma_start3A_78 = arith.constant 0 : i32
      %dma_start3A_79 = tpu.memref_slice %arg6[%add3A_48, %dma_start3A_78] : memref<20480x128xf32, #tpu.memory_space<hbm>> -> memref<128x128xf32, #tpu.memory_space<hbm>>
      tpu.enqueue_dma source(%arg9 : memref<128x128xf32, #tpu.memory_space<vmem>>) target(%dma_start3A_79 : memref<128x128xf32, #tpu.memory_space<hbm>>) target_semaphore(%run_scoped3A : memref<!tpu.dma_semaphore, #tpu.memory_space<semaphore_mem>>)
      %dma_wait3A = arith.constant 0 : i32
      %dma_wait3A_80 = tpu.memref_slice %arg6[%add3A_48, %dma_wait3A] : memref<20480x128xf32, #tpu.memory_space<hbm>> -> memref<128x128xf32, #tpu.memory_space<hbm>>
      %dma_wait3A_81 = arith.constant 0 : i32
      %dma_wait3A_82 = tpu.memref_slice %arg6[%add3A_48, %dma_wait3A_81] : memref<20480x128xf32, #tpu.memory_space<hbm>> -> memref<128x128xf32, #tpu.memory_space<hbm>>
      tpu.wait_dma2 semaphore(%run_scoped3A : memref<!tpu.dma_semaphore, #tpu.memory_space<semaphore_mem>>) src(%arg9 : memref<128x128xf32, #tpu.memory_space<vmem>>) dst(%dma_wait3A_82 : memref<128x128xf32, #tpu.memory_space<hbm>>)
      tpu.yield
    }) : () -> ()
    %mul3A_49 = arith.constant 640 : i32
    %mul3A_50 = arith.muli %arg1, %mul3A_49 : i32
    %add3A_51 = arith.constant 128 : i32
    %add3A_52 = arith.addi %mul3A_50, %add3A_51 : i32
    "tpu.region"() ({
      %run_scoped3A = tpu.sem_alloc : memref<!tpu.dma_semaphore, #tpu.memory_space<semaphore_mem>>
      %dma_start3A = arith.constant 0 : i32
      %dma_start3A_77 = tpu.memref_slice %arg11[%add3A_52, %dma_start3A] : memref<10240x128xf32, #tpu.memory_space<vmem_shared>> -> memref<128x128xf32, #tpu.memory_space<vmem_shared>>
      %dma_start3A_78 = arith.constant 0 : i32
      %dma_start3A_79 = tpu.memref_slice %arg11[%add3A_52, %dma_start3A_78] : memref<10240x128xf32, #tpu.memory_space<vmem_shared>> -> memref<128x128xf32, #tpu.memory_space<vmem_shared>>
      tpu.enqueue_dma source(%dma_start3A_79 : memref<128x128xf32, #tpu.memory_space<vmem_shared>>) target(%arg9 : memref<128x128xf32, #tpu.memory_space<vmem>>) target_semaphore(%run_scoped3A : memref<!tpu.dma_semaphore, #tpu.memory_space<semaphore_mem>>)
      %dma_wait3A = arith.constant 0 : i32
      %dma_wait3A_80 = tpu.memref_slice %arg11[%add3A_52, %dma_wait3A] : memref<10240x128xf32, #tpu.memory_space<vmem_shared>> -> memref<128x128xf32, #tpu.memory_space<vmem_shared>>
      %dma_wait3A_81 = arith.constant 0 : i32
      %dma_wait3A_82 = tpu.memref_slice %arg11[%add3A_52, %dma_wait3A_81] : memref<10240x128xf32, #tpu.memory_space<vmem_shared>> -> memref<128x128xf32, #tpu.memory_space<vmem_shared>>
      tpu.wait_dma2 semaphore(%run_scoped3A : memref<!tpu.dma_semaphore, #tpu.memory_space<semaphore_mem>>) src(%dma_wait3A_82 : memref<128x128xf32, #tpu.memory_space<vmem_shared>>) dst(%arg9 : memref<128x128xf32, #tpu.memory_space<vmem>>)
      tpu.yield
    }) : () -> ()
    %mul3A_53 = arith.constant 10240 : i32
    %mul3A_54 = arith.muli %arg0, %mul3A_53 : i32
    %add3A_55 = arith.addi %mul3A_54, %add3A_52 : i32
    "tpu.region"() ({
      %run_scoped3A = tpu.sem_alloc : memref<!tpu.dma_semaphore, #tpu.memory_space<semaphore_mem>>
      %dma_start3A = arith.constant 0 : i32
      %dma_start3A_77 = tpu.memref_slice %arg6[%add3A_55, %dma_start3A] : memref<20480x128xf32, #tpu.memory_space<hbm>> -> memref<128x128xf32, #tpu.memory_space<hbm>>
      %dma_start3A_78 = arith.constant 0 : i32
      %dma_start3A_79 = tpu.memref_slice %arg6[%add3A_55, %dma_start3A_78] : memref<20480x128xf32, #tpu.memory_space<hbm>> -> memref<128x128xf32, #tpu.memory_space<hbm>>
      tpu.enqueue_dma source(%arg9 : memref<128x128xf32, #tpu.memory_space<vmem>>) target(%dma_start3A_79 : memref<128x128xf32, #tpu.memory_space<hbm>>) target_semaphore(%run_scoped3A : memref<!tpu.dma_semaphore, #tpu.memory_space<semaphore_mem>>)
      %dma_wait3A = arith.constant 0 : i32
      %dma_wait3A_80 = tpu.memref_slice %arg6[%add3A_55, %dma_wait3A] : memref<20480x128xf32, #tpu.memory_space<hbm>> -> memref<128x128xf32, #tpu.memory_space<hbm>>
      %dma_wait3A_81 = arith.constant 0 : i32
      %dma_wait3A_82 = tpu.memref_slice %arg6[%add3A_55, %dma_wait3A_81] : memref<20480x128xf32, #tpu.memory_space<hbm>> -> memref<128x128xf32, #tpu.memory_space<hbm>>
      tpu.wait_dma2 semaphore(%run_scoped3A : memref<!tpu.dma_semaphore, #tpu.memory_space<semaphore_mem>>) src(%arg9 : memref<128x128xf32, #tpu.memory_space<vmem>>) dst(%dma_wait3A_82 : memref<128x128xf32, #tpu.memory_space<hbm>>)
      tpu.yield
    }) : () -> ()
    %mul3A_56 = arith.constant 640 : i32
    %mul3A_57 = arith.muli %arg1, %mul3A_56 : i32
    %add3A_58 = arith.constant 256 : i32
    %add3A_59 = arith.addi %mul3A_57, %add3A_58 : i32
    "tpu.region"() ({
      %run_scoped3A = tpu.sem_alloc : memref<!tpu.dma_semaphore, #tpu.memory_space<semaphore_mem>>
      %dma_start3A = arith.constant 0 : i32
      %dma_start3A_77 = tpu.memref_slice %arg11[%add3A_59, %dma_start3A] : memref<10240x128xf32, #tpu.memory_space<vmem_shared>> -> memref<128x128xf32, #tpu.memory_space<vmem_shared>>
      %dma_start3A_78 = arith.constant 0 : i32
      %dma_start3A_79 = tpu.memref_slice %arg11[%add3A_59, %dma_start3A_78] : memref<10240x128xf32, #tpu.memory_space<vmem_shared>> -> memref<128x128xf32, #tpu.memory_space<vmem_shared>>
      tpu.enqueue_dma source(%dma_start3A_79 : memref<128x128xf32, #tpu.memory_space<vmem_shared>>) target(%arg9 : memref<128x128xf32, #tpu.memory_space<vmem>>) target_semaphore(%run_scoped3A : memref<!tpu.dma_semaphore, #tpu.memory_space<semaphore_mem>>)
      %dma_wait3A = arith.constant 0 : i32
      %dma_wait3A_80 = tpu.memref_slice %arg11[%add3A_59, %dma_wait3A] : memref<10240x128xf32, #tpu.memory_space<vmem_shared>> -> memref<128x128xf32, #tpu.memory_space<vmem_shared>>
      %dma_wait3A_81 = arith.constant 0 : i32
      %dma_wait3A_82 = tpu.memref_slice %arg11[%add3A_59, %dma_wait3A_81] : memref<10240x128xf32, #tpu.memory_space<vmem_shared>> -> memref<128x128xf32, #tpu.memory_space<vmem_shared>>
      tpu.wait_dma2 semaphore(%run_scoped3A : memref<!tpu.dma_semaphore, #tpu.memory_space<semaphore_mem>>) src(%dma_wait3A_82 : memref<128x128xf32, #tpu.memory_space<vmem_shared>>) dst(%arg9 : memref<128x128xf32, #tpu.memory_space<vmem>>)
      tpu.yield
    }) : () -> ()
    %mul3A_60 = arith.constant 10240 : i32
    %mul3A_61 = arith.muli %arg0, %mul3A_60 : i32
    %add3A_62 = arith.addi %mul3A_61, %add3A_59 : i32
    "tpu.region"() ({
      %run_scoped3A = tpu.sem_alloc : memref<!tpu.dma_semaphore, #tpu.memory_space<semaphore_mem>>
      %dma_start3A = arith.constant 0 : i32
      %dma_start3A_77 = tpu.memref_slice %arg6[%add3A_62, %dma_start3A] : memref<20480x128xf32, #tpu.memory_space<hbm>> -> memref<128x128xf32, #tpu.memory_space<hbm>>
      %dma_start3A_78 = arith.constant 0 : i32
      %dma_start3A_79 = tpu.memref_slice %arg6[%add3A_62, %dma_start3A_78] : memref<20480x128xf32, #tpu.memory_space<hbm>> -> memref<128x128xf32, #tpu.memory_space<hbm>>
      tpu.enqueue_dma source(%arg9 : memref<128x128xf32, #tpu.memory_space<vmem>>) target(%dma_start3A_79 : memref<128x128xf32, #tpu.memory_space<hbm>>) target_semaphore(%run_scoped3A : memref<!tpu.dma_semaphore, #tpu.memory_space<semaphore_mem>>)
      %dma_wait3A = arith.constant 0 : i32
      %dma_wait3A_80 = tpu.memref_slice %arg6[%add3A_62, %dma_wait3A] : memref<20480x128xf32, #tpu.memory_space<hbm>> -> memref<128x128xf32, #tpu.memory_space<hbm>>
      %dma_wait3A_81 = arith.constant 0 : i32
      %dma_wait3A_82 = tpu.memref_slice %arg6[%add3A_62, %dma_wait3A_81] : memref<20480x128xf32, #tpu.memory_space<hbm>> -> memref<128x128xf32, #tpu.memory_space<hbm>>
      tpu.wait_dma2 semaphore(%run_scoped3A : memref<!tpu.dma_semaphore, #tpu.memory_space<semaphore_mem>>) src(%arg9 : memref<128x128xf32, #tpu.memory_space<vmem>>) dst(%dma_wait3A_82 : memref<128x128xf32, #tpu.memory_space<hbm>>)
      tpu.yield
    }) : () -> ()
    %mul3A_63 = arith.constant 640 : i32
    %mul3A_64 = arith.muli %arg1, %mul3A_63 : i32
    %add3A_65 = arith.constant 384 : i32
    %add3A_66 = arith.addi %mul3A_64, %add3A_65 : i32
    "tpu.region"() ({
      %run_scoped3A = tpu.sem_alloc : memref<!tpu.dma_semaphore, #tpu.memory_space<semaphore_mem>>
      %dma_start3A = arith.constant 0 : i32
      %dma_start3A_77 = tpu.memref_slice %arg11[%add3A_66, %dma_start3A] : memref<10240x128xf32, #tpu.memory_space<vmem_shared>> -> memref<128x128xf32, #tpu.memory_space<vmem_shared>>
      %dma_start3A_78 = arith.constant 0 : i32
      %dma_start3A_79 = tpu.memref_slice %arg11[%add3A_66, %dma_start3A_78] : memref<10240x128xf32, #tpu.memory_space<vmem_shared>> -> memref<128x128xf32, #tpu.memory_space<vmem_shared>>
      tpu.enqueue_dma source(%dma_start3A_79 : memref<128x128xf32, #tpu.memory_space<vmem_shared>>) target(%arg9 : memref<128x128xf32, #tpu.memory_space<vmem>>) target_semaphore(%run_scoped3A : memref<!tpu.dma_semaphore, #tpu.memory_space<semaphore_mem>>)
      %dma_wait3A = arith.constant 0 : i32
      %dma_wait3A_80 = tpu.memref_slice %arg11[%add3A_66, %dma_wait3A] : memref<10240x128xf32, #tpu.memory_space<vmem_shared>> -> memref<128x128xf32, #tpu.memory_space<vmem_shared>>
      %dma_wait3A_81 = arith.constant 0 : i32
      %dma_wait3A_82 = tpu.memref_slice %arg11[%add3A_66, %dma_wait3A_81] : memref<10240x128xf32, #tpu.memory_space<vmem_shared>> -> memref<128x128xf32, #tpu.memory_space<vmem_shared>>
      tpu.wait_dma2 semaphore(%run_scoped3A : memref<!tpu.dma_semaphore, #tpu.memory_space<semaphore_mem>>) src(%dma_wait3A_82 : memref<128x128xf32, #tpu.memory_space<vmem_shared>>) dst(%arg9 : memref<128x128xf32, #tpu.memory_space<vmem>>)
      tpu.yield
    }) : () -> ()
    %mul3A_67 = arith.constant 10240 : i32
    %mul3A_68 = arith.muli %arg0, %mul3A_67 : i32
    %add3A_69 = arith.addi %mul3A_68, %add3A_66 : i32
    "tpu.region"() ({
      %run_scoped3A = tpu.sem_alloc : memref<!tpu.dma_semaphore, #tpu.memory_space<semaphore_mem>>
      %dma_start3A = arith.constant 0 : i32
      %dma_start3A_77 = tpu.memref_slice %arg6[%add3A_69, %dma_start3A] : memref<20480x128xf32, #tpu.memory_space<hbm>> -> memref<128x128xf32, #tpu.memory_space<hbm>>
      %dma_start3A_78 = arith.constant 0 : i32
      %dma_start3A_79 = tpu.memref_slice %arg6[%add3A_69, %dma_start3A_78] : memref<20480x128xf32, #tpu.memory_space<hbm>> -> memref<128x128xf32, #tpu.memory_space<hbm>>
      tpu.enqueue_dma source(%arg9 : memref<128x128xf32, #tpu.memory_space<vmem>>) target(%dma_start3A_79 : memref<128x128xf32, #tpu.memory_space<hbm>>) target_semaphore(%run_scoped3A : memref<!tpu.dma_semaphore, #tpu.memory_space<semaphore_mem>>)
      %dma_wait3A = arith.constant 0 : i32
      %dma_wait3A_80 = tpu.memref_slice %arg6[%add3A_69, %dma_wait3A] : memref<20480x128xf32, #tpu.memory_space<hbm>> -> memref<128x128xf32, #tpu.memory_space<hbm>>
      %dma_wait3A_81 = arith.constant 0 : i32
      %dma_wait3A_82 = tpu.memref_slice %arg6[%add3A_69, %dma_wait3A_81] : memref<20480x128xf32, #tpu.memory_space<hbm>> -> memref<128x128xf32, #tpu.memory_space<hbm>>
      tpu.wait_dma2 semaphore(%run_scoped3A : memref<!tpu.dma_semaphore, #tpu.memory_space<semaphore_mem>>) src(%arg9 : memref<128x128xf32, #tpu.memory_space<vmem>>) dst(%dma_wait3A_82 : memref<128x128xf32, #tpu.memory_space<hbm>>)
      tpu.yield
    }) : () -> ()
    %mul3A_70 = arith.constant 640 : i32
    %mul3A_71 = arith.muli %arg1, %mul3A_70 : i32
    %add3A_72 = arith.constant 512 : i32
    %add3A_73 = arith.addi %mul3A_71, %add3A_72 : i32
    "tpu.region"() ({
      %run_scoped3A = tpu.sem_alloc : memref<!tpu.dma_semaphore, #tpu.memory_space<semaphore_mem>>
      %dma_start3A = arith.constant 0 : i32
      %dma_start3A_77 = tpu.memref_slice %arg11[%add3A_73, %dma_start3A] : memref<10240x128xf32, #tpu.memory_space<vmem_shared>> -> memref<128x128xf32, #tpu.memory_space<vmem_shared>>
      %dma_start3A_78 = arith.constant 0 : i32
      %dma_start3A_79 = tpu.memref_slice %arg11[%add3A_73, %dma_start3A_78] : memref<10240x128xf32, #tpu.memory_space<vmem_shared>> -> memref<128x128xf32, #tpu.memory_space<vmem_shared>>
      tpu.enqueue_dma source(%dma_start3A_79 : memref<128x128xf32, #tpu.memory_space<vmem_shared>>) target(%arg9 : memref<128x128xf32, #tpu.memory_space<vmem>>) target_semaphore(%run_scoped3A : memref<!tpu.dma_semaphore, #tpu.memory_space<semaphore_mem>>)
      %dma_wait3A = arith.constant 0 : i32
      %dma_wait3A_80 = tpu.memref_slice %arg11[%add3A_73, %dma_wait3A] : memref<10240x128xf32, #tpu.memory_space<vmem_shared>> -> memref<128x128xf32, #tpu.memory_space<vmem_shared>>
      %dma_wait3A_81 = arith.constant 0 : i32
      %dma_wait3A_82 = tpu.memref_slice %arg11[%add3A_73, %dma_wait3A_81] : memref<10240x128xf32, #tpu.memory_space<vmem_shared>> -> memref<128x128xf32, #tpu.memory_space<vmem_shared>>
      tpu.wait_dma2 semaphore(%run_scoped3A : memref<!tpu.dma_semaphore, #tpu.memory_space<semaphore_mem>>) src(%dma_wait3A_82 : memref<128x128xf32, #tpu.memory_space<vmem_shared>>) dst(%arg9 : memref<128x128xf32, #tpu.memory_space<vmem>>)
      tpu.yield
    }) : () -> ()
    %mul3A_74 = arith.constant 10240 : i32
    %mul3A_75 = arith.muli %arg0, %mul3A_74 : i32
    %add3A_76 = arith.addi %mul3A_75, %add3A_73 : i32
    "tpu.region"() ({
      %run_scoped3A = tpu.sem_alloc : memref<!tpu.dma_semaphore, #tpu.memory_space<semaphore_mem>>
      %dma_start3A = arith.constant 0 : i32
      %dma_start3A_77 = tpu.memref_slice %arg6[%add3A_76, %dma_start3A] : memref<20480x128xf32, #tpu.memory_space<hbm>> -> memref<128x128xf32, #tpu.memory_space<hbm>>
      %dma_start3A_78 = arith.constant 0 : i32
      %dma_start3A_79 = tpu.memref_slice %arg6[%add3A_76, %dma_start3A_78] : memref<20480x128xf32, #tpu.memory_space<hbm>> -> memref<128x128xf32, #tpu.memory_space<hbm>>
      tpu.enqueue_dma source(%arg9 : memref<128x128xf32, #tpu.memory_space<vmem>>) target(%dma_start3A_79 : memref<128x128xf32, #tpu.memory_space<hbm>>) target_semaphore(%run_scoped3A : memref<!tpu.dma_semaphore, #tpu.memory_space<semaphore_mem>>)
      %dma_wait3A = arith.constant 0 : i32
      %dma_wait3A_80 = tpu.memref_slice %arg6[%add3A_76, %dma_wait3A] : memref<20480x128xf32, #tpu.memory_space<hbm>> -> memref<128x128xf32, #tpu.memory_space<hbm>>
      %dma_wait3A_81 = arith.constant 0 : i32
      %dma_wait3A_82 = tpu.memref_slice %arg6[%add3A_76, %dma_wait3A_81] : memref<20480x128xf32, #tpu.memory_space<hbm>> -> memref<128x128xf32, #tpu.memory_space<hbm>>
      tpu.wait_dma2 semaphore(%run_scoped3A : memref<!tpu.dma_semaphore, #tpu.memory_space<semaphore_mem>>) src(%arg9 : memref<128x128xf32, #tpu.memory_space<vmem>>) dst(%dma_wait3A_82 : memref<128x128xf32, #tpu.memory_space<hbm>>)
      tpu.yield
    }) : () -> ()
    return
  }
}

#map = affine_map<(d0, d1) -> (0, 0)>
module attributes {stable_mosaic.version = 14 : i64} {
  func.func @_sc_aggregate_body(%arg0: i32, %arg1: i32, %arg2: memref<10240x128xf32, #tpu.memory_space<hbm>>, %arg3: memref<2560x128xi32, #tpu.memory_space<hbm>>, %arg4: memref<2560x128xi32, #tpu.memory_space<hbm>>, %arg5: memref<128x128xf32, #tpu.memory_space<hbm>>, %arg6: memref<20480x128xf32, #tpu.memory_space<hbm>>, %arg7: memref<40x128xi32, #tpu.memory_space<vmem>>, %arg8: memref<40x128xi32, #tpu.memory_space<vmem>>, %arg9: memref<128x128xf32, #tpu.memory_space<vmem>>, %arg10: memref<128x128xf32, #tpu.memory_space<vmem>>, %arg11: memref<10240x128xf32, #tpu.memory_space<vmem_shared>>, %arg12: memref<!tpu.dma_semaphore, #tpu.memory_space<semaphore_mem>>, %arg13: memref<!tpu.dma_semaphore, #tpu.memory_space<semaphore_mem>>) attributes {dimension_semantics = [#tpu.dimension_semantics<core_parallel>, #tpu.dimension_semantics<subcore_parallel>], iteration_bounds = array<i64: 2, 16>, scalar_prefetch = 0 : i64, scratch_operands = 7 : i64, tpu.core_type = #tpu.core_type<sc_vector_subcore>, window_params = [{transform_indices = #map}, {transform_indices = #map}, {transform_indices = #map}, {transform_indices = #map}, {transform_indices = #map}]} {
    %mul3A = arith.constant 16 : i32
    %mul3A_0 = arith.muli %arg0, %mul3A : i32
    %add3A = arith.addi %mul3A_0, %arg1 : i32
    "tpu.region"() ({
      %run_scoped3A = tpu.sem_alloc : memref<!tpu.dma_semaphore, #tpu.memory_space<semaphore_mem>>
      tpu.enqueue_dma source(%arg5 : memref<128x128xf32, #tpu.memory_space<hbm>>) target(%arg9 : memref<128x128xf32, #tpu.memory_space<vmem>>) target_semaphore(%run_scoped3A : memref<!tpu.dma_semaphore, #tpu.memory_space<semaphore_mem>>)
      tpu.wait_dma2 semaphore(%run_scoped3A : memref<!tpu.dma_semaphore, #tpu.memory_space<semaphore_mem>>) src(%arg5 : memref<128x128xf32, #tpu.memory_space<hbm>>) dst(%arg9 : memref<128x128xf32, #tpu.memory_space<vmem>>)
      tpu.yield
    }) : () -> ()
    %mul3A_1 = arith.constant 640 : i32
    %mul3A_2 = arith.muli %arg1, %mul3A_1 : i32
    %add3A_3 = arith.constant 0 : i32
    %add3A_4 = arith.addi %mul3A_2, %add3A_3 : i32
    "tpu.region"() ({
      %run_scoped3A = tpu.sem_alloc : memref<!tpu.dma_semaphore, #tpu.memory_space<semaphore_mem>>
      %dma_start3A = arith.constant 0 : i32
      %dma_start3A_77 = tpu.memref_slice %arg11[%add3A_4, %dma_start3A] : memref<10240x128xf32, #tpu.memory_space<vmem_shared>> -> memref<128x128xf32, #tpu.memory_space<vmem_shared>>
      %dma_start3A_78 = arith.constant 0 : i32
      %dma_start3A_79 = tpu.memref_slice %arg11[%add3A_4, %dma_start3A_78] : memref<10240x128xf32, #tpu.memory_space<vmem_shared>> -> memref<128x128xf32, #tpu.memory_space<vmem_shared>>
      tpu.enqueue_dma source(%arg9 : memref<128x128xf32, #tpu.memory_space<vmem>>) target(%dma_start3A_79 : memref<128x128xf32, #tpu.memory_space<vmem_shared>>) target_semaphore(%run_scoped3A : memref<!tpu.dma_semaphore, #tpu.memory_space<semaphore_mem>>)
      %dma_wait3A = arith.constant 0 : i32
      %dma_wait3A_80 = tpu.memref_slice %arg11[%add3A_4, %dma_wait3A] : memref<10240x128xf32, #tpu.memory_space<vmem_shared>> -> memref<128x128xf32, #tpu.memory_space<vmem_shared>>
      %dma_wait3A_81 = arith.constant 0 : i32
      %dma_wait3A_82 = tpu.memref_slice %arg11[%add3A_4, %dma_wait3A_81] : memref<10240x128xf32, #tpu.memory_space<vmem_shared>> -> memref<128x128xf32, #tpu.memory_space<vmem_shared>>
      tpu.wait_dma2 semaphore(%run_scoped3A : memref<!tpu.dma_semaphore, #tpu.memory_space<semaphore_mem>>) src(%arg9 : memref<128x128xf32, #tpu.memory_space<vmem>>) dst(%dma_wait3A_82 : memref<128x128xf32, #tpu.memory_space<vmem_shared>>)
      tpu.yield
    }) : () -> ()
    %mul3A_5 = arith.constant 640 : i32
    %mul3A_6 = arith.muli %arg1, %mul3A_5 : i32
    %add3A_7 = arith.constant 128 : i32
    %add3A_8 = arith.addi %mul3A_6, %add3A_7 : i32
    "tpu.region"() ({
      %run_scoped3A = tpu.sem_alloc : memref<!tpu.dma_semaphore, #tpu.memory_space<semaphore_mem>>
      %dma_start3A = arith.constant 0 : i32
      %dma_start3A_77 = tpu.memref_slice %arg11[%add3A_8, %dma_start3A] : memref<10240x128xf32, #tpu.memory_space<vmem_shared>> -> memref<128x128xf32, #tpu.memory_space<vmem_shared>>
      %dma_start3A_78 = arith.constant 0 : i32
      %dma_start3A_79 = tpu.memref_slice %arg11[%add3A_8, %dma_start3A_78] : memref<10240x128xf32, #tpu.memory_space<vmem_shared>> -> memref<128x128xf32, #tpu.memory_space<vmem_shared>>
      tpu.enqueue_dma source(%arg9 : memref<128x128xf32, #tpu.memory_space<vmem>>) target(%dma_start3A_79 : memref<128x128xf32, #tpu.memory_space<vmem_shared>>) target_semaphore(%run_scoped3A : memref<!tpu.dma_semaphore, #tpu.memory_space<semaphore_mem>>)
      %dma_wait3A = arith.constant 0 : i32
      %dma_wait3A_80 = tpu.memref_slice %arg11[%add3A_8, %dma_wait3A] : memref<10240x128xf32, #tpu.memory_space<vmem_shared>> -> memref<128x128xf32, #tpu.memory_space<vmem_shared>>
      %dma_wait3A_81 = arith.constant 0 : i32
      %dma_wait3A_82 = tpu.memref_slice %arg11[%add3A_8, %dma_wait3A_81] : memref<10240x128xf32, #tpu.memory_space<vmem_shared>> -> memref<128x128xf32, #tpu.memory_space<vmem_shared>>
      tpu.wait_dma2 semaphore(%run_scoped3A : memref<!tpu.dma_semaphore, #tpu.memory_space<semaphore_mem>>) src(%arg9 : memref<128x128xf32, #tpu.memory_space<vmem>>) dst(%dma_wait3A_82 : memref<128x128xf32, #tpu.memory_space<vmem_shared>>)
      tpu.yield
    }) : () -> ()
    %mul3A_9 = arith.constant 640 : i32
    %mul3A_10 = arith.muli %arg1, %mul3A_9 : i32
    %add3A_11 = arith.constant 256 : i32
    %add3A_12 = arith.addi %mul3A_10, %add3A_11 : i32
    "tpu.region"() ({
      %run_scoped3A = tpu.sem_alloc : memref<!tpu.dma_semaphore, #tpu.memory_space<semaphore_mem>>
      %dma_start3A = arith.constant 0 : i32
      %dma_start3A_77 = tpu.memref_slice %arg11[%add3A_12, %dma_start3A] : memref<10240x128xf32, #tpu.memory_space<vmem_shared>> -> memref<128x128xf32, #tpu.memory_space<vmem_shared>>
      %dma_start3A_78 = arith.constant 0 : i32
      %dma_start3A_79 = tpu.memref_slice %arg11[%add3A_12, %dma_start3A_78] : memref<10240x128xf32, #tpu.memory_space<vmem_shared>> -> memref<128x128xf32, #tpu.memory_space<vmem_shared>>
      tpu.enqueue_dma source(%arg9 : memref<128x128xf32, #tpu.memory_space<vmem>>) target(%dma_start3A_79 : memref<128x128xf32, #tpu.memory_space<vmem_shared>>) target_semaphore(%run_scoped3A : memref<!tpu.dma_semaphore, #tpu.memory_space<semaphore_mem>>)
      %dma_wait3A = arith.constant 0 : i32
      %dma_wait3A_80 = tpu.memref_slice %arg11[%add3A_12, %dma_wait3A] : memref<10240x128xf32, #tpu.memory_space<vmem_shared>> -> memref<128x128xf32, #tpu.memory_space<vmem_shared>>
      %dma_wait3A_81 = arith.constant 0 : i32
      %dma_wait3A_82 = tpu.memref_slice %arg11[%add3A_12, %dma_wait3A_81] : memref<10240x128xf32, #tpu.memory_space<vmem_shared>> -> memref<128x128xf32, #tpu.memory_space<vmem_shared>>
      tpu.wait_dma2 semaphore(%run_scoped3A : memref<!tpu.dma_semaphore, #tpu.memory_space<semaphore_mem>>) src(%arg9 : memref<128x128xf32, #tpu.memory_space<vmem>>) dst(%dma_wait3A_82 : memref<128x128xf32, #tpu.memory_space<vmem_shared>>)
      tpu.yield
    }) : () -> ()
    %mul3A_13 = arith.constant 640 : i32
    %mul3A_14 = arith.muli %arg1, %mul3A_13 : i32
    %add3A_15 = arith.constant 384 : i32
    %add3A_16 = arith.addi %mul3A_14, %add3A_15 : i32
    "tpu.region"() ({
      %run_scoped3A = tpu.sem_alloc : memref<!tpu.dma_semaphore, #tpu.memory_space<semaphore_mem>>
      %dma_start3A = arith.constant 0 : i32
      %dma_start3A_77 = tpu.memref_slice %arg11[%add3A_16, %dma_start3A] : memref<10240x128xf32, #tpu.memory_space<vmem_shared>> -> memref<128x128xf32, #tpu.memory_space<vmem_shared>>
      %dma_start3A_78 = arith.constant 0 : i32
      %dma_start3A_79 = tpu.memref_slice %arg11[%add3A_16, %dma_start3A_78] : memref<10240x128xf32, #tpu.memory_space<vmem_shared>> -> memref<128x128xf32, #tpu.memory_space<vmem_shared>>
      tpu.enqueue_dma source(%arg9 : memref<128x128xf32, #tpu.memory_space<vmem>>) target(%dma_start3A_79 : memref<128x128xf32, #tpu.memory_space<vmem_shared>>) target_semaphore(%run_scoped3A : memref<!tpu.dma_semaphore, #tpu.memory_space<semaphore_mem>>)
      %dma_wait3A = arith.constant 0 : i32
      %dma_wait3A_80 = tpu.memref_slice %arg11[%add3A_16, %dma_wait3A] : memref<10240x128xf32, #tpu.memory_space<vmem_shared>> -> memref<128x128xf32, #tpu.memory_space<vmem_shared>>
      %dma_wait3A_81 = arith.constant 0 : i32
      %dma_wait3A_82 = tpu.memref_slice %arg11[%add3A_16, %dma_wait3A_81] : memref<10240x128xf32, #tpu.memory_space<vmem_shared>> -> memref<128x128xf32, #tpu.memory_space<vmem_shared>>
      tpu.wait_dma2 semaphore(%run_scoped3A : memref<!tpu.dma_semaphore, #tpu.memory_space<semaphore_mem>>) src(%arg9 : memref<128x128xf32, #tpu.memory_space<vmem>>) dst(%dma_wait3A_82 : memref<128x128xf32, #tpu.memory_space<vmem_shared>>)
      tpu.yield
    }) : () -> ()
    %mul3A_17 = arith.constant 640 : i32
    %mul3A_18 = arith.muli %arg1, %mul3A_17 : i32
    %add3A_19 = arith.constant 512 : i32
    %add3A_20 = arith.addi %mul3A_18, %add3A_19 : i32
    "tpu.region"() ({
      %run_scoped3A = tpu.sem_alloc : memref<!tpu.dma_semaphore, #tpu.memory_space<semaphore_mem>>
      %dma_start3A = arith.constant 0 : i32
      %dma_start3A_77 = tpu.memref_slice %arg11[%add3A_20, %dma_start3A] : memref<10240x128xf32, #tpu.memory_space<vmem_shared>> -> memref<128x128xf32, #tpu.memory_space<vmem_shared>>
      %dma_start3A_78 = arith.constant 0 : i32
      %dma_start3A_79 = tpu.memref_slice %arg11[%add3A_20, %dma_start3A_78] : memref<10240x128xf32, #tpu.memory_space<vmem_shared>> -> memref<128x128xf32, #tpu.memory_space<vmem_shared>>
      tpu.enqueue_dma source(%arg9 : memref<128x128xf32, #tpu.memory_space<vmem>>) target(%dma_start3A_79 : memref<128x128xf32, #tpu.memory_space<vmem_shared>>) target_semaphore(%run_scoped3A : memref<!tpu.dma_semaphore, #tpu.memory_space<semaphore_mem>>)
      %dma_wait3A = arith.constant 0 : i32
      %dma_wait3A_80 = tpu.memref_slice %arg11[%add3A_20, %dma_wait3A] : memref<10240x128xf32, #tpu.memory_space<vmem_shared>> -> memref<128x128xf32, #tpu.memory_space<vmem_shared>>
      %dma_wait3A_81 = arith.constant 0 : i32
      %dma_wait3A_82 = tpu.memref_slice %arg11[%add3A_20, %dma_wait3A_81] : memref<10240x128xf32, #tpu.memory_space<vmem_shared>> -> memref<128x128xf32, #tpu.memory_space<vmem_shared>>
      tpu.wait_dma2 semaphore(%run_scoped3A : memref<!tpu.dma_semaphore, #tpu.memory_space<semaphore_mem>>) src(%arg9 : memref<128x128xf32, #tpu.memory_space<vmem>>) dst(%dma_wait3A_82 : memref<128x128xf32, #tpu.memory_space<vmem_shared>>)
      tpu.yield
    }) : () -> ()
    %barrier3A = arith.constant 0 : index
    tpu.barrier barrier_id(%barrier3A)
    %eq3A = arith.constant 0 : i32
    %eq3A_21 = arith.cmpi eq, %arg0, %eq3A : i32
    %jit3A = arith.constant 2 : i32
    %jit3A_22 = arith.constant 2 : i32
    %select_n3A = arith.select %eq3A_21, %jit3A, %jit3A_22 : i32
    %eq3A_23 = arith.constant 0 : i32
    %eq3A_24 = arith.cmpi eq, %arg0, %eq3A_23 : i32
    %mul3A_25 = arith.constant 80 : i32
    %mul3A_26 = arith.muli %arg1, %mul3A_25 : i32
    %mul3A_27 = arith.constant 80 : i32
    %mul3A_28 = arith.muli %arg1, %mul3A_27 : i32
    %add3A_29 = arith.constant 1280 : i32
    %add3A_30 = arith.addi %add3A_29, %mul3A_28 : i32
    %select_n3A_31 = arith.select %eq3A_24, %mul3A_26, %add3A_30 : i32
    %while3A = arith.constant 0 : i32
    %while3A_32 = arith.constant 0 : i32
    %while3A_33 = arith.subi %select_n3A, %while3A_32 : i32
    %while3A_34 = arith.addi %while3A_32, %while3A_33 : i32
    %while3A_35 = arith.constant 1 : i32
    %while3A_36 = arith.divsi %while3A_33, %while3A_35 : i32
    %while3A_37 = arith.muli %while3A_36, %while3A_35 : i32
    %while3A_38 = arith.addi %while3A_32, %while3A_37 : i32
    %while3A_39 = arith.constant 1 : i32
    scf.for %while3A_77 = %while3A_32 to %while3A_38 step %while3A_39  : i32 {
      %mul3A_78 = arith.constant 40 : i32
      %mul3A_79 = arith.muli %while3A_77, %mul3A_78 : i32
      %add3A_80 = arith.addi %select_n3A_31, %mul3A_79 : i32
      "tpu.region"() ({
        %run_scoped3A_111 = tpu.sem_alloc : memref<!tpu.dma_semaphore, #tpu.memory_space<semaphore_mem>>
        %dma_start3A_112 = arith.constant 0 : i32
        %dma_start3A_113 = tpu.memref_slice %arg3[%add3A_80, %dma_start3A_112] : memref<2560x128xi32, #tpu.memory_space<hbm>> -> memref<40x128xi32, #tpu.memory_space<hbm>>
        %dma_start3A_114 = arith.constant 0 : i32
        %dma_start3A_115 = tpu.memref_slice %arg3[%add3A_80, %dma_start3A_114] : memref<2560x128xi32, #tpu.memory_space<hbm>> -> memref<40x128xi32, #tpu.memory_space<hbm>>
        tpu.enqueue_dma source(%dma_start3A_115 : memref<40x128xi32, #tpu.memory_space<hbm>>) target(%arg7 : memref<40x128xi32, #tpu.memory_space<vmem>>) target_semaphore(%run_scoped3A_111 : memref<!tpu.dma_semaphore, #tpu.memory_space<semaphore_mem>>)
        %dma_wait3A_116 = arith.constant 0 : i32
        %dma_wait3A_117 = tpu.memref_slice %arg3[%add3A_80, %dma_wait3A_116] : memref<2560x128xi32, #tpu.memory_space<hbm>> -> memref<40x128xi32, #tpu.memory_space<hbm>>
        %dma_wait3A_118 = arith.constant 0 : i32
        %dma_wait3A_119 = tpu.memref_slice %arg3[%add3A_80, %dma_wait3A_118] : memref<2560x128xi32, #tpu.memory_space<hbm>> -> memref<40x128xi32, #tpu.memory_space<hbm>>
        tpu.wait_dma2 semaphore(%run_scoped3A_111 : memref<!tpu.dma_semaphore, #tpu.memory_space<semaphore_mem>>) src(%dma_wait3A_119 : memref<40x128xi32, #tpu.memory_space<hbm>>) dst(%arg7 : memref<40x128xi32, #tpu.memory_space<vmem>>)
        tpu.yield
      }) : () -> ()
      "tpu.region"() ({
        %run_scoped3A_111 = tpu.sem_alloc : memref<!tpu.dma_semaphore, #tpu.memory_space<semaphore_mem>>
        %dma_start3A_112 = arith.constant 0 : i32
        %dma_start3A_113 = tpu.memref_slice %arg4[%add3A_80, %dma_start3A_112] : memref<2560x128xi32, #tpu.memory_space<hbm>> -> memref<40x128xi32, #tpu.memory_space<hbm>>
        %dma_start3A_114 = arith.constant 0 : i32
        %dma_start3A_115 = tpu.memref_slice %arg4[%add3A_80, %dma_start3A_114] : memref<2560x128xi32, #tpu.memory_space<hbm>> -> memref<40x128xi32, #tpu.memory_space<hbm>>
        tpu.enqueue_dma source(%dma_start3A_115 : memref<40x128xi32, #tpu.memory_space<hbm>>) target(%arg8 : memref<40x128xi32, #tpu.memory_space<vmem>>) target_semaphore(%run_scoped3A_111 : memref<!tpu.dma_semaphore, #tpu.memory_space<semaphore_mem>>)
        %dma_wait3A_116 = arith.constant 0 : i32
        %dma_wait3A_117 = tpu.memref_slice %arg4[%add3A_80, %dma_wait3A_116] : memref<2560x128xi32, #tpu.memory_space<hbm>> -> memref<40x128xi32, #tpu.memory_space<hbm>>
        %dma_wait3A_118 = arith.constant 0 : i32
        %dma_wait3A_119 = tpu.memref_slice %arg4[%add3A_80, %dma_wait3A_118] : memref<2560x128xi32, #tpu.memory_space<hbm>> -> memref<40x128xi32, #tpu.memory_space<hbm>>
        tpu.wait_dma2 semaphore(%run_scoped3A_111 : memref<!tpu.dma_semaphore, #tpu.memory_space<semaphore_mem>>) src(%dma_wait3A_119 : memref<40x128xi32, #tpu.memory_space<hbm>>) dst(%arg8 : memref<40x128xi32, #tpu.memory_space<vmem>>)
        tpu.yield
      }) : () -> ()
      %dma_start3A = arith.constant 0 : i32
      %dma_start3A_81 = arith.constant 0 : i32
      %dma_start3A_82 = tpu.memref_slice %arg7[%dma_start3A, %dma_start3A_81] : memref<40x128xi32, #tpu.memory_space<vmem>> -> memref<1x128xi32, #tpu.memory_space<vmem>>
      %dma_start3A_83 = tpu.memref_squeeze %dma_start3A_82 : memref<1x128xi32, #tpu.memory_space<vmem>> -> memref<128xi32, #tpu.memory_space<vmem>>
      %dma_start3A_84 = arith.constant 0 : i32
      %dma_start3A_85 = arith.constant 0 : i32
      %dma_start3A_86 = tpu.memref_slice %arg2[%dma_start3A_84, %dma_start3A_85] : memref<10240x128xf32, #tpu.memory_space<hbm>> -> memref<10240x128xf32, #tpu.memory_space<hbm>>
      tpu.enqueue_indirect_dma source(%dma_start3A_86 : memref<10240x128xf32, #tpu.memory_space<hbm>>) target(%arg9 : memref<128x128xf32, #tpu.memory_space<vmem>>) offsets(%dma_start3A_83 : memref<128xi32, #tpu.memory_space<vmem>>) semaphore(%arg12 : memref<!tpu.dma_semaphore, #tpu.memory_space<semaphore_mem>>)
      %scan3A = arith.constant 0 : i32
      %scan3A_87 = arith.constant 0 : i32
      %scan3A_88 = arith.constant 19 : i32
      %scan3A_89 = arith.addi %scan3A_87, %scan3A_88 : i32
      %scan3A_90 = arith.constant 1 : i32
      scf.for %scan3A_111 = %scan3A_87 to %scan3A_89 step %scan3A_90  : i32 {
        %mul3A_112 = arith.constant 2 : i32
        %mul3A_113 = arith.muli %mul3A_112, %scan3A_111 : i32
        %add3A_114 = arith.constant 1 : i32
        %add3A_115 = arith.addi %mul3A_113, %add3A_114 : i32
        %dma_start3A_116 = arith.constant 0 : i32
        %dma_start3A_117 = tpu.memref_slice %arg7[%add3A_115, %dma_start3A_116] : memref<40x128xi32, #tpu.memory_space<vmem>> -> memref<1x128xi32, #tpu.memory_space<vmem>>
        %dma_start3A_118 = tpu.memref_squeeze %dma_start3A_117 : memref<1x128xi32, #tpu.memory_space<vmem>> -> memref<128xi32, #tpu.memory_space<vmem>>
        %dma_start3A_119 = arith.constant 0 : i32
        %dma_start3A_120 = arith.constant 0 : i32
        %dma_start3A_121 = tpu.memref_slice %arg2[%dma_start3A_119, %dma_start3A_120] : memref<10240x128xf32, #tpu.memory_space<hbm>> -> memref<10240x128xf32, #tpu.memory_space<hbm>>
        tpu.enqueue_indirect_dma source(%dma_start3A_121 : memref<10240x128xf32, #tpu.memory_space<hbm>>) target(%arg10 : memref<128x128xf32, #tpu.memory_space<vmem>>) offsets(%dma_start3A_118 : memref<128xi32, #tpu.memory_space<vmem>>) semaphore(%arg13 : memref<!tpu.dma_semaphore, #tpu.memory_space<semaphore_mem>>)
        %dma_wait3A_122 = arith.constant 0 : i32
        %dma_wait3A_123 = arith.constant 0 : i32
        %dma_wait3A_124 = tpu.memref_slice %arg2[%dma_wait3A_122, %dma_wait3A_123] : memref<10240x128xf32, #tpu.memory_space<hbm>> -> memref<128x128xf32, #tpu.memory_space<hbm>>
        %dma_wait3A_125 = arith.constant 0 : i32
        %dma_wait3A_126 = arith.constant 0 : i32
        %dma_wait3A_127 = tpu.memref_slice %arg2[%dma_wait3A_125, %dma_wait3A_126] : memref<10240x128xf32, #tpu.memory_space<hbm>> -> memref<128x128xf32, #tpu.memory_space<hbm>>
        tpu.wait_dma2 semaphore(%arg12 : memref<!tpu.dma_semaphore, #tpu.memory_space<semaphore_mem>>) src(%dma_wait3A_127 : memref<128x128xf32, #tpu.memory_space<hbm>>) dst(%arg9 : memref<128x128xf32, #tpu.memory_space<vmem>>)
        "tpu.region"() ({
          %run_scoped3A_144 = tpu.sem_alloc : memref<!tpu.dma_semaphore, #tpu.memory_space<semaphore_mem>>
          %dma_start3A_145 = arith.constant 0 : i32
          %dma_start3A_146 = tpu.memref_slice %arg8[%mul3A_113, %dma_start3A_145] : memref<40x128xi32, #tpu.memory_space<vmem>> -> memref<1x128xi32, #tpu.memory_space<vmem>>
          %dma_start3A_147 = tpu.memref_squeeze %dma_start3A_146 : memref<1x128xi32, #tpu.memory_space<vmem>> -> memref<128xi32, #tpu.memory_space<vmem>>
          %dma_start3A_148 = arith.constant 0 : i32
          %dma_start3A_149 = arith.constant 0 : i32
          %dma_start3A_150 = tpu.memref_slice %arg11[%dma_start3A_148, %dma_start3A_149] : memref<10240x128xf32, #tpu.memory_space<vmem_shared>> -> memref<10240x128xf32, #tpu.memory_space<vmem_shared>>
          tpu.enqueue_indirect_dma source(%arg9 : memref<128x128xf32, #tpu.memory_space<vmem>>) target(%dma_start3A_150 : memref<10240x128xf32, #tpu.memory_space<vmem_shared>>) offsets(%dma_start3A_147 : memref<128xi32, #tpu.memory_space<vmem>>) semaphore(%run_scoped3A_144 : memref<!tpu.dma_semaphore, #tpu.memory_space<semaphore_mem>>) {add = true}
          %dma_wait3A_151 = arith.constant 0 : i32
          %dma_wait3A_152 = tpu.memref_slice %arg8[%mul3A_113, %dma_wait3A_151] : memref<40x128xi32, #tpu.memory_space<vmem>> -> memref<1x128xi32, #tpu.memory_space<vmem>>
          %dma_wait3A_153 = tpu.memref_squeeze %dma_wait3A_152 : memref<1x128xi32, #tpu.memory_space<vmem>> -> memref<128xi32, #tpu.memory_space<vmem>>
          %dma_wait3A_154 = arith.constant 0 : i32
          %dma_wait3A_155 = arith.constant 0 : i32
          %dma_wait3A_156 = tpu.memref_slice %arg11[%dma_wait3A_154, %dma_wait3A_155] : memref<10240x128xf32, #tpu.memory_space<vmem_shared>> -> memref<10240x128xf32, #tpu.memory_space<vmem_shared>>
          tpu.wait_indirect_dma semaphore(%run_scoped3A_144 : memref<!tpu.dma_semaphore, #tpu.memory_space<semaphore_mem>>) src(%arg9 : memref<128x128xf32, #tpu.memory_space<vmem>>) dst(%dma_wait3A_156 : memref<10240x128xf32, #tpu.memory_space<vmem_shared>>)
          tpu.yield
        }) : () -> ()
        %add3A_128 = arith.constant 2 : i32
        %add3A_129 = arith.addi %mul3A_113, %add3A_128 : i32
        %dma_start3A_130 = arith.constant 0 : i32
        %dma_start3A_131 = tpu.memref_slice %arg7[%add3A_129, %dma_start3A_130] : memref<40x128xi32, #tpu.memory_space<vmem>> -> memref<1x128xi32, #tpu.memory_space<vmem>>
        %dma_start3A_132 = tpu.memref_squeeze %dma_start3A_131 : memref<1x128xi32, #tpu.memory_space<vmem>> -> memref<128xi32, #tpu.memory_space<vmem>>
        %dma_start3A_133 = arith.constant 0 : i32
        %dma_start3A_134 = arith.constant 0 : i32
        %dma_start3A_135 = tpu.memref_slice %arg2[%dma_start3A_133, %dma_start3A_134] : memref<10240x128xf32, #tpu.memory_space<hbm>> -> memref<10240x128xf32, #tpu.memory_space<hbm>>
        tpu.enqueue_indirect_dma source(%dma_start3A_135 : memref<10240x128xf32, #tpu.memory_space<hbm>>) target(%arg9 : memref<128x128xf32, #tpu.memory_space<vmem>>) offsets(%dma_start3A_132 : memref<128xi32, #tpu.memory_space<vmem>>) semaphore(%arg12 : memref<!tpu.dma_semaphore, #tpu.memory_space<semaphore_mem>>)
        %dma_wait3A_136 = arith.constant 0 : i32
        %dma_wait3A_137 = arith.constant 0 : i32
        %dma_wait3A_138 = tpu.memref_slice %arg2[%dma_wait3A_136, %dma_wait3A_137] : memref<10240x128xf32, #tpu.memory_space<hbm>> -> memref<128x128xf32, #tpu.memory_space<hbm>>
        %dma_wait3A_139 = arith.constant 0 : i32
        %dma_wait3A_140 = arith.constant 0 : i32
        %dma_wait3A_141 = tpu.memref_slice %arg2[%dma_wait3A_139, %dma_wait3A_140] : memref<10240x128xf32, #tpu.memory_space<hbm>> -> memref<128x128xf32, #tpu.memory_space<hbm>>
        tpu.wait_dma2 semaphore(%arg13 : memref<!tpu.dma_semaphore, #tpu.memory_space<semaphore_mem>>) src(%dma_wait3A_141 : memref<128x128xf32, #tpu.memory_space<hbm>>) dst(%arg10 : memref<128x128xf32, #tpu.memory_space<vmem>>)
        %add3A_142 = arith.constant 1 : i32
        %add3A_143 = arith.addi %mul3A_113, %add3A_142 : i32
        "tpu.region"() ({
          %run_scoped3A_144 = tpu.sem_alloc : memref<!tpu.dma_semaphore, #tpu.memory_space<semaphore_mem>>
          %dma_start3A_145 = arith.constant 0 : i32
          %dma_start3A_146 = tpu.memref_slice %arg8[%add3A_143, %dma_start3A_145] : memref<40x128xi32, #tpu.memory_space<vmem>> -> memref<1x128xi32, #tpu.memory_space<vmem>>
          %dma_start3A_147 = tpu.memref_squeeze %dma_start3A_146 : memref<1x128xi32, #tpu.memory_space<vmem>> -> memref<128xi32, #tpu.memory_space<vmem>>
          %dma_start3A_148 = arith.constant 0 : i32
          %dma_start3A_149 = arith.constant 0 : i32
          %dma_start3A_150 = tpu.memref_slice %arg11[%dma_start3A_148, %dma_start3A_149] : memref<10240x128xf32, #tpu.memory_space<vmem_shared>> -> memref<10240x128xf32, #tpu.memory_space<vmem_shared>>
          tpu.enqueue_indirect_dma source(%arg10 : memref<128x128xf32, #tpu.memory_space<vmem>>) target(%dma_start3A_150 : memref<10240x128xf32, #tpu.memory_space<vmem_shared>>) offsets(%dma_start3A_147 : memref<128xi32, #tpu.memory_space<vmem>>) semaphore(%run_scoped3A_144 : memref<!tpu.dma_semaphore, #tpu.memory_space<semaphore_mem>>) {add = true}
          %dma_wait3A_151 = arith.constant 0 : i32
          %dma_wait3A_152 = tpu.memref_slice %arg8[%add3A_143, %dma_wait3A_151] : memref<40x128xi32, #tpu.memory_space<vmem>> -> memref<1x128xi32, #tpu.memory_space<vmem>>
          %dma_wait3A_153 = tpu.memref_squeeze %dma_wait3A_152 : memref<1x128xi32, #tpu.memory_space<vmem>> -> memref<128xi32, #tpu.memory_space<vmem>>
          %dma_wait3A_154 = arith.constant 0 : i32
          %dma_wait3A_155 = arith.constant 0 : i32
          %dma_wait3A_156 = tpu.memref_slice %arg11[%dma_wait3A_154, %dma_wait3A_155] : memref<10240x128xf32, #tpu.memory_space<vmem_shared>> -> memref<10240x128xf32, #tpu.memory_space<vmem_shared>>
          tpu.wait_indirect_dma semaphore(%run_scoped3A_144 : memref<!tpu.dma_semaphore, #tpu.memory_space<semaphore_mem>>) src(%arg10 : memref<128x128xf32, #tpu.memory_space<vmem>>) dst(%dma_wait3A_156 : memref<10240x128xf32, #tpu.memory_space<vmem_shared>>)
          tpu.yield
        }) : () -> ()
      }
      %scan3A_91 = arith.constant 19 : i32
      %dma_start3A_92 = arith.constant 39 : i32
      %dma_start3A_93 = arith.constant 0 : i32
      %dma_start3A_94 = tpu.memref_slice %arg7[%dma_start3A_92, %dma_start3A_93] : memref<40x128xi32, #tpu.memory_space<vmem>> -> memref<1x128xi32, #tpu.memory_space<vmem>>
      %dma_start3A_95 = tpu.memref_squeeze %dma_start3A_94 : memref<1x128xi32, #tpu.memory_space<vmem>> -> memref<128xi32, #tpu.memory_space<vmem>>
      %dma_start3A_96 = arith.constant 0 : i32
      %dma_start3A_97 = arith.constant 0 : i32
      %dma_start3A_98 = tpu.memref_slice %arg2[%dma_start3A_96, %dma_start3A_97] : memref<10240x128xf32, #tpu.memory_space<hbm>> -> memref<10240x128xf32, #tpu.memory_space<hbm>>
      tpu.enqueue_indirect_dma source(%dma_start3A_98 : memref<10240x128xf32, #tpu.memory_space<hbm>>) target(%arg10 : memref<128x128xf32, #tpu.memory_space<vmem>>) offsets(%dma_start3A_95 : memref<128xi32, #tpu.memory_space<vmem>>) semaphore(%arg13 : memref<!tpu.dma_semaphore, #tpu.memory_space<semaphore_mem>>)
      %dma_wait3A = arith.constant 0 : i32
      %dma_wait3A_99 = arith.constant 0 : i32
      %dma_wait3A_100 = tpu.memref_slice %arg2[%dma_wait3A, %dma_wait3A_99] : memref<10240x128xf32, #tpu.memory_space<hbm>> -> memref<128x128xf32, #tpu.memory_space<hbm>>
      %dma_wait3A_101 = arith.constant 0 : i32
      %dma_wait3A_102 = arith.constant 0 : i32
      %dma_wait3A_103 = tpu.memref_slice %arg2[%dma_wait3A_101, %dma_wait3A_102] : memref<10240x128xf32, #tpu.memory_space<hbm>> -> memref<128x128xf32, #tpu.memory_space<hbm>>
      tpu.wait_dma2 semaphore(%arg12 : memref<!tpu.dma_semaphore, #tpu.memory_space<semaphore_mem>>) src(%dma_wait3A_103 : memref<128x128xf32, #tpu.memory_space<hbm>>) dst(%arg9 : memref<128x128xf32, #tpu.memory_space<vmem>>)
      %run_scoped3A = arith.constant 38 : i32
      "tpu.region"() ({
        %run_scoped3A_111 = tpu.sem_alloc : memref<!tpu.dma_semaphore, #tpu.memory_space<semaphore_mem>>
        %dma_start3A_112 = arith.constant 0 : i32
        %dma_start3A_113 = tpu.memref_slice %arg8[%run_scoped3A, %dma_start3A_112] : memref<40x128xi32, #tpu.memory_space<vmem>> -> memref<1x128xi32, #tpu.memory_space<vmem>>
        %dma_start3A_114 = tpu.memref_squeeze %dma_start3A_113 : memref<1x128xi32, #tpu.memory_space<vmem>> -> memref<128xi32, #tpu.memory_space<vmem>>
        %dma_start3A_115 = arith.constant 0 : i32
        %dma_start3A_116 = arith.constant 0 : i32
        %dma_start3A_117 = tpu.memref_slice %arg11[%dma_start3A_115, %dma_start3A_116] : memref<10240x128xf32, #tpu.memory_space<vmem_shared>> -> memref<10240x128xf32, #tpu.memory_space<vmem_shared>>
        tpu.enqueue_indirect_dma source(%arg9 : memref<128x128xf32, #tpu.memory_space<vmem>>) target(%dma_start3A_117 : memref<10240x128xf32, #tpu.memory_space<vmem_shared>>) offsets(%dma_start3A_114 : memref<128xi32, #tpu.memory_space<vmem>>) semaphore(%run_scoped3A_111 : memref<!tpu.dma_semaphore, #tpu.memory_space<semaphore_mem>>) {add = true}
        %dma_wait3A_118 = arith.constant 0 : i32
        %dma_wait3A_119 = tpu.memref_slice %arg8[%run_scoped3A, %dma_wait3A_118] : memref<40x128xi32, #tpu.memory_space<vmem>> -> memref<1x128xi32, #tpu.memory_space<vmem>>
        %dma_wait3A_120 = tpu.memref_squeeze %dma_wait3A_119 : memref<1x128xi32, #tpu.memory_space<vmem>> -> memref<128xi32, #tpu.memory_space<vmem>>
        %dma_wait3A_121 = arith.constant 0 : i32
        %dma_wait3A_122 = arith.constant 0 : i32
        %dma_wait3A_123 = tpu.memref_slice %arg11[%dma_wait3A_121, %dma_wait3A_122] : memref<10240x128xf32, #tpu.memory_space<vmem_shared>> -> memref<10240x128xf32, #tpu.memory_space<vmem_shared>>
        tpu.wait_indirect_dma semaphore(%run_scoped3A_111 : memref<!tpu.dma_semaphore, #tpu.memory_space<semaphore_mem>>) src(%arg9 : memref<128x128xf32, #tpu.memory_space<vmem>>) dst(%dma_wait3A_123 : memref<10240x128xf32, #tpu.memory_space<vmem_shared>>)
        tpu.yield
      }) : () -> ()
      %dma_wait3A_104 = arith.constant 0 : i32
      %dma_wait3A_105 = arith.constant 0 : i32
      %dma_wait3A_106 = tpu.memref_slice %arg2[%dma_wait3A_104, %dma_wait3A_105] : memref<10240x128xf32, #tpu.memory_space<hbm>> -> memref<128x128xf32, #tpu.memory_space<hbm>>
      %dma_wait3A_107 = arith.constant 0 : i32
      %dma_wait3A_108 = arith.constant 0 : i32
      %dma_wait3A_109 = tpu.memref_slice %arg2[%dma_wait3A_107, %dma_wait3A_108] : memref<10240x128xf32, #tpu.memory_space<hbm>> -> memref<128x128xf32, #tpu.memory_space<hbm>>
      tpu.wait_dma2 semaphore(%arg13 : memref<!tpu.dma_semaphore, #tpu.memory_space<semaphore_mem>>) src(%dma_wait3A_109 : memref<128x128xf32, #tpu.memory_space<hbm>>) dst(%arg10 : memref<128x128xf32, #tpu.memory_space<vmem>>)
      %run_scoped3A_110 = arith.constant 39 : i32
      "tpu.region"() ({
        %run_scoped3A_111 = tpu.sem_alloc : memref<!tpu.dma_semaphore, #tpu.memory_space<semaphore_mem>>
        %dma_start3A_112 = arith.constant 0 : i32
        %dma_start3A_113 = tpu.memref_slice %arg8[%run_scoped3A_110, %dma_start3A_112] : memref<40x128xi32, #tpu.memory_space<vmem>> -> memref<1x128xi32, #tpu.memory_space<vmem>>
        %dma_start3A_114 = tpu.memref_squeeze %dma_start3A_113 : memref<1x128xi32, #tpu.memory_space<vmem>> -> memref<128xi32, #tpu.memory_space<vmem>>
        %dma_start3A_115 = arith.constant 0 : i32
        %dma_start3A_116 = arith.constant 0 : i32
        %dma_start3A_117 = tpu.memref_slice %arg11[%dma_start3A_115, %dma_start3A_116] : memref<10240x128xf32, #tpu.memory_space<vmem_shared>> -> memref<10240x128xf32, #tpu.memory_space<vmem_shared>>
        tpu.enqueue_indirect_dma source(%arg10 : memref<128x128xf32, #tpu.memory_space<vmem>>) target(%dma_start3A_117 : memref<10240x128xf32, #tpu.memory_space<vmem_shared>>) offsets(%dma_start3A_114 : memref<128xi32, #tpu.memory_space<vmem>>) semaphore(%run_scoped3A_111 : memref<!tpu.dma_semaphore, #tpu.memory_space<semaphore_mem>>) {add = true}
        %dma_wait3A_118 = arith.constant 0 : i32
        %dma_wait3A_119 = tpu.memref_slice %arg8[%run_scoped3A_110, %dma_wait3A_118] : memref<40x128xi32, #tpu.memory_space<vmem>> -> memref<1x128xi32, #tpu.memory_space<vmem>>
        %dma_wait3A_120 = tpu.memref_squeeze %dma_wait3A_119 : memref<1x128xi32, #tpu.memory_space<vmem>> -> memref<128xi32, #tpu.memory_space<vmem>>
        %dma_wait3A_121 = arith.constant 0 : i32
        %dma_wait3A_122 = arith.constant 0 : i32
        %dma_wait3A_123 = tpu.memref_slice %arg11[%dma_wait3A_121, %dma_wait3A_122] : memref<10240x128xf32, #tpu.memory_space<vmem_shared>> -> memref<10240x128xf32, #tpu.memory_space<vmem_shared>>
        tpu.wait_indirect_dma semaphore(%run_scoped3A_111 : memref<!tpu.dma_semaphore, #tpu.memory_space<semaphore_mem>>) src(%arg10 : memref<128x128xf32, #tpu.memory_space<vmem>>) dst(%dma_wait3A_123 : memref<10240x128xf32, #tpu.memory_space<vmem_shared>>)
        tpu.yield
      }) : () -> ()
    }
    %while3A_40 = arith.constant 1 : i32
    scf.for %while3A_77 = %while3A_38 to %while3A_34 step %while3A_40  : i32 {
      %mul3A_78 = arith.constant 40 : i32
      %mul3A_79 = arith.muli %while3A_77, %mul3A_78 : i32
      %add3A_80 = arith.addi %select_n3A_31, %mul3A_79 : i32
      "tpu.region"() ({
        %run_scoped3A_111 = tpu.sem_alloc : memref<!tpu.dma_semaphore, #tpu.memory_space<semaphore_mem>>
        %dma_start3A_112 = arith.constant 0 : i32
        %dma_start3A_113 = tpu.memref_slice %arg3[%add3A_80, %dma_start3A_112] : memref<2560x128xi32, #tpu.memory_space<hbm>> -> memref<40x128xi32, #tpu.memory_space<hbm>>
        %dma_start3A_114 = arith.constant 0 : i32
        %dma_start3A_115 = tpu.memref_slice %arg3[%add3A_80, %dma_start3A_114] : memref<2560x128xi32, #tpu.memory_space<hbm>> -> memref<40x128xi32, #tpu.memory_space<hbm>>
        tpu.enqueue_dma source(%dma_start3A_115 : memref<40x128xi32, #tpu.memory_space<hbm>>) target(%arg7 : memref<40x128xi32, #tpu.memory_space<vmem>>) target_semaphore(%run_scoped3A_111 : memref<!tpu.dma_semaphore, #tpu.memory_space<semaphore_mem>>)
        %dma_wait3A_116 = arith.constant 0 : i32
        %dma_wait3A_117 = tpu.memref_slice %arg3[%add3A_80, %dma_wait3A_116] : memref<2560x128xi32, #tpu.memory_space<hbm>> -> memref<40x128xi32, #tpu.memory_space<hbm>>
        %dma_wait3A_118 = arith.constant 0 : i32
        %dma_wait3A_119 = tpu.memref_slice %arg3[%add3A_80, %dma_wait3A_118] : memref<2560x128xi32, #tpu.memory_space<hbm>> -> memref<40x128xi32, #tpu.memory_space<hbm>>
        tpu.wait_dma2 semaphore(%run_scoped3A_111 : memref<!tpu.dma_semaphore, #tpu.memory_space<semaphore_mem>>) src(%dma_wait3A_119 : memref<40x128xi32, #tpu.memory_space<hbm>>) dst(%arg7 : memref<40x128xi32, #tpu.memory_space<vmem>>)
        tpu.yield
      }) : () -> ()
      "tpu.region"() ({
        %run_scoped3A_111 = tpu.sem_alloc : memref<!tpu.dma_semaphore, #tpu.memory_space<semaphore_mem>>
        %dma_start3A_112 = arith.constant 0 : i32
        %dma_start3A_113 = tpu.memref_slice %arg4[%add3A_80, %dma_start3A_112] : memref<2560x128xi32, #tpu.memory_space<hbm>> -> memref<40x128xi32, #tpu.memory_space<hbm>>
        %dma_start3A_114 = arith.constant 0 : i32
        %dma_start3A_115 = tpu.memref_slice %arg4[%add3A_80, %dma_start3A_114] : memref<2560x128xi32, #tpu.memory_space<hbm>> -> memref<40x128xi32, #tpu.memory_space<hbm>>
        tpu.enqueue_dma source(%dma_start3A_115 : memref<40x128xi32, #tpu.memory_space<hbm>>) target(%arg8 : memref<40x128xi32, #tpu.memory_space<vmem>>) target_semaphore(%run_scoped3A_111 : memref<!tpu.dma_semaphore, #tpu.memory_space<semaphore_mem>>)
        %dma_wait3A_116 = arith.constant 0 : i32
        %dma_wait3A_117 = tpu.memref_slice %arg4[%add3A_80, %dma_wait3A_116] : memref<2560x128xi32, #tpu.memory_space<hbm>> -> memref<40x128xi32, #tpu.memory_space<hbm>>
        %dma_wait3A_118 = arith.constant 0 : i32
        %dma_wait3A_119 = tpu.memref_slice %arg4[%add3A_80, %dma_wait3A_118] : memref<2560x128xi32, #tpu.memory_space<hbm>> -> memref<40x128xi32, #tpu.memory_space<hbm>>
        tpu.wait_dma2 semaphore(%run_scoped3A_111 : memref<!tpu.dma_semaphore, #tpu.memory_space<semaphore_mem>>) src(%dma_wait3A_119 : memref<40x128xi32, #tpu.memory_space<hbm>>) dst(%arg8 : memref<40x128xi32, #tpu.memory_space<vmem>>)
        tpu.yield
      }) : () -> ()
      %dma_start3A = arith.constant 0 : i32
      %dma_start3A_81 = arith.constant 0 : i32
      %dma_start3A_82 = tpu.memref_slice %arg7[%dma_start3A, %dma_start3A_81] : memref<40x128xi32, #tpu.memory_space<vmem>> -> memref<1x128xi32, #tpu.memory_space<vmem>>
      %dma_start3A_83 = tpu.memref_squeeze %dma_start3A_82 : memref<1x128xi32, #tpu.memory_space<vmem>> -> memref<128xi32, #tpu.memory_space<vmem>>
      %dma_start3A_84 = arith.constant 0 : i32
      %dma_start3A_85 = arith.constant 0 : i32
      %dma_start3A_86 = tpu.memref_slice %arg2[%dma_start3A_84, %dma_start3A_85] : memref<10240x128xf32, #tpu.memory_space<hbm>> -> memref<10240x128xf32, #tpu.memory_space<hbm>>
      tpu.enqueue_indirect_dma source(%dma_start3A_86 : memref<10240x128xf32, #tpu.memory_space<hbm>>) target(%arg9 : memref<128x128xf32, #tpu.memory_space<vmem>>) offsets(%dma_start3A_83 : memref<128xi32, #tpu.memory_space<vmem>>) semaphore(%arg12 : memref<!tpu.dma_semaphore, #tpu.memory_space<semaphore_mem>>)
      %scan3A = arith.constant 0 : i32
      %scan3A_87 = arith.constant 0 : i32
      %scan3A_88 = arith.constant 19 : i32
      %scan3A_89 = arith.addi %scan3A_87, %scan3A_88 : i32
      %scan3A_90 = arith.constant 1 : i32
      scf.for %scan3A_111 = %scan3A_87 to %scan3A_89 step %scan3A_90  : i32 {
        %mul3A_112 = arith.constant 2 : i32
        %mul3A_113 = arith.muli %mul3A_112, %scan3A_111 : i32
        %add3A_114 = arith.constant 1 : i32
        %add3A_115 = arith.addi %mul3A_113, %add3A_114 : i32
        %dma_start3A_116 = arith.constant 0 : i32
        %dma_start3A_117 = tpu.memref_slice %arg7[%add3A_115, %dma_start3A_116] : memref<40x128xi32, #tpu.memory_space<vmem>> -> memref<1x128xi32, #tpu.memory_space<vmem>>
        %dma_start3A_118 = tpu.memref_squeeze %dma_start3A_117 : memref<1x128xi32, #tpu.memory_space<vmem>> -> memref<128xi32, #tpu.memory_space<vmem>>
        %dma_start3A_119 = arith.constant 0 : i32
        %dma_start3A_120 = arith.constant 0 : i32
        %dma_start3A_121 = tpu.memref_slice %arg2[%dma_start3A_119, %dma_start3A_120] : memref<10240x128xf32, #tpu.memory_space<hbm>> -> memref<10240x128xf32, #tpu.memory_space<hbm>>
        tpu.enqueue_indirect_dma source(%dma_start3A_121 : memref<10240x128xf32, #tpu.memory_space<hbm>>) target(%arg10 : memref<128x128xf32, #tpu.memory_space<vmem>>) offsets(%dma_start3A_118 : memref<128xi32, #tpu.memory_space<vmem>>) semaphore(%arg13 : memref<!tpu.dma_semaphore, #tpu.memory_space<semaphore_mem>>)
        %dma_wait3A_122 = arith.constant 0 : i32
        %dma_wait3A_123 = arith.constant 0 : i32
        %dma_wait3A_124 = tpu.memref_slice %arg2[%dma_wait3A_122, %dma_wait3A_123] : memref<10240x128xf32, #tpu.memory_space<hbm>> -> memref<128x128xf32, #tpu.memory_space<hbm>>
        %dma_wait3A_125 = arith.constant 0 : i32
        %dma_wait3A_126 = arith.constant 0 : i32
        %dma_wait3A_127 = tpu.memref_slice %arg2[%dma_wait3A_125, %dma_wait3A_126] : memref<10240x128xf32, #tpu.memory_space<hbm>> -> memref<128x128xf32, #tpu.memory_space<hbm>>
        tpu.wait_dma2 semaphore(%arg12 : memref<!tpu.dma_semaphore, #tpu.memory_space<semaphore_mem>>) src(%dma_wait3A_127 : memref<128x128xf32, #tpu.memory_space<hbm>>) dst(%arg9 : memref<128x128xf32, #tpu.memory_space<vmem>>)
        "tpu.region"() ({
          %run_scoped3A_144 = tpu.sem_alloc : memref<!tpu.dma_semaphore, #tpu.memory_space<semaphore_mem>>
          %dma_start3A_145 = arith.constant 0 : i32
          %dma_start3A_146 = tpu.memref_slice %arg8[%mul3A_113, %dma_start3A_145] : memref<40x128xi32, #tpu.memory_space<vmem>> -> memref<1x128xi32, #tpu.memory_space<vmem>>
          %dma_start3A_147 = tpu.memref_squeeze %dma_start3A_146 : memref<1x128xi32, #tpu.memory_space<vmem>> -> memref<128xi32, #tpu.memory_space<vmem>>
          %dma_start3A_148 = arith.constant 0 : i32
          %dma_start3A_149 = arith.constant 0 : i32
          %dma_start3A_150 = tpu.memref_slice %arg11[%dma_start3A_148, %dma_start3A_149] : memref<10240x128xf32, #tpu.memory_space<vmem_shared>> -> memref<10240x128xf32, #tpu.memory_space<vmem_shared>>
          tpu.enqueue_indirect_dma source(%arg9 : memref<128x128xf32, #tpu.memory_space<vmem>>) target(%dma_start3A_150 : memref<10240x128xf32, #tpu.memory_space<vmem_shared>>) offsets(%dma_start3A_147 : memref<128xi32, #tpu.memory_space<vmem>>) semaphore(%run_scoped3A_144 : memref<!tpu.dma_semaphore, #tpu.memory_space<semaphore_mem>>) {add = true}
          %dma_wait3A_151 = arith.constant 0 : i32
          %dma_wait3A_152 = tpu.memref_slice %arg8[%mul3A_113, %dma_wait3A_151] : memref<40x128xi32, #tpu.memory_space<vmem>> -> memref<1x128xi32, #tpu.memory_space<vmem>>
          %dma_wait3A_153 = tpu.memref_squeeze %dma_wait3A_152 : memref<1x128xi32, #tpu.memory_space<vmem>> -> memref<128xi32, #tpu.memory_space<vmem>>
          %dma_wait3A_154 = arith.constant 0 : i32
          %dma_wait3A_155 = arith.constant 0 : i32
          %dma_wait3A_156 = tpu.memref_slice %arg11[%dma_wait3A_154, %dma_wait3A_155] : memref<10240x128xf32, #tpu.memory_space<vmem_shared>> -> memref<10240x128xf32, #tpu.memory_space<vmem_shared>>
          tpu.wait_indirect_dma semaphore(%run_scoped3A_144 : memref<!tpu.dma_semaphore, #tpu.memory_space<semaphore_mem>>) src(%arg9 : memref<128x128xf32, #tpu.memory_space<vmem>>) dst(%dma_wait3A_156 : memref<10240x128xf32, #tpu.memory_space<vmem_shared>>)
          tpu.yield
        }) : () -> ()
        %add3A_128 = arith.constant 2 : i32
        %add3A_129 = arith.addi %mul3A_113, %add3A_128 : i32
        %dma_start3A_130 = arith.constant 0 : i32
        %dma_start3A_131 = tpu.memref_slice %arg7[%add3A_129, %dma_start3A_130] : memref<40x128xi32, #tpu.memory_space<vmem>> -> memref<1x128xi32, #tpu.memory_space<vmem>>
        %dma_start3A_132 = tpu.memref_squeeze %dma_start3A_131 : memref<1x128xi32, #tpu.memory_space<vmem>> -> memref<128xi32, #tpu.memory_space<vmem>>
        %dma_start3A_133 = arith.constant 0 : i32
        %dma_start3A_134 = arith.constant 0 : i32
        %dma_start3A_135 = tpu.memref_slice %arg2[%dma_start3A_133, %dma_start3A_134] : memref<10240x128xf32, #tpu.memory_space<hbm>> -> memref<10240x128xf32, #tpu.memory_space<hbm>>
        tpu.enqueue_indirect_dma source(%dma_start3A_135 : memref<10240x128xf32, #tpu.memory_space<hbm>>) target(%arg9 : memref<128x128xf32, #tpu.memory_space<vmem>>) offsets(%dma_start3A_132 : memref<128xi32, #tpu.memory_space<vmem>>) semaphore(%arg12 : memref<!tpu.dma_semaphore, #tpu.memory_space<semaphore_mem>>)
        %dma_wait3A_136 = arith.constant 0 : i32
        %dma_wait3A_137 = arith.constant 0 : i32
        %dma_wait3A_138 = tpu.memref_slice %arg2[%dma_wait3A_136, %dma_wait3A_137] : memref<10240x128xf32, #tpu.memory_space<hbm>> -> memref<128x128xf32, #tpu.memory_space<hbm>>
        %dma_wait3A_139 = arith.constant 0 : i32
        %dma_wait3A_140 = arith.constant 0 : i32
        %dma_wait3A_141 = tpu.memref_slice %arg2[%dma_wait3A_139, %dma_wait3A_140] : memref<10240x128xf32, #tpu.memory_space<hbm>> -> memref<128x128xf32, #tpu.memory_space<hbm>>
        tpu.wait_dma2 semaphore(%arg13 : memref<!tpu.dma_semaphore, #tpu.memory_space<semaphore_mem>>) src(%dma_wait3A_141 : memref<128x128xf32, #tpu.memory_space<hbm>>) dst(%arg10 : memref<128x128xf32, #tpu.memory_space<vmem>>)
        %add3A_142 = arith.constant 1 : i32
        %add3A_143 = arith.addi %mul3A_113, %add3A_142 : i32
        "tpu.region"() ({
          %run_scoped3A_144 = tpu.sem_alloc : memref<!tpu.dma_semaphore, #tpu.memory_space<semaphore_mem>>
          %dma_start3A_145 = arith.constant 0 : i32
          %dma_start3A_146 = tpu.memref_slice %arg8[%add3A_143, %dma_start3A_145] : memref<40x128xi32, #tpu.memory_space<vmem>> -> memref<1x128xi32, #tpu.memory_space<vmem>>
          %dma_start3A_147 = tpu.memref_squeeze %dma_start3A_146 : memref<1x128xi32, #tpu.memory_space<vmem>> -> memref<128xi32, #tpu.memory_space<vmem>>
          %dma_start3A_148 = arith.constant 0 : i32
          %dma_start3A_149 = arith.constant 0 : i32
          %dma_start3A_150 = tpu.memref_slice %arg11[%dma_start3A_148, %dma_start3A_149] : memref<10240x128xf32, #tpu.memory_space<vmem_shared>> -> memref<10240x128xf32, #tpu.memory_space<vmem_shared>>
          tpu.enqueue_indirect_dma source(%arg10 : memref<128x128xf32, #tpu.memory_space<vmem>>) target(%dma_start3A_150 : memref<10240x128xf32, #tpu.memory_space<vmem_shared>>) offsets(%dma_start3A_147 : memref<128xi32, #tpu.memory_space<vmem>>) semaphore(%run_scoped3A_144 : memref<!tpu.dma_semaphore, #tpu.memory_space<semaphore_mem>>) {add = true}
          %dma_wait3A_151 = arith.constant 0 : i32
          %dma_wait3A_152 = tpu.memref_slice %arg8[%add3A_143, %dma_wait3A_151] : memref<40x128xi32, #tpu.memory_space<vmem>> -> memref<1x128xi32, #tpu.memory_space<vmem>>
          %dma_wait3A_153 = tpu.memref_squeeze %dma_wait3A_152 : memref<1x128xi32, #tpu.memory_space<vmem>> -> memref<128xi32, #tpu.memory_space<vmem>>
          %dma_wait3A_154 = arith.constant 0 : i32
          %dma_wait3A_155 = arith.constant 0 : i32
          %dma_wait3A_156 = tpu.memref_slice %arg11[%dma_wait3A_154, %dma_wait3A_155] : memref<10240x128xf32, #tpu.memory_space<vmem_shared>> -> memref<10240x128xf32, #tpu.memory_space<vmem_shared>>
          tpu.wait_indirect_dma semaphore(%run_scoped3A_144 : memref<!tpu.dma_semaphore, #tpu.memory_space<semaphore_mem>>) src(%arg10 : memref<128x128xf32, #tpu.memory_space<vmem>>) dst(%dma_wait3A_156 : memref<10240x128xf32, #tpu.memory_space<vmem_shared>>)
          tpu.yield
        }) : () -> ()
      }
      %scan3A_91 = arith.constant 19 : i32
      %dma_start3A_92 = arith.constant 39 : i32
      %dma_start3A_93 = arith.constant 0 : i32
      %dma_start3A_94 = tpu.memref_slice %arg7[%dma_start3A_92, %dma_start3A_93] : memref<40x128xi32, #tpu.memory_space<vmem>> -> memref<1x128xi32, #tpu.memory_space<vmem>>
      %dma_start3A_95 = tpu.memref_squeeze %dma_start3A_94 : memref<1x128xi32, #tpu.memory_space<vmem>> -> memref<128xi32, #tpu.memory_space<vmem>>
      %dma_start3A_96 = arith.constant 0 : i32
      %dma_start3A_97 = arith.constant 0 : i32
      %dma_start3A_98 = tpu.memref_slice %arg2[%dma_start3A_96, %dma_start3A_97] : memref<10240x128xf32, #tpu.memory_space<hbm>> -> memref<10240x128xf32, #tpu.memory_space<hbm>>
      tpu.enqueue_indirect_dma source(%dma_start3A_98 : memref<10240x128xf32, #tpu.memory_space<hbm>>) target(%arg10 : memref<128x128xf32, #tpu.memory_space<vmem>>) offsets(%dma_start3A_95 : memref<128xi32, #tpu.memory_space<vmem>>) semaphore(%arg13 : memref<!tpu.dma_semaphore, #tpu.memory_space<semaphore_mem>>)
      %dma_wait3A = arith.constant 0 : i32
      %dma_wait3A_99 = arith.constant 0 : i32
      %dma_wait3A_100 = tpu.memref_slice %arg2[%dma_wait3A, %dma_wait3A_99] : memref<10240x128xf32, #tpu.memory_space<hbm>> -> memref<128x128xf32, #tpu.memory_space<hbm>>
      %dma_wait3A_101 = arith.constant 0 : i32
      %dma_wait3A_102 = arith.constant 0 : i32
      %dma_wait3A_103 = tpu.memref_slice %arg2[%dma_wait3A_101, %dma_wait3A_102] : memref<10240x128xf32, #tpu.memory_space<hbm>> -> memref<128x128xf32, #tpu.memory_space<hbm>>
      tpu.wait_dma2 semaphore(%arg12 : memref<!tpu.dma_semaphore, #tpu.memory_space<semaphore_mem>>) src(%dma_wait3A_103 : memref<128x128xf32, #tpu.memory_space<hbm>>) dst(%arg9 : memref<128x128xf32, #tpu.memory_space<vmem>>)
      %run_scoped3A = arith.constant 38 : i32
      "tpu.region"() ({
        %run_scoped3A_111 = tpu.sem_alloc : memref<!tpu.dma_semaphore, #tpu.memory_space<semaphore_mem>>
        %dma_start3A_112 = arith.constant 0 : i32
        %dma_start3A_113 = tpu.memref_slice %arg8[%run_scoped3A, %dma_start3A_112] : memref<40x128xi32, #tpu.memory_space<vmem>> -> memref<1x128xi32, #tpu.memory_space<vmem>>
        %dma_start3A_114 = tpu.memref_squeeze %dma_start3A_113 : memref<1x128xi32, #tpu.memory_space<vmem>> -> memref<128xi32, #tpu.memory_space<vmem>>
        %dma_start3A_115 = arith.constant 0 : i32
        %dma_start3A_116 = arith.constant 0 : i32
        %dma_start3A_117 = tpu.memref_slice %arg11[%dma_start3A_115, %dma_start3A_116] : memref<10240x128xf32, #tpu.memory_space<vmem_shared>> -> memref<10240x128xf32, #tpu.memory_space<vmem_shared>>
        tpu.enqueue_indirect_dma source(%arg9 : memref<128x128xf32, #tpu.memory_space<vmem>>) target(%dma_start3A_117 : memref<10240x128xf32, #tpu.memory_space<vmem_shared>>) offsets(%dma_start3A_114 : memref<128xi32, #tpu.memory_space<vmem>>) semaphore(%run_scoped3A_111 : memref<!tpu.dma_semaphore, #tpu.memory_space<semaphore_mem>>) {add = true}
        %dma_wait3A_118 = arith.constant 0 : i32
        %dma_wait3A_119 = tpu.memref_slice %arg8[%run_scoped3A, %dma_wait3A_118] : memref<40x128xi32, #tpu.memory_space<vmem>> -> memref<1x128xi32, #tpu.memory_space<vmem>>
        %dma_wait3A_120 = tpu.memref_squeeze %dma_wait3A_119 : memref<1x128xi32, #tpu.memory_space<vmem>> -> memref<128xi32, #tpu.memory_space<vmem>>
        %dma_wait3A_121 = arith.constant 0 : i32
        %dma_wait3A_122 = arith.constant 0 : i32
        %dma_wait3A_123 = tpu.memref_slice %arg11[%dma_wait3A_121, %dma_wait3A_122] : memref<10240x128xf32, #tpu.memory_space<vmem_shared>> -> memref<10240x128xf32, #tpu.memory_space<vmem_shared>>
        tpu.wait_indirect_dma semaphore(%run_scoped3A_111 : memref<!tpu.dma_semaphore, #tpu.memory_space<semaphore_mem>>) src(%arg9 : memref<128x128xf32, #tpu.memory_space<vmem>>) dst(%dma_wait3A_123 : memref<10240x128xf32, #tpu.memory_space<vmem_shared>>)
        tpu.yield
      }) : () -> ()
      %dma_wait3A_104 = arith.constant 0 : i32
      %dma_wait3A_105 = arith.constant 0 : i32
      %dma_wait3A_106 = tpu.memref_slice %arg2[%dma_wait3A_104, %dma_wait3A_105] : memref<10240x128xf32, #tpu.memory_space<hbm>> -> memref<128x128xf32, #tpu.memory_space<hbm>>
      %dma_wait3A_107 = arith.constant 0 : i32
      %dma_wait3A_108 = arith.constant 0 : i32
      %dma_wait3A_109 = tpu.memref_slice %arg2[%dma_wait3A_107, %dma_wait3A_108] : memref<10240x128xf32, #tpu.memory_space<hbm>> -> memref<128x128xf32, #tpu.memory_space<hbm>>
      tpu.wait_dma2 semaphore(%arg13 : memref<!tpu.dma_semaphore, #tpu.memory_space<semaphore_mem>>) src(%dma_wait3A_109 : memref<128x128xf32, #tpu.memory_space<hbm>>) dst(%arg10 : memref<128x128xf32, #tpu.memory_space<vmem>>)
      %run_scoped3A_110 = arith.constant 39 : i32
      "tpu.region"() ({
        %run_scoped3A_111 = tpu.sem_alloc : memref<!tpu.dma_semaphore, #tpu.memory_space<semaphore_mem>>
        %dma_start3A_112 = arith.constant 0 : i32
        %dma_start3A_113 = tpu.memref_slice %arg8[%run_scoped3A_110, %dma_start3A_112] : memref<40x128xi32, #tpu.memory_space<vmem>> -> memref<1x128xi32, #tpu.memory_space<vmem>>
        %dma_start3A_114 = tpu.memref_squeeze %dma_start3A_113 : memref<1x128xi32, #tpu.memory_space<vmem>> -> memref<128xi32, #tpu.memory_space<vmem>>
        %dma_start3A_115 = arith.constant 0 : i32
        %dma_start3A_116 = arith.constant 0 : i32
        %dma_start3A_117 = tpu.memref_slice %arg11[%dma_start3A_115, %dma_start3A_116] : memref<10240x128xf32, #tpu.memory_space<vmem_shared>> -> memref<10240x128xf32, #tpu.memory_space<vmem_shared>>
        tpu.enqueue_indirect_dma source(%arg10 : memref<128x128xf32, #tpu.memory_space<vmem>>) target(%dma_start3A_117 : memref<10240x128xf32, #tpu.memory_space<vmem_shared>>) offsets(%dma_start3A_114 : memref<128xi32, #tpu.memory_space<vmem>>) semaphore(%run_scoped3A_111 : memref<!tpu.dma_semaphore, #tpu.memory_space<semaphore_mem>>) {add = true}
        %dma_wait3A_118 = arith.constant 0 : i32
        %dma_wait3A_119 = tpu.memref_slice %arg8[%run_scoped3A_110, %dma_wait3A_118] : memref<40x128xi32, #tpu.memory_space<vmem>> -> memref<1x128xi32, #tpu.memory_space<vmem>>
        %dma_wait3A_120 = tpu.memref_squeeze %dma_wait3A_119 : memref<1x128xi32, #tpu.memory_space<vmem>> -> memref<128xi32, #tpu.memory_space<vmem>>
        %dma_wait3A_121 = arith.constant 0 : i32
        %dma_wait3A_122 = arith.constant 0 : i32
        %dma_wait3A_123 = tpu.memref_slice %arg11[%dma_wait3A_121, %dma_wait3A_122] : memref<10240x128xf32, #tpu.memory_space<vmem_shared>> -> memref<10240x128xf32, #tpu.memory_space<vmem_shared>>
        tpu.wait_indirect_dma semaphore(%run_scoped3A_111 : memref<!tpu.dma_semaphore, #tpu.memory_space<semaphore_mem>>) src(%arg10 : memref<128x128xf32, #tpu.memory_space<vmem>>) dst(%dma_wait3A_123 : memref<10240x128xf32, #tpu.memory_space<vmem_shared>>)
        tpu.yield
      }) : () -> ()
    }
    %barrier3A_41 = arith.constant 0 : index
    tpu.barrier barrier_id(%barrier3A_41)
    %mul3A_42 = arith.constant 640 : i32
    %mul3A_43 = arith.muli %arg1, %mul3A_42 : i32
    %add3A_44 = arith.constant 0 : i32
    %add3A_45 = arith.addi %mul3A_43, %add3A_44 : i32
    "tpu.region"() ({
      %run_scoped3A = tpu.sem_alloc : memref<!tpu.dma_semaphore, #tpu.memory_space<semaphore_mem>>
      %dma_start3A = arith.constant 0 : i32
      %dma_start3A_77 = tpu.memref_slice %arg11[%add3A_45, %dma_start3A] : memref<10240x128xf32, #tpu.memory_space<vmem_shared>> -> memref<128x128xf32, #tpu.memory_space<vmem_shared>>
      %dma_start3A_78 = arith.constant 0 : i32
      %dma_start3A_79 = tpu.memref_slice %arg11[%add3A_45, %dma_start3A_78] : memref<10240x128xf32, #tpu.memory_space<vmem_shared>> -> memref<128x128xf32, #tpu.memory_space<vmem_shared>>
      tpu.enqueue_dma source(%dma_start3A_79 : memref<128x128xf32, #tpu.memory_space<vmem_shared>>) target(%arg9 : memref<128x128xf32, #tpu.memory_space<vmem>>) target_semaphore(%run_scoped3A : memref<!tpu.dma_semaphore, #tpu.memory_space<semaphore_mem>>)
      %dma_wait3A = arith.constant 0 : i32
      %dma_wait3A_80 = tpu.memref_slice %arg11[%add3A_45, %dma_wait3A] : memref<10240x128xf32, #tpu.memory_space<vmem_shared>> -> memref<128x128xf32, #tpu.memory_space<vmem_shared>>
      %dma_wait3A_81 = arith.constant 0 : i32
      %dma_wait3A_82 = tpu.memref_slice %arg11[%add3A_45, %dma_wait3A_81] : memref<10240x128xf32, #tpu.memory_space<vmem_shared>> -> memref<128x128xf32, #tpu.memory_space<vmem_shared>>
      tpu.wait_dma2 semaphore(%run_scoped3A : memref<!tpu.dma_semaphore, #tpu.memory_space<semaphore_mem>>) src(%dma_wait3A_82 : memref<128x128xf32, #tpu.memory_space<vmem_shared>>) dst(%arg9 : memref<128x128xf32, #tpu.memory_space<vmem>>)
      tpu.yield
    }) : () -> ()
    %mul3A_46 = arith.constant 10240 : i32
    %mul3A_47 = arith.muli %arg0, %mul3A_46 : i32
    %add3A_48 = arith.addi %mul3A_47, %add3A_45 : i32
    "tpu.region"() ({
      %run_scoped3A = tpu.sem_alloc : memref<!tpu.dma_semaphore, #tpu.memory_space<semaphore_mem>>
      %dma_start3A = arith.constant 0 : i32
      %dma_start3A_77 = tpu.memref_slice %arg6[%add3A_48, %dma_start3A] : memref<20480x128xf32, #tpu.memory_space<hbm>> -> memref<128x128xf32, #tpu.memory_space<hbm>>
      %dma_start3A_78 = arith.constant 0 : i32
      %dma_start3A_79 = tpu.memref_slice %arg6[%add3A_48, %dma_start3A_78] : memref<20480x128xf32, #tpu.memory_space<hbm>> -> memref<128x128xf32, #tpu.memory_space<hbm>>
      tpu.enqueue_dma source(%arg9 : memref<128x128xf32, #tpu.memory_space<vmem>>) target(%dma_start3A_79 : memref<128x128xf32, #tpu.memory_space<hbm>>) target_semaphore(%run_scoped3A : memref<!tpu.dma_semaphore, #tpu.memory_space<semaphore_mem>>)
      %dma_wait3A = arith.constant 0 : i32
      %dma_wait3A_80 = tpu.memref_slice %arg6[%add3A_48, %dma_wait3A] : memref<20480x128xf32, #tpu.memory_space<hbm>> -> memref<128x128xf32, #tpu.memory_space<hbm>>
      %dma_wait3A_81 = arith.constant 0 : i32
      %dma_wait3A_82 = tpu.memref_slice %arg6[%add3A_48, %dma_wait3A_81] : memref<20480x128xf32, #tpu.memory_space<hbm>> -> memref<128x128xf32, #tpu.memory_space<hbm>>
      tpu.wait_dma2 semaphore(%run_scoped3A : memref<!tpu.dma_semaphore, #tpu.memory_space<semaphore_mem>>) src(%arg9 : memref<128x128xf32, #tpu.memory_space<vmem>>) dst(%dma_wait3A_82 : memref<128x128xf32, #tpu.memory_space<hbm>>)
      tpu.yield
    }) : () -> ()
    %mul3A_49 = arith.constant 640 : i32
    %mul3A_50 = arith.muli %arg1, %mul3A_49 : i32
    %add3A_51 = arith.constant 128 : i32
    %add3A_52 = arith.addi %mul3A_50, %add3A_51 : i32
    "tpu.region"() ({
      %run_scoped3A = tpu.sem_alloc : memref<!tpu.dma_semaphore, #tpu.memory_space<semaphore_mem>>
      %dma_start3A = arith.constant 0 : i32
      %dma_start3A_77 = tpu.memref_slice %arg11[%add3A_52, %dma_start3A] : memref<10240x128xf32, #tpu.memory_space<vmem_shared>> -> memref<128x128xf32, #tpu.memory_space<vmem_shared>>
      %dma_start3A_78 = arith.constant 0 : i32
      %dma_start3A_79 = tpu.memref_slice %arg11[%add3A_52, %dma_start3A_78] : memref<10240x128xf32, #tpu.memory_space<vmem_shared>> -> memref<128x128xf32, #tpu.memory_space<vmem_shared>>
      tpu.enqueue_dma source(%dma_start3A_79 : memref<128x128xf32, #tpu.memory_space<vmem_shared>>) target(%arg9 : memref<128x128xf32, #tpu.memory_space<vmem>>) target_semaphore(%run_scoped3A : memref<!tpu.dma_semaphore, #tpu.memory_space<semaphore_mem>>)
      %dma_wait3A = arith.constant 0 : i32
      %dma_wait3A_80 = tpu.memref_slice %arg11[%add3A_52, %dma_wait3A] : memref<10240x128xf32, #tpu.memory_space<vmem_shared>> -> memref<128x128xf32, #tpu.memory_space<vmem_shared>>
      %dma_wait3A_81 = arith.constant 0 : i32
      %dma_wait3A_82 = tpu.memref_slice %arg11[%add3A_52, %dma_wait3A_81] : memref<10240x128xf32, #tpu.memory_space<vmem_shared>> -> memref<128x128xf32, #tpu.memory_space<vmem_shared>>
      tpu.wait_dma2 semaphore(%run_scoped3A : memref<!tpu.dma_semaphore, #tpu.memory_space<semaphore_mem>>) src(%dma_wait3A_82 : memref<128x128xf32, #tpu.memory_space<vmem_shared>>) dst(%arg9 : memref<128x128xf32, #tpu.memory_space<vmem>>)
      tpu.yield
    }) : () -> ()
    %mul3A_53 = arith.constant 10240 : i32
    %mul3A_54 = arith.muli %arg0, %mul3A_53 : i32
    %add3A_55 = arith.addi %mul3A_54, %add3A_52 : i32
    "tpu.region"() ({
      %run_scoped3A = tpu.sem_alloc : memref<!tpu.dma_semaphore, #tpu.memory_space<semaphore_mem>>
      %dma_start3A = arith.constant 0 : i32
      %dma_start3A_77 = tpu.memref_slice %arg6[%add3A_55, %dma_start3A] : memref<20480x128xf32, #tpu.memory_space<hbm>> -> memref<128x128xf32, #tpu.memory_space<hbm>>
      %dma_start3A_78 = arith.constant 0 : i32
      %dma_start3A_79 = tpu.memref_slice %arg6[%add3A_55, %dma_start3A_78] : memref<20480x128xf32, #tpu.memory_space<hbm>> -> memref<128x128xf32, #tpu.memory_space<hbm>>
      tpu.enqueue_dma source(%arg9 : memref<128x128xf32, #tpu.memory_space<vmem>>) target(%dma_start3A_79 : memref<128x128xf32, #tpu.memory_space<hbm>>) target_semaphore(%run_scoped3A : memref<!tpu.dma_semaphore, #tpu.memory_space<semaphore_mem>>)
      %dma_wait3A = arith.constant 0 : i32
      %dma_wait3A_80 = tpu.memref_slice %arg6[%add3A_55, %dma_wait3A] : memref<20480x128xf32, #tpu.memory_space<hbm>> -> memref<128x128xf32, #tpu.memory_space<hbm>>
      %dma_wait3A_81 = arith.constant 0 : i32
      %dma_wait3A_82 = tpu.memref_slice %arg6[%add3A_55, %dma_wait3A_81] : memref<20480x128xf32, #tpu.memory_space<hbm>> -> memref<128x128xf32, #tpu.memory_space<hbm>>
      tpu.wait_dma2 semaphore(%run_scoped3A : memref<!tpu.dma_semaphore, #tpu.memory_space<semaphore_mem>>) src(%arg9 : memref<128x128xf32, #tpu.memory_space<vmem>>) dst(%dma_wait3A_82 : memref<128x128xf32, #tpu.memory_space<hbm>>)
      tpu.yield
    }) : () -> ()
    %mul3A_56 = arith.constant 640 : i32
    %mul3A_57 = arith.muli %arg1, %mul3A_56 : i32
    %add3A_58 = arith.constant 256 : i32
    %add3A_59 = arith.addi %mul3A_57, %add3A_58 : i32
    "tpu.region"() ({
      %run_scoped3A = tpu.sem_alloc : memref<!tpu.dma_semaphore, #tpu.memory_space<semaphore_mem>>
      %dma_start3A = arith.constant 0 : i32
      %dma_start3A_77 = tpu.memref_slice %arg11[%add3A_59, %dma_start3A] : memref<10240x128xf32, #tpu.memory_space<vmem_shared>> -> memref<128x128xf32, #tpu.memory_space<vmem_shared>>
      %dma_start3A_78 = arith.constant 0 : i32
      %dma_start3A_79 = tpu.memref_slice %arg11[%add3A_59, %dma_start3A_78] : memref<10240x128xf32, #tpu.memory_space<vmem_shared>> -> memref<128x128xf32, #tpu.memory_space<vmem_shared>>
      tpu.enqueue_dma source(%dma_start3A_79 : memref<128x128xf32, #tpu.memory_space<vmem_shared>>) target(%arg9 : memref<128x128xf32, #tpu.memory_space<vmem>>) target_semaphore(%run_scoped3A : memref<!tpu.dma_semaphore, #tpu.memory_space<semaphore_mem>>)
      %dma_wait3A = arith.constant 0 : i32
      %dma_wait3A_80 = tpu.memref_slice %arg11[%add3A_59, %dma_wait3A] : memref<10240x128xf32, #tpu.memory_space<vmem_shared>> -> memref<128x128xf32, #tpu.memory_space<vmem_shared>>
      %dma_wait3A_81 = arith.constant 0 : i32
      %dma_wait3A_82 = tpu.memref_slice %arg11[%add3A_59, %dma_wait3A_81] : memref<10240x128xf32, #tpu.memory_space<vmem_shared>> -> memref<128x128xf32, #tpu.memory_space<vmem_shared>>
      tpu.wait_dma2 semaphore(%run_scoped3A : memref<!tpu.dma_semaphore, #tpu.memory_space<semaphore_mem>>) src(%dma_wait3A_82 : memref<128x128xf32, #tpu.memory_space<vmem_shared>>) dst(%arg9 : memref<128x128xf32, #tpu.memory_space<vmem>>)
      tpu.yield
    }) : () -> ()
    %mul3A_60 = arith.constant 10240 : i32
    %mul3A_61 = arith.muli %arg0, %mul3A_60 : i32
    %add3A_62 = arith.addi %mul3A_61, %add3A_59 : i32
    "tpu.region"() ({
      %run_scoped3A = tpu.sem_alloc : memref<!tpu.dma_semaphore, #tpu.memory_space<semaphore_mem>>
      %dma_start3A = arith.constant 0 : i32
      %dma_start3A_77 = tpu.memref_slice %arg6[%add3A_62, %dma_start3A] : memref<20480x128xf32, #tpu.memory_space<hbm>> -> memref<128x128xf32, #tpu.memory_space<hbm>>
      %dma_start3A_78 = arith.constant 0 : i32
      %dma_start3A_79 = tpu.memref_slice %arg6[%add3A_62, %dma_start3A_78] : memref<20480x128xf32, #tpu.memory_space<hbm>> -> memref<128x128xf32, #tpu.memory_space<hbm>>
      tpu.enqueue_dma source(%arg9 : memref<128x128xf32, #tpu.memory_space<vmem>>) target(%dma_start3A_79 : memref<128x128xf32, #tpu.memory_space<hbm>>) target_semaphore(%run_scoped3A : memref<!tpu.dma_semaphore, #tpu.memory_space<semaphore_mem>>)
      %dma_wait3A = arith.constant 0 : i32
      %dma_wait3A_80 = tpu.memref_slice %arg6[%add3A_62, %dma_wait3A] : memref<20480x128xf32, #tpu.memory_space<hbm>> -> memref<128x128xf32, #tpu.memory_space<hbm>>
      %dma_wait3A_81 = arith.constant 0 : i32
      %dma_wait3A_82 = tpu.memref_slice %arg6[%add3A_62, %dma_wait3A_81] : memref<20480x128xf32, #tpu.memory_space<hbm>> -> memref<128x128xf32, #tpu.memory_space<hbm>>
      tpu.wait_dma2 semaphore(%run_scoped3A : memref<!tpu.dma_semaphore, #tpu.memory_space<semaphore_mem>>) src(%arg9 : memref<128x128xf32, #tpu.memory_space<vmem>>) dst(%dma_wait3A_82 : memref<128x128xf32, #tpu.memory_space<hbm>>)
      tpu.yield
    }) : () -> ()
    %mul3A_63 = arith.constant 640 : i32
    %mul3A_64 = arith.muli %arg1, %mul3A_63 : i32
    %add3A_65 = arith.constant 384 : i32
    %add3A_66 = arith.addi %mul3A_64, %add3A_65 : i32
    "tpu.region"() ({
      %run_scoped3A = tpu.sem_alloc : memref<!tpu.dma_semaphore, #tpu.memory_space<semaphore_mem>>
      %dma_start3A = arith.constant 0 : i32
      %dma_start3A_77 = tpu.memref_slice %arg11[%add3A_66, %dma_start3A] : memref<10240x128xf32, #tpu.memory_space<vmem_shared>> -> memref<128x128xf32, #tpu.memory_space<vmem_shared>>
      %dma_start3A_78 = arith.constant 0 : i32
      %dma_start3A_79 = tpu.memref_slice %arg11[%add3A_66, %dma_start3A_78] : memref<10240x128xf32, #tpu.memory_space<vmem_shared>> -> memref<128x128xf32, #tpu.memory_space<vmem_shared>>
      tpu.enqueue_dma source(%dma_start3A_79 : memref<128x128xf32, #tpu.memory_space<vmem_shared>>) target(%arg9 : memref<128x128xf32, #tpu.memory_space<vmem>>) target_semaphore(%run_scoped3A : memref<!tpu.dma_semaphore, #tpu.memory_space<semaphore_mem>>)
      %dma_wait3A = arith.constant 0 : i32
      %dma_wait3A_80 = tpu.memref_slice %arg11[%add3A_66, %dma_wait3A] : memref<10240x128xf32, #tpu.memory_space<vmem_shared>> -> memref<128x128xf32, #tpu.memory_space<vmem_shared>>
      %dma_wait3A_81 = arith.constant 0 : i32
      %dma_wait3A_82 = tpu.memref_slice %arg11[%add3A_66, %dma_wait3A_81] : memref<10240x128xf32, #tpu.memory_space<vmem_shared>> -> memref<128x128xf32, #tpu.memory_space<vmem_shared>>
      tpu.wait_dma2 semaphore(%run_scoped3A : memref<!tpu.dma_semaphore, #tpu.memory_space<semaphore_mem>>) src(%dma_wait3A_82 : memref<128x128xf32, #tpu.memory_space<vmem_shared>>) dst(%arg9 : memref<128x128xf32, #tpu.memory_space<vmem>>)
      tpu.yield
    }) : () -> ()
    %mul3A_67 = arith.constant 10240 : i32
    %mul3A_68 = arith.muli %arg0, %mul3A_67 : i32
    %add3A_69 = arith.addi %mul3A_68, %add3A_66 : i32
    "tpu.region"() ({
      %run_scoped3A = tpu.sem_alloc : memref<!tpu.dma_semaphore, #tpu.memory_space<semaphore_mem>>
      %dma_start3A = arith.constant 0 : i32
      %dma_start3A_77 = tpu.memref_slice %arg6[%add3A_69, %dma_start3A] : memref<20480x128xf32, #tpu.memory_space<hbm>> -> memref<128x128xf32, #tpu.memory_space<hbm>>
      %dma_start3A_78 = arith.constant 0 : i32
      %dma_start3A_79 = tpu.memref_slice %arg6[%add3A_69, %dma_start3A_78] : memref<20480x128xf32, #tpu.memory_space<hbm>> -> memref<128x128xf32, #tpu.memory_space<hbm>>
      tpu.enqueue_dma source(%arg9 : memref<128x128xf32, #tpu.memory_space<vmem>>) target(%dma_start3A_79 : memref<128x128xf32, #tpu.memory_space<hbm>>) target_semaphore(%run_scoped3A : memref<!tpu.dma_semaphore, #tpu.memory_space<semaphore_mem>>)
      %dma_wait3A = arith.constant 0 : i32
      %dma_wait3A_80 = tpu.memref_slice %arg6[%add3A_69, %dma_wait3A] : memref<20480x128xf32, #tpu.memory_space<hbm>> -> memref<128x128xf32, #tpu.memory_space<hbm>>
      %dma_wait3A_81 = arith.constant 0 : i32
      %dma_wait3A_82 = tpu.memref_slice %arg6[%add3A_69, %dma_wait3A_81] : memref<20480x128xf32, #tpu.memory_space<hbm>> -> memref<128x128xf32, #tpu.memory_space<hbm>>
      tpu.wait_dma2 semaphore(%run_scoped3A : memref<!tpu.dma_semaphore, #tpu.memory_space<semaphore_mem>>) src(%arg9 : memref<128x128xf32, #tpu.memory_space<vmem>>) dst(%dma_wait3A_82 : memref<128x128xf32, #tpu.memory_space<hbm>>)
      tpu.yield
    }) : () -> ()
    %mul3A_70 = arith.constant 640 : i32
    %mul3A_71 = arith.muli %arg1, %mul3A_70 : i32
    %add3A_72 = arith.constant 512 : i32
    %add3A_73 = arith.addi %mul3A_71, %add3A_72 : i32
    "tpu.region"() ({
      %run_scoped3A = tpu.sem_alloc : memref<!tpu.dma_semaphore, #tpu.memory_space<semaphore_mem>>
      %dma_start3A = arith.constant 0 : i32
      %dma_start3A_77 = tpu.memref_slice %arg11[%add3A_73, %dma_start3A] : memref<10240x128xf32, #tpu.memory_space<vmem_shared>> -> memref<128x128xf32, #tpu.memory_space<vmem_shared>>
      %dma_start3A_78 = arith.constant 0 : i32
      %dma_start3A_79 = tpu.memref_slice %arg11[%add3A_73, %dma_start3A_78] : memref<10240x128xf32, #tpu.memory_space<vmem_shared>> -> memref<128x128xf32, #tpu.memory_space<vmem_shared>>
      tpu.enqueue_dma source(%dma_start3A_79 : memref<128x128xf32, #tpu.memory_space<vmem_shared>>) target(%arg9 : memref<128x128xf32, #tpu.memory_space<vmem>>) target_semaphore(%run_scoped3A : memref<!tpu.dma_semaphore, #tpu.memory_space<semaphore_mem>>)
      %dma_wait3A = arith.constant 0 : i32
      %dma_wait3A_80 = tpu.memref_slice %arg11[%add3A_73, %dma_wait3A] : memref<10240x128xf32, #tpu.memory_space<vmem_shared>> -> memref<128x128xf32, #tpu.memory_space<vmem_shared>>
      %dma_wait3A_81 = arith.constant 0 : i32
      %dma_wait3A_82 = tpu.memref_slice %arg11[%add3A_73, %dma_wait3A_81] : memref<10240x128xf32, #tpu.memory_space<vmem_shared>> -> memref<128x128xf32, #tpu.memory_space<vmem_shared>>
      tpu.wait_dma2 semaphore(%run_scoped3A : memref<!tpu.dma_semaphore, #tpu.memory_space<semaphore_mem>>) src(%dma_wait3A_82 : memref<128x128xf32, #tpu.memory_space<vmem_shared>>) dst(%arg9 : memref<128x128xf32, #tpu.memory_space<vmem>>)
      tpu.yield
    }) : () -> ()
    %mul3A_74 = arith.constant 10240 : i32
    %mul3A_75 = arith.muli %arg0, %mul3A_74 : i32
    %add3A_76 = arith.addi %mul3A_75, %add3A_73 : i32
    "tpu.region"() ({
      %run_scoped3A = tpu.sem_alloc : memref<!tpu.dma_semaphore, #tpu.memory_space<semaphore_mem>>
      %dma_start3A = arith.constant 0 : i32
      %dma_start3A_77 = tpu.memref_slice %arg6[%add3A_76, %dma_start3A] : memref<20480x128xf32, #tpu.memory_space<hbm>> -> memref<128x128xf32, #tpu.memory_space<hbm>>
      %dma_start3A_78 = arith.constant 0 : i32
      %dma_start3A_79 = tpu.memref_slice %arg6[%add3A_76, %dma_start3A_78] : memref<20480x128xf32, #tpu.memory_space<hbm>> -> memref<128x128xf32, #tpu.memory_space<hbm>>
      tpu.enqueue_dma source(%arg9 : memref<128x128xf32, #tpu.memory_space<vmem>>) target(%dma_start3A_79 : memref<128x128xf32, #tpu.memory_space<hbm>>) target_semaphore(%run_scoped3A : memref<!tpu.dma_semaphore, #tpu.memory_space<semaphore_mem>>)
      %dma_wait3A = arith.constant 0 : i32
      %dma_wait3A_80 = tpu.memref_slice %arg6[%add3A_76, %dma_wait3A] : memref<20480x128xf32, #tpu.memory_space<hbm>> -> memref<128x128xf32, #tpu.memory_space<hbm>>
      %dma_wait3A_81 = arith.constant 0 : i32
      %dma_wait3A_82 = tpu.memref_slice %arg6[%add3A_76, %dma_wait3A_81] : memref<20480x128xf32, #tpu.memory_space<hbm>> -> memref<128x128xf32, #tpu.memory_space<hbm>>
      tpu.wait_dma2 semaphore(%run_scoped3A : memref<!tpu.dma_semaphore, #tpu.memory_space<semaphore_mem>>) src(%arg9 : memref<128x128xf32, #tpu.memory_space<vmem>>) dst(%dma_wait3A_82 : memref<128x128xf32, #tpu.memory_space<hbm>>)
      tpu.yield
    }) : () -> ()
    return
  }
}

#map = affine_map<(d0, d1) -> (0, 0)>
module attributes {stable_mosaic.version = 14 : i64} {
  func.func @_sc_aggregate_body(%arg0: i32, %arg1: i32, %arg2: memref<10240x128xf32, #tpu.memory_space<hbm>>, %arg3: memref<2560x128xi32, #tpu.memory_space<hbm>>, %arg4: memref<2560x128xi32, #tpu.memory_space<hbm>>, %arg5: memref<128x128xf32, #tpu.memory_space<hbm>>, %arg6: memref<20480x128xf32, #tpu.memory_space<hbm>>, %arg7: memref<40x128xi32, #tpu.memory_space<vmem>>, %arg8: memref<40x128xi32, #tpu.memory_space<vmem>>, %arg9: memref<128x128xf32, #tpu.memory_space<vmem>>, %arg10: memref<128x128xf32, #tpu.memory_space<vmem>>, %arg11: memref<10240x128xf32, #tpu.memory_space<vmem_shared>>, %arg12: memref<!tpu.dma_semaphore, #tpu.memory_space<semaphore_mem>>, %arg13: memref<!tpu.dma_semaphore, #tpu.memory_space<semaphore_mem>>) attributes {dimension_semantics = [#tpu.dimension_semantics<core_parallel>, #tpu.dimension_semantics<subcore_parallel>], iteration_bounds = array<i64: 2, 16>, scalar_prefetch = 0 : i64, scratch_operands = 7 : i64, tpu.core_type = #tpu.core_type<sc_vector_subcore>, window_params = [{transform_indices = #map}, {transform_indices = #map}, {transform_indices = #map}, {transform_indices = #map}, {transform_indices = #map}]} {
    %mul3A = arith.constant 16 : i32
    %mul3A_0 = arith.muli %arg0, %mul3A : i32
    %add3A = arith.addi %mul3A_0, %arg1 : i32
    "tpu.region"() ({
      %run_scoped3A = tpu.sem_alloc : memref<!tpu.dma_semaphore, #tpu.memory_space<semaphore_mem>>
      tpu.enqueue_dma source(%arg5 : memref<128x128xf32, #tpu.memory_space<hbm>>) target(%arg9 : memref<128x128xf32, #tpu.memory_space<vmem>>) target_semaphore(%run_scoped3A : memref<!tpu.dma_semaphore, #tpu.memory_space<semaphore_mem>>)
      tpu.wait_dma2 semaphore(%run_scoped3A : memref<!tpu.dma_semaphore, #tpu.memory_space<semaphore_mem>>) src(%arg5 : memref<128x128xf32, #tpu.memory_space<hbm>>) dst(%arg9 : memref<128x128xf32, #tpu.memory_space<vmem>>)
      tpu.yield
    }) : () -> ()
    %mul3A_1 = arith.constant 640 : i32
    %mul3A_2 = arith.muli %arg1, %mul3A_1 : i32
    %add3A_3 = arith.constant 0 : i32
    %add3A_4 = arith.addi %mul3A_2, %add3A_3 : i32
    "tpu.region"() ({
      %run_scoped3A = tpu.sem_alloc : memref<!tpu.dma_semaphore, #tpu.memory_space<semaphore_mem>>
      %dma_start3A = arith.constant 0 : i32
      %dma_start3A_77 = tpu.memref_slice %arg11[%add3A_4, %dma_start3A] : memref<10240x128xf32, #tpu.memory_space<vmem_shared>> -> memref<128x128xf32, #tpu.memory_space<vmem_shared>>
      %dma_start3A_78 = arith.constant 0 : i32
      %dma_start3A_79 = tpu.memref_slice %arg11[%add3A_4, %dma_start3A_78] : memref<10240x128xf32, #tpu.memory_space<vmem_shared>> -> memref<128x128xf32, #tpu.memory_space<vmem_shared>>
      tpu.enqueue_dma source(%arg9 : memref<128x128xf32, #tpu.memory_space<vmem>>) target(%dma_start3A_79 : memref<128x128xf32, #tpu.memory_space<vmem_shared>>) target_semaphore(%run_scoped3A : memref<!tpu.dma_semaphore, #tpu.memory_space<semaphore_mem>>)
      %dma_wait3A = arith.constant 0 : i32
      %dma_wait3A_80 = tpu.memref_slice %arg11[%add3A_4, %dma_wait3A] : memref<10240x128xf32, #tpu.memory_space<vmem_shared>> -> memref<128x128xf32, #tpu.memory_space<vmem_shared>>
      %dma_wait3A_81 = arith.constant 0 : i32
      %dma_wait3A_82 = tpu.memref_slice %arg11[%add3A_4, %dma_wait3A_81] : memref<10240x128xf32, #tpu.memory_space<vmem_shared>> -> memref<128x128xf32, #tpu.memory_space<vmem_shared>>
      tpu.wait_dma2 semaphore(%run_scoped3A : memref<!tpu.dma_semaphore, #tpu.memory_space<semaphore_mem>>) src(%arg9 : memref<128x128xf32, #tpu.memory_space<vmem>>) dst(%dma_wait3A_82 : memref<128x128xf32, #tpu.memory_space<vmem_shared>>)
      tpu.yield
    }) : () -> ()
    %mul3A_5 = arith.constant 640 : i32
    %mul3A_6 = arith.muli %arg1, %mul3A_5 : i32
    %add3A_7 = arith.constant 128 : i32
    %add3A_8 = arith.addi %mul3A_6, %add3A_7 : i32
    "tpu.region"() ({
      %run_scoped3A = tpu.sem_alloc : memref<!tpu.dma_semaphore, #tpu.memory_space<semaphore_mem>>
      %dma_start3A = arith.constant 0 : i32
      %dma_start3A_77 = tpu.memref_slice %arg11[%add3A_8, %dma_start3A] : memref<10240x128xf32, #tpu.memory_space<vmem_shared>> -> memref<128x128xf32, #tpu.memory_space<vmem_shared>>
      %dma_start3A_78 = arith.constant 0 : i32
      %dma_start3A_79 = tpu.memref_slice %arg11[%add3A_8, %dma_start3A_78] : memref<10240x128xf32, #tpu.memory_space<vmem_shared>> -> memref<128x128xf32, #tpu.memory_space<vmem_shared>>
      tpu.enqueue_dma source(%arg9 : memref<128x128xf32, #tpu.memory_space<vmem>>) target(%dma_start3A_79 : memref<128x128xf32, #tpu.memory_space<vmem_shared>>) target_semaphore(%run_scoped3A : memref<!tpu.dma_semaphore, #tpu.memory_space<semaphore_mem>>)
      %dma_wait3A = arith.constant 0 : i32
      %dma_wait3A_80 = tpu.memref_slice %arg11[%add3A_8, %dma_wait3A] : memref<10240x128xf32, #tpu.memory_space<vmem_shared>> -> memref<128x128xf32, #tpu.memory_space<vmem_shared>>
      %dma_wait3A_81 = arith.constant 0 : i32
      %dma_wait3A_82 = tpu.memref_slice %arg11[%add3A_8, %dma_wait3A_81] : memref<10240x128xf32, #tpu.memory_space<vmem_shared>> -> memref<128x128xf32, #tpu.memory_space<vmem_shared>>
      tpu.wait_dma2 semaphore(%run_scoped3A : memref<!tpu.dma_semaphore, #tpu.memory_space<semaphore_mem>>) src(%arg9 : memref<128x128xf32, #tpu.memory_space<vmem>>) dst(%dma_wait3A_82 : memref<128x128xf32, #tpu.memory_space<vmem_shared>>)
      tpu.yield
    }) : () -> ()
    %mul3A_9 = arith.constant 640 : i32
    %mul3A_10 = arith.muli %arg1, %mul3A_9 : i32
    %add3A_11 = arith.constant 256 : i32
    %add3A_12 = arith.addi %mul3A_10, %add3A_11 : i32
    "tpu.region"() ({
      %run_scoped3A = tpu.sem_alloc : memref<!tpu.dma_semaphore, #tpu.memory_space<semaphore_mem>>
      %dma_start3A = arith.constant 0 : i32
      %dma_start3A_77 = tpu.memref_slice %arg11[%add3A_12, %dma_start3A] : memref<10240x128xf32, #tpu.memory_space<vmem_shared>> -> memref<128x128xf32, #tpu.memory_space<vmem_shared>>
      %dma_start3A_78 = arith.constant 0 : i32
      %dma_start3A_79 = tpu.memref_slice %arg11[%add3A_12, %dma_start3A_78] : memref<10240x128xf32, #tpu.memory_space<vmem_shared>> -> memref<128x128xf32, #tpu.memory_space<vmem_shared>>
      tpu.enqueue_dma source(%arg9 : memref<128x128xf32, #tpu.memory_space<vmem>>) target(%dma_start3A_79 : memref<128x128xf32, #tpu.memory_space<vmem_shared>>) target_semaphore(%run_scoped3A : memref<!tpu.dma_semaphore, #tpu.memory_space<semaphore_mem>>)
      %dma_wait3A = arith.constant 0 : i32
      %dma_wait3A_80 = tpu.memref_slice %arg11[%add3A_12, %dma_wait3A] : memref<10240x128xf32, #tpu.memory_space<vmem_shared>> -> memref<128x128xf32, #tpu.memory_space<vmem_shared>>
      %dma_wait3A_81 = arith.constant 0 : i32
      %dma_wait3A_82 = tpu.memref_slice %arg11[%add3A_12, %dma_wait3A_81] : memref<10240x128xf32, #tpu.memory_space<vmem_shared>> -> memref<128x128xf32, #tpu.memory_space<vmem_shared>>
      tpu.wait_dma2 semaphore(%run_scoped3A : memref<!tpu.dma_semaphore, #tpu.memory_space<semaphore_mem>>) src(%arg9 : memref<128x128xf32, #tpu.memory_space<vmem>>) dst(%dma_wait3A_82 : memref<128x128xf32, #tpu.memory_space<vmem_shared>>)
      tpu.yield
    }) : () -> ()
    %mul3A_13 = arith.constant 640 : i32
    %mul3A_14 = arith.muli %arg1, %mul3A_13 : i32
    %add3A_15 = arith.constant 384 : i32
    %add3A_16 = arith.addi %mul3A_14, %add3A_15 : i32
    "tpu.region"() ({
      %run_scoped3A = tpu.sem_alloc : memref<!tpu.dma_semaphore, #tpu.memory_space<semaphore_mem>>
      %dma_start3A = arith.constant 0 : i32
      %dma_start3A_77 = tpu.memref_slice %arg11[%add3A_16, %dma_start3A] : memref<10240x128xf32, #tpu.memory_space<vmem_shared>> -> memref<128x128xf32, #tpu.memory_space<vmem_shared>>
      %dma_start3A_78 = arith.constant 0 : i32
      %dma_start3A_79 = tpu.memref_slice %arg11[%add3A_16, %dma_start3A_78] : memref<10240x128xf32, #tpu.memory_space<vmem_shared>> -> memref<128x128xf32, #tpu.memory_space<vmem_shared>>
      tpu.enqueue_dma source(%arg9 : memref<128x128xf32, #tpu.memory_space<vmem>>) target(%dma_start3A_79 : memref<128x128xf32, #tpu.memory_space<vmem_shared>>) target_semaphore(%run_scoped3A : memref<!tpu.dma_semaphore, #tpu.memory_space<semaphore_mem>>)
      %dma_wait3A = arith.constant 0 : i32
      %dma_wait3A_80 = tpu.memref_slice %arg11[%add3A_16, %dma_wait3A] : memref<10240x128xf32, #tpu.memory_space<vmem_shared>> -> memref<128x128xf32, #tpu.memory_space<vmem_shared>>
      %dma_wait3A_81 = arith.constant 0 : i32
      %dma_wait3A_82 = tpu.memref_slice %arg11[%add3A_16, %dma_wait3A_81] : memref<10240x128xf32, #tpu.memory_space<vmem_shared>> -> memref<128x128xf32, #tpu.memory_space<vmem_shared>>
      tpu.wait_dma2 semaphore(%run_scoped3A : memref<!tpu.dma_semaphore, #tpu.memory_space<semaphore_mem>>) src(%arg9 : memref<128x128xf32, #tpu.memory_space<vmem>>) dst(%dma_wait3A_82 : memref<128x128xf32, #tpu.memory_space<vmem_shared>>)
      tpu.yield
    }) : () -> ()
    %mul3A_17 = arith.constant 640 : i32
    %mul3A_18 = arith.muli %arg1, %mul3A_17 : i32
    %add3A_19 = arith.constant 512 : i32
    %add3A_20 = arith.addi %mul3A_18, %add3A_19 : i32
    "tpu.region"() ({
      %run_scoped3A = tpu.sem_alloc : memref<!tpu.dma_semaphore, #tpu.memory_space<semaphore_mem>>
      %dma_start3A = arith.constant 0 : i32
      %dma_start3A_77 = tpu.memref_slice %arg11[%add3A_20, %dma_start3A] : memref<10240x128xf32, #tpu.memory_space<vmem_shared>> -> memref<128x128xf32, #tpu.memory_space<vmem_shared>>
      %dma_start3A_78 = arith.constant 0 : i32
      %dma_start3A_79 = tpu.memref_slice %arg11[%add3A_20, %dma_start3A_78] : memref<10240x128xf32, #tpu.memory_space<vmem_shared>> -> memref<128x128xf32, #tpu.memory_space<vmem_shared>>
      tpu.enqueue_dma source(%arg9 : memref<128x128xf32, #tpu.memory_space<vmem>>) target(%dma_start3A_79 : memref<128x128xf32, #tpu.memory_space<vmem_shared>>) target_semaphore(%run_scoped3A : memref<!tpu.dma_semaphore, #tpu.memory_space<semaphore_mem>>)
      %dma_wait3A = arith.constant 0 : i32
      %dma_wait3A_80 = tpu.memref_slice %arg11[%add3A_20, %dma_wait3A] : memref<10240x128xf32, #tpu.memory_space<vmem_shared>> -> memref<128x128xf32, #tpu.memory_space<vmem_shared>>
      %dma_wait3A_81 = arith.constant 0 : i32
      %dma_wait3A_82 = tpu.memref_slice %arg11[%add3A_20, %dma_wait3A_81] : memref<10240x128xf32, #tpu.memory_space<vmem_shared>> -> memref<128x128xf32, #tpu.memory_space<vmem_shared>>
      tpu.wait_dma2 semaphore(%run_scoped3A : memref<!tpu.dma_semaphore, #tpu.memory_space<semaphore_mem>>) src(%arg9 : memref<128x128xf32, #tpu.memory_space<vmem>>) dst(%dma_wait3A_82 : memref<128x128xf32, #tpu.memory_space<vmem_shared>>)
      tpu.yield
    }) : () -> ()
    %barrier3A = arith.constant 0 : index
    tpu.barrier barrier_id(%barrier3A)
    %eq3A = arith.constant 0 : i32
    %eq3A_21 = arith.cmpi eq, %arg0, %eq3A : i32
    %jit3A = arith.constant 2 : i32
    %jit3A_22 = arith.constant 2 : i32
    %select_n3A = arith.select %eq3A_21, %jit3A, %jit3A_22 : i32
    %eq3A_23 = arith.constant 0 : i32
    %eq3A_24 = arith.cmpi eq, %arg0, %eq3A_23 : i32
    %mul3A_25 = arith.constant 80 : i32
    %mul3A_26 = arith.muli %arg1, %mul3A_25 : i32
    %mul3A_27 = arith.constant 80 : i32
    %mul3A_28 = arith.muli %arg1, %mul3A_27 : i32
    %add3A_29 = arith.constant 1280 : i32
    %add3A_30 = arith.addi %add3A_29, %mul3A_28 : i32
    %select_n3A_31 = arith.select %eq3A_24, %mul3A_26, %add3A_30 : i32
    %while3A = arith.constant 0 : i32
    %while3A_32 = arith.constant 0 : i32
    %while3A_33 = arith.subi %select_n3A, %while3A_32 : i32
    %while3A_34 = arith.addi %while3A_32, %while3A_33 : i32
    %while3A_35 = arith.constant 1 : i32
    %while3A_36 = arith.divsi %while3A_33, %while3A_35 : i32
    %while3A_37 = arith.muli %while3A_36, %while3A_35 : i32
    %while3A_38 = arith.addi %while3A_32, %while3A_37 : i32
    %while3A_39 = arith.constant 1 : i32
    scf.for %while3A_77 = %while3A_32 to %while3A_38 step %while3A_39  : i32 {
      %mul3A_78 = arith.constant 40 : i32
      %mul3A_79 = arith.muli %while3A_77, %mul3A_78 : i32
      %add3A_80 = arith.addi %select_n3A_31, %mul3A_79 : i32
      "tpu.region"() ({
        %run_scoped3A_111 = tpu.sem_alloc : memref<!tpu.dma_semaphore, #tpu.memory_space<semaphore_mem>>
        %dma_start3A_112 = arith.constant 0 : i32
        %dma_start3A_113 = tpu.memref_slice %arg3[%add3A_80, %dma_start3A_112] : memref<2560x128xi32, #tpu.memory_space<hbm>> -> memref<40x128xi32, #tpu.memory_space<hbm>>
        %dma_start3A_114 = arith.constant 0 : i32
        %dma_start3A_115 = tpu.memref_slice %arg3[%add3A_80, %dma_start3A_114] : memref<2560x128xi32, #tpu.memory_space<hbm>> -> memref<40x128xi32, #tpu.memory_space<hbm>>
        tpu.enqueue_dma source(%dma_start3A_115 : memref<40x128xi32, #tpu.memory_space<hbm>>) target(%arg7 : memref<40x128xi32, #tpu.memory_space<vmem>>) target_semaphore(%run_scoped3A_111 : memref<!tpu.dma_semaphore, #tpu.memory_space<semaphore_mem>>)
        %dma_wait3A_116 = arith.constant 0 : i32
        %dma_wait3A_117 = tpu.memref_slice %arg3[%add3A_80, %dma_wait3A_116] : memref<2560x128xi32, #tpu.memory_space<hbm>> -> memref<40x128xi32, #tpu.memory_space<hbm>>
        %dma_wait3A_118 = arith.constant 0 : i32
        %dma_wait3A_119 = tpu.memref_slice %arg3[%add3A_80, %dma_wait3A_118] : memref<2560x128xi32, #tpu.memory_space<hbm>> -> memref<40x128xi32, #tpu.memory_space<hbm>>
        tpu.wait_dma2 semaphore(%run_scoped3A_111 : memref<!tpu.dma_semaphore, #tpu.memory_space<semaphore_mem>>) src(%dma_wait3A_119 : memref<40x128xi32, #tpu.memory_space<hbm>>) dst(%arg7 : memref<40x128xi32, #tpu.memory_space<vmem>>)
        tpu.yield
      }) : () -> ()
      "tpu.region"() ({
        %run_scoped3A_111 = tpu.sem_alloc : memref<!tpu.dma_semaphore, #tpu.memory_space<semaphore_mem>>
        %dma_start3A_112 = arith.constant 0 : i32
        %dma_start3A_113 = tpu.memref_slice %arg4[%add3A_80, %dma_start3A_112] : memref<2560x128xi32, #tpu.memory_space<hbm>> -> memref<40x128xi32, #tpu.memory_space<hbm>>
        %dma_start3A_114 = arith.constant 0 : i32
        %dma_start3A_115 = tpu.memref_slice %arg4[%add3A_80, %dma_start3A_114] : memref<2560x128xi32, #tpu.memory_space<hbm>> -> memref<40x128xi32, #tpu.memory_space<hbm>>
        tpu.enqueue_dma source(%dma_start3A_115 : memref<40x128xi32, #tpu.memory_space<hbm>>) target(%arg8 : memref<40x128xi32, #tpu.memory_space<vmem>>) target_semaphore(%run_scoped3A_111 : memref<!tpu.dma_semaphore, #tpu.memory_space<semaphore_mem>>)
        %dma_wait3A_116 = arith.constant 0 : i32
        %dma_wait3A_117 = tpu.memref_slice %arg4[%add3A_80, %dma_wait3A_116] : memref<2560x128xi32, #tpu.memory_space<hbm>> -> memref<40x128xi32, #tpu.memory_space<hbm>>
        %dma_wait3A_118 = arith.constant 0 : i32
        %dma_wait3A_119 = tpu.memref_slice %arg4[%add3A_80, %dma_wait3A_118] : memref<2560x128xi32, #tpu.memory_space<hbm>> -> memref<40x128xi32, #tpu.memory_space<hbm>>
        tpu.wait_dma2 semaphore(%run_scoped3A_111 : memref<!tpu.dma_semaphore, #tpu.memory_space<semaphore_mem>>) src(%dma_wait3A_119 : memref<40x128xi32, #tpu.memory_space<hbm>>) dst(%arg8 : memref<40x128xi32, #tpu.memory_space<vmem>>)
        tpu.yield
      }) : () -> ()
      %dma_start3A = arith.constant 0 : i32
      %dma_start3A_81 = arith.constant 0 : i32
      %dma_start3A_82 = tpu.memref_slice %arg7[%dma_start3A, %dma_start3A_81] : memref<40x128xi32, #tpu.memory_space<vmem>> -> memref<1x128xi32, #tpu.memory_space<vmem>>
      %dma_start3A_83 = tpu.memref_squeeze %dma_start3A_82 : memref<1x128xi32, #tpu.memory_space<vmem>> -> memref<128xi32, #tpu.memory_space<vmem>>
      %dma_start3A_84 = arith.constant 0 : i32
      %dma_start3A_85 = arith.constant 0 : i32
      %dma_start3A_86 = tpu.memref_slice %arg2[%dma_start3A_84, %dma_start3A_85] : memref<10240x128xf32, #tpu.memory_space<hbm>> -> memref<10240x128xf32, #tpu.memory_space<hbm>>
      tpu.enqueue_indirect_dma source(%dma_start3A_86 : memref<10240x128xf32, #tpu.memory_space<hbm>>) target(%arg9 : memref<128x128xf32, #tpu.memory_space<vmem>>) offsets(%dma_start3A_83 : memref<128xi32, #tpu.memory_space<vmem>>) semaphore(%arg12 : memref<!tpu.dma_semaphore, #tpu.memory_space<semaphore_mem>>)
      %scan3A = arith.constant 0 : i32
      %scan3A_87 = arith.constant 0 : i32
      %scan3A_88 = arith.constant 19 : i32
      %scan3A_89 = arith.addi %scan3A_87, %scan3A_88 : i32
      %scan3A_90 = arith.constant 1 : i32
      scf.for %scan3A_111 = %scan3A_87 to %scan3A_89 step %scan3A_90  : i32 {
        %mul3A_112 = arith.constant 2 : i32
        %mul3A_113 = arith.muli %mul3A_112, %scan3A_111 : i32
        %add3A_114 = arith.constant 1 : i32
        %add3A_115 = arith.addi %mul3A_113, %add3A_114 : i32
        %dma_start3A_116 = arith.constant 0 : i32
        %dma_start3A_117 = tpu.memref_slice %arg7[%add3A_115, %dma_start3A_116] : memref<40x128xi32, #tpu.memory_space<vmem>> -> memref<1x128xi32, #tpu.memory_space<vmem>>
        %dma_start3A_118 = tpu.memref_squeeze %dma_start3A_117 : memref<1x128xi32, #tpu.memory_space<vmem>> -> memref<128xi32, #tpu.memory_space<vmem>>
        %dma_start3A_119 = arith.constant 0 : i32
        %dma_start3A_120 = arith.constant 0 : i32
        %dma_start3A_121 = tpu.memref_slice %arg2[%dma_start3A_119, %dma_start3A_120] : memref<10240x128xf32, #tpu.memory_space<hbm>> -> memref<10240x128xf32, #tpu.memory_space<hbm>>
        tpu.enqueue_indirect_dma source(%dma_start3A_121 : memref<10240x128xf32, #tpu.memory_space<hbm>>) target(%arg10 : memref<128x128xf32, #tpu.memory_space<vmem>>) offsets(%dma_start3A_118 : memref<128xi32, #tpu.memory_space<vmem>>) semaphore(%arg13 : memref<!tpu.dma_semaphore, #tpu.memory_space<semaphore_mem>>)
        %dma_wait3A_122 = arith.constant 0 : i32
        %dma_wait3A_123 = arith.constant 0 : i32
        %dma_wait3A_124 = tpu.memref_slice %arg2[%dma_wait3A_122, %dma_wait3A_123] : memref<10240x128xf32, #tpu.memory_space<hbm>> -> memref<128x128xf32, #tpu.memory_space<hbm>>
        %dma_wait3A_125 = arith.constant 0 : i32
        %dma_wait3A_126 = arith.constant 0 : i32
        %dma_wait3A_127 = tpu.memref_slice %arg2[%dma_wait3A_125, %dma_wait3A_126] : memref<10240x128xf32, #tpu.memory_space<hbm>> -> memref<128x128xf32, #tpu.memory_space<hbm>>
        tpu.wait_dma2 semaphore(%arg12 : memref<!tpu.dma_semaphore, #tpu.memory_space<semaphore_mem>>) src(%dma_wait3A_127 : memref<128x128xf32, #tpu.memory_space<hbm>>) dst(%arg9 : memref<128x128xf32, #tpu.memory_space<vmem>>)
        "tpu.region"() ({
          %run_scoped3A_144 = tpu.sem_alloc : memref<!tpu.dma_semaphore, #tpu.memory_space<semaphore_mem>>
          %dma_start3A_145 = arith.constant 0 : i32
          %dma_start3A_146 = tpu.memref_slice %arg8[%mul3A_113, %dma_start3A_145] : memref<40x128xi32, #tpu.memory_space<vmem>> -> memref<1x128xi32, #tpu.memory_space<vmem>>
          %dma_start3A_147 = tpu.memref_squeeze %dma_start3A_146 : memref<1x128xi32, #tpu.memory_space<vmem>> -> memref<128xi32, #tpu.memory_space<vmem>>
          %dma_start3A_148 = arith.constant 0 : i32
          %dma_start3A_149 = arith.constant 0 : i32
          %dma_start3A_150 = tpu.memref_slice %arg11[%dma_start3A_148, %dma_start3A_149] : memref<10240x128xf32, #tpu.memory_space<vmem_shared>> -> memref<10240x128xf32, #tpu.memory_space<vmem_shared>>
          tpu.enqueue_indirect_dma source(%arg9 : memref<128x128xf32, #tpu.memory_space<vmem>>) target(%dma_start3A_150 : memref<10240x128xf32, #tpu.memory_space<vmem_shared>>) offsets(%dma_start3A_147 : memref<128xi32, #tpu.memory_space<vmem>>) semaphore(%run_scoped3A_144 : memref<!tpu.dma_semaphore, #tpu.memory_space<semaphore_mem>>) {add = true}
          %dma_wait3A_151 = arith.constant 0 : i32
          %dma_wait3A_152 = tpu.memref_slice %arg8[%mul3A_113, %dma_wait3A_151] : memref<40x128xi32, #tpu.memory_space<vmem>> -> memref<1x128xi32, #tpu.memory_space<vmem>>
          %dma_wait3A_153 = tpu.memref_squeeze %dma_wait3A_152 : memref<1x128xi32, #tpu.memory_space<vmem>> -> memref<128xi32, #tpu.memory_space<vmem>>
          %dma_wait3A_154 = arith.constant 0 : i32
          %dma_wait3A_155 = arith.constant 0 : i32
          %dma_wait3A_156 = tpu.memref_slice %arg11[%dma_wait3A_154, %dma_wait3A_155] : memref<10240x128xf32, #tpu.memory_space<vmem_shared>> -> memref<10240x128xf32, #tpu.memory_space<vmem_shared>>
          tpu.wait_indirect_dma semaphore(%run_scoped3A_144 : memref<!tpu.dma_semaphore, #tpu.memory_space<semaphore_mem>>) src(%arg9 : memref<128x128xf32, #tpu.memory_space<vmem>>) dst(%dma_wait3A_156 : memref<10240x128xf32, #tpu.memory_space<vmem_shared>>)
          tpu.yield
        }) : () -> ()
        %add3A_128 = arith.constant 2 : i32
        %add3A_129 = arith.addi %mul3A_113, %add3A_128 : i32
        %dma_start3A_130 = arith.constant 0 : i32
        %dma_start3A_131 = tpu.memref_slice %arg7[%add3A_129, %dma_start3A_130] : memref<40x128xi32, #tpu.memory_space<vmem>> -> memref<1x128xi32, #tpu.memory_space<vmem>>
        %dma_start3A_132 = tpu.memref_squeeze %dma_start3A_131 : memref<1x128xi32, #tpu.memory_space<vmem>> -> memref<128xi32, #tpu.memory_space<vmem>>
        %dma_start3A_133 = arith.constant 0 : i32
        %dma_start3A_134 = arith.constant 0 : i32
        %dma_start3A_135 = tpu.memref_slice %arg2[%dma_start3A_133, %dma_start3A_134] : memref<10240x128xf32, #tpu.memory_space<hbm>> -> memref<10240x128xf32, #tpu.memory_space<hbm>>
        tpu.enqueue_indirect_dma source(%dma_start3A_135 : memref<10240x128xf32, #tpu.memory_space<hbm>>) target(%arg9 : memref<128x128xf32, #tpu.memory_space<vmem>>) offsets(%dma_start3A_132 : memref<128xi32, #tpu.memory_space<vmem>>) semaphore(%arg12 : memref<!tpu.dma_semaphore, #tpu.memory_space<semaphore_mem>>)
        %dma_wait3A_136 = arith.constant 0 : i32
        %dma_wait3A_137 = arith.constant 0 : i32
        %dma_wait3A_138 = tpu.memref_slice %arg2[%dma_wait3A_136, %dma_wait3A_137] : memref<10240x128xf32, #tpu.memory_space<hbm>> -> memref<128x128xf32, #tpu.memory_space<hbm>>
        %dma_wait3A_139 = arith.constant 0 : i32
        %dma_wait3A_140 = arith.constant 0 : i32
        %dma_wait3A_141 = tpu.memref_slice %arg2[%dma_wait3A_139, %dma_wait3A_140] : memref<10240x128xf32, #tpu.memory_space<hbm>> -> memref<128x128xf32, #tpu.memory_space<hbm>>
        tpu.wait_dma2 semaphore(%arg13 : memref<!tpu.dma_semaphore, #tpu.memory_space<semaphore_mem>>) src(%dma_wait3A_141 : memref<128x128xf32, #tpu.memory_space<hbm>>) dst(%arg10 : memref<128x128xf32, #tpu.memory_space<vmem>>)
        %add3A_142 = arith.constant 1 : i32
        %add3A_143 = arith.addi %mul3A_113, %add3A_142 : i32
        "tpu.region"() ({
          %run_scoped3A_144 = tpu.sem_alloc : memref<!tpu.dma_semaphore, #tpu.memory_space<semaphore_mem>>
          %dma_start3A_145 = arith.constant 0 : i32
          %dma_start3A_146 = tpu.memref_slice %arg8[%add3A_143, %dma_start3A_145] : memref<40x128xi32, #tpu.memory_space<vmem>> -> memref<1x128xi32, #tpu.memory_space<vmem>>
          %dma_start3A_147 = tpu.memref_squeeze %dma_start3A_146 : memref<1x128xi32, #tpu.memory_space<vmem>> -> memref<128xi32, #tpu.memory_space<vmem>>
          %dma_start3A_148 = arith.constant 0 : i32
          %dma_start3A_149 = arith.constant 0 : i32
          %dma_start3A_150 = tpu.memref_slice %arg11[%dma_start3A_148, %dma_start3A_149] : memref<10240x128xf32, #tpu.memory_space<vmem_shared>> -> memref<10240x128xf32, #tpu.memory_space<vmem_shared>>
          tpu.enqueue_indirect_dma source(%arg10 : memref<128x128xf32, #tpu.memory_space<vmem>>) target(%dma_start3A_150 : memref<10240x128xf32, #tpu.memory_space<vmem_shared>>) offsets(%dma_start3A_147 : memref<128xi32, #tpu.memory_space<vmem>>) semaphore(%run_scoped3A_144 : memref<!tpu.dma_semaphore, #tpu.memory_space<semaphore_mem>>) {add = true}
          %dma_wait3A_151 = arith.constant 0 : i32
          %dma_wait3A_152 = tpu.memref_slice %arg8[%add3A_143, %dma_wait3A_151] : memref<40x128xi32, #tpu.memory_space<vmem>> -> memref<1x128xi32, #tpu.memory_space<vmem>>
          %dma_wait3A_153 = tpu.memref_squeeze %dma_wait3A_152 : memref<1x128xi32, #tpu.memory_space<vmem>> -> memref<128xi32, #tpu.memory_space<vmem>>
          %dma_wait3A_154 = arith.constant 0 : i32
          %dma_wait3A_155 = arith.constant 0 : i32
          %dma_wait3A_156 = tpu.memref_slice %arg11[%dma_wait3A_154, %dma_wait3A_155] : memref<10240x128xf32, #tpu.memory_space<vmem_shared>> -> memref<10240x128xf32, #tpu.memory_space<vmem_shared>>
          tpu.wait_indirect_dma semaphore(%run_scoped3A_144 : memref<!tpu.dma_semaphore, #tpu.memory_space<semaphore_mem>>) src(%arg10 : memref<128x128xf32, #tpu.memory_space<vmem>>) dst(%dma_wait3A_156 : memref<10240x128xf32, #tpu.memory_space<vmem_shared>>)
          tpu.yield
        }) : () -> ()
      }
      %scan3A_91 = arith.constant 19 : i32
      %dma_start3A_92 = arith.constant 39 : i32
      %dma_start3A_93 = arith.constant 0 : i32
      %dma_start3A_94 = tpu.memref_slice %arg7[%dma_start3A_92, %dma_start3A_93] : memref<40x128xi32, #tpu.memory_space<vmem>> -> memref<1x128xi32, #tpu.memory_space<vmem>>
      %dma_start3A_95 = tpu.memref_squeeze %dma_start3A_94 : memref<1x128xi32, #tpu.memory_space<vmem>> -> memref<128xi32, #tpu.memory_space<vmem>>
      %dma_start3A_96 = arith.constant 0 : i32
      %dma_start3A_97 = arith.constant 0 : i32
      %dma_start3A_98 = tpu.memref_slice %arg2[%dma_start3A_96, %dma_start3A_97] : memref<10240x128xf32, #tpu.memory_space<hbm>> -> memref<10240x128xf32, #tpu.memory_space<hbm>>
      tpu.enqueue_indirect_dma source(%dma_start3A_98 : memref<10240x128xf32, #tpu.memory_space<hbm>>) target(%arg10 : memref<128x128xf32, #tpu.memory_space<vmem>>) offsets(%dma_start3A_95 : memref<128xi32, #tpu.memory_space<vmem>>) semaphore(%arg13 : memref<!tpu.dma_semaphore, #tpu.memory_space<semaphore_mem>>)
      %dma_wait3A = arith.constant 0 : i32
      %dma_wait3A_99 = arith.constant 0 : i32
      %dma_wait3A_100 = tpu.memref_slice %arg2[%dma_wait3A, %dma_wait3A_99] : memref<10240x128xf32, #tpu.memory_space<hbm>> -> memref<128x128xf32, #tpu.memory_space<hbm>>
      %dma_wait3A_101 = arith.constant 0 : i32
      %dma_wait3A_102 = arith.constant 0 : i32
      %dma_wait3A_103 = tpu.memref_slice %arg2[%dma_wait3A_101, %dma_wait3A_102] : memref<10240x128xf32, #tpu.memory_space<hbm>> -> memref<128x128xf32, #tpu.memory_space<hbm>>
      tpu.wait_dma2 semaphore(%arg12 : memref<!tpu.dma_semaphore, #tpu.memory_space<semaphore_mem>>) src(%dma_wait3A_103 : memref<128x128xf32, #tpu.memory_space<hbm>>) dst(%arg9 : memref<128x128xf32, #tpu.memory_space<vmem>>)
      %run_scoped3A = arith.constant 38 : i32
      "tpu.region"() ({
        %run_scoped3A_111 = tpu.sem_alloc : memref<!tpu.dma_semaphore, #tpu.memory_space<semaphore_mem>>
        %dma_start3A_112 = arith.constant 0 : i32
        %dma_start3A_113 = tpu.memref_slice %arg8[%run_scoped3A, %dma_start3A_112] : memref<40x128xi32, #tpu.memory_space<vmem>> -> memref<1x128xi32, #tpu.memory_space<vmem>>
        %dma_start3A_114 = tpu.memref_squeeze %dma_start3A_113 : memref<1x128xi32, #tpu.memory_space<vmem>> -> memref<128xi32, #tpu.memory_space<vmem>>
        %dma_start3A_115 = arith.constant 0 : i32
        %dma_start3A_116 = arith.constant 0 : i32
        %dma_start3A_117 = tpu.memref_slice %arg11[%dma_start3A_115, %dma_start3A_116] : memref<10240x128xf32, #tpu.memory_space<vmem_shared>> -> memref<10240x128xf32, #tpu.memory_space<vmem_shared>>
        tpu.enqueue_indirect_dma source(%arg9 : memref<128x128xf32, #tpu.memory_space<vmem>>) target(%dma_start3A_117 : memref<10240x128xf32, #tpu.memory_space<vmem_shared>>) offsets(%dma_start3A_114 : memref<128xi32, #tpu.memory_space<vmem>>) semaphore(%run_scoped3A_111 : memref<!tpu.dma_semaphore, #tpu.memory_space<semaphore_mem>>) {add = true}
        %dma_wait3A_118 = arith.constant 0 : i32
        %dma_wait3A_119 = tpu.memref_slice %arg8[%run_scoped3A, %dma_wait3A_118] : memref<40x128xi32, #tpu.memory_space<vmem>> -> memref<1x128xi32, #tpu.memory_space<vmem>>
        %dma_wait3A_120 = tpu.memref_squeeze %dma_wait3A_119 : memref<1x128xi32, #tpu.memory_space<vmem>> -> memref<128xi32, #tpu.memory_space<vmem>>
        %dma_wait3A_121 = arith.constant 0 : i32
        %dma_wait3A_122 = arith.constant 0 : i32
        %dma_wait3A_123 = tpu.memref_slice %arg11[%dma_wait3A_121, %dma_wait3A_122] : memref<10240x128xf32, #tpu.memory_space<vmem_shared>> -> memref<10240x128xf32, #tpu.memory_space<vmem_shared>>
        tpu.wait_indirect_dma semaphore(%run_scoped3A_111 : memref<!tpu.dma_semaphore, #tpu.memory_space<semaphore_mem>>) src(%arg9 : memref<128x128xf32, #tpu.memory_space<vmem>>) dst(%dma_wait3A_123 : memref<10240x128xf32, #tpu.memory_space<vmem_shared>>)
        tpu.yield
      }) : () -> ()
      %dma_wait3A_104 = arith.constant 0 : i32
      %dma_wait3A_105 = arith.constant 0 : i32
      %dma_wait3A_106 = tpu.memref_slice %arg2[%dma_wait3A_104, %dma_wait3A_105] : memref<10240x128xf32, #tpu.memory_space<hbm>> -> memref<128x128xf32, #tpu.memory_space<hbm>>
      %dma_wait3A_107 = arith.constant 0 : i32
      %dma_wait3A_108 = arith.constant 0 : i32
      %dma_wait3A_109 = tpu.memref_slice %arg2[%dma_wait3A_107, %dma_wait3A_108] : memref<10240x128xf32, #tpu.memory_space<hbm>> -> memref<128x128xf32, #tpu.memory_space<hbm>>
      tpu.wait_dma2 semaphore(%arg13 : memref<!tpu.dma_semaphore, #tpu.memory_space<semaphore_mem>>) src(%dma_wait3A_109 : memref<128x128xf32, #tpu.memory_space<hbm>>) dst(%arg10 : memref<128x128xf32, #tpu.memory_space<vmem>>)
      %run_scoped3A_110 = arith.constant 39 : i32
      "tpu.region"() ({
        %run_scoped3A_111 = tpu.sem_alloc : memref<!tpu.dma_semaphore, #tpu.memory_space<semaphore_mem>>
        %dma_start3A_112 = arith.constant 0 : i32
        %dma_start3A_113 = tpu.memref_slice %arg8[%run_scoped3A_110, %dma_start3A_112] : memref<40x128xi32, #tpu.memory_space<vmem>> -> memref<1x128xi32, #tpu.memory_space<vmem>>
        %dma_start3A_114 = tpu.memref_squeeze %dma_start3A_113 : memref<1x128xi32, #tpu.memory_space<vmem>> -> memref<128xi32, #tpu.memory_space<vmem>>
        %dma_start3A_115 = arith.constant 0 : i32
        %dma_start3A_116 = arith.constant 0 : i32
        %dma_start3A_117 = tpu.memref_slice %arg11[%dma_start3A_115, %dma_start3A_116] : memref<10240x128xf32, #tpu.memory_space<vmem_shared>> -> memref<10240x128xf32, #tpu.memory_space<vmem_shared>>
        tpu.enqueue_indirect_dma source(%arg10 : memref<128x128xf32, #tpu.memory_space<vmem>>) target(%dma_start3A_117 : memref<10240x128xf32, #tpu.memory_space<vmem_shared>>) offsets(%dma_start3A_114 : memref<128xi32, #tpu.memory_space<vmem>>) semaphore(%run_scoped3A_111 : memref<!tpu.dma_semaphore, #tpu.memory_space<semaphore_mem>>) {add = true}
        %dma_wait3A_118 = arith.constant 0 : i32
        %dma_wait3A_119 = tpu.memref_slice %arg8[%run_scoped3A_110, %dma_wait3A_118] : memref<40x128xi32, #tpu.memory_space<vmem>> -> memref<1x128xi32, #tpu.memory_space<vmem>>
        %dma_wait3A_120 = tpu.memref_squeeze %dma_wait3A_119 : memref<1x128xi32, #tpu.memory_space<vmem>> -> memref<128xi32, #tpu.memory_space<vmem>>
        %dma_wait3A_121 = arith.constant 0 : i32
        %dma_wait3A_122 = arith.constant 0 : i32
        %dma_wait3A_123 = tpu.memref_slice %arg11[%dma_wait3A_121, %dma_wait3A_122] : memref<10240x128xf32, #tpu.memory_space<vmem_shared>> -> memref<10240x128xf32, #tpu.memory_space<vmem_shared>>
        tpu.wait_indirect_dma semaphore(%run_scoped3A_111 : memref<!tpu.dma_semaphore, #tpu.memory_space<semaphore_mem>>) src(%arg10 : memref<128x128xf32, #tpu.memory_space<vmem>>) dst(%dma_wait3A_123 : memref<10240x128xf32, #tpu.memory_space<vmem_shared>>)
        tpu.yield
      }) : () -> ()
    }
    %while3A_40 = arith.constant 1 : i32
    scf.for %while3A_77 = %while3A_38 to %while3A_34 step %while3A_40  : i32 {
      %mul3A_78 = arith.constant 40 : i32
      %mul3A_79 = arith.muli %while3A_77, %mul3A_78 : i32
      %add3A_80 = arith.addi %select_n3A_31, %mul3A_79 : i32
      "tpu.region"() ({
        %run_scoped3A_111 = tpu.sem_alloc : memref<!tpu.dma_semaphore, #tpu.memory_space<semaphore_mem>>
        %dma_start3A_112 = arith.constant 0 : i32
        %dma_start3A_113 = tpu.memref_slice %arg3[%add3A_80, %dma_start3A_112] : memref<2560x128xi32, #tpu.memory_space<hbm>> -> memref<40x128xi32, #tpu.memory_space<hbm>>
        %dma_start3A_114 = arith.constant 0 : i32
        %dma_start3A_115 = tpu.memref_slice %arg3[%add3A_80, %dma_start3A_114] : memref<2560x128xi32, #tpu.memory_space<hbm>> -> memref<40x128xi32, #tpu.memory_space<hbm>>
        tpu.enqueue_dma source(%dma_start3A_115 : memref<40x128xi32, #tpu.memory_space<hbm>>) target(%arg7 : memref<40x128xi32, #tpu.memory_space<vmem>>) target_semaphore(%run_scoped3A_111 : memref<!tpu.dma_semaphore, #tpu.memory_space<semaphore_mem>>)
        %dma_wait3A_116 = arith.constant 0 : i32
        %dma_wait3A_117 = tpu.memref_slice %arg3[%add3A_80, %dma_wait3A_116] : memref<2560x128xi32, #tpu.memory_space<hbm>> -> memref<40x128xi32, #tpu.memory_space<hbm>>
        %dma_wait3A_118 = arith.constant 0 : i32
        %dma_wait3A_119 = tpu.memref_slice %arg3[%add3A_80, %dma_wait3A_118] : memref<2560x128xi32, #tpu.memory_space<hbm>> -> memref<40x128xi32, #tpu.memory_space<hbm>>
        tpu.wait_dma2 semaphore(%run_scoped3A_111 : memref<!tpu.dma_semaphore, #tpu.memory_space<semaphore_mem>>) src(%dma_wait3A_119 : memref<40x128xi32, #tpu.memory_space<hbm>>) dst(%arg7 : memref<40x128xi32, #tpu.memory_space<vmem>>)
        tpu.yield
      }) : () -> ()
      "tpu.region"() ({
        %run_scoped3A_111 = tpu.sem_alloc : memref<!tpu.dma_semaphore, #tpu.memory_space<semaphore_mem>>
        %dma_start3A_112 = arith.constant 0 : i32
        %dma_start3A_113 = tpu.memref_slice %arg4[%add3A_80, %dma_start3A_112] : memref<2560x128xi32, #tpu.memory_space<hbm>> -> memref<40x128xi32, #tpu.memory_space<hbm>>
        %dma_start3A_114 = arith.constant 0 : i32
        %dma_start3A_115 = tpu.memref_slice %arg4[%add3A_80, %dma_start3A_114] : memref<2560x128xi32, #tpu.memory_space<hbm>> -> memref<40x128xi32, #tpu.memory_space<hbm>>
        tpu.enqueue_dma source(%dma_start3A_115 : memref<40x128xi32, #tpu.memory_space<hbm>>) target(%arg8 : memref<40x128xi32, #tpu.memory_space<vmem>>) target_semaphore(%run_scoped3A_111 : memref<!tpu.dma_semaphore, #tpu.memory_space<semaphore_mem>>)
        %dma_wait3A_116 = arith.constant 0 : i32
        %dma_wait3A_117 = tpu.memref_slice %arg4[%add3A_80, %dma_wait3A_116] : memref<2560x128xi32, #tpu.memory_space<hbm>> -> memref<40x128xi32, #tpu.memory_space<hbm>>
        %dma_wait3A_118 = arith.constant 0 : i32
        %dma_wait3A_119 = tpu.memref_slice %arg4[%add3A_80, %dma_wait3A_118] : memref<2560x128xi32, #tpu.memory_space<hbm>> -> memref<40x128xi32, #tpu.memory_space<hbm>>
        tpu.wait_dma2 semaphore(%run_scoped3A_111 : memref<!tpu.dma_semaphore, #tpu.memory_space<semaphore_mem>>) src(%dma_wait3A_119 : memref<40x128xi32, #tpu.memory_space<hbm>>) dst(%arg8 : memref<40x128xi32, #tpu.memory_space<vmem>>)
        tpu.yield
      }) : () -> ()
      %dma_start3A = arith.constant 0 : i32
      %dma_start3A_81 = arith.constant 0 : i32
      %dma_start3A_82 = tpu.memref_slice %arg7[%dma_start3A, %dma_start3A_81] : memref<40x128xi32, #tpu.memory_space<vmem>> -> memref<1x128xi32, #tpu.memory_space<vmem>>
      %dma_start3A_83 = tpu.memref_squeeze %dma_start3A_82 : memref<1x128xi32, #tpu.memory_space<vmem>> -> memref<128xi32, #tpu.memory_space<vmem>>
      %dma_start3A_84 = arith.constant 0 : i32
      %dma_start3A_85 = arith.constant 0 : i32
      %dma_start3A_86 = tpu.memref_slice %arg2[%dma_start3A_84, %dma_start3A_85] : memref<10240x128xf32, #tpu.memory_space<hbm>> -> memref<10240x128xf32, #tpu.memory_space<hbm>>
      tpu.enqueue_indirect_dma source(%dma_start3A_86 : memref<10240x128xf32, #tpu.memory_space<hbm>>) target(%arg9 : memref<128x128xf32, #tpu.memory_space<vmem>>) offsets(%dma_start3A_83 : memref<128xi32, #tpu.memory_space<vmem>>) semaphore(%arg12 : memref<!tpu.dma_semaphore, #tpu.memory_space<semaphore_mem>>)
      %scan3A = arith.constant 0 : i32
      %scan3A_87 = arith.constant 0 : i32
      %scan3A_88 = arith.constant 19 : i32
      %scan3A_89 = arith.addi %scan3A_87, %scan3A_88 : i32
      %scan3A_90 = arith.constant 1 : i32
      scf.for %scan3A_111 = %scan3A_87 to %scan3A_89 step %scan3A_90  : i32 {
        %mul3A_112 = arith.constant 2 : i32
        %mul3A_113 = arith.muli %mul3A_112, %scan3A_111 : i32
        %add3A_114 = arith.constant 1 : i32
        %add3A_115 = arith.addi %mul3A_113, %add3A_114 : i32
        %dma_start3A_116 = arith.constant 0 : i32
        %dma_start3A_117 = tpu.memref_slice %arg7[%add3A_115, %dma_start3A_116] : memref<40x128xi32, #tpu.memory_space<vmem>> -> memref<1x128xi32, #tpu.memory_space<vmem>>
        %dma_start3A_118 = tpu.memref_squeeze %dma_start3A_117 : memref<1x128xi32, #tpu.memory_space<vmem>> -> memref<128xi32, #tpu.memory_space<vmem>>
        %dma_start3A_119 = arith.constant 0 : i32
        %dma_start3A_120 = arith.constant 0 : i32
        %dma_start3A_121 = tpu.memref_slice %arg2[%dma_start3A_119, %dma_start3A_120] : memref<10240x128xf32, #tpu.memory_space<hbm>> -> memref<10240x128xf32, #tpu.memory_space<hbm>>
        tpu.enqueue_indirect_dma source(%dma_start3A_121 : memref<10240x128xf32, #tpu.memory_space<hbm>>) target(%arg10 : memref<128x128xf32, #tpu.memory_space<vmem>>) offsets(%dma_start3A_118 : memref<128xi32, #tpu.memory_space<vmem>>) semaphore(%arg13 : memref<!tpu.dma_semaphore, #tpu.memory_space<semaphore_mem>>)
        %dma_wait3A_122 = arith.constant 0 : i32
        %dma_wait3A_123 = arith.constant 0 : i32
        %dma_wait3A_124 = tpu.memref_slice %arg2[%dma_wait3A_122, %dma_wait3A_123] : memref<10240x128xf32, #tpu.memory_space<hbm>> -> memref<128x128xf32, #tpu.memory_space<hbm>>
        %dma_wait3A_125 = arith.constant 0 : i32
        %dma_wait3A_126 = arith.constant 0 : i32
        %dma_wait3A_127 = tpu.memref_slice %arg2[%dma_wait3A_125, %dma_wait3A_126] : memref<10240x128xf32, #tpu.memory_space<hbm>> -> memref<128x128xf32, #tpu.memory_space<hbm>>
        tpu.wait_dma2 semaphore(%arg12 : memref<!tpu.dma_semaphore, #tpu.memory_space<semaphore_mem>>) src(%dma_wait3A_127 : memref<128x128xf32, #tpu.memory_space<hbm>>) dst(%arg9 : memref<128x128xf32, #tpu.memory_space<vmem>>)
        "tpu.region"() ({
          %run_scoped3A_144 = tpu.sem_alloc : memref<!tpu.dma_semaphore, #tpu.memory_space<semaphore_mem>>
          %dma_start3A_145 = arith.constant 0 : i32
          %dma_start3A_146 = tpu.memref_slice %arg8[%mul3A_113, %dma_start3A_145] : memref<40x128xi32, #tpu.memory_space<vmem>> -> memref<1x128xi32, #tpu.memory_space<vmem>>
          %dma_start3A_147 = tpu.memref_squeeze %dma_start3A_146 : memref<1x128xi32, #tpu.memory_space<vmem>> -> memref<128xi32, #tpu.memory_space<vmem>>
          %dma_start3A_148 = arith.constant 0 : i32
          %dma_start3A_149 = arith.constant 0 : i32
          %dma_start3A_150 = tpu.memref_slice %arg11[%dma_start3A_148, %dma_start3A_149] : memref<10240x128xf32, #tpu.memory_space<vmem_shared>> -> memref<10240x128xf32, #tpu.memory_space<vmem_shared>>
          tpu.enqueue_indirect_dma source(%arg9 : memref<128x128xf32, #tpu.memory_space<vmem>>) target(%dma_start3A_150 : memref<10240x128xf32, #tpu.memory_space<vmem_shared>>) offsets(%dma_start3A_147 : memref<128xi32, #tpu.memory_space<vmem>>) semaphore(%run_scoped3A_144 : memref<!tpu.dma_semaphore, #tpu.memory_space<semaphore_mem>>) {add = true}
          %dma_wait3A_151 = arith.constant 0 : i32
          %dma_wait3A_152 = tpu.memref_slice %arg8[%mul3A_113, %dma_wait3A_151] : memref<40x128xi32, #tpu.memory_space<vmem>> -> memref<1x128xi32, #tpu.memory_space<vmem>>
          %dma_wait3A_153 = tpu.memref_squeeze %dma_wait3A_152 : memref<1x128xi32, #tpu.memory_space<vmem>> -> memref<128xi32, #tpu.memory_space<vmem>>
          %dma_wait3A_154 = arith.constant 0 : i32
          %dma_wait3A_155 = arith.constant 0 : i32
          %dma_wait3A_156 = tpu.memref_slice %arg11[%dma_wait3A_154, %dma_wait3A_155] : memref<10240x128xf32, #tpu.memory_space<vmem_shared>> -> memref<10240x128xf32, #tpu.memory_space<vmem_shared>>
          tpu.wait_indirect_dma semaphore(%run_scoped3A_144 : memref<!tpu.dma_semaphore, #tpu.memory_space<semaphore_mem>>) src(%arg9 : memref<128x128xf32, #tpu.memory_space<vmem>>) dst(%dma_wait3A_156 : memref<10240x128xf32, #tpu.memory_space<vmem_shared>>)
          tpu.yield
        }) : () -> ()
        %add3A_128 = arith.constant 2 : i32
        %add3A_129 = arith.addi %mul3A_113, %add3A_128 : i32
        %dma_start3A_130 = arith.constant 0 : i32
        %dma_start3A_131 = tpu.memref_slice %arg7[%add3A_129, %dma_start3A_130] : memref<40x128xi32, #tpu.memory_space<vmem>> -> memref<1x128xi32, #tpu.memory_space<vmem>>
        %dma_start3A_132 = tpu.memref_squeeze %dma_start3A_131 : memref<1x128xi32, #tpu.memory_space<vmem>> -> memref<128xi32, #tpu.memory_space<vmem>>
        %dma_start3A_133 = arith.constant 0 : i32
        %dma_start3A_134 = arith.constant 0 : i32
        %dma_start3A_135 = tpu.memref_slice %arg2[%dma_start3A_133, %dma_start3A_134] : memref<10240x128xf32, #tpu.memory_space<hbm>> -> memref<10240x128xf32, #tpu.memory_space<hbm>>
        tpu.enqueue_indirect_dma source(%dma_start3A_135 : memref<10240x128xf32, #tpu.memory_space<hbm>>) target(%arg9 : memref<128x128xf32, #tpu.memory_space<vmem>>) offsets(%dma_start3A_132 : memref<128xi32, #tpu.memory_space<vmem>>) semaphore(%arg12 : memref<!tpu.dma_semaphore, #tpu.memory_space<semaphore_mem>>)
        %dma_wait3A_136 = arith.constant 0 : i32
        %dma_wait3A_137 = arith.constant 0 : i32
        %dma_wait3A_138 = tpu.memref_slice %arg2[%dma_wait3A_136, %dma_wait3A_137] : memref<10240x128xf32, #tpu.memory_space<hbm>> -> memref<128x128xf32, #tpu.memory_space<hbm>>
        %dma_wait3A_139 = arith.constant 0 : i32
        %dma_wait3A_140 = arith.constant 0 : i32
        %dma_wait3A_141 = tpu.memref_slice %arg2[%dma_wait3A_139, %dma_wait3A_140] : memref<10240x128xf32, #tpu.memory_space<hbm>> -> memref<128x128xf32, #tpu.memory_space<hbm>>
        tpu.wait_dma2 semaphore(%arg13 : memref<!tpu.dma_semaphore, #tpu.memory_space<semaphore_mem>>) src(%dma_wait3A_141 : memref<128x128xf32, #tpu.memory_space<hbm>>) dst(%arg10 : memref<128x128xf32, #tpu.memory_space<vmem>>)
        %add3A_142 = arith.constant 1 : i32
        %add3A_143 = arith.addi %mul3A_113, %add3A_142 : i32
        "tpu.region"() ({
          %run_scoped3A_144 = tpu.sem_alloc : memref<!tpu.dma_semaphore, #tpu.memory_space<semaphore_mem>>
          %dma_start3A_145 = arith.constant 0 : i32
          %dma_start3A_146 = tpu.memref_slice %arg8[%add3A_143, %dma_start3A_145] : memref<40x128xi32, #tpu.memory_space<vmem>> -> memref<1x128xi32, #tpu.memory_space<vmem>>
          %dma_start3A_147 = tpu.memref_squeeze %dma_start3A_146 : memref<1x128xi32, #tpu.memory_space<vmem>> -> memref<128xi32, #tpu.memory_space<vmem>>
          %dma_start3A_148 = arith.constant 0 : i32
          %dma_start3A_149 = arith.constant 0 : i32
          %dma_start3A_150 = tpu.memref_slice %arg11[%dma_start3A_148, %dma_start3A_149] : memref<10240x128xf32, #tpu.memory_space<vmem_shared>> -> memref<10240x128xf32, #tpu.memory_space<vmem_shared>>
          tpu.enqueue_indirect_dma source(%arg10 : memref<128x128xf32, #tpu.memory_space<vmem>>) target(%dma_start3A_150 : memref<10240x128xf32, #tpu.memory_space<vmem_shared>>) offsets(%dma_start3A_147 : memref<128xi32, #tpu.memory_space<vmem>>) semaphore(%run_scoped3A_144 : memref<!tpu.dma_semaphore, #tpu.memory_space<semaphore_mem>>) {add = true}
          %dma_wait3A_151 = arith.constant 0 : i32
          %dma_wait3A_152 = tpu.memref_slice %arg8[%add3A_143, %dma_wait3A_151] : memref<40x128xi32, #tpu.memory_space<vmem>> -> memref<1x128xi32, #tpu.memory_space<vmem>>
          %dma_wait3A_153 = tpu.memref_squeeze %dma_wait3A_152 : memref<1x128xi32, #tpu.memory_space<vmem>> -> memref<128xi32, #tpu.memory_space<vmem>>
          %dma_wait3A_154 = arith.constant 0 : i32
          %dma_wait3A_155 = arith.constant 0 : i32
          %dma_wait3A_156 = tpu.memref_slice %arg11[%dma_wait3A_154, %dma_wait3A_155] : memref<10240x128xf32, #tpu.memory_space<vmem_shared>> -> memref<10240x128xf32, #tpu.memory_space<vmem_shared>>
          tpu.wait_indirect_dma semaphore(%run_scoped3A_144 : memref<!tpu.dma_semaphore, #tpu.memory_space<semaphore_mem>>) src(%arg10 : memref<128x128xf32, #tpu.memory_space<vmem>>) dst(%dma_wait3A_156 : memref<10240x128xf32, #tpu.memory_space<vmem_shared>>)
          tpu.yield
        }) : () -> ()
      }
      %scan3A_91 = arith.constant 19 : i32
      %dma_start3A_92 = arith.constant 39 : i32
      %dma_start3A_93 = arith.constant 0 : i32
      %dma_start3A_94 = tpu.memref_slice %arg7[%dma_start3A_92, %dma_start3A_93] : memref<40x128xi32, #tpu.memory_space<vmem>> -> memref<1x128xi32, #tpu.memory_space<vmem>>
      %dma_start3A_95 = tpu.memref_squeeze %dma_start3A_94 : memref<1x128xi32, #tpu.memory_space<vmem>> -> memref<128xi32, #tpu.memory_space<vmem>>
      %dma_start3A_96 = arith.constant 0 : i32
      %dma_start3A_97 = arith.constant 0 : i32
      %dma_start3A_98 = tpu.memref_slice %arg2[%dma_start3A_96, %dma_start3A_97] : memref<10240x128xf32, #tpu.memory_space<hbm>> -> memref<10240x128xf32, #tpu.memory_space<hbm>>
      tpu.enqueue_indirect_dma source(%dma_start3A_98 : memref<10240x128xf32, #tpu.memory_space<hbm>>) target(%arg10 : memref<128x128xf32, #tpu.memory_space<vmem>>) offsets(%dma_start3A_95 : memref<128xi32, #tpu.memory_space<vmem>>) semaphore(%arg13 : memref<!tpu.dma_semaphore, #tpu.memory_space<semaphore_mem>>)
      %dma_wait3A = arith.constant 0 : i32
      %dma_wait3A_99 = arith.constant 0 : i32
      %dma_wait3A_100 = tpu.memref_slice %arg2[%dma_wait3A, %dma_wait3A_99] : memref<10240x128xf32, #tpu.memory_space<hbm>> -> memref<128x128xf32, #tpu.memory_space<hbm>>
      %dma_wait3A_101 = arith.constant 0 : i32
      %dma_wait3A_102 = arith.constant 0 : i32
      %dma_wait3A_103 = tpu.memref_slice %arg2[%dma_wait3A_101, %dma_wait3A_102] : memref<10240x128xf32, #tpu.memory_space<hbm>> -> memref<128x128xf32, #tpu.memory_space<hbm>>
      tpu.wait_dma2 semaphore(%arg12 : memref<!tpu.dma_semaphore, #tpu.memory_space<semaphore_mem>>) src(%dma_wait3A_103 : memref<128x128xf32, #tpu.memory_space<hbm>>) dst(%arg9 : memref<128x128xf32, #tpu.memory_space<vmem>>)
      %run_scoped3A = arith.constant 38 : i32
      "tpu.region"() ({
        %run_scoped3A_111 = tpu.sem_alloc : memref<!tpu.dma_semaphore, #tpu.memory_space<semaphore_mem>>
        %dma_start3A_112 = arith.constant 0 : i32
        %dma_start3A_113 = tpu.memref_slice %arg8[%run_scoped3A, %dma_start3A_112] : memref<40x128xi32, #tpu.memory_space<vmem>> -> memref<1x128xi32, #tpu.memory_space<vmem>>
        %dma_start3A_114 = tpu.memref_squeeze %dma_start3A_113 : memref<1x128xi32, #tpu.memory_space<vmem>> -> memref<128xi32, #tpu.memory_space<vmem>>
        %dma_start3A_115 = arith.constant 0 : i32
        %dma_start3A_116 = arith.constant 0 : i32
        %dma_start3A_117 = tpu.memref_slice %arg11[%dma_start3A_115, %dma_start3A_116] : memref<10240x128xf32, #tpu.memory_space<vmem_shared>> -> memref<10240x128xf32, #tpu.memory_space<vmem_shared>>
        tpu.enqueue_indirect_dma source(%arg9 : memref<128x128xf32, #tpu.memory_space<vmem>>) target(%dma_start3A_117 : memref<10240x128xf32, #tpu.memory_space<vmem_shared>>) offsets(%dma_start3A_114 : memref<128xi32, #tpu.memory_space<vmem>>) semaphore(%run_scoped3A_111 : memref<!tpu.dma_semaphore, #tpu.memory_space<semaphore_mem>>) {add = true}
        %dma_wait3A_118 = arith.constant 0 : i32
        %dma_wait3A_119 = tpu.memref_slice %arg8[%run_scoped3A, %dma_wait3A_118] : memref<40x128xi32, #tpu.memory_space<vmem>> -> memref<1x128xi32, #tpu.memory_space<vmem>>
        %dma_wait3A_120 = tpu.memref_squeeze %dma_wait3A_119 : memref<1x128xi32, #tpu.memory_space<vmem>> -> memref<128xi32, #tpu.memory_space<vmem>>
        %dma_wait3A_121 = arith.constant 0 : i32
        %dma_wait3A_122 = arith.constant 0 : i32
        %dma_wait3A_123 = tpu.memref_slice %arg11[%dma_wait3A_121, %dma_wait3A_122] : memref<10240x128xf32, #tpu.memory_space<vmem_shared>> -> memref<10240x128xf32, #tpu.memory_space<vmem_shared>>
        tpu.wait_indirect_dma semaphore(%run_scoped3A_111 : memref<!tpu.dma_semaphore, #tpu.memory_space<semaphore_mem>>) src(%arg9 : memref<128x128xf32, #tpu.memory_space<vmem>>) dst(%dma_wait3A_123 : memref<10240x128xf32, #tpu.memory_space<vmem_shared>>)
        tpu.yield
      }) : () -> ()
      %dma_wait3A_104 = arith.constant 0 : i32
      %dma_wait3A_105 = arith.constant 0 : i32
      %dma_wait3A_106 = tpu.memref_slice %arg2[%dma_wait3A_104, %dma_wait3A_105] : memref<10240x128xf32, #tpu.memory_space<hbm>> -> memref<128x128xf32, #tpu.memory_space<hbm>>
      %dma_wait3A_107 = arith.constant 0 : i32
      %dma_wait3A_108 = arith.constant 0 : i32
      %dma_wait3A_109 = tpu.memref_slice %arg2[%dma_wait3A_107, %dma_wait3A_108] : memref<10240x128xf32, #tpu.memory_space<hbm>> -> memref<128x128xf32, #tpu.memory_space<hbm>>
      tpu.wait_dma2 semaphore(%arg13 : memref<!tpu.dma_semaphore, #tpu.memory_space<semaphore_mem>>) src(%dma_wait3A_109 : memref<128x128xf32, #tpu.memory_space<hbm>>) dst(%arg10 : memref<128x128xf32, #tpu.memory_space<vmem>>)
      %run_scoped3A_110 = arith.constant 39 : i32
      "tpu.region"() ({
        %run_scoped3A_111 = tpu.sem_alloc : memref<!tpu.dma_semaphore, #tpu.memory_space<semaphore_mem>>
        %dma_start3A_112 = arith.constant 0 : i32
        %dma_start3A_113 = tpu.memref_slice %arg8[%run_scoped3A_110, %dma_start3A_112] : memref<40x128xi32, #tpu.memory_space<vmem>> -> memref<1x128xi32, #tpu.memory_space<vmem>>
        %dma_start3A_114 = tpu.memref_squeeze %dma_start3A_113 : memref<1x128xi32, #tpu.memory_space<vmem>> -> memref<128xi32, #tpu.memory_space<vmem>>
        %dma_start3A_115 = arith.constant 0 : i32
        %dma_start3A_116 = arith.constant 0 : i32
        %dma_start3A_117 = tpu.memref_slice %arg11[%dma_start3A_115, %dma_start3A_116] : memref<10240x128xf32, #tpu.memory_space<vmem_shared>> -> memref<10240x128xf32, #tpu.memory_space<vmem_shared>>
        tpu.enqueue_indirect_dma source(%arg10 : memref<128x128xf32, #tpu.memory_space<vmem>>) target(%dma_start3A_117 : memref<10240x128xf32, #tpu.memory_space<vmem_shared>>) offsets(%dma_start3A_114 : memref<128xi32, #tpu.memory_space<vmem>>) semaphore(%run_scoped3A_111 : memref<!tpu.dma_semaphore, #tpu.memory_space<semaphore_mem>>) {add = true}
        %dma_wait3A_118 = arith.constant 0 : i32
        %dma_wait3A_119 = tpu.memref_slice %arg8[%run_scoped3A_110, %dma_wait3A_118] : memref<40x128xi32, #tpu.memory_space<vmem>> -> memref<1x128xi32, #tpu.memory_space<vmem>>
        %dma_wait3A_120 = tpu.memref_squeeze %dma_wait3A_119 : memref<1x128xi32, #tpu.memory_space<vmem>> -> memref<128xi32, #tpu.memory_space<vmem>>
        %dma_wait3A_121 = arith.constant 0 : i32
        %dma_wait3A_122 = arith.constant 0 : i32
        %dma_wait3A_123 = tpu.memref_slice %arg11[%dma_wait3A_121, %dma_wait3A_122] : memref<10240x128xf32, #tpu.memory_space<vmem_shared>> -> memref<10240x128xf32, #tpu.memory_space<vmem_shared>>
        tpu.wait_indirect_dma semaphore(%run_scoped3A_111 : memref<!tpu.dma_semaphore, #tpu.memory_space<semaphore_mem>>) src(%arg10 : memref<128x128xf32, #tpu.memory_space<vmem>>) dst(%dma_wait3A_123 : memref<10240x128xf32, #tpu.memory_space<vmem_shared>>)
        tpu.yield
      }) : () -> ()
    }
    %barrier3A_41 = arith.constant 0 : index
    tpu.barrier barrier_id(%barrier3A_41)
    %mul3A_42 = arith.constant 640 : i32
    %mul3A_43 = arith.muli %arg1, %mul3A_42 : i32
    %add3A_44 = arith.constant 0 : i32
    %add3A_45 = arith.addi %mul3A_43, %add3A_44 : i32
    "tpu.region"() ({
      %run_scoped3A = tpu.sem_alloc : memref<!tpu.dma_semaphore, #tpu.memory_space<semaphore_mem>>
      %dma_start3A = arith.constant 0 : i32
      %dma_start3A_77 = tpu.memref_slice %arg11[%add3A_45, %dma_start3A] : memref<10240x128xf32, #tpu.memory_space<vmem_shared>> -> memref<128x128xf32, #tpu.memory_space<vmem_shared>>
      %dma_start3A_78 = arith.constant 0 : i32
      %dma_start3A_79 = tpu.memref_slice %arg11[%add3A_45, %dma_start3A_78] : memref<10240x128xf32, #tpu.memory_space<vmem_shared>> -> memref<128x128xf32, #tpu.memory_space<vmem_shared>>
      tpu.enqueue_dma source(%dma_start3A_79 : memref<128x128xf32, #tpu.memory_space<vmem_shared>>) target(%arg9 : memref<128x128xf32, #tpu.memory_space<vmem>>) target_semaphore(%run_scoped3A : memref<!tpu.dma_semaphore, #tpu.memory_space<semaphore_mem>>)
      %dma_wait3A = arith.constant 0 : i32
      %dma_wait3A_80 = tpu.memref_slice %arg11[%add3A_45, %dma_wait3A] : memref<10240x128xf32, #tpu.memory_space<vmem_shared>> -> memref<128x128xf32, #tpu.memory_space<vmem_shared>>
      %dma_wait3A_81 = arith.constant 0 : i32
      %dma_wait3A_82 = tpu.memref_slice %arg11[%add3A_45, %dma_wait3A_81] : memref<10240x128xf32, #tpu.memory_space<vmem_shared>> -> memref<128x128xf32, #tpu.memory_space<vmem_shared>>
      tpu.wait_dma2 semaphore(%run_scoped3A : memref<!tpu.dma_semaphore, #tpu.memory_space<semaphore_mem>>) src(%dma_wait3A_82 : memref<128x128xf32, #tpu.memory_space<vmem_shared>>) dst(%arg9 : memref<128x128xf32, #tpu.memory_space<vmem>>)
      tpu.yield
    }) : () -> ()
    %mul3A_46 = arith.constant 10240 : i32
    %mul3A_47 = arith.muli %arg0, %mul3A_46 : i32
    %add3A_48 = arith.addi %mul3A_47, %add3A_45 : i32
    "tpu.region"() ({
      %run_scoped3A = tpu.sem_alloc : memref<!tpu.dma_semaphore, #tpu.memory_space<semaphore_mem>>
      %dma_start3A = arith.constant 0 : i32
      %dma_start3A_77 = tpu.memref_slice %arg6[%add3A_48, %dma_start3A] : memref<20480x128xf32, #tpu.memory_space<hbm>> -> memref<128x128xf32, #tpu.memory_space<hbm>>
      %dma_start3A_78 = arith.constant 0 : i32
      %dma_start3A_79 = tpu.memref_slice %arg6[%add3A_48, %dma_start3A_78] : memref<20480x128xf32, #tpu.memory_space<hbm>> -> memref<128x128xf32, #tpu.memory_space<hbm>>
      tpu.enqueue_dma source(%arg9 : memref<128x128xf32, #tpu.memory_space<vmem>>) target(%dma_start3A_79 : memref<128x128xf32, #tpu.memory_space<hbm>>) target_semaphore(%run_scoped3A : memref<!tpu.dma_semaphore, #tpu.memory_space<semaphore_mem>>)
      %dma_wait3A = arith.constant 0 : i32
      %dma_wait3A_80 = tpu.memref_slice %arg6[%add3A_48, %dma_wait3A] : memref<20480x128xf32, #tpu.memory_space<hbm>> -> memref<128x128xf32, #tpu.memory_space<hbm>>
      %dma_wait3A_81 = arith.constant 0 : i32
      %dma_wait3A_82 = tpu.memref_slice %arg6[%add3A_48, %dma_wait3A_81] : memref<20480x128xf32, #tpu.memory_space<hbm>> -> memref<128x128xf32, #tpu.memory_space<hbm>>
      tpu.wait_dma2 semaphore(%run_scoped3A : memref<!tpu.dma_semaphore, #tpu.memory_space<semaphore_mem>>) src(%arg9 : memref<128x128xf32, #tpu.memory_space<vmem>>) dst(%dma_wait3A_82 : memref<128x128xf32, #tpu.memory_space<hbm>>)
      tpu.yield
    }) : () -> ()
    %mul3A_49 = arith.constant 640 : i32
    %mul3A_50 = arith.muli %arg1, %mul3A_49 : i32
    %add3A_51 = arith.constant 128 : i32
    %add3A_52 = arith.addi %mul3A_50, %add3A_51 : i32
    "tpu.region"() ({
      %run_scoped3A = tpu.sem_alloc : memref<!tpu.dma_semaphore, #tpu.memory_space<semaphore_mem>>
      %dma_start3A = arith.constant 0 : i32
      %dma_start3A_77 = tpu.memref_slice %arg11[%add3A_52, %dma_start3A] : memref<10240x128xf32, #tpu.memory_space<vmem_shared>> -> memref<128x128xf32, #tpu.memory_space<vmem_shared>>
      %dma_start3A_78 = arith.constant 0 : i32
      %dma_start3A_79 = tpu.memref_slice %arg11[%add3A_52, %dma_start3A_78] : memref<10240x128xf32, #tpu.memory_space<vmem_shared>> -> memref<128x128xf32, #tpu.memory_space<vmem_shared>>
      tpu.enqueue_dma source(%dma_start3A_79 : memref<128x128xf32, #tpu.memory_space<vmem_shared>>) target(%arg9 : memref<128x128xf32, #tpu.memory_space<vmem>>) target_semaphore(%run_scoped3A : memref<!tpu.dma_semaphore, #tpu.memory_space<semaphore_mem>>)
      %dma_wait3A = arith.constant 0 : i32
      %dma_wait3A_80 = tpu.memref_slice %arg11[%add3A_52, %dma_wait3A] : memref<10240x128xf32, #tpu.memory_space<vmem_shared>> -> memref<128x128xf32, #tpu.memory_space<vmem_shared>>
      %dma_wait3A_81 = arith.constant 0 : i32
      %dma_wait3A_82 = tpu.memref_slice %arg11[%add3A_52, %dma_wait3A_81] : memref<10240x128xf32, #tpu.memory_space<vmem_shared>> -> memref<128x128xf32, #tpu.memory_space<vmem_shared>>
      tpu.wait_dma2 semaphore(%run_scoped3A : memref<!tpu.dma_semaphore, #tpu.memory_space<semaphore_mem>>) src(%dma_wait3A_82 : memref<128x128xf32, #tpu.memory_space<vmem_shared>>) dst(%arg9 : memref<128x128xf32, #tpu.memory_space<vmem>>)
      tpu.yield
    }) : () -> ()
    %mul3A_53 = arith.constant 10240 : i32
    %mul3A_54 = arith.muli %arg0, %mul3A_53 : i32
    %add3A_55 = arith.addi %mul3A_54, %add3A_52 : i32
    "tpu.region"() ({
      %run_scoped3A = tpu.sem_alloc : memref<!tpu.dma_semaphore, #tpu.memory_space<semaphore_mem>>
      %dma_start3A = arith.constant 0 : i32
      %dma_start3A_77 = tpu.memref_slice %arg6[%add3A_55, %dma_start3A] : memref<20480x128xf32, #tpu.memory_space<hbm>> -> memref<128x128xf32, #tpu.memory_space<hbm>>
      %dma_start3A_78 = arith.constant 0 : i32
      %dma_start3A_79 = tpu.memref_slice %arg6[%add3A_55, %dma_start3A_78] : memref<20480x128xf32, #tpu.memory_space<hbm>> -> memref<128x128xf32, #tpu.memory_space<hbm>>
      tpu.enqueue_dma source(%arg9 : memref<128x128xf32, #tpu.memory_space<vmem>>) target(%dma_start3A_79 : memref<128x128xf32, #tpu.memory_space<hbm>>) target_semaphore(%run_scoped3A : memref<!tpu.dma_semaphore, #tpu.memory_space<semaphore_mem>>)
      %dma_wait3A = arith.constant 0 : i32
      %dma_wait3A_80 = tpu.memref_slice %arg6[%add3A_55, %dma_wait3A] : memref<20480x128xf32, #tpu.memory_space<hbm>> -> memref<128x128xf32, #tpu.memory_space<hbm>>
      %dma_wait3A_81 = arith.constant 0 : i32
      %dma_wait3A_82 = tpu.memref_slice %arg6[%add3A_55, %dma_wait3A_81] : memref<20480x128xf32, #tpu.memory_space<hbm>> -> memref<128x128xf32, #tpu.memory_space<hbm>>
      tpu.wait_dma2 semaphore(%run_scoped3A : memref<!tpu.dma_semaphore, #tpu.memory_space<semaphore_mem>>) src(%arg9 : memref<128x128xf32, #tpu.memory_space<vmem>>) dst(%dma_wait3A_82 : memref<128x128xf32, #tpu.memory_space<hbm>>)
      tpu.yield
    }) : () -> ()
    %mul3A_56 = arith.constant 640 : i32
    %mul3A_57 = arith.muli %arg1, %mul3A_56 : i32
    %add3A_58 = arith.constant 256 : i32
    %add3A_59 = arith.addi %mul3A_57, %add3A_58 : i32
    "tpu.region"() ({
      %run_scoped3A = tpu.sem_alloc : memref<!tpu.dma_semaphore, #tpu.memory_space<semaphore_mem>>
      %dma_start3A = arith.constant 0 : i32
      %dma_start3A_77 = tpu.memref_slice %arg11[%add3A_59, %dma_start3A] : memref<10240x128xf32, #tpu.memory_space<vmem_shared>> -> memref<128x128xf32, #tpu.memory_space<vmem_shared>>
      %dma_start3A_78 = arith.constant 0 : i32
      %dma_start3A_79 = tpu.memref_slice %arg11[%add3A_59, %dma_start3A_78] : memref<10240x128xf32, #tpu.memory_space<vmem_shared>> -> memref<128x128xf32, #tpu.memory_space<vmem_shared>>
      tpu.enqueue_dma source(%dma_start3A_79 : memref<128x128xf32, #tpu.memory_space<vmem_shared>>) target(%arg9 : memref<128x128xf32, #tpu.memory_space<vmem>>) target_semaphore(%run_scoped3A : memref<!tpu.dma_semaphore, #tpu.memory_space<semaphore_mem>>)
      %dma_wait3A = arith.constant 0 : i32
      %dma_wait3A_80 = tpu.memref_slice %arg11[%add3A_59, %dma_wait3A] : memref<10240x128xf32, #tpu.memory_space<vmem_shared>> -> memref<128x128xf32, #tpu.memory_space<vmem_shared>>
      %dma_wait3A_81 = arith.constant 0 : i32
      %dma_wait3A_82 = tpu.memref_slice %arg11[%add3A_59, %dma_wait3A_81] : memref<10240x128xf32, #tpu.memory_space<vmem_shared>> -> memref<128x128xf32, #tpu.memory_space<vmem_shared>>
      tpu.wait_dma2 semaphore(%run_scoped3A : memref<!tpu.dma_semaphore, #tpu.memory_space<semaphore_mem>>) src(%dma_wait3A_82 : memref<128x128xf32, #tpu.memory_space<vmem_shared>>) dst(%arg9 : memref<128x128xf32, #tpu.memory_space<vmem>>)
      tpu.yield
    }) : () -> ()
    %mul3A_60 = arith.constant 10240 : i32
    %mul3A_61 = arith.muli %arg0, %mul3A_60 : i32
    %add3A_62 = arith.addi %mul3A_61, %add3A_59 : i32
    "tpu.region"() ({
      %run_scoped3A = tpu.sem_alloc : memref<!tpu.dma_semaphore, #tpu.memory_space<semaphore_mem>>
      %dma_start3A = arith.constant 0 : i32
      %dma_start3A_77 = tpu.memref_slice %arg6[%add3A_62, %dma_start3A] : memref<20480x128xf32, #tpu.memory_space<hbm>> -> memref<128x128xf32, #tpu.memory_space<hbm>>
      %dma_start3A_78 = arith.constant 0 : i32
      %dma_start3A_79 = tpu.memref_slice %arg6[%add3A_62, %dma_start3A_78] : memref<20480x128xf32, #tpu.memory_space<hbm>> -> memref<128x128xf32, #tpu.memory_space<hbm>>
      tpu.enqueue_dma source(%arg9 : memref<128x128xf32, #tpu.memory_space<vmem>>) target(%dma_start3A_79 : memref<128x128xf32, #tpu.memory_space<hbm>>) target_semaphore(%run_scoped3A : memref<!tpu.dma_semaphore, #tpu.memory_space<semaphore_mem>>)
      %dma_wait3A = arith.constant 0 : i32
      %dma_wait3A_80 = tpu.memref_slice %arg6[%add3A_62, %dma_wait3A] : memref<20480x128xf32, #tpu.memory_space<hbm>> -> memref<128x128xf32, #tpu.memory_space<hbm>>
      %dma_wait3A_81 = arith.constant 0 : i32
      %dma_wait3A_82 = tpu.memref_slice %arg6[%add3A_62, %dma_wait3A_81] : memref<20480x128xf32, #tpu.memory_space<hbm>> -> memref<128x128xf32, #tpu.memory_space<hbm>>
      tpu.wait_dma2 semaphore(%run_scoped3A : memref<!tpu.dma_semaphore, #tpu.memory_space<semaphore_mem>>) src(%arg9 : memref<128x128xf32, #tpu.memory_space<vmem>>) dst(%dma_wait3A_82 : memref<128x128xf32, #tpu.memory_space<hbm>>)
      tpu.yield
    }) : () -> ()
    %mul3A_63 = arith.constant 640 : i32
    %mul3A_64 = arith.muli %arg1, %mul3A_63 : i32
    %add3A_65 = arith.constant 384 : i32
    %add3A_66 = arith.addi %mul3A_64, %add3A_65 : i32
    "tpu.region"() ({
      %run_scoped3A = tpu.sem_alloc : memref<!tpu.dma_semaphore, #tpu.memory_space<semaphore_mem>>
      %dma_start3A = arith.constant 0 : i32
      %dma_start3A_77 = tpu.memref_slice %arg11[%add3A_66, %dma_start3A] : memref<10240x128xf32, #tpu.memory_space<vmem_shared>> -> memref<128x128xf32, #tpu.memory_space<vmem_shared>>
      %dma_start3A_78 = arith.constant 0 : i32
      %dma_start3A_79 = tpu.memref_slice %arg11[%add3A_66, %dma_start3A_78] : memref<10240x128xf32, #tpu.memory_space<vmem_shared>> -> memref<128x128xf32, #tpu.memory_space<vmem_shared>>
      tpu.enqueue_dma source(%dma_start3A_79 : memref<128x128xf32, #tpu.memory_space<vmem_shared>>) target(%arg9 : memref<128x128xf32, #tpu.memory_space<vmem>>) target_semaphore(%run_scoped3A : memref<!tpu.dma_semaphore, #tpu.memory_space<semaphore_mem>>)
      %dma_wait3A = arith.constant 0 : i32
      %dma_wait3A_80 = tpu.memref_slice %arg11[%add3A_66, %dma_wait3A] : memref<10240x128xf32, #tpu.memory_space<vmem_shared>> -> memref<128x128xf32, #tpu.memory_space<vmem_shared>>
      %dma_wait3A_81 = arith.constant 0 : i32
      %dma_wait3A_82 = tpu.memref_slice %arg11[%add3A_66, %dma_wait3A_81] : memref<10240x128xf32, #tpu.memory_space<vmem_shared>> -> memref<128x128xf32, #tpu.memory_space<vmem_shared>>
      tpu.wait_dma2 semaphore(%run_scoped3A : memref<!tpu.dma_semaphore, #tpu.memory_space<semaphore_mem>>) src(%dma_wait3A_82 : memref<128x128xf32, #tpu.memory_space<vmem_shared>>) dst(%arg9 : memref<128x128xf32, #tpu.memory_space<vmem>>)
      tpu.yield
    }) : () -> ()
    %mul3A_67 = arith.constant 10240 : i32
    %mul3A_68 = arith.muli %arg0, %mul3A_67 : i32
    %add3A_69 = arith.addi %mul3A_68, %add3A_66 : i32
    "tpu.region"() ({
      %run_scoped3A = tpu.sem_alloc : memref<!tpu.dma_semaphore, #tpu.memory_space<semaphore_mem>>
      %dma_start3A = arith.constant 0 : i32
      %dma_start3A_77 = tpu.memref_slice %arg6[%add3A_69, %dma_start3A] : memref<20480x128xf32, #tpu.memory_space<hbm>> -> memref<128x128xf32, #tpu.memory_space<hbm>>
      %dma_start3A_78 = arith.constant 0 : i32
      %dma_start3A_79 = tpu.memref_slice %arg6[%add3A_69, %dma_start3A_78] : memref<20480x128xf32, #tpu.memory_space<hbm>> -> memref<128x128xf32, #tpu.memory_space<hbm>>
      tpu.enqueue_dma source(%arg9 : memref<128x128xf32, #tpu.memory_space<vmem>>) target(%dma_start3A_79 : memref<128x128xf32, #tpu.memory_space<hbm>>) target_semaphore(%run_scoped3A : memref<!tpu.dma_semaphore, #tpu.memory_space<semaphore_mem>>)
      %dma_wait3A = arith.constant 0 : i32
      %dma_wait3A_80 = tpu.memref_slice %arg6[%add3A_69, %dma_wait3A] : memref<20480x128xf32, #tpu.memory_space<hbm>> -> memref<128x128xf32, #tpu.memory_space<hbm>>
      %dma_wait3A_81 = arith.constant 0 : i32
      %dma_wait3A_82 = tpu.memref_slice %arg6[%add3A_69, %dma_wait3A_81] : memref<20480x128xf32, #tpu.memory_space<hbm>> -> memref<128x128xf32, #tpu.memory_space<hbm>>
      tpu.wait_dma2 semaphore(%run_scoped3A : memref<!tpu.dma_semaphore, #tpu.memory_space<semaphore_mem>>) src(%arg9 : memref<128x128xf32, #tpu.memory_space<vmem>>) dst(%dma_wait3A_82 : memref<128x128xf32, #tpu.memory_space<hbm>>)
      tpu.yield
    }) : () -> ()
    %mul3A_70 = arith.constant 640 : i32
    %mul3A_71 = arith.muli %arg1, %mul3A_70 : i32
    %add3A_72 = arith.constant 512 : i32
    %add3A_73 = arith.addi %mul3A_71, %add3A_72 : i32
    "tpu.region"() ({
      %run_scoped3A = tpu.sem_alloc : memref<!tpu.dma_semaphore, #tpu.memory_space<semaphore_mem>>
      %dma_start3A = arith.constant 0 : i32
      %dma_start3A_77 = tpu.memref_slice %arg11[%add3A_73, %dma_start3A] : memref<10240x128xf32, #tpu.memory_space<vmem_shared>> -> memref<128x128xf32, #tpu.memory_space<vmem_shared>>
      %dma_start3A_78 = arith.constant 0 : i32
      %dma_start3A_79 = tpu.memref_slice %arg11[%add3A_73, %dma_start3A_78] : memref<10240x128xf32, #tpu.memory_space<vmem_shared>> -> memref<128x128xf32, #tpu.memory_space<vmem_shared>>
      tpu.enqueue_dma source(%dma_start3A_79 : memref<128x128xf32, #tpu.memory_space<vmem_shared>>) target(%arg9 : memref<128x128xf32, #tpu.memory_space<vmem>>) target_semaphore(%run_scoped3A : memref<!tpu.dma_semaphore, #tpu.memory_space<semaphore_mem>>)
      %dma_wait3A = arith.constant 0 : i32
      %dma_wait3A_80 = tpu.memref_slice %arg11[%add3A_73, %dma_wait3A] : memref<10240x128xf32, #tpu.memory_space<vmem_shared>> -> memref<128x128xf32, #tpu.memory_space<vmem_shared>>
      %dma_wait3A_81 = arith.constant 0 : i32
      %dma_wait3A_82 = tpu.memref_slice %arg11[%add3A_73, %dma_wait3A_81] : memref<10240x128xf32, #tpu.memory_space<vmem_shared>> -> memref<128x128xf32, #tpu.memory_space<vmem_shared>>
      tpu.wait_dma2 semaphore(%run_scoped3A : memref<!tpu.dma_semaphore, #tpu.memory_space<semaphore_mem>>) src(%dma_wait3A_82 : memref<128x128xf32, #tpu.memory_space<vmem_shared>>) dst(%arg9 : memref<128x128xf32, #tpu.memory_space<vmem>>)
      tpu.yield
    }) : () -> ()
    %mul3A_74 = arith.constant 10240 : i32
    %mul3A_75 = arith.muli %arg0, %mul3A_74 : i32
    %add3A_76 = arith.addi %mul3A_75, %add3A_73 : i32
    "tpu.region"() ({
      %run_scoped3A = tpu.sem_alloc : memref<!tpu.dma_semaphore, #tpu.memory_space<semaphore_mem>>
      %dma_start3A = arith.constant 0 : i32
      %dma_start3A_77 = tpu.memref_slice %arg6[%add3A_76, %dma_start3A] : memref<20480x128xf32, #tpu.memory_space<hbm>> -> memref<128x128xf32, #tpu.memory_space<hbm>>
      %dma_start3A_78 = arith.constant 0 : i32
      %dma_start3A_79 = tpu.memref_slice %arg6[%add3A_76, %dma_start3A_78] : memref<20480x128xf32, #tpu.memory_space<hbm>> -> memref<128x128xf32, #tpu.memory_space<hbm>>
      tpu.enqueue_dma source(%arg9 : memref<128x128xf32, #tpu.memory_space<vmem>>) target(%dma_start3A_79 : memref<128x128xf32, #tpu.memory_space<hbm>>) target_semaphore(%run_scoped3A : memref<!tpu.dma_semaphore, #tpu.memory_space<semaphore_mem>>)
      %dma_wait3A = arith.constant 0 : i32
      %dma_wait3A_80 = tpu.memref_slice %arg6[%add3A_76, %dma_wait3A] : memref<20480x128xf32, #tpu.memory_space<hbm>> -> memref<128x128xf32, #tpu.memory_space<hbm>>
      %dma_wait3A_81 = arith.constant 0 : i32
      %dma_wait3A_82 = tpu.memref_slice %arg6[%add3A_76, %dma_wait3A_81] : memref<20480x128xf32, #tpu.memory_space<hbm>> -> memref<128x128xf32, #tpu.memory_space<hbm>>
      tpu.wait_dma2 semaphore(%run_scoped3A : memref<!tpu.dma_semaphore, #tpu.memory_space<semaphore_mem>>) src(%arg9 : memref<128x128xf32, #tpu.memory_space<vmem>>) dst(%dma_wait3A_82 : memref<128x128xf32, #tpu.memory_space<hbm>>)
      tpu.yield
    }) : () -> ()
    return
  }
}

#map = affine_map<(d0, d1) -> (0, 0)>
module attributes {stable_mosaic.version = 14 : i64} {
  func.func @_sc_aggregate_body(%arg0: i32, %arg1: i32, %arg2: memref<10240x128xf32, #tpu.memory_space<hbm>>, %arg3: memref<2560x128xi32, #tpu.memory_space<hbm>>, %arg4: memref<2560x128xi32, #tpu.memory_space<hbm>>, %arg5: memref<128x128xf32, #tpu.memory_space<hbm>>, %arg6: memref<20480x128xf32, #tpu.memory_space<hbm>>, %arg7: memref<40x128xi32, #tpu.memory_space<vmem>>, %arg8: memref<40x128xi32, #tpu.memory_space<vmem>>, %arg9: memref<128x128xf32, #tpu.memory_space<vmem>>, %arg10: memref<128x128xf32, #tpu.memory_space<vmem>>, %arg11: memref<10240x128xf32, #tpu.memory_space<vmem_shared>>, %arg12: memref<!tpu.dma_semaphore, #tpu.memory_space<semaphore_mem>>, %arg13: memref<!tpu.dma_semaphore, #tpu.memory_space<semaphore_mem>>) attributes {dimension_semantics = [#tpu.dimension_semantics<core_parallel>, #tpu.dimension_semantics<subcore_parallel>], iteration_bounds = array<i64: 2, 16>, scalar_prefetch = 0 : i64, scratch_operands = 7 : i64, tpu.core_type = #tpu.core_type<sc_vector_subcore>, window_params = [{transform_indices = #map}, {transform_indices = #map}, {transform_indices = #map}, {transform_indices = #map}, {transform_indices = #map}]} {
    %mul3A = arith.constant 16 : i32
    %mul3A_0 = arith.muli %arg0, %mul3A : i32
    %add3A = arith.addi %mul3A_0, %arg1 : i32
    "tpu.region"() ({
      %run_scoped3A = tpu.sem_alloc : memref<!tpu.dma_semaphore, #tpu.memory_space<semaphore_mem>>
      tpu.enqueue_dma source(%arg5 : memref<128x128xf32, #tpu.memory_space<hbm>>) target(%arg9 : memref<128x128xf32, #tpu.memory_space<vmem>>) target_semaphore(%run_scoped3A : memref<!tpu.dma_semaphore, #tpu.memory_space<semaphore_mem>>)
      tpu.wait_dma2 semaphore(%run_scoped3A : memref<!tpu.dma_semaphore, #tpu.memory_space<semaphore_mem>>) src(%arg5 : memref<128x128xf32, #tpu.memory_space<hbm>>) dst(%arg9 : memref<128x128xf32, #tpu.memory_space<vmem>>)
      tpu.yield
    }) : () -> ()
    %mul3A_1 = arith.constant 640 : i32
    %mul3A_2 = arith.muli %arg1, %mul3A_1 : i32
    %add3A_3 = arith.constant 0 : i32
    %add3A_4 = arith.addi %mul3A_2, %add3A_3 : i32
    "tpu.region"() ({
      %run_scoped3A = tpu.sem_alloc : memref<!tpu.dma_semaphore, #tpu.memory_space<semaphore_mem>>
      %dma_start3A = arith.constant 0 : i32
      %dma_start3A_77 = tpu.memref_slice %arg11[%add3A_4, %dma_start3A] : memref<10240x128xf32, #tpu.memory_space<vmem_shared>> -> memref<128x128xf32, #tpu.memory_space<vmem_shared>>
      %dma_start3A_78 = arith.constant 0 : i32
      %dma_start3A_79 = tpu.memref_slice %arg11[%add3A_4, %dma_start3A_78] : memref<10240x128xf32, #tpu.memory_space<vmem_shared>> -> memref<128x128xf32, #tpu.memory_space<vmem_shared>>
      tpu.enqueue_dma source(%arg9 : memref<128x128xf32, #tpu.memory_space<vmem>>) target(%dma_start3A_79 : memref<128x128xf32, #tpu.memory_space<vmem_shared>>) target_semaphore(%run_scoped3A : memref<!tpu.dma_semaphore, #tpu.memory_space<semaphore_mem>>)
      %dma_wait3A = arith.constant 0 : i32
      %dma_wait3A_80 = tpu.memref_slice %arg11[%add3A_4, %dma_wait3A] : memref<10240x128xf32, #tpu.memory_space<vmem_shared>> -> memref<128x128xf32, #tpu.memory_space<vmem_shared>>
      %dma_wait3A_81 = arith.constant 0 : i32
      %dma_wait3A_82 = tpu.memref_slice %arg11[%add3A_4, %dma_wait3A_81] : memref<10240x128xf32, #tpu.memory_space<vmem_shared>> -> memref<128x128xf32, #tpu.memory_space<vmem_shared>>
      tpu.wait_dma2 semaphore(%run_scoped3A : memref<!tpu.dma_semaphore, #tpu.memory_space<semaphore_mem>>) src(%arg9 : memref<128x128xf32, #tpu.memory_space<vmem>>) dst(%dma_wait3A_82 : memref<128x128xf32, #tpu.memory_space<vmem_shared>>)
      tpu.yield
    }) : () -> ()
    %mul3A_5 = arith.constant 640 : i32
    %mul3A_6 = arith.muli %arg1, %mul3A_5 : i32
    %add3A_7 = arith.constant 128 : i32
    %add3A_8 = arith.addi %mul3A_6, %add3A_7 : i32
    "tpu.region"() ({
      %run_scoped3A = tpu.sem_alloc : memref<!tpu.dma_semaphore, #tpu.memory_space<semaphore_mem>>
      %dma_start3A = arith.constant 0 : i32
      %dma_start3A_77 = tpu.memref_slice %arg11[%add3A_8, %dma_start3A] : memref<10240x128xf32, #tpu.memory_space<vmem_shared>> -> memref<128x128xf32, #tpu.memory_space<vmem_shared>>
      %dma_start3A_78 = arith.constant 0 : i32
      %dma_start3A_79 = tpu.memref_slice %arg11[%add3A_8, %dma_start3A_78] : memref<10240x128xf32, #tpu.memory_space<vmem_shared>> -> memref<128x128xf32, #tpu.memory_space<vmem_shared>>
      tpu.enqueue_dma source(%arg9 : memref<128x128xf32, #tpu.memory_space<vmem>>) target(%dma_start3A_79 : memref<128x128xf32, #tpu.memory_space<vmem_shared>>) target_semaphore(%run_scoped3A : memref<!tpu.dma_semaphore, #tpu.memory_space<semaphore_mem>>)
      %dma_wait3A = arith.constant 0 : i32
      %dma_wait3A_80 = tpu.memref_slice %arg11[%add3A_8, %dma_wait3A] : memref<10240x128xf32, #tpu.memory_space<vmem_shared>> -> memref<128x128xf32, #tpu.memory_space<vmem_shared>>
      %dma_wait3A_81 = arith.constant 0 : i32
      %dma_wait3A_82 = tpu.memref_slice %arg11[%add3A_8, %dma_wait3A_81] : memref<10240x128xf32, #tpu.memory_space<vmem_shared>> -> memref<128x128xf32, #tpu.memory_space<vmem_shared>>
      tpu.wait_dma2 semaphore(%run_scoped3A : memref<!tpu.dma_semaphore, #tpu.memory_space<semaphore_mem>>) src(%arg9 : memref<128x128xf32, #tpu.memory_space<vmem>>) dst(%dma_wait3A_82 : memref<128x128xf32, #tpu.memory_space<vmem_shared>>)
      tpu.yield
    }) : () -> ()
    %mul3A_9 = arith.constant 640 : i32
    %mul3A_10 = arith.muli %arg1, %mul3A_9 : i32
    %add3A_11 = arith.constant 256 : i32
    %add3A_12 = arith.addi %mul3A_10, %add3A_11 : i32
    "tpu.region"() ({
      %run_scoped3A = tpu.sem_alloc : memref<!tpu.dma_semaphore, #tpu.memory_space<semaphore_mem>>
      %dma_start3A = arith.constant 0 : i32
      %dma_start3A_77 = tpu.memref_slice %arg11[%add3A_12, %dma_start3A] : memref<10240x128xf32, #tpu.memory_space<vmem_shared>> -> memref<128x128xf32, #tpu.memory_space<vmem_shared>>
      %dma_start3A_78 = arith.constant 0 : i32
      %dma_start3A_79 = tpu.memref_slice %arg11[%add3A_12, %dma_start3A_78] : memref<10240x128xf32, #tpu.memory_space<vmem_shared>> -> memref<128x128xf32, #tpu.memory_space<vmem_shared>>
      tpu.enqueue_dma source(%arg9 : memref<128x128xf32, #tpu.memory_space<vmem>>) target(%dma_start3A_79 : memref<128x128xf32, #tpu.memory_space<vmem_shared>>) target_semaphore(%run_scoped3A : memref<!tpu.dma_semaphore, #tpu.memory_space<semaphore_mem>>)
      %dma_wait3A = arith.constant 0 : i32
      %dma_wait3A_80 = tpu.memref_slice %arg11[%add3A_12, %dma_wait3A] : memref<10240x128xf32, #tpu.memory_space<vmem_shared>> -> memref<128x128xf32, #tpu.memory_space<vmem_shared>>
      %dma_wait3A_81 = arith.constant 0 : i32
      %dma_wait3A_82 = tpu.memref_slice %arg11[%add3A_12, %dma_wait3A_81] : memref<10240x128xf32, #tpu.memory_space<vmem_shared>> -> memref<128x128xf32, #tpu.memory_space<vmem_shared>>
      tpu.wait_dma2 semaphore(%run_scoped3A : memref<!tpu.dma_semaphore, #tpu.memory_space<semaphore_mem>>) src(%arg9 : memref<128x128xf32, #tpu.memory_space<vmem>>) dst(%dma_wait3A_82 : memref<128x128xf32, #tpu.memory_space<vmem_shared>>)
      tpu.yield
    }) : () -> ()
    %mul3A_13 = arith.constant 640 : i32
    %mul3A_14 = arith.muli %arg1, %mul3A_13 : i32
    %add3A_15 = arith.constant 384 : i32
    %add3A_16 = arith.addi %mul3A_14, %add3A_15 : i32
    "tpu.region"() ({
      %run_scoped3A = tpu.sem_alloc : memref<!tpu.dma_semaphore, #tpu.memory_space<semaphore_mem>>
      %dma_start3A = arith.constant 0 : i32
      %dma_start3A_77 = tpu.memref_slice %arg11[%add3A_16, %dma_start3A] : memref<10240x128xf32, #tpu.memory_space<vmem_shared>> -> memref<128x128xf32, #tpu.memory_space<vmem_shared>>
      %dma_start3A_78 = arith.constant 0 : i32
      %dma_start3A_79 = tpu.memref_slice %arg11[%add3A_16, %dma_start3A_78] : memref<10240x128xf32, #tpu.memory_space<vmem_shared>> -> memref<128x128xf32, #tpu.memory_space<vmem_shared>>
      tpu.enqueue_dma source(%arg9 : memref<128x128xf32, #tpu.memory_space<vmem>>) target(%dma_start3A_79 : memref<128x128xf32, #tpu.memory_space<vmem_shared>>) target_semaphore(%run_scoped3A : memref<!tpu.dma_semaphore, #tpu.memory_space<semaphore_mem>>)
      %dma_wait3A = arith.constant 0 : i32
      %dma_wait3A_80 = tpu.memref_slice %arg11[%add3A_16, %dma_wait3A] : memref<10240x128xf32, #tpu.memory_space<vmem_shared>> -> memref<128x128xf32, #tpu.memory_space<vmem_shared>>
      %dma_wait3A_81 = arith.constant 0 : i32
      %dma_wait3A_82 = tpu.memref_slice %arg11[%add3A_16, %dma_wait3A_81] : memref<10240x128xf32, #tpu.memory_space<vmem_shared>> -> memref<128x128xf32, #tpu.memory_space<vmem_shared>>
      tpu.wait_dma2 semaphore(%run_scoped3A : memref<!tpu.dma_semaphore, #tpu.memory_space<semaphore_mem>>) src(%arg9 : memref<128x128xf32, #tpu.memory_space<vmem>>) dst(%dma_wait3A_82 : memref<128x128xf32, #tpu.memory_space<vmem_shared>>)
      tpu.yield
    }) : () -> ()
    %mul3A_17 = arith.constant 640 : i32
    %mul3A_18 = arith.muli %arg1, %mul3A_17 : i32
    %add3A_19 = arith.constant 512 : i32
    %add3A_20 = arith.addi %mul3A_18, %add3A_19 : i32
    "tpu.region"() ({
      %run_scoped3A = tpu.sem_alloc : memref<!tpu.dma_semaphore, #tpu.memory_space<semaphore_mem>>
      %dma_start3A = arith.constant 0 : i32
      %dma_start3A_77 = tpu.memref_slice %arg11[%add3A_20, %dma_start3A] : memref<10240x128xf32, #tpu.memory_space<vmem_shared>> -> memref<128x128xf32, #tpu.memory_space<vmem_shared>>
      %dma_start3A_78 = arith.constant 0 : i32
      %dma_start3A_79 = tpu.memref_slice %arg11[%add3A_20, %dma_start3A_78] : memref<10240x128xf32, #tpu.memory_space<vmem_shared>> -> memref<128x128xf32, #tpu.memory_space<vmem_shared>>
      tpu.enqueue_dma source(%arg9 : memref<128x128xf32, #tpu.memory_space<vmem>>) target(%dma_start3A_79 : memref<128x128xf32, #tpu.memory_space<vmem_shared>>) target_semaphore(%run_scoped3A : memref<!tpu.dma_semaphore, #tpu.memory_space<semaphore_mem>>)
      %dma_wait3A = arith.constant 0 : i32
      %dma_wait3A_80 = tpu.memref_slice %arg11[%add3A_20, %dma_wait3A] : memref<10240x128xf32, #tpu.memory_space<vmem_shared>> -> memref<128x128xf32, #tpu.memory_space<vmem_shared>>
      %dma_wait3A_81 = arith.constant 0 : i32
      %dma_wait3A_82 = tpu.memref_slice %arg11[%add3A_20, %dma_wait3A_81] : memref<10240x128xf32, #tpu.memory_space<vmem_shared>> -> memref<128x128xf32, #tpu.memory_space<vmem_shared>>
      tpu.wait_dma2 semaphore(%run_scoped3A : memref<!tpu.dma_semaphore, #tpu.memory_space<semaphore_mem>>) src(%arg9 : memref<128x128xf32, #tpu.memory_space<vmem>>) dst(%dma_wait3A_82 : memref<128x128xf32, #tpu.memory_space<vmem_shared>>)
      tpu.yield
    }) : () -> ()
    %barrier3A = arith.constant 0 : index
    tpu.barrier barrier_id(%barrier3A)
    %eq3A = arith.constant 0 : i32
    %eq3A_21 = arith.cmpi eq, %arg0, %eq3A : i32
    %jit3A = arith.constant 2 : i32
    %jit3A_22 = arith.constant 2 : i32
    %select_n3A = arith.select %eq3A_21, %jit3A, %jit3A_22 : i32
    %eq3A_23 = arith.constant 0 : i32
    %eq3A_24 = arith.cmpi eq, %arg0, %eq3A_23 : i32
    %mul3A_25 = arith.constant 80 : i32
    %mul3A_26 = arith.muli %arg1, %mul3A_25 : i32
    %mul3A_27 = arith.constant 80 : i32
    %mul3A_28 = arith.muli %arg1, %mul3A_27 : i32
    %add3A_29 = arith.constant 1280 : i32
    %add3A_30 = arith.addi %add3A_29, %mul3A_28 : i32
    %select_n3A_31 = arith.select %eq3A_24, %mul3A_26, %add3A_30 : i32
    %while3A = arith.constant 0 : i32
    %while3A_32 = arith.constant 0 : i32
    %while3A_33 = arith.subi %select_n3A, %while3A_32 : i32
    %while3A_34 = arith.addi %while3A_32, %while3A_33 : i32
    %while3A_35 = arith.constant 1 : i32
    %while3A_36 = arith.divsi %while3A_33, %while3A_35 : i32
    %while3A_37 = arith.muli %while3A_36, %while3A_35 : i32
    %while3A_38 = arith.addi %while3A_32, %while3A_37 : i32
    %while3A_39 = arith.constant 1 : i32
    scf.for %while3A_77 = %while3A_32 to %while3A_38 step %while3A_39  : i32 {
      %mul3A_78 = arith.constant 40 : i32
      %mul3A_79 = arith.muli %while3A_77, %mul3A_78 : i32
      %add3A_80 = arith.addi %select_n3A_31, %mul3A_79 : i32
      "tpu.region"() ({
        %run_scoped3A_111 = tpu.sem_alloc : memref<!tpu.dma_semaphore, #tpu.memory_space<semaphore_mem>>
        %dma_start3A_112 = arith.constant 0 : i32
        %dma_start3A_113 = tpu.memref_slice %arg3[%add3A_80, %dma_start3A_112] : memref<2560x128xi32, #tpu.memory_space<hbm>> -> memref<40x128xi32, #tpu.memory_space<hbm>>
        %dma_start3A_114 = arith.constant 0 : i32
        %dma_start3A_115 = tpu.memref_slice %arg3[%add3A_80, %dma_start3A_114] : memref<2560x128xi32, #tpu.memory_space<hbm>> -> memref<40x128xi32, #tpu.memory_space<hbm>>
        tpu.enqueue_dma source(%dma_start3A_115 : memref<40x128xi32, #tpu.memory_space<hbm>>) target(%arg7 : memref<40x128xi32, #tpu.memory_space<vmem>>) target_semaphore(%run_scoped3A_111 : memref<!tpu.dma_semaphore, #tpu.memory_space<semaphore_mem>>)
        %dma_wait3A_116 = arith.constant 0 : i32
        %dma_wait3A_117 = tpu.memref_slice %arg3[%add3A_80, %dma_wait3A_116] : memref<2560x128xi32, #tpu.memory_space<hbm>> -> memref<40x128xi32, #tpu.memory_space<hbm>>
        %dma_wait3A_118 = arith.constant 0 : i32
        %dma_wait3A_119 = tpu.memref_slice %arg3[%add3A_80, %dma_wait3A_118] : memref<2560x128xi32, #tpu.memory_space<hbm>> -> memref<40x128xi32, #tpu.memory_space<hbm>>
        tpu.wait_dma2 semaphore(%run_scoped3A_111 : memref<!tpu.dma_semaphore, #tpu.memory_space<semaphore_mem>>) src(%dma_wait3A_119 : memref<40x128xi32, #tpu.memory_space<hbm>>) dst(%arg7 : memref<40x128xi32, #tpu.memory_space<vmem>>)
        tpu.yield
      }) : () -> ()
      "tpu.region"() ({
        %run_scoped3A_111 = tpu.sem_alloc : memref<!tpu.dma_semaphore, #tpu.memory_space<semaphore_mem>>
        %dma_start3A_112 = arith.constant 0 : i32
        %dma_start3A_113 = tpu.memref_slice %arg4[%add3A_80, %dma_start3A_112] : memref<2560x128xi32, #tpu.memory_space<hbm>> -> memref<40x128xi32, #tpu.memory_space<hbm>>
        %dma_start3A_114 = arith.constant 0 : i32
        %dma_start3A_115 = tpu.memref_slice %arg4[%add3A_80, %dma_start3A_114] : memref<2560x128xi32, #tpu.memory_space<hbm>> -> memref<40x128xi32, #tpu.memory_space<hbm>>
        tpu.enqueue_dma source(%dma_start3A_115 : memref<40x128xi32, #tpu.memory_space<hbm>>) target(%arg8 : memref<40x128xi32, #tpu.memory_space<vmem>>) target_semaphore(%run_scoped3A_111 : memref<!tpu.dma_semaphore, #tpu.memory_space<semaphore_mem>>)
        %dma_wait3A_116 = arith.constant 0 : i32
        %dma_wait3A_117 = tpu.memref_slice %arg4[%add3A_80, %dma_wait3A_116] : memref<2560x128xi32, #tpu.memory_space<hbm>> -> memref<40x128xi32, #tpu.memory_space<hbm>>
        %dma_wait3A_118 = arith.constant 0 : i32
        %dma_wait3A_119 = tpu.memref_slice %arg4[%add3A_80, %dma_wait3A_118] : memref<2560x128xi32, #tpu.memory_space<hbm>> -> memref<40x128xi32, #tpu.memory_space<hbm>>
        tpu.wait_dma2 semaphore(%run_scoped3A_111 : memref<!tpu.dma_semaphore, #tpu.memory_space<semaphore_mem>>) src(%dma_wait3A_119 : memref<40x128xi32, #tpu.memory_space<hbm>>) dst(%arg8 : memref<40x128xi32, #tpu.memory_space<vmem>>)
        tpu.yield
      }) : () -> ()
      %dma_start3A = arith.constant 0 : i32
      %dma_start3A_81 = arith.constant 0 : i32
      %dma_start3A_82 = tpu.memref_slice %arg7[%dma_start3A, %dma_start3A_81] : memref<40x128xi32, #tpu.memory_space<vmem>> -> memref<1x128xi32, #tpu.memory_space<vmem>>
      %dma_start3A_83 = tpu.memref_squeeze %dma_start3A_82 : memref<1x128xi32, #tpu.memory_space<vmem>> -> memref<128xi32, #tpu.memory_space<vmem>>
      %dma_start3A_84 = arith.constant 0 : i32
      %dma_start3A_85 = arith.constant 0 : i32
      %dma_start3A_86 = tpu.memref_slice %arg2[%dma_start3A_84, %dma_start3A_85] : memref<10240x128xf32, #tpu.memory_space<hbm>> -> memref<10240x128xf32, #tpu.memory_space<hbm>>
      tpu.enqueue_indirect_dma source(%dma_start3A_86 : memref<10240x128xf32, #tpu.memory_space<hbm>>) target(%arg9 : memref<128x128xf32, #tpu.memory_space<vmem>>) offsets(%dma_start3A_83 : memref<128xi32, #tpu.memory_space<vmem>>) semaphore(%arg12 : memref<!tpu.dma_semaphore, #tpu.memory_space<semaphore_mem>>)
      %scan3A = arith.constant 0 : i32
      %scan3A_87 = arith.constant 0 : i32
      %scan3A_88 = arith.constant 19 : i32
      %scan3A_89 = arith.addi %scan3A_87, %scan3A_88 : i32
      %scan3A_90 = arith.constant 1 : i32
      scf.for %scan3A_111 = %scan3A_87 to %scan3A_89 step %scan3A_90  : i32 {
        %mul3A_112 = arith.constant 2 : i32
        %mul3A_113 = arith.muli %mul3A_112, %scan3A_111 : i32
        %add3A_114 = arith.constant 1 : i32
        %add3A_115 = arith.addi %mul3A_113, %add3A_114 : i32
        %dma_start3A_116 = arith.constant 0 : i32
        %dma_start3A_117 = tpu.memref_slice %arg7[%add3A_115, %dma_start3A_116] : memref<40x128xi32, #tpu.memory_space<vmem>> -> memref<1x128xi32, #tpu.memory_space<vmem>>
        %dma_start3A_118 = tpu.memref_squeeze %dma_start3A_117 : memref<1x128xi32, #tpu.memory_space<vmem>> -> memref<128xi32, #tpu.memory_space<vmem>>
        %dma_start3A_119 = arith.constant 0 : i32
        %dma_start3A_120 = arith.constant 0 : i32
        %dma_start3A_121 = tpu.memref_slice %arg2[%dma_start3A_119, %dma_start3A_120] : memref<10240x128xf32, #tpu.memory_space<hbm>> -> memref<10240x128xf32, #tpu.memory_space<hbm>>
        tpu.enqueue_indirect_dma source(%dma_start3A_121 : memref<10240x128xf32, #tpu.memory_space<hbm>>) target(%arg10 : memref<128x128xf32, #tpu.memory_space<vmem>>) offsets(%dma_start3A_118 : memref<128xi32, #tpu.memory_space<vmem>>) semaphore(%arg13 : memref<!tpu.dma_semaphore, #tpu.memory_space<semaphore_mem>>)
        %dma_wait3A_122 = arith.constant 0 : i32
        %dma_wait3A_123 = arith.constant 0 : i32
        %dma_wait3A_124 = tpu.memref_slice %arg2[%dma_wait3A_122, %dma_wait3A_123] : memref<10240x128xf32, #tpu.memory_space<hbm>> -> memref<128x128xf32, #tpu.memory_space<hbm>>
        %dma_wait3A_125 = arith.constant 0 : i32
        %dma_wait3A_126 = arith.constant 0 : i32
        %dma_wait3A_127 = tpu.memref_slice %arg2[%dma_wait3A_125, %dma_wait3A_126] : memref<10240x128xf32, #tpu.memory_space<hbm>> -> memref<128x128xf32, #tpu.memory_space<hbm>>
        tpu.wait_dma2 semaphore(%arg12 : memref<!tpu.dma_semaphore, #tpu.memory_space<semaphore_mem>>) src(%dma_wait3A_127 : memref<128x128xf32, #tpu.memory_space<hbm>>) dst(%arg9 : memref<128x128xf32, #tpu.memory_space<vmem>>)
        "tpu.region"() ({
          %run_scoped3A_144 = tpu.sem_alloc : memref<!tpu.dma_semaphore, #tpu.memory_space<semaphore_mem>>
          %dma_start3A_145 = arith.constant 0 : i32
          %dma_start3A_146 = tpu.memref_slice %arg8[%mul3A_113, %dma_start3A_145] : memref<40x128xi32, #tpu.memory_space<vmem>> -> memref<1x128xi32, #tpu.memory_space<vmem>>
          %dma_start3A_147 = tpu.memref_squeeze %dma_start3A_146 : memref<1x128xi32, #tpu.memory_space<vmem>> -> memref<128xi32, #tpu.memory_space<vmem>>
          %dma_start3A_148 = arith.constant 0 : i32
          %dma_start3A_149 = arith.constant 0 : i32
          %dma_start3A_150 = tpu.memref_slice %arg11[%dma_start3A_148, %dma_start3A_149] : memref<10240x128xf32, #tpu.memory_space<vmem_shared>> -> memref<10240x128xf32, #tpu.memory_space<vmem_shared>>
          tpu.enqueue_indirect_dma source(%arg9 : memref<128x128xf32, #tpu.memory_space<vmem>>) target(%dma_start3A_150 : memref<10240x128xf32, #tpu.memory_space<vmem_shared>>) offsets(%dma_start3A_147 : memref<128xi32, #tpu.memory_space<vmem>>) semaphore(%run_scoped3A_144 : memref<!tpu.dma_semaphore, #tpu.memory_space<semaphore_mem>>) {add = true}
          %dma_wait3A_151 = arith.constant 0 : i32
          %dma_wait3A_152 = tpu.memref_slice %arg8[%mul3A_113, %dma_wait3A_151] : memref<40x128xi32, #tpu.memory_space<vmem>> -> memref<1x128xi32, #tpu.memory_space<vmem>>
          %dma_wait3A_153 = tpu.memref_squeeze %dma_wait3A_152 : memref<1x128xi32, #tpu.memory_space<vmem>> -> memref<128xi32, #tpu.memory_space<vmem>>
          %dma_wait3A_154 = arith.constant 0 : i32
          %dma_wait3A_155 = arith.constant 0 : i32
          %dma_wait3A_156 = tpu.memref_slice %arg11[%dma_wait3A_154, %dma_wait3A_155] : memref<10240x128xf32, #tpu.memory_space<vmem_shared>> -> memref<10240x128xf32, #tpu.memory_space<vmem_shared>>
          tpu.wait_indirect_dma semaphore(%run_scoped3A_144 : memref<!tpu.dma_semaphore, #tpu.memory_space<semaphore_mem>>) src(%arg9 : memref<128x128xf32, #tpu.memory_space<vmem>>) dst(%dma_wait3A_156 : memref<10240x128xf32, #tpu.memory_space<vmem_shared>>)
          tpu.yield
        }) : () -> ()
        %add3A_128 = arith.constant 2 : i32
        %add3A_129 = arith.addi %mul3A_113, %add3A_128 : i32
        %dma_start3A_130 = arith.constant 0 : i32
        %dma_start3A_131 = tpu.memref_slice %arg7[%add3A_129, %dma_start3A_130] : memref<40x128xi32, #tpu.memory_space<vmem>> -> memref<1x128xi32, #tpu.memory_space<vmem>>
        %dma_start3A_132 = tpu.memref_squeeze %dma_start3A_131 : memref<1x128xi32, #tpu.memory_space<vmem>> -> memref<128xi32, #tpu.memory_space<vmem>>
        %dma_start3A_133 = arith.constant 0 : i32
        %dma_start3A_134 = arith.constant 0 : i32
        %dma_start3A_135 = tpu.memref_slice %arg2[%dma_start3A_133, %dma_start3A_134] : memref<10240x128xf32, #tpu.memory_space<hbm>> -> memref<10240x128xf32, #tpu.memory_space<hbm>>
        tpu.enqueue_indirect_dma source(%dma_start3A_135 : memref<10240x128xf32, #tpu.memory_space<hbm>>) target(%arg9 : memref<128x128xf32, #tpu.memory_space<vmem>>) offsets(%dma_start3A_132 : memref<128xi32, #tpu.memory_space<vmem>>) semaphore(%arg12 : memref<!tpu.dma_semaphore, #tpu.memory_space<semaphore_mem>>)
        %dma_wait3A_136 = arith.constant 0 : i32
        %dma_wait3A_137 = arith.constant 0 : i32
        %dma_wait3A_138 = tpu.memref_slice %arg2[%dma_wait3A_136, %dma_wait3A_137] : memref<10240x128xf32, #tpu.memory_space<hbm>> -> memref<128x128xf32, #tpu.memory_space<hbm>>
        %dma_wait3A_139 = arith.constant 0 : i32
        %dma_wait3A_140 = arith.constant 0 : i32
        %dma_wait3A_141 = tpu.memref_slice %arg2[%dma_wait3A_139, %dma_wait3A_140] : memref<10240x128xf32, #tpu.memory_space<hbm>> -> memref<128x128xf32, #tpu.memory_space<hbm>>
        tpu.wait_dma2 semaphore(%arg13 : memref<!tpu.dma_semaphore, #tpu.memory_space<semaphore_mem>>) src(%dma_wait3A_141 : memref<128x128xf32, #tpu.memory_space<hbm>>) dst(%arg10 : memref<128x128xf32, #tpu.memory_space<vmem>>)
        %add3A_142 = arith.constant 1 : i32
        %add3A_143 = arith.addi %mul3A_113, %add3A_142 : i32
        "tpu.region"() ({
          %run_scoped3A_144 = tpu.sem_alloc : memref<!tpu.dma_semaphore, #tpu.memory_space<semaphore_mem>>
          %dma_start3A_145 = arith.constant 0 : i32
          %dma_start3A_146 = tpu.memref_slice %arg8[%add3A_143, %dma_start3A_145] : memref<40x128xi32, #tpu.memory_space<vmem>> -> memref<1x128xi32, #tpu.memory_space<vmem>>
          %dma_start3A_147 = tpu.memref_squeeze %dma_start3A_146 : memref<1x128xi32, #tpu.memory_space<vmem>> -> memref<128xi32, #tpu.memory_space<vmem>>
          %dma_start3A_148 = arith.constant 0 : i32
          %dma_start3A_149 = arith.constant 0 : i32
          %dma_start3A_150 = tpu.memref_slice %arg11[%dma_start3A_148, %dma_start3A_149] : memref<10240x128xf32, #tpu.memory_space<vmem_shared>> -> memref<10240x128xf32, #tpu.memory_space<vmem_shared>>
          tpu.enqueue_indirect_dma source(%arg10 : memref<128x128xf32, #tpu.memory_space<vmem>>) target(%dma_start3A_150 : memref<10240x128xf32, #tpu.memory_space<vmem_shared>>) offsets(%dma_start3A_147 : memref<128xi32, #tpu.memory_space<vmem>>) semaphore(%run_scoped3A_144 : memref<!tpu.dma_semaphore, #tpu.memory_space<semaphore_mem>>) {add = true}
          %dma_wait3A_151 = arith.constant 0 : i32
          %dma_wait3A_152 = tpu.memref_slice %arg8[%add3A_143, %dma_wait3A_151] : memref<40x128xi32, #tpu.memory_space<vmem>> -> memref<1x128xi32, #tpu.memory_space<vmem>>
          %dma_wait3A_153 = tpu.memref_squeeze %dma_wait3A_152 : memref<1x128xi32, #tpu.memory_space<vmem>> -> memref<128xi32, #tpu.memory_space<vmem>>
          %dma_wait3A_154 = arith.constant 0 : i32
          %dma_wait3A_155 = arith.constant 0 : i32
          %dma_wait3A_156 = tpu.memref_slice %arg11[%dma_wait3A_154, %dma_wait3A_155] : memref<10240x128xf32, #tpu.memory_space<vmem_shared>> -> memref<10240x128xf32, #tpu.memory_space<vmem_shared>>
          tpu.wait_indirect_dma semaphore(%run_scoped3A_144 : memref<!tpu.dma_semaphore, #tpu.memory_space<semaphore_mem>>) src(%arg10 : memref<128x128xf32, #tpu.memory_space<vmem>>) dst(%dma_wait3A_156 : memref<10240x128xf32, #tpu.memory_space<vmem_shared>>)
          tpu.yield
        }) : () -> ()
      }
      %scan3A_91 = arith.constant 19 : i32
      %dma_start3A_92 = arith.constant 39 : i32
      %dma_start3A_93 = arith.constant 0 : i32
      %dma_start3A_94 = tpu.memref_slice %arg7[%dma_start3A_92, %dma_start3A_93] : memref<40x128xi32, #tpu.memory_space<vmem>> -> memref<1x128xi32, #tpu.memory_space<vmem>>
      %dma_start3A_95 = tpu.memref_squeeze %dma_start3A_94 : memref<1x128xi32, #tpu.memory_space<vmem>> -> memref<128xi32, #tpu.memory_space<vmem>>
      %dma_start3A_96 = arith.constant 0 : i32
      %dma_start3A_97 = arith.constant 0 : i32
      %dma_start3A_98 = tpu.memref_slice %arg2[%dma_start3A_96, %dma_start3A_97] : memref<10240x128xf32, #tpu.memory_space<hbm>> -> memref<10240x128xf32, #tpu.memory_space<hbm>>
      tpu.enqueue_indirect_dma source(%dma_start3A_98 : memref<10240x128xf32, #tpu.memory_space<hbm>>) target(%arg10 : memref<128x128xf32, #tpu.memory_space<vmem>>) offsets(%dma_start3A_95 : memref<128xi32, #tpu.memory_space<vmem>>) semaphore(%arg13 : memref<!tpu.dma_semaphore, #tpu.memory_space<semaphore_mem>>)
      %dma_wait3A = arith.constant 0 : i32
      %dma_wait3A_99 = arith.constant 0 : i32
      %dma_wait3A_100 = tpu.memref_slice %arg2[%dma_wait3A, %dma_wait3A_99] : memref<10240x128xf32, #tpu.memory_space<hbm>> -> memref<128x128xf32, #tpu.memory_space<hbm>>
      %dma_wait3A_101 = arith.constant 0 : i32
      %dma_wait3A_102 = arith.constant 0 : i32
      %dma_wait3A_103 = tpu.memref_slice %arg2[%dma_wait3A_101, %dma_wait3A_102] : memref<10240x128xf32, #tpu.memory_space<hbm>> -> memref<128x128xf32, #tpu.memory_space<hbm>>
      tpu.wait_dma2 semaphore(%arg12 : memref<!tpu.dma_semaphore, #tpu.memory_space<semaphore_mem>>) src(%dma_wait3A_103 : memref<128x128xf32, #tpu.memory_space<hbm>>) dst(%arg9 : memref<128x128xf32, #tpu.memory_space<vmem>>)
      %run_scoped3A = arith.constant 38 : i32
      "tpu.region"() ({
        %run_scoped3A_111 = tpu.sem_alloc : memref<!tpu.dma_semaphore, #tpu.memory_space<semaphore_mem>>
        %dma_start3A_112 = arith.constant 0 : i32
        %dma_start3A_113 = tpu.memref_slice %arg8[%run_scoped3A, %dma_start3A_112] : memref<40x128xi32, #tpu.memory_space<vmem>> -> memref<1x128xi32, #tpu.memory_space<vmem>>
        %dma_start3A_114 = tpu.memref_squeeze %dma_start3A_113 : memref<1x128xi32, #tpu.memory_space<vmem>> -> memref<128xi32, #tpu.memory_space<vmem>>
        %dma_start3A_115 = arith.constant 0 : i32
        %dma_start3A_116 = arith.constant 0 : i32
        %dma_start3A_117 = tpu.memref_slice %arg11[%dma_start3A_115, %dma_start3A_116] : memref<10240x128xf32, #tpu.memory_space<vmem_shared>> -> memref<10240x128xf32, #tpu.memory_space<vmem_shared>>
        tpu.enqueue_indirect_dma source(%arg9 : memref<128x128xf32, #tpu.memory_space<vmem>>) target(%dma_start3A_117 : memref<10240x128xf32, #tpu.memory_space<vmem_shared>>) offsets(%dma_start3A_114 : memref<128xi32, #tpu.memory_space<vmem>>) semaphore(%run_scoped3A_111 : memref<!tpu.dma_semaphore, #tpu.memory_space<semaphore_mem>>) {add = true}
        %dma_wait3A_118 = arith.constant 0 : i32
        %dma_wait3A_119 = tpu.memref_slice %arg8[%run_scoped3A, %dma_wait3A_118] : memref<40x128xi32, #tpu.memory_space<vmem>> -> memref<1x128xi32, #tpu.memory_space<vmem>>
        %dma_wait3A_120 = tpu.memref_squeeze %dma_wait3A_119 : memref<1x128xi32, #tpu.memory_space<vmem>> -> memref<128xi32, #tpu.memory_space<vmem>>
        %dma_wait3A_121 = arith.constant 0 : i32
        %dma_wait3A_122 = arith.constant 0 : i32
        %dma_wait3A_123 = tpu.memref_slice %arg11[%dma_wait3A_121, %dma_wait3A_122] : memref<10240x128xf32, #tpu.memory_space<vmem_shared>> -> memref<10240x128xf32, #tpu.memory_space<vmem_shared>>
        tpu.wait_indirect_dma semaphore(%run_scoped3A_111 : memref<!tpu.dma_semaphore, #tpu.memory_space<semaphore_mem>>) src(%arg9 : memref<128x128xf32, #tpu.memory_space<vmem>>) dst(%dma_wait3A_123 : memref<10240x128xf32, #tpu.memory_space<vmem_shared>>)
        tpu.yield
      }) : () -> ()
      %dma_wait3A_104 = arith.constant 0 : i32
      %dma_wait3A_105 = arith.constant 0 : i32
      %dma_wait3A_106 = tpu.memref_slice %arg2[%dma_wait3A_104, %dma_wait3A_105] : memref<10240x128xf32, #tpu.memory_space<hbm>> -> memref<128x128xf32, #tpu.memory_space<hbm>>
      %dma_wait3A_107 = arith.constant 0 : i32
      %dma_wait3A_108 = arith.constant 0 : i32
      %dma_wait3A_109 = tpu.memref_slice %arg2[%dma_wait3A_107, %dma_wait3A_108] : memref<10240x128xf32, #tpu.memory_space<hbm>> -> memref<128x128xf32, #tpu.memory_space<hbm>>
      tpu.wait_dma2 semaphore(%arg13 : memref<!tpu.dma_semaphore, #tpu.memory_space<semaphore_mem>>) src(%dma_wait3A_109 : memref<128x128xf32, #tpu.memory_space<hbm>>) dst(%arg10 : memref<128x128xf32, #tpu.memory_space<vmem>>)
      %run_scoped3A_110 = arith.constant 39 : i32
      "tpu.region"() ({
        %run_scoped3A_111 = tpu.sem_alloc : memref<!tpu.dma_semaphore, #tpu.memory_space<semaphore_mem>>
        %dma_start3A_112 = arith.constant 0 : i32
        %dma_start3A_113 = tpu.memref_slice %arg8[%run_scoped3A_110, %dma_start3A_112] : memref<40x128xi32, #tpu.memory_space<vmem>> -> memref<1x128xi32, #tpu.memory_space<vmem>>
        %dma_start3A_114 = tpu.memref_squeeze %dma_start3A_113 : memref<1x128xi32, #tpu.memory_space<vmem>> -> memref<128xi32, #tpu.memory_space<vmem>>
        %dma_start3A_115 = arith.constant 0 : i32
        %dma_start3A_116 = arith.constant 0 : i32
        %dma_start3A_117 = tpu.memref_slice %arg11[%dma_start3A_115, %dma_start3A_116] : memref<10240x128xf32, #tpu.memory_space<vmem_shared>> -> memref<10240x128xf32, #tpu.memory_space<vmem_shared>>
        tpu.enqueue_indirect_dma source(%arg10 : memref<128x128xf32, #tpu.memory_space<vmem>>) target(%dma_start3A_117 : memref<10240x128xf32, #tpu.memory_space<vmem_shared>>) offsets(%dma_start3A_114 : memref<128xi32, #tpu.memory_space<vmem>>) semaphore(%run_scoped3A_111 : memref<!tpu.dma_semaphore, #tpu.memory_space<semaphore_mem>>) {add = true}
        %dma_wait3A_118 = arith.constant 0 : i32
        %dma_wait3A_119 = tpu.memref_slice %arg8[%run_scoped3A_110, %dma_wait3A_118] : memref<40x128xi32, #tpu.memory_space<vmem>> -> memref<1x128xi32, #tpu.memory_space<vmem>>
        %dma_wait3A_120 = tpu.memref_squeeze %dma_wait3A_119 : memref<1x128xi32, #tpu.memory_space<vmem>> -> memref<128xi32, #tpu.memory_space<vmem>>
        %dma_wait3A_121 = arith.constant 0 : i32
        %dma_wait3A_122 = arith.constant 0 : i32
        %dma_wait3A_123 = tpu.memref_slice %arg11[%dma_wait3A_121, %dma_wait3A_122] : memref<10240x128xf32, #tpu.memory_space<vmem_shared>> -> memref<10240x128xf32, #tpu.memory_space<vmem_shared>>
        tpu.wait_indirect_dma semaphore(%run_scoped3A_111 : memref<!tpu.dma_semaphore, #tpu.memory_space<semaphore_mem>>) src(%arg10 : memref<128x128xf32, #tpu.memory_space<vmem>>) dst(%dma_wait3A_123 : memref<10240x128xf32, #tpu.memory_space<vmem_shared>>)
        tpu.yield
      }) : () -> ()
    }
    %while3A_40 = arith.constant 1 : i32
    scf.for %while3A_77 = %while3A_38 to %while3A_34 step %while3A_40  : i32 {
      %mul3A_78 = arith.constant 40 : i32
      %mul3A_79 = arith.muli %while3A_77, %mul3A_78 : i32
      %add3A_80 = arith.addi %select_n3A_31, %mul3A_79 : i32
      "tpu.region"() ({
        %run_scoped3A_111 = tpu.sem_alloc : memref<!tpu.dma_semaphore, #tpu.memory_space<semaphore_mem>>
        %dma_start3A_112 = arith.constant 0 : i32
        %dma_start3A_113 = tpu.memref_slice %arg3[%add3A_80, %dma_start3A_112] : memref<2560x128xi32, #tpu.memory_space<hbm>> -> memref<40x128xi32, #tpu.memory_space<hbm>>
        %dma_start3A_114 = arith.constant 0 : i32
        %dma_start3A_115 = tpu.memref_slice %arg3[%add3A_80, %dma_start3A_114] : memref<2560x128xi32, #tpu.memory_space<hbm>> -> memref<40x128xi32, #tpu.memory_space<hbm>>
        tpu.enqueue_dma source(%dma_start3A_115 : memref<40x128xi32, #tpu.memory_space<hbm>>) target(%arg7 : memref<40x128xi32, #tpu.memory_space<vmem>>) target_semaphore(%run_scoped3A_111 : memref<!tpu.dma_semaphore, #tpu.memory_space<semaphore_mem>>)
        %dma_wait3A_116 = arith.constant 0 : i32
        %dma_wait3A_117 = tpu.memref_slice %arg3[%add3A_80, %dma_wait3A_116] : memref<2560x128xi32, #tpu.memory_space<hbm>> -> memref<40x128xi32, #tpu.memory_space<hbm>>
        %dma_wait3A_118 = arith.constant 0 : i32
        %dma_wait3A_119 = tpu.memref_slice %arg3[%add3A_80, %dma_wait3A_118] : memref<2560x128xi32, #tpu.memory_space<hbm>> -> memref<40x128xi32, #tpu.memory_space<hbm>>
        tpu.wait_dma2 semaphore(%run_scoped3A_111 : memref<!tpu.dma_semaphore, #tpu.memory_space<semaphore_mem>>) src(%dma_wait3A_119 : memref<40x128xi32, #tpu.memory_space<hbm>>) dst(%arg7 : memref<40x128xi32, #tpu.memory_space<vmem>>)
        tpu.yield
      }) : () -> ()
      "tpu.region"() ({
        %run_scoped3A_111 = tpu.sem_alloc : memref<!tpu.dma_semaphore, #tpu.memory_space<semaphore_mem>>
        %dma_start3A_112 = arith.constant 0 : i32
        %dma_start3A_113 = tpu.memref_slice %arg4[%add3A_80, %dma_start3A_112] : memref<2560x128xi32, #tpu.memory_space<hbm>> -> memref<40x128xi32, #tpu.memory_space<hbm>>
        %dma_start3A_114 = arith.constant 0 : i32
        %dma_start3A_115 = tpu.memref_slice %arg4[%add3A_80, %dma_start3A_114] : memref<2560x128xi32, #tpu.memory_space<hbm>> -> memref<40x128xi32, #tpu.memory_space<hbm>>
        tpu.enqueue_dma source(%dma_start3A_115 : memref<40x128xi32, #tpu.memory_space<hbm>>) target(%arg8 : memref<40x128xi32, #tpu.memory_space<vmem>>) target_semaphore(%run_scoped3A_111 : memref<!tpu.dma_semaphore, #tpu.memory_space<semaphore_mem>>)
        %dma_wait3A_116 = arith.constant 0 : i32
        %dma_wait3A_117 = tpu.memref_slice %arg4[%add3A_80, %dma_wait3A_116] : memref<2560x128xi32, #tpu.memory_space<hbm>> -> memref<40x128xi32, #tpu.memory_space<hbm>>
        %dma_wait3A_118 = arith.constant 0 : i32
        %dma_wait3A_119 = tpu.memref_slice %arg4[%add3A_80, %dma_wait3A_118] : memref<2560x128xi32, #tpu.memory_space<hbm>> -> memref<40x128xi32, #tpu.memory_space<hbm>>
        tpu.wait_dma2 semaphore(%run_scoped3A_111 : memref<!tpu.dma_semaphore, #tpu.memory_space<semaphore_mem>>) src(%dma_wait3A_119 : memref<40x128xi32, #tpu.memory_space<hbm>>) dst(%arg8 : memref<40x128xi32, #tpu.memory_space<vmem>>)
        tpu.yield
      }) : () -> ()
      %dma_start3A = arith.constant 0 : i32
      %dma_start3A_81 = arith.constant 0 : i32
      %dma_start3A_82 = tpu.memref_slice %arg7[%dma_start3A, %dma_start3A_81] : memref<40x128xi32, #tpu.memory_space<vmem>> -> memref<1x128xi32, #tpu.memory_space<vmem>>
      %dma_start3A_83 = tpu.memref_squeeze %dma_start3A_82 : memref<1x128xi32, #tpu.memory_space<vmem>> -> memref<128xi32, #tpu.memory_space<vmem>>
      %dma_start3A_84 = arith.constant 0 : i32
      %dma_start3A_85 = arith.constant 0 : i32
      %dma_start3A_86 = tpu.memref_slice %arg2[%dma_start3A_84, %dma_start3A_85] : memref<10240x128xf32, #tpu.memory_space<hbm>> -> memref<10240x128xf32, #tpu.memory_space<hbm>>
      tpu.enqueue_indirect_dma source(%dma_start3A_86 : memref<10240x128xf32, #tpu.memory_space<hbm>>) target(%arg9 : memref<128x128xf32, #tpu.memory_space<vmem>>) offsets(%dma_start3A_83 : memref<128xi32, #tpu.memory_space<vmem>>) semaphore(%arg12 : memref<!tpu.dma_semaphore, #tpu.memory_space<semaphore_mem>>)
      %scan3A = arith.constant 0 : i32
      %scan3A_87 = arith.constant 0 : i32
      %scan3A_88 = arith.constant 19 : i32
      %scan3A_89 = arith.addi %scan3A_87, %scan3A_88 : i32
      %scan3A_90 = arith.constant 1 : i32
      scf.for %scan3A_111 = %scan3A_87 to %scan3A_89 step %scan3A_90  : i32 {
        %mul3A_112 = arith.constant 2 : i32
        %mul3A_113 = arith.muli %mul3A_112, %scan3A_111 : i32
        %add3A_114 = arith.constant 1 : i32
        %add3A_115 = arith.addi %mul3A_113, %add3A_114 : i32
        %dma_start3A_116 = arith.constant 0 : i32
        %dma_start3A_117 = tpu.memref_slice %arg7[%add3A_115, %dma_start3A_116] : memref<40x128xi32, #tpu.memory_space<vmem>> -> memref<1x128xi32, #tpu.memory_space<vmem>>
        %dma_start3A_118 = tpu.memref_squeeze %dma_start3A_117 : memref<1x128xi32, #tpu.memory_space<vmem>> -> memref<128xi32, #tpu.memory_space<vmem>>
        %dma_start3A_119 = arith.constant 0 : i32
        %dma_start3A_120 = arith.constant 0 : i32
        %dma_start3A_121 = tpu.memref_slice %arg2[%dma_start3A_119, %dma_start3A_120] : memref<10240x128xf32, #tpu.memory_space<hbm>> -> memref<10240x128xf32, #tpu.memory_space<hbm>>
        tpu.enqueue_indirect_dma source(%dma_start3A_121 : memref<10240x128xf32, #tpu.memory_space<hbm>>) target(%arg10 : memref<128x128xf32, #tpu.memory_space<vmem>>) offsets(%dma_start3A_118 : memref<128xi32, #tpu.memory_space<vmem>>) semaphore(%arg13 : memref<!tpu.dma_semaphore, #tpu.memory_space<semaphore_mem>>)
        %dma_wait3A_122 = arith.constant 0 : i32
        %dma_wait3A_123 = arith.constant 0 : i32
        %dma_wait3A_124 = tpu.memref_slice %arg2[%dma_wait3A_122, %dma_wait3A_123] : memref<10240x128xf32, #tpu.memory_space<hbm>> -> memref<128x128xf32, #tpu.memory_space<hbm>>
        %dma_wait3A_125 = arith.constant 0 : i32
        %dma_wait3A_126 = arith.constant 0 : i32
        %dma_wait3A_127 = tpu.memref_slice %arg2[%dma_wait3A_125, %dma_wait3A_126] : memref<10240x128xf32, #tpu.memory_space<hbm>> -> memref<128x128xf32, #tpu.memory_space<hbm>>
        tpu.wait_dma2 semaphore(%arg12 : memref<!tpu.dma_semaphore, #tpu.memory_space<semaphore_mem>>) src(%dma_wait3A_127 : memref<128x128xf32, #tpu.memory_space<hbm>>) dst(%arg9 : memref<128x128xf32, #tpu.memory_space<vmem>>)
        "tpu.region"() ({
          %run_scoped3A_144 = tpu.sem_alloc : memref<!tpu.dma_semaphore, #tpu.memory_space<semaphore_mem>>
          %dma_start3A_145 = arith.constant 0 : i32
          %dma_start3A_146 = tpu.memref_slice %arg8[%mul3A_113, %dma_start3A_145] : memref<40x128xi32, #tpu.memory_space<vmem>> -> memref<1x128xi32, #tpu.memory_space<vmem>>
          %dma_start3A_147 = tpu.memref_squeeze %dma_start3A_146 : memref<1x128xi32, #tpu.memory_space<vmem>> -> memref<128xi32, #tpu.memory_space<vmem>>
          %dma_start3A_148 = arith.constant 0 : i32
          %dma_start3A_149 = arith.constant 0 : i32
          %dma_start3A_150 = tpu.memref_slice %arg11[%dma_start3A_148, %dma_start3A_149] : memref<10240x128xf32, #tpu.memory_space<vmem_shared>> -> memref<10240x128xf32, #tpu.memory_space<vmem_shared>>
          tpu.enqueue_indirect_dma source(%arg9 : memref<128x128xf32, #tpu.memory_space<vmem>>) target(%dma_start3A_150 : memref<10240x128xf32, #tpu.memory_space<vmem_shared>>) offsets(%dma_start3A_147 : memref<128xi32, #tpu.memory_space<vmem>>) semaphore(%run_scoped3A_144 : memref<!tpu.dma_semaphore, #tpu.memory_space<semaphore_mem>>) {add = true}
          %dma_wait3A_151 = arith.constant 0 : i32
          %dma_wait3A_152 = tpu.memref_slice %arg8[%mul3A_113, %dma_wait3A_151] : memref<40x128xi32, #tpu.memory_space<vmem>> -> memref<1x128xi32, #tpu.memory_space<vmem>>
          %dma_wait3A_153 = tpu.memref_squeeze %dma_wait3A_152 : memref<1x128xi32, #tpu.memory_space<vmem>> -> memref<128xi32, #tpu.memory_space<vmem>>
          %dma_wait3A_154 = arith.constant 0 : i32
          %dma_wait3A_155 = arith.constant 0 : i32
          %dma_wait3A_156 = tpu.memref_slice %arg11[%dma_wait3A_154, %dma_wait3A_155] : memref<10240x128xf32, #tpu.memory_space<vmem_shared>> -> memref<10240x128xf32, #tpu.memory_space<vmem_shared>>
          tpu.wait_indirect_dma semaphore(%run_scoped3A_144 : memref<!tpu.dma_semaphore, #tpu.memory_space<semaphore_mem>>) src(%arg9 : memref<128x128xf32, #tpu.memory_space<vmem>>) dst(%dma_wait3A_156 : memref<10240x128xf32, #tpu.memory_space<vmem_shared>>)
          tpu.yield
        }) : () -> ()
        %add3A_128 = arith.constant 2 : i32
        %add3A_129 = arith.addi %mul3A_113, %add3A_128 : i32
        %dma_start3A_130 = arith.constant 0 : i32
        %dma_start3A_131 = tpu.memref_slice %arg7[%add3A_129, %dma_start3A_130] : memref<40x128xi32, #tpu.memory_space<vmem>> -> memref<1x128xi32, #tpu.memory_space<vmem>>
        %dma_start3A_132 = tpu.memref_squeeze %dma_start3A_131 : memref<1x128xi32, #tpu.memory_space<vmem>> -> memref<128xi32, #tpu.memory_space<vmem>>
        %dma_start3A_133 = arith.constant 0 : i32
        %dma_start3A_134 = arith.constant 0 : i32
        %dma_start3A_135 = tpu.memref_slice %arg2[%dma_start3A_133, %dma_start3A_134] : memref<10240x128xf32, #tpu.memory_space<hbm>> -> memref<10240x128xf32, #tpu.memory_space<hbm>>
        tpu.enqueue_indirect_dma source(%dma_start3A_135 : memref<10240x128xf32, #tpu.memory_space<hbm>>) target(%arg9 : memref<128x128xf32, #tpu.memory_space<vmem>>) offsets(%dma_start3A_132 : memref<128xi32, #tpu.memory_space<vmem>>) semaphore(%arg12 : memref<!tpu.dma_semaphore, #tpu.memory_space<semaphore_mem>>)
        %dma_wait3A_136 = arith.constant 0 : i32
        %dma_wait3A_137 = arith.constant 0 : i32
        %dma_wait3A_138 = tpu.memref_slice %arg2[%dma_wait3A_136, %dma_wait3A_137] : memref<10240x128xf32, #tpu.memory_space<hbm>> -> memref<128x128xf32, #tpu.memory_space<hbm>>
        %dma_wait3A_139 = arith.constant 0 : i32
        %dma_wait3A_140 = arith.constant 0 : i32
        %dma_wait3A_141 = tpu.memref_slice %arg2[%dma_wait3A_139, %dma_wait3A_140] : memref<10240x128xf32, #tpu.memory_space<hbm>> -> memref<128x128xf32, #tpu.memory_space<hbm>>
        tpu.wait_dma2 semaphore(%arg13 : memref<!tpu.dma_semaphore, #tpu.memory_space<semaphore_mem>>) src(%dma_wait3A_141 : memref<128x128xf32, #tpu.memory_space<hbm>>) dst(%arg10 : memref<128x128xf32, #tpu.memory_space<vmem>>)
        %add3A_142 = arith.constant 1 : i32
        %add3A_143 = arith.addi %mul3A_113, %add3A_142 : i32
        "tpu.region"() ({
          %run_scoped3A_144 = tpu.sem_alloc : memref<!tpu.dma_semaphore, #tpu.memory_space<semaphore_mem>>
          %dma_start3A_145 = arith.constant 0 : i32
          %dma_start3A_146 = tpu.memref_slice %arg8[%add3A_143, %dma_start3A_145] : memref<40x128xi32, #tpu.memory_space<vmem>> -> memref<1x128xi32, #tpu.memory_space<vmem>>
          %dma_start3A_147 = tpu.memref_squeeze %dma_start3A_146 : memref<1x128xi32, #tpu.memory_space<vmem>> -> memref<128xi32, #tpu.memory_space<vmem>>
          %dma_start3A_148 = arith.constant 0 : i32
          %dma_start3A_149 = arith.constant 0 : i32
          %dma_start3A_150 = tpu.memref_slice %arg11[%dma_start3A_148, %dma_start3A_149] : memref<10240x128xf32, #tpu.memory_space<vmem_shared>> -> memref<10240x128xf32, #tpu.memory_space<vmem_shared>>
          tpu.enqueue_indirect_dma source(%arg10 : memref<128x128xf32, #tpu.memory_space<vmem>>) target(%dma_start3A_150 : memref<10240x128xf32, #tpu.memory_space<vmem_shared>>) offsets(%dma_start3A_147 : memref<128xi32, #tpu.memory_space<vmem>>) semaphore(%run_scoped3A_144 : memref<!tpu.dma_semaphore, #tpu.memory_space<semaphore_mem>>) {add = true}
          %dma_wait3A_151 = arith.constant 0 : i32
          %dma_wait3A_152 = tpu.memref_slice %arg8[%add3A_143, %dma_wait3A_151] : memref<40x128xi32, #tpu.memory_space<vmem>> -> memref<1x128xi32, #tpu.memory_space<vmem>>
          %dma_wait3A_153 = tpu.memref_squeeze %dma_wait3A_152 : memref<1x128xi32, #tpu.memory_space<vmem>> -> memref<128xi32, #tpu.memory_space<vmem>>
          %dma_wait3A_154 = arith.constant 0 : i32
          %dma_wait3A_155 = arith.constant 0 : i32
          %dma_wait3A_156 = tpu.memref_slice %arg11[%dma_wait3A_154, %dma_wait3A_155] : memref<10240x128xf32, #tpu.memory_space<vmem_shared>> -> memref<10240x128xf32, #tpu.memory_space<vmem_shared>>
          tpu.wait_indirect_dma semaphore(%run_scoped3A_144 : memref<!tpu.dma_semaphore, #tpu.memory_space<semaphore_mem>>) src(%arg10 : memref<128x128xf32, #tpu.memory_space<vmem>>) dst(%dma_wait3A_156 : memref<10240x128xf32, #tpu.memory_space<vmem_shared>>)
          tpu.yield
        }) : () -> ()
      }
      %scan3A_91 = arith.constant 19 : i32
      %dma_start3A_92 = arith.constant 39 : i32
      %dma_start3A_93 = arith.constant 0 : i32
      %dma_start3A_94 = tpu.memref_slice %arg7[%dma_start3A_92, %dma_start3A_93] : memref<40x128xi32, #tpu.memory_space<vmem>> -> memref<1x128xi32, #tpu.memory_space<vmem>>
      %dma_start3A_95 = tpu.memref_squeeze %dma_start3A_94 : memref<1x128xi32, #tpu.memory_space<vmem>> -> memref<128xi32, #tpu.memory_space<vmem>>
      %dma_start3A_96 = arith.constant 0 : i32
      %dma_start3A_97 = arith.constant 0 : i32
      %dma_start3A_98 = tpu.memref_slice %arg2[%dma_start3A_96, %dma_start3A_97] : memref<10240x128xf32, #tpu.memory_space<hbm>> -> memref<10240x128xf32, #tpu.memory_space<hbm>>
      tpu.enqueue_indirect_dma source(%dma_start3A_98 : memref<10240x128xf32, #tpu.memory_space<hbm>>) target(%arg10 : memref<128x128xf32, #tpu.memory_space<vmem>>) offsets(%dma_start3A_95 : memref<128xi32, #tpu.memory_space<vmem>>) semaphore(%arg13 : memref<!tpu.dma_semaphore, #tpu.memory_space<semaphore_mem>>)
      %dma_wait3A = arith.constant 0 : i32
      %dma_wait3A_99 = arith.constant 0 : i32
      %dma_wait3A_100 = tpu.memref_slice %arg2[%dma_wait3A, %dma_wait3A_99] : memref<10240x128xf32, #tpu.memory_space<hbm>> -> memref<128x128xf32, #tpu.memory_space<hbm>>
      %dma_wait3A_101 = arith.constant 0 : i32
      %dma_wait3A_102 = arith.constant 0 : i32
      %dma_wait3A_103 = tpu.memref_slice %arg2[%dma_wait3A_101, %dma_wait3A_102] : memref<10240x128xf32, #tpu.memory_space<hbm>> -> memref<128x128xf32, #tpu.memory_space<hbm>>
      tpu.wait_dma2 semaphore(%arg12 : memref<!tpu.dma_semaphore, #tpu.memory_space<semaphore_mem>>) src(%dma_wait3A_103 : memref<128x128xf32, #tpu.memory_space<hbm>>) dst(%arg9 : memref<128x128xf32, #tpu.memory_space<vmem>>)
      %run_scoped3A = arith.constant 38 : i32
      "tpu.region"() ({
        %run_scoped3A_111 = tpu.sem_alloc : memref<!tpu.dma_semaphore, #tpu.memory_space<semaphore_mem>>
        %dma_start3A_112 = arith.constant 0 : i32
        %dma_start3A_113 = tpu.memref_slice %arg8[%run_scoped3A, %dma_start3A_112] : memref<40x128xi32, #tpu.memory_space<vmem>> -> memref<1x128xi32, #tpu.memory_space<vmem>>
        %dma_start3A_114 = tpu.memref_squeeze %dma_start3A_113 : memref<1x128xi32, #tpu.memory_space<vmem>> -> memref<128xi32, #tpu.memory_space<vmem>>
        %dma_start3A_115 = arith.constant 0 : i32
        %dma_start3A_116 = arith.constant 0 : i32
        %dma_start3A_117 = tpu.memref_slice %arg11[%dma_start3A_115, %dma_start3A_116] : memref<10240x128xf32, #tpu.memory_space<vmem_shared>> -> memref<10240x128xf32, #tpu.memory_space<vmem_shared>>
        tpu.enqueue_indirect_dma source(%arg9 : memref<128x128xf32, #tpu.memory_space<vmem>>) target(%dma_start3A_117 : memref<10240x128xf32, #tpu.memory_space<vmem_shared>>) offsets(%dma_start3A_114 : memref<128xi32, #tpu.memory_space<vmem>>) semaphore(%run_scoped3A_111 : memref<!tpu.dma_semaphore, #tpu.memory_space<semaphore_mem>>) {add = true}
        %dma_wait3A_118 = arith.constant 0 : i32
        %dma_wait3A_119 = tpu.memref_slice %arg8[%run_scoped3A, %dma_wait3A_118] : memref<40x128xi32, #tpu.memory_space<vmem>> -> memref<1x128xi32, #tpu.memory_space<vmem>>
        %dma_wait3A_120 = tpu.memref_squeeze %dma_wait3A_119 : memref<1x128xi32, #tpu.memory_space<vmem>> -> memref<128xi32, #tpu.memory_space<vmem>>
        %dma_wait3A_121 = arith.constant 0 : i32
        %dma_wait3A_122 = arith.constant 0 : i32
        %dma_wait3A_123 = tpu.memref_slice %arg11[%dma_wait3A_121, %dma_wait3A_122] : memref<10240x128xf32, #tpu.memory_space<vmem_shared>> -> memref<10240x128xf32, #tpu.memory_space<vmem_shared>>
        tpu.wait_indirect_dma semaphore(%run_scoped3A_111 : memref<!tpu.dma_semaphore, #tpu.memory_space<semaphore_mem>>) src(%arg9 : memref<128x128xf32, #tpu.memory_space<vmem>>) dst(%dma_wait3A_123 : memref<10240x128xf32, #tpu.memory_space<vmem_shared>>)
        tpu.yield
      }) : () -> ()
      %dma_wait3A_104 = arith.constant 0 : i32
      %dma_wait3A_105 = arith.constant 0 : i32
      %dma_wait3A_106 = tpu.memref_slice %arg2[%dma_wait3A_104, %dma_wait3A_105] : memref<10240x128xf32, #tpu.memory_space<hbm>> -> memref<128x128xf32, #tpu.memory_space<hbm>>
      %dma_wait3A_107 = arith.constant 0 : i32
      %dma_wait3A_108 = arith.constant 0 : i32
      %dma_wait3A_109 = tpu.memref_slice %arg2[%dma_wait3A_107, %dma_wait3A_108] : memref<10240x128xf32, #tpu.memory_space<hbm>> -> memref<128x128xf32, #tpu.memory_space<hbm>>
      tpu.wait_dma2 semaphore(%arg13 : memref<!tpu.dma_semaphore, #tpu.memory_space<semaphore_mem>>) src(%dma_wait3A_109 : memref<128x128xf32, #tpu.memory_space<hbm>>) dst(%arg10 : memref<128x128xf32, #tpu.memory_space<vmem>>)
      %run_scoped3A_110 = arith.constant 39 : i32
      "tpu.region"() ({
        %run_scoped3A_111 = tpu.sem_alloc : memref<!tpu.dma_semaphore, #tpu.memory_space<semaphore_mem>>
        %dma_start3A_112 = arith.constant 0 : i32
        %dma_start3A_113 = tpu.memref_slice %arg8[%run_scoped3A_110, %dma_start3A_112] : memref<40x128xi32, #tpu.memory_space<vmem>> -> memref<1x128xi32, #tpu.memory_space<vmem>>
        %dma_start3A_114 = tpu.memref_squeeze %dma_start3A_113 : memref<1x128xi32, #tpu.memory_space<vmem>> -> memref<128xi32, #tpu.memory_space<vmem>>
        %dma_start3A_115 = arith.constant 0 : i32
        %dma_start3A_116 = arith.constant 0 : i32
        %dma_start3A_117 = tpu.memref_slice %arg11[%dma_start3A_115, %dma_start3A_116] : memref<10240x128xf32, #tpu.memory_space<vmem_shared>> -> memref<10240x128xf32, #tpu.memory_space<vmem_shared>>
        tpu.enqueue_indirect_dma source(%arg10 : memref<128x128xf32, #tpu.memory_space<vmem>>) target(%dma_start3A_117 : memref<10240x128xf32, #tpu.memory_space<vmem_shared>>) offsets(%dma_start3A_114 : memref<128xi32, #tpu.memory_space<vmem>>) semaphore(%run_scoped3A_111 : memref<!tpu.dma_semaphore, #tpu.memory_space<semaphore_mem>>) {add = true}
        %dma_wait3A_118 = arith.constant 0 : i32
        %dma_wait3A_119 = tpu.memref_slice %arg8[%run_scoped3A_110, %dma_wait3A_118] : memref<40x128xi32, #tpu.memory_space<vmem>> -> memref<1x128xi32, #tpu.memory_space<vmem>>
        %dma_wait3A_120 = tpu.memref_squeeze %dma_wait3A_119 : memref<1x128xi32, #tpu.memory_space<vmem>> -> memref<128xi32, #tpu.memory_space<vmem>>
        %dma_wait3A_121 = arith.constant 0 : i32
        %dma_wait3A_122 = arith.constant 0 : i32
        %dma_wait3A_123 = tpu.memref_slice %arg11[%dma_wait3A_121, %dma_wait3A_122] : memref<10240x128xf32, #tpu.memory_space<vmem_shared>> -> memref<10240x128xf32, #tpu.memory_space<vmem_shared>>
        tpu.wait_indirect_dma semaphore(%run_scoped3A_111 : memref<!tpu.dma_semaphore, #tpu.memory_space<semaphore_mem>>) src(%arg10 : memref<128x128xf32, #tpu.memory_space<vmem>>) dst(%dma_wait3A_123 : memref<10240x128xf32, #tpu.memory_space<vmem_shared>>)
        tpu.yield
      }) : () -> ()
    }
    %barrier3A_41 = arith.constant 0 : index
    tpu.barrier barrier_id(%barrier3A_41)
    %mul3A_42 = arith.constant 640 : i32
    %mul3A_43 = arith.muli %arg1, %mul3A_42 : i32
    %add3A_44 = arith.constant 0 : i32
    %add3A_45 = arith.addi %mul3A_43, %add3A_44 : i32
    "tpu.region"() ({
      %run_scoped3A = tpu.sem_alloc : memref<!tpu.dma_semaphore, #tpu.memory_space<semaphore_mem>>
      %dma_start3A = arith.constant 0 : i32
      %dma_start3A_77 = tpu.memref_slice %arg11[%add3A_45, %dma_start3A] : memref<10240x128xf32, #tpu.memory_space<vmem_shared>> -> memref<128x128xf32, #tpu.memory_space<vmem_shared>>
      %dma_start3A_78 = arith.constant 0 : i32
      %dma_start3A_79 = tpu.memref_slice %arg11[%add3A_45, %dma_start3A_78] : memref<10240x128xf32, #tpu.memory_space<vmem_shared>> -> memref<128x128xf32, #tpu.memory_space<vmem_shared>>
      tpu.enqueue_dma source(%dma_start3A_79 : memref<128x128xf32, #tpu.memory_space<vmem_shared>>) target(%arg9 : memref<128x128xf32, #tpu.memory_space<vmem>>) target_semaphore(%run_scoped3A : memref<!tpu.dma_semaphore, #tpu.memory_space<semaphore_mem>>)
      %dma_wait3A = arith.constant 0 : i32
      %dma_wait3A_80 = tpu.memref_slice %arg11[%add3A_45, %dma_wait3A] : memref<10240x128xf32, #tpu.memory_space<vmem_shared>> -> memref<128x128xf32, #tpu.memory_space<vmem_shared>>
      %dma_wait3A_81 = arith.constant 0 : i32
      %dma_wait3A_82 = tpu.memref_slice %arg11[%add3A_45, %dma_wait3A_81] : memref<10240x128xf32, #tpu.memory_space<vmem_shared>> -> memref<128x128xf32, #tpu.memory_space<vmem_shared>>
      tpu.wait_dma2 semaphore(%run_scoped3A : memref<!tpu.dma_semaphore, #tpu.memory_space<semaphore_mem>>) src(%dma_wait3A_82 : memref<128x128xf32, #tpu.memory_space<vmem_shared>>) dst(%arg9 : memref<128x128xf32, #tpu.memory_space<vmem>>)
      tpu.yield
    }) : () -> ()
    %mul3A_46 = arith.constant 10240 : i32
    %mul3A_47 = arith.muli %arg0, %mul3A_46 : i32
    %add3A_48 = arith.addi %mul3A_47, %add3A_45 : i32
    "tpu.region"() ({
      %run_scoped3A = tpu.sem_alloc : memref<!tpu.dma_semaphore, #tpu.memory_space<semaphore_mem>>
      %dma_start3A = arith.constant 0 : i32
      %dma_start3A_77 = tpu.memref_slice %arg6[%add3A_48, %dma_start3A] : memref<20480x128xf32, #tpu.memory_space<hbm>> -> memref<128x128xf32, #tpu.memory_space<hbm>>
      %dma_start3A_78 = arith.constant 0 : i32
      %dma_start3A_79 = tpu.memref_slice %arg6[%add3A_48, %dma_start3A_78] : memref<20480x128xf32, #tpu.memory_space<hbm>> -> memref<128x128xf32, #tpu.memory_space<hbm>>
      tpu.enqueue_dma source(%arg9 : memref<128x128xf32, #tpu.memory_space<vmem>>) target(%dma_start3A_79 : memref<128x128xf32, #tpu.memory_space<hbm>>) target_semaphore(%run_scoped3A : memref<!tpu.dma_semaphore, #tpu.memory_space<semaphore_mem>>)
      %dma_wait3A = arith.constant 0 : i32
      %dma_wait3A_80 = tpu.memref_slice %arg6[%add3A_48, %dma_wait3A] : memref<20480x128xf32, #tpu.memory_space<hbm>> -> memref<128x128xf32, #tpu.memory_space<hbm>>
      %dma_wait3A_81 = arith.constant 0 : i32
      %dma_wait3A_82 = tpu.memref_slice %arg6[%add3A_48, %dma_wait3A_81] : memref<20480x128xf32, #tpu.memory_space<hbm>> -> memref<128x128xf32, #tpu.memory_space<hbm>>
      tpu.wait_dma2 semaphore(%run_scoped3A : memref<!tpu.dma_semaphore, #tpu.memory_space<semaphore_mem>>) src(%arg9 : memref<128x128xf32, #tpu.memory_space<vmem>>) dst(%dma_wait3A_82 : memref<128x128xf32, #tpu.memory_space<hbm>>)
      tpu.yield
    }) : () -> ()
    %mul3A_49 = arith.constant 640 : i32
    %mul3A_50 = arith.muli %arg1, %mul3A_49 : i32
    %add3A_51 = arith.constant 128 : i32
    %add3A_52 = arith.addi %mul3A_50, %add3A_51 : i32
    "tpu.region"() ({
      %run_scoped3A = tpu.sem_alloc : memref<!tpu.dma_semaphore, #tpu.memory_space<semaphore_mem>>
      %dma_start3A = arith.constant 0 : i32
      %dma_start3A_77 = tpu.memref_slice %arg11[%add3A_52, %dma_start3A] : memref<10240x128xf32, #tpu.memory_space<vmem_shared>> -> memref<128x128xf32, #tpu.memory_space<vmem_shared>>
      %dma_start3A_78 = arith.constant 0 : i32
      %dma_start3A_79 = tpu.memref_slice %arg11[%add3A_52, %dma_start3A_78] : memref<10240x128xf32, #tpu.memory_space<vmem_shared>> -> memref<128x128xf32, #tpu.memory_space<vmem_shared>>
      tpu.enqueue_dma source(%dma_start3A_79 : memref<128x128xf32, #tpu.memory_space<vmem_shared>>) target(%arg9 : memref<128x128xf32, #tpu.memory_space<vmem>>) target_semaphore(%run_scoped3A : memref<!tpu.dma_semaphore, #tpu.memory_space<semaphore_mem>>)
      %dma_wait3A = arith.constant 0 : i32
      %dma_wait3A_80 = tpu.memref_slice %arg11[%add3A_52, %dma_wait3A] : memref<10240x128xf32, #tpu.memory_space<vmem_shared>> -> memref<128x128xf32, #tpu.memory_space<vmem_shared>>
      %dma_wait3A_81 = arith.constant 0 : i32
      %dma_wait3A_82 = tpu.memref_slice %arg11[%add3A_52, %dma_wait3A_81] : memref<10240x128xf32, #tpu.memory_space<vmem_shared>> -> memref<128x128xf32, #tpu.memory_space<vmem_shared>>
      tpu.wait_dma2 semaphore(%run_scoped3A : memref<!tpu.dma_semaphore, #tpu.memory_space<semaphore_mem>>) src(%dma_wait3A_82 : memref<128x128xf32, #tpu.memory_space<vmem_shared>>) dst(%arg9 : memref<128x128xf32, #tpu.memory_space<vmem>>)
      tpu.yield
    }) : () -> ()
    %mul3A_53 = arith.constant 10240 : i32
    %mul3A_54 = arith.muli %arg0, %mul3A_53 : i32
    %add3A_55 = arith.addi %mul3A_54, %add3A_52 : i32
    "tpu.region"() ({
      %run_scoped3A = tpu.sem_alloc : memref<!tpu.dma_semaphore, #tpu.memory_space<semaphore_mem>>
      %dma_start3A = arith.constant 0 : i32
      %dma_start3A_77 = tpu.memref_slice %arg6[%add3A_55, %dma_start3A] : memref<20480x128xf32, #tpu.memory_space<hbm>> -> memref<128x128xf32, #tpu.memory_space<hbm>>
      %dma_start3A_78 = arith.constant 0 : i32
      %dma_start3A_79 = tpu.memref_slice %arg6[%add3A_55, %dma_start3A_78] : memref<20480x128xf32, #tpu.memory_space<hbm>> -> memref<128x128xf32, #tpu.memory_space<hbm>>
      tpu.enqueue_dma source(%arg9 : memref<128x128xf32, #tpu.memory_space<vmem>>) target(%dma_start3A_79 : memref<128x128xf32, #tpu.memory_space<hbm>>) target_semaphore(%run_scoped3A : memref<!tpu.dma_semaphore, #tpu.memory_space<semaphore_mem>>)
      %dma_wait3A = arith.constant 0 : i32
      %dma_wait3A_80 = tpu.memref_slice %arg6[%add3A_55, %dma_wait3A] : memref<20480x128xf32, #tpu.memory_space<hbm>> -> memref<128x128xf32, #tpu.memory_space<hbm>>
      %dma_wait3A_81 = arith.constant 0 : i32
      %dma_wait3A_82 = tpu.memref_slice %arg6[%add3A_55, %dma_wait3A_81] : memref<20480x128xf32, #tpu.memory_space<hbm>> -> memref<128x128xf32, #tpu.memory_space<hbm>>
      tpu.wait_dma2 semaphore(%run_scoped3A : memref<!tpu.dma_semaphore, #tpu.memory_space<semaphore_mem>>) src(%arg9 : memref<128x128xf32, #tpu.memory_space<vmem>>) dst(%dma_wait3A_82 : memref<128x128xf32, #tpu.memory_space<hbm>>)
      tpu.yield
    }) : () -> ()
    %mul3A_56 = arith.constant 640 : i32
    %mul3A_57 = arith.muli %arg1, %mul3A_56 : i32
    %add3A_58 = arith.constant 256 : i32
    %add3A_59 = arith.addi %mul3A_57, %add3A_58 : i32
    "tpu.region"() ({
      %run_scoped3A = tpu.sem_alloc : memref<!tpu.dma_semaphore, #tpu.memory_space<semaphore_mem>>
      %dma_start3A = arith.constant 0 : i32
      %dma_start3A_77 = tpu.memref_slice %arg11[%add3A_59, %dma_start3A] : memref<10240x128xf32, #tpu.memory_space<vmem_shared>> -> memref<128x128xf32, #tpu.memory_space<vmem_shared>>
      %dma_start3A_78 = arith.constant 0 : i32
      %dma_start3A_79 = tpu.memref_slice %arg11[%add3A_59, %dma_start3A_78] : memref<10240x128xf32, #tpu.memory_space<vmem_shared>> -> memref<128x128xf32, #tpu.memory_space<vmem_shared>>
      tpu.enqueue_dma source(%dma_start3A_79 : memref<128x128xf32, #tpu.memory_space<vmem_shared>>) target(%arg9 : memref<128x128xf32, #tpu.memory_space<vmem>>) target_semaphore(%run_scoped3A : memref<!tpu.dma_semaphore, #tpu.memory_space<semaphore_mem>>)
      %dma_wait3A = arith.constant 0 : i32
      %dma_wait3A_80 = tpu.memref_slice %arg11[%add3A_59, %dma_wait3A] : memref<10240x128xf32, #tpu.memory_space<vmem_shared>> -> memref<128x128xf32, #tpu.memory_space<vmem_shared>>
      %dma_wait3A_81 = arith.constant 0 : i32
      %dma_wait3A_82 = tpu.memref_slice %arg11[%add3A_59, %dma_wait3A_81] : memref<10240x128xf32, #tpu.memory_space<vmem_shared>> -> memref<128x128xf32, #tpu.memory_space<vmem_shared>>
      tpu.wait_dma2 semaphore(%run_scoped3A : memref<!tpu.dma_semaphore, #tpu.memory_space<semaphore_mem>>) src(%dma_wait3A_82 : memref<128x128xf32, #tpu.memory_space<vmem_shared>>) dst(%arg9 : memref<128x128xf32, #tpu.memory_space<vmem>>)
      tpu.yield
    }) : () -> ()
    %mul3A_60 = arith.constant 10240 : i32
    %mul3A_61 = arith.muli %arg0, %mul3A_60 : i32
    %add3A_62 = arith.addi %mul3A_61, %add3A_59 : i32
    "tpu.region"() ({
      %run_scoped3A = tpu.sem_alloc : memref<!tpu.dma_semaphore, #tpu.memory_space<semaphore_mem>>
      %dma_start3A = arith.constant 0 : i32
      %dma_start3A_77 = tpu.memref_slice %arg6[%add3A_62, %dma_start3A] : memref<20480x128xf32, #tpu.memory_space<hbm>> -> memref<128x128xf32, #tpu.memory_space<hbm>>
      %dma_start3A_78 = arith.constant 0 : i32
      %dma_start3A_79 = tpu.memref_slice %arg6[%add3A_62, %dma_start3A_78] : memref<20480x128xf32, #tpu.memory_space<hbm>> -> memref<128x128xf32, #tpu.memory_space<hbm>>
      tpu.enqueue_dma source(%arg9 : memref<128x128xf32, #tpu.memory_space<vmem>>) target(%dma_start3A_79 : memref<128x128xf32, #tpu.memory_space<hbm>>) target_semaphore(%run_scoped3A : memref<!tpu.dma_semaphore, #tpu.memory_space<semaphore_mem>>)
      %dma_wait3A = arith.constant 0 : i32
      %dma_wait3A_80 = tpu.memref_slice %arg6[%add3A_62, %dma_wait3A] : memref<20480x128xf32, #tpu.memory_space<hbm>> -> memref<128x128xf32, #tpu.memory_space<hbm>>
      %dma_wait3A_81 = arith.constant 0 : i32
      %dma_wait3A_82 = tpu.memref_slice %arg6[%add3A_62, %dma_wait3A_81] : memref<20480x128xf32, #tpu.memory_space<hbm>> -> memref<128x128xf32, #tpu.memory_space<hbm>>
      tpu.wait_dma2 semaphore(%run_scoped3A : memref<!tpu.dma_semaphore, #tpu.memory_space<semaphore_mem>>) src(%arg9 : memref<128x128xf32, #tpu.memory_space<vmem>>) dst(%dma_wait3A_82 : memref<128x128xf32, #tpu.memory_space<hbm>>)
      tpu.yield
    }) : () -> ()
    %mul3A_63 = arith.constant 640 : i32
    %mul3A_64 = arith.muli %arg1, %mul3A_63 : i32
    %add3A_65 = arith.constant 384 : i32
    %add3A_66 = arith.addi %mul3A_64, %add3A_65 : i32
    "tpu.region"() ({
      %run_scoped3A = tpu.sem_alloc : memref<!tpu.dma_semaphore, #tpu.memory_space<semaphore_mem>>
      %dma_start3A = arith.constant 0 : i32
      %dma_start3A_77 = tpu.memref_slice %arg11[%add3A_66, %dma_start3A] : memref<10240x128xf32, #tpu.memory_space<vmem_shared>> -> memref<128x128xf32, #tpu.memory_space<vmem_shared>>
      %dma_start3A_78 = arith.constant 0 : i32
      %dma_start3A_79 = tpu.memref_slice %arg11[%add3A_66, %dma_start3A_78] : memref<10240x128xf32, #tpu.memory_space<vmem_shared>> -> memref<128x128xf32, #tpu.memory_space<vmem_shared>>
      tpu.enqueue_dma source(%dma_start3A_79 : memref<128x128xf32, #tpu.memory_space<vmem_shared>>) target(%arg9 : memref<128x128xf32, #tpu.memory_space<vmem>>) target_semaphore(%run_scoped3A : memref<!tpu.dma_semaphore, #tpu.memory_space<semaphore_mem>>)
      %dma_wait3A = arith.constant 0 : i32
      %dma_wait3A_80 = tpu.memref_slice %arg11[%add3A_66, %dma_wait3A] : memref<10240x128xf32, #tpu.memory_space<vmem_shared>> -> memref<128x128xf32, #tpu.memory_space<vmem_shared>>
      %dma_wait3A_81 = arith.constant 0 : i32
      %dma_wait3A_82 = tpu.memref_slice %arg11[%add3A_66, %dma_wait3A_81] : memref<10240x128xf32, #tpu.memory_space<vmem_shared>> -> memref<128x128xf32, #tpu.memory_space<vmem_shared>>
      tpu.wait_dma2 semaphore(%run_scoped3A : memref<!tpu.dma_semaphore, #tpu.memory_space<semaphore_mem>>) src(%dma_wait3A_82 : memref<128x128xf32, #tpu.memory_space<vmem_shared>>) dst(%arg9 : memref<128x128xf32, #tpu.memory_space<vmem>>)
      tpu.yield
    }) : () -> ()
    %mul3A_67 = arith.constant 10240 : i32
    %mul3A_68 = arith.muli %arg0, %mul3A_67 : i32
    %add3A_69 = arith.addi %mul3A_68, %add3A_66 : i32
    "tpu.region"() ({
      %run_scoped3A = tpu.sem_alloc : memref<!tpu.dma_semaphore, #tpu.memory_space<semaphore_mem>>
      %dma_start3A = arith.constant 0 : i32
      %dma_start3A_77 = tpu.memref_slice %arg6[%add3A_69, %dma_start3A] : memref<20480x128xf32, #tpu.memory_space<hbm>> -> memref<128x128xf32, #tpu.memory_space<hbm>>
      %dma_start3A_78 = arith.constant 0 : i32
      %dma_start3A_79 = tpu.memref_slice %arg6[%add3A_69, %dma_start3A_78] : memref<20480x128xf32, #tpu.memory_space<hbm>> -> memref<128x128xf32, #tpu.memory_space<hbm>>
      tpu.enqueue_dma source(%arg9 : memref<128x128xf32, #tpu.memory_space<vmem>>) target(%dma_start3A_79 : memref<128x128xf32, #tpu.memory_space<hbm>>) target_semaphore(%run_scoped3A : memref<!tpu.dma_semaphore, #tpu.memory_space<semaphore_mem>>)
      %dma_wait3A = arith.constant 0 : i32
      %dma_wait3A_80 = tpu.memref_slice %arg6[%add3A_69, %dma_wait3A] : memref<20480x128xf32, #tpu.memory_space<hbm>> -> memref<128x128xf32, #tpu.memory_space<hbm>>
      %dma_wait3A_81 = arith.constant 0 : i32
      %dma_wait3A_82 = tpu.memref_slice %arg6[%add3A_69, %dma_wait3A_81] : memref<20480x128xf32, #tpu.memory_space<hbm>> -> memref<128x128xf32, #tpu.memory_space<hbm>>
      tpu.wait_dma2 semaphore(%run_scoped3A : memref<!tpu.dma_semaphore, #tpu.memory_space<semaphore_mem>>) src(%arg9 : memref<128x128xf32, #tpu.memory_space<vmem>>) dst(%dma_wait3A_82 : memref<128x128xf32, #tpu.memory_space<hbm>>)
      tpu.yield
    }) : () -> ()
    %mul3A_70 = arith.constant 640 : i32
    %mul3A_71 = arith.muli %arg1, %mul3A_70 : i32
    %add3A_72 = arith.constant 512 : i32
    %add3A_73 = arith.addi %mul3A_71, %add3A_72 : i32
    "tpu.region"() ({
      %run_scoped3A = tpu.sem_alloc : memref<!tpu.dma_semaphore, #tpu.memory_space<semaphore_mem>>
      %dma_start3A = arith.constant 0 : i32
      %dma_start3A_77 = tpu.memref_slice %arg11[%add3A_73, %dma_start3A] : memref<10240x128xf32, #tpu.memory_space<vmem_shared>> -> memref<128x128xf32, #tpu.memory_space<vmem_shared>>
      %dma_start3A_78 = arith.constant 0 : i32
      %dma_start3A_79 = tpu.memref_slice %arg11[%add3A_73, %dma_start3A_78] : memref<10240x128xf32, #tpu.memory_space<vmem_shared>> -> memref<128x128xf32, #tpu.memory_space<vmem_shared>>
      tpu.enqueue_dma source(%dma_start3A_79 : memref<128x128xf32, #tpu.memory_space<vmem_shared>>) target(%arg9 : memref<128x128xf32, #tpu.memory_space<vmem>>) target_semaphore(%run_scoped3A : memref<!tpu.dma_semaphore, #tpu.memory_space<semaphore_mem>>)
      %dma_wait3A = arith.constant 0 : i32
      %dma_wait3A_80 = tpu.memref_slice %arg11[%add3A_73, %dma_wait3A] : memref<10240x128xf32, #tpu.memory_space<vmem_shared>> -> memref<128x128xf32, #tpu.memory_space<vmem_shared>>
      %dma_wait3A_81 = arith.constant 0 : i32
      %dma_wait3A_82 = tpu.memref_slice %arg11[%add3A_73, %dma_wait3A_81] : memref<10240x128xf32, #tpu.memory_space<vmem_shared>> -> memref<128x128xf32, #tpu.memory_space<vmem_shared>>
      tpu.wait_dma2 semaphore(%run_scoped3A : memref<!tpu.dma_semaphore, #tpu.memory_space<semaphore_mem>>) src(%dma_wait3A_82 : memref<128x128xf32, #tpu.memory_space<vmem_shared>>) dst(%arg9 : memref<128x128xf32, #tpu.memory_space<vmem>>)
      tpu.yield
    }) : () -> ()
    %mul3A_74 = arith.constant 10240 : i32
    %mul3A_75 = arith.muli %arg0, %mul3A_74 : i32
    %add3A_76 = arith.addi %mul3A_75, %add3A_73 : i32
    "tpu.region"() ({
      %run_scoped3A = tpu.sem_alloc : memref<!tpu.dma_semaphore, #tpu.memory_space<semaphore_mem>>
      %dma_start3A = arith.constant 0 : i32
      %dma_start3A_77 = tpu.memref_slice %arg6[%add3A_76, %dma_start3A] : memref<20480x128xf32, #tpu.memory_space<hbm>> -> memref<128x128xf32, #tpu.memory_space<hbm>>
      %dma_start3A_78 = arith.constant 0 : i32
      %dma_start3A_79 = tpu.memref_slice %arg6[%add3A_76, %dma_start3A_78] : memref<20480x128xf32, #tpu.memory_space<hbm>> -> memref<128x128xf32, #tpu.memory_space<hbm>>
      tpu.enqueue_dma source(%arg9 : memref<128x128xf32, #tpu.memory_space<vmem>>) target(%dma_start3A_79 : memref<128x128xf32, #tpu.memory_space<hbm>>) target_semaphore(%run_scoped3A : memref<!tpu.dma_semaphore, #tpu.memory_space<semaphore_mem>>)
      %dma_wait3A = arith.constant 0 : i32
      %dma_wait3A_80 = tpu.memref_slice %arg6[%add3A_76, %dma_wait3A] : memref<20480x128xf32, #tpu.memory_space<hbm>> -> memref<128x128xf32, #tpu.memory_space<hbm>>
      %dma_wait3A_81 = arith.constant 0 : i32
      %dma_wait3A_82 = tpu.memref_slice %arg6[%add3A_76, %dma_wait3A_81] : memref<20480x128xf32, #tpu.memory_space<hbm>> -> memref<128x128xf32, #tpu.memory_space<hbm>>
      tpu.wait_dma2 semaphore(%run_scoped3A : memref<!tpu.dma_semaphore, #tpu.memory_space<semaphore_mem>>) src(%arg9 : memref<128x128xf32, #tpu.memory_space<vmem>>) dst(%dma_wait3A_82 : memref<128x128xf32, #tpu.memory_space<hbm>>)
      tpu.yield
    }) : () -> ()
    return
  }
}

module attributes {stable_mosaic.version = 14 : i64} {
  func.func @_bn_stats_body(%arg0: i32, %arg1: memref<512x128xf32, #tpu.memory_space<vmem>>, %arg2: memref<2x128xf32, #tpu.memory_space<vmem>>) attributes {dimension_semantics = [#tpu.dimension_semantics<arbitrary>], iteration_bounds = array<i64: 20>, scalar_prefetch = 0 : i64, scratch_operands = 0 : i64, tpu.core_type = #tpu.core_type<tc>, window_params = [{transform_indices = @transform_0, window_bounds = array<i64: 512, 128>}, {pipeline_mode = #tpu.pipeline_mode<synchronous>, transform_indices = @transform_1, window_bounds = array<i64: 2, 128>}]} {
    %eq3A = arith.constant 0 : i32
    %eq3A_0 = arith.cmpi eq, %arg0, %eq3A : i32
    %convert_element_type3A = arith.extui %eq3A_0 : i1 to i32
    %cond3A = arith.constant 0 : i32
    %cond3A_1 = arith.cmpi ne, %convert_element_type3A, %cond3A : i32
    scf.if %cond3A_1 {
      %broadcast_in_dim3A_20 = arith.constant 0.000000e+00 : f32
      %broadcast_in_dim3A_21 = vector.broadcast %broadcast_in_dim3A_20 : f32 to vector<2x128xf32>
      %swap3A_22 = arith.constant 0 : index
      %swap3A_23 = arith.constant 0 : index
      %swap3A_24 = vector.load %arg2[%swap3A_22, %swap3A_23] : memref<2x128xf32, #tpu.memory_space<vmem>>, vector<2x128xf32>
      tpu.vector_store %arg2[%swap3A_22, %swap3A_23], %broadcast_in_dim3A_21 {strides = array<i32>} : memref<2x128xf32, #tpu.memory_space<vmem>>, vector<2x128xf32>,
    } else {
    }
    %get3A = arith.constant 0 : index
    %get3A_2 = arith.constant 0 : index
    %get3A_3 = vector.load %arg1[%get3A, %get3A_2] : memref<512x128xf32, #tpu.memory_space<vmem>>, vector<512x128xf32>
    %get3A_4 = arith.constant 0 : index
    %get3A_5 = arith.constant 0 : index
    %get3A_6 = vector.load %arg2[%get3A_4, %get3A_5] : memref<2x128xf32, #tpu.memory_space<vmem>>, vector<1x128xf32>
    %reduce_sum3A = arith.constant dense<0.000000e+00> : vector<128xf32>
    %reduce_sum3A_7 = vector.multi_reduction <add>, %get3A_3, %reduce_sum3A [0] : vector<512x128xf32> to vector<128xf32>
    %broadcast_in_dim3A = vector.shape_cast %reduce_sum3A_7 : vector<128xf32> to vector<1x128xf32>
    %add3A = arith.addf %get3A_6, %broadcast_in_dim3A : vector<1x128xf32>
    %swap3A = arith.constant 0 : index
    %swap3A_8 = arith.constant 0 : index
    %swap3A_9 = vector.load %arg2[%swap3A, %swap3A_8] : memref<2x128xf32, #tpu.memory_space<vmem>>, vector<1x128xf32>
    tpu.vector_store %arg2[%swap3A, %swap3A_8], %add3A {strides = array<i32>} : memref<2x128xf32, #tpu.memory_space<vmem>>, vector<1x128xf32>,
    %get3A_10 = arith.constant 1 : index
    %get3A_11 = arith.constant 0 : index
    %get3A_12 = vector.load %arg2[%get3A_10, %get3A_11] : memref<2x128xf32, #tpu.memory_space<vmem>>, vector<1x128xf32>
    %mul3A = arith.mulf %get3A_3, %get3A_3 : vector<512x128xf32>
    %reduce_sum3A_13 = arith.constant dense<0.000000e+00> : vector<128xf32>
    %reduce_sum3A_14 = vector.multi_reduction <add>, %mul3A, %reduce_sum3A_13 [0] : vector<512x128xf32> to vector<128xf32>
    %broadcast_in_dim3A_15 = vector.shape_cast %reduce_sum3A_14 : vector<128xf32> to vector<1x128xf32>
    %add3A_16 = arith.addf %get3A_12, %broadcast_in_dim3A_15 : vector<1x128xf32>
    %swap3A_17 = arith.constant 1 : index
    %swap3A_18 = arith.constant 0 : index
    %swap3A_19 = vector.load %arg2[%swap3A_17, %swap3A_18] : memref<2x128xf32, #tpu.memory_space<vmem>>, vector<1x128xf32>
    tpu.vector_store %arg2[%swap3A_17, %swap3A_18], %add3A_16 {strides = array<i32>} : memref<2x128xf32, #tpu.memory_space<vmem>>, vector<1x128xf32>,
    return
  }
  func.func @transform_0(%arg0: i32) -> (i32, i32) {
    %c0_i32 = arith.constant 0 : i32
    %c0_i32_0 = arith.constant 0 : i32
    return %arg0, %c0_i32 : i32, i32
  }
  func.func @transform_1(%arg0: i32) -> (i32, i32) {
    %c0_i32 = arith.constant 0 : i32
    %c0_i32_0 = arith.constant 0 : i32
    %c0_i32_1 = arith.constant 0 : i32
    return %c0_i32, %c0_i32_0 : i32, i32
  }
}

module attributes {stable_mosaic.version = 14 : i64} {
  func.func @_bn_apply_body(%arg0: i32, %arg1: memref<512x128xf32, #tpu.memory_space<vmem>>, %arg2: memref<2x128xf32, #tpu.memory_space<vmem>>, %arg3: memref<1x128xf32, #tpu.memory_space<vmem>>, %arg4: memref<1x128xf32, #tpu.memory_space<vmem>>, %arg5: memref<512x128xf32, #tpu.memory_space<vmem>>) attributes {dimension_semantics = [#tpu.dimension_semantics<arbitrary>], iteration_bounds = array<i64: 20>, scalar_prefetch = 0 : i64, scratch_operands = 0 : i64, tpu.core_type = #tpu.core_type<tc>, window_params = [{transform_indices = @transform_0, window_bounds = array<i64: 512, 128>}, {pipeline_mode = #tpu.pipeline_mode<synchronous>, transform_indices = @transform_1, window_bounds = array<i64: 2, 128>}, {pipeline_mode = #tpu.pipeline_mode<synchronous>, transform_indices = @transform_2, window_bounds = array<i64: 1, 128>}, {pipeline_mode = #tpu.pipeline_mode<synchronous>, transform_indices = @transform_3, window_bounds = array<i64: 1, 128>}, {transform_indices = @transform_4, window_bounds = array<i64: 512, 128>}]} {
    %get3A = arith.constant 0 : index
    %get3A_0 = arith.constant 0 : index
    %get3A_1 = vector.load %arg2[%get3A, %get3A_0] : memref<2x128xf32, #tpu.memory_space<vmem>>, vector<2x128xf32>
    %slice3A = vector.extract_strided_slice %get3A_1 {offsets = [0, 0], sizes = [1, 128], strides = [1, 1]} : vector<2x128xf32> to vector<1x128xf32>
    %mul3A = arith.constant 9.99999974E-5 : f32
    %mul3A_2 = vector.broadcast %mul3A : f32 to vector<1x128xf32>
    %mul3A_3 = arith.mulf %slice3A, %mul3A_2 : vector<1x128xf32>
    %slice3A_4 = vector.extract_strided_slice %get3A_1 {offsets = [1, 0], sizes = [1, 128], strides = [1, 1]} : vector<2x128xf32> to vector<1x128xf32>
    %mul3A_5 = arith.constant 9.99999974E-5 : f32
    %mul3A_6 = vector.broadcast %mul3A_5 : f32 to vector<1x128xf32>
    %mul3A_7 = arith.mulf %slice3A_4, %mul3A_6 : vector<1x128xf32>
    %mul3A_8 = arith.mulf %mul3A_3, %mul3A_3 : vector<1x128xf32>
    %sub3A = arith.subf %mul3A_7, %mul3A_8 : vector<1x128xf32>
    %add3A = arith.constant 9.99999974E-6 : f32
    %add3A_9 = vector.broadcast %add3A : f32 to vector<1x128xf32>
    %add3A_10 = arith.addf %sub3A, %add3A_9 : vector<1x128xf32>
    %rsqrt3A = math.rsqrt %add3A_10 : vector<1x128xf32>
    %get3A_11 = arith.constant 0 : index
    %get3A_12 = arith.constant 0 : index
    %get3A_13 = vector.load %arg3[%get3A_11, %get3A_12] : memref<1x128xf32, #tpu.memory_space<vmem>>, vector<1x128xf32>
    %mul3A_14 = arith.mulf %rsqrt3A, %get3A_13 : vector<1x128xf32>
    %get3A_15 = arith.constant 0 : index
    %get3A_16 = arith.constant 0 : index
    %get3A_17 = vector.load %arg1[%get3A_15, %get3A_16] : memref<512x128xf32, #tpu.memory_space<vmem>>, vector<512x128xf32>
    %sub3A_18 = vector.broadcast %mul3A_3 : vector<1x128xf32> to vector<512x128xf32>
    %sub3A_19 = arith.subf %get3A_17, %sub3A_18 : vector<512x128xf32>
    %mul3A_20 = vector.broadcast %mul3A_14 : vector<1x128xf32> to vector<512x128xf32>
    %mul3A_21 = arith.mulf %sub3A_19, %mul3A_20 : vector<512x128xf32>
    %get3A_22 = arith.constant 0 : index
    %get3A_23 = arith.constant 0 : index
    %get3A_24 = vector.load %arg4[%get3A_22, %get3A_23] : memref<1x128xf32, #tpu.memory_space<vmem>>, vector<1x128xf32>
    %add3A_25 = vector.broadcast %get3A_24 : vector<1x128xf32> to vector<512x128xf32>
    %add3A_26 = arith.addf %mul3A_21, %add3A_25 : vector<512x128xf32>
    %swap3A = arith.constant 0 : index
    %swap3A_27 = arith.constant 0 : index
    %swap3A_28 = vector.load %arg5[%swap3A, %swap3A_27] : memref<512x128xf32, #tpu.memory_space<vmem>>, vector<512x128xf32>
    tpu.vector_store %arg5[%swap3A, %swap3A_27], %add3A_26 {strides = array<i32>} : memref<512x128xf32, #tpu.memory_space<vmem>>, vector<512x128xf32>,
    return
  }
  func.func @transform_0(%arg0: i32) -> (i32, i32) {
    %c0_i32 = arith.constant 0 : i32
    %c0_i32_0 = arith.constant 0 : i32
    return %arg0, %c0_i32 : i32, i32
  }
  func.func @transform_1(%arg0: i32) -> (i32, i32) {
    %c0_i32 = arith.constant 0 : i32
    %c0_i32_0 = arith.constant 0 : i32
    %c0_i32_1 = arith.constant 0 : i32
    return %c0_i32, %c0_i32_0 : i32, i32
  }
  func.func @transform_2(%arg0: i32) -> (i32, i32) {
    %c0_i32 = arith.constant 0 : i32
    %c0_i32_0 = arith.constant 0 : i32
    %c0_i32_1 = arith.constant 0 : i32
    return %c0_i32, %c0_i32_0 : i32, i32
  }
  func.func @transform_3(%arg0: i32) -> (i32, i32) {
    %c0_i32 = arith.constant 0 : i32
    %c0_i32_0 = arith.constant 0 : i32
    %c0_i32_1 = arith.constant 0 : i32
    return %c0_i32, %c0_i32_0 : i32, i32
  }
  func.func @transform_4(%arg0: i32) -> (i32, i32) {
    %c0_i32 = arith.constant 0 : i32
    %c0_i32_0 = arith.constant 0 : i32
    return %arg0, %c0_i32 : i32, i32
  }
}

module attributes {stable_mosaic.version = 14 : i64} {
  func.func @_combine_body(%arg0: i32, %arg1: memref<512x128xf32, #tpu.memory_space<vmem>>, %arg2: memref<512x128xf32, #tpu.memory_space<vmem>>, %arg3: memref<512x128xf32, #tpu.memory_space<vmem>>, %arg4: memref<128x128xf32, #tpu.memory_space<vmem>>, %arg5: memref<128x128xf32, #tpu.memory_space<vmem>>, %arg6: memref<1x128xf32, #tpu.memory_space<vmem>>, %arg7: memref<512x128xf32, #tpu.memory_space<vmem>>) attributes {dimension_semantics = [#tpu.dimension_semantics<arbitrary>], iteration_bounds = array<i64: 20>, scalar_prefetch = 0 : i64, scratch_operands = 0 : i64, tpu.core_type = #tpu.core_type<tc>, window_params = [{transform_indices = @transform_0, window_bounds = array<i64: 512, 128>}, {transform_indices = @transform_1, window_bounds = array<i64: 512, 128>}, {transform_indices = @transform_2, window_bounds = array<i64: 512, 128>}, {pipeline_mode = #tpu.pipeline_mode<synchronous>, transform_indices = @transform_3, window_bounds = array<i64: 128, 128>}, {pipeline_mode = #tpu.pipeline_mode<synchronous>, transform_indices = @transform_4, window_bounds = array<i64: 128, 128>}, {pipeline_mode = #tpu.pipeline_mode<synchronous>, transform_indices = @transform_5, window_bounds = array<i64: 1, 128>}, {transform_indices = @transform_6, window_bounds = array<i64: 512, 128>}]} {
    %get3A = arith.constant 0 : index
    %get3A_0 = arith.constant 0 : index
    %get3A_1 = vector.load %arg1[%get3A, %get3A_0] : memref<512x128xf32, #tpu.memory_space<vmem>>, vector<512x128xf32>
    %get3A_2 = arith.constant 0 : index
    %get3A_3 = arith.constant 0 : index
    %get3A_4 = vector.load %arg2[%get3A_2, %get3A_3] : memref<512x128xf32, #tpu.memory_space<vmem>>, vector<512x128xf32>
    %add3A = arith.addf %get3A_1, %get3A_4 : vector<512x128xf32>
    %get3A_5 = arith.constant 0 : index
    %get3A_6 = arith.constant 0 : index
    %get3A_7 = vector.load %arg4[%get3A_5, %get3A_6] : memref<128x128xf32, #tpu.memory_space<vmem>>, vector<128x128xf32>
    %dot_general3A = arith.constant dense<0.000000e+00> : vector<512x128xf32>
    %dot_general3A_8 = tpu.matmul %add3A, %get3A_7, %dot_general3A {dimension_numbers = #tpu.dot_dimension_numbers<[1], [0], [0], [1], [0, 0, 1, 1], [], []>, transpose_lhs_hint = false} : vector<512x128xf32>, vector<128x128xf32>, vector<512x128xf32> -> vector<512x128xf32>
    %get3A_9 = arith.constant 0 : index
    %get3A_10 = arith.constant 0 : index
    %get3A_11 = vector.load %arg3[%get3A_9, %get3A_10] : memref<512x128xf32, #tpu.memory_space<vmem>>, vector<512x128xf32>
    %get3A_12 = arith.constant 0 : index
    %get3A_13 = arith.constant 0 : index
    %get3A_14 = vector.load %arg5[%get3A_12, %get3A_13] : memref<128x128xf32, #tpu.memory_space<vmem>>, vector<128x128xf32>
    %dot_general3A_15 = arith.constant dense<0.000000e+00> : vector<512x128xf32>
    %dot_general3A_16 = tpu.matmul %get3A_11, %get3A_14, %dot_general3A_15 {dimension_numbers = #tpu.dot_dimension_numbers<[1], [0], [0], [1], [0, 0, 1, 1], [], []>, transpose_lhs_hint = false} : vector<512x128xf32>, vector<128x128xf32>, vector<512x128xf32> -> vector<512x128xf32>
    %add3A_17 = arith.addf %dot_general3A_8, %dot_general3A_16 : vector<512x128xf32>
    %get3A_18 = arith.constant 0 : index
    %get3A_19 = arith.constant 0 : index
    %get3A_20 = vector.load %arg6[%get3A_18, %get3A_19] : memref<1x128xf32, #tpu.memory_space<vmem>>, vector<1x128xf32>
    %add3A_21 = vector.broadcast %get3A_20 : vector<1x128xf32> to vector<512x128xf32>
    %add3A_22 = arith.addf %add3A_17, %add3A_21 : vector<512x128xf32>
    %max3A = arith.constant 0.000000e+00 : f32
    %max3A_23 = vector.broadcast %max3A : f32 to vector<512x128xf32>
    %max3A_24 = arith.maximumf %add3A_22, %max3A_23 : vector<512x128xf32>
    %swap3A = arith.constant 0 : index
    %swap3A_25 = arith.constant 0 : index
    %swap3A_26 = vector.load %arg7[%swap3A, %swap3A_25] : memref<512x128xf32, #tpu.memory_space<vmem>>, vector<512x128xf32>
    tpu.vector_store %arg7[%swap3A, %swap3A_25], %max3A_24 {strides = array<i32>} : memref<512x128xf32, #tpu.memory_space<vmem>>, vector<512x128xf32>,
    return
  }
  func.func @transform_0(%arg0: i32) -> (i32, i32) {
    %c0_i32 = arith.constant 0 : i32
    %c0_i32_0 = arith.constant 0 : i32
    return %arg0, %c0_i32 : i32, i32
  }
  func.func @transform_1(%arg0: i32) -> (i32, i32) {
    %c0_i32 = arith.constant 0 : i32
    %c0_i32_0 = arith.constant 0 : i32
    return %arg0, %c0_i32 : i32, i32
  }
  func.func @transform_2(%arg0: i32) -> (i32, i32) {
    %c0_i32 = arith.constant 0 : i32
    %c0_i32_0 = arith.constant 0 : i32
    return %arg0, %c0_i32 : i32, i32
  }
  func.func @transform_3(%arg0: i32) -> (i32, i32) {
    %c0_i32 = arith.constant 0 : i32
    %c0_i32_0 = arith.constant 0 : i32
    %c0_i32_1 = arith.constant 0 : i32
    return %c0_i32, %c0_i32_0 : i32, i32
  }
  func.func @transform_4(%arg0: i32) -> (i32, i32) {
    %c0_i32 = arith.constant 0 : i32
    %c0_i32_0 = arith.constant 0 : i32
    %c0_i32_1 = arith.constant 0 : i32
    return %c0_i32, %c0_i32_0 : i32, i32
  }
  func.func @transform_5(%arg0: i32) -> (i32, i32) {
    %c0_i32 = arith.constant 0 : i32
    %c0_i32_0 = arith.constant 0 : i32
    %c0_i32_1 = arith.constant 0 : i32
    return %c0_i32, %c0_i32_0 : i32, i32
  }
  func.func @transform_6(%arg0: i32) -> (i32, i32) {
    %c0_i32 = arith.constant 0 : i32
    %c0_i32_0 = arith.constant 0 : i32
    return %arg0, %c0_i32 : i32, i32
  }
}

module attributes {stable_mosaic.version = 14 : i64} {
  func.func @_combine_body(%arg0: i32, %arg1: memref<512x128xf32, #tpu.memory_space<vmem>>, %arg2: memref<512x128xf32, #tpu.memory_space<vmem>>, %arg3: memref<512x128xf32, #tpu.memory_space<vmem>>, %arg4: memref<128x128xf32, #tpu.memory_space<vmem>>, %arg5: memref<128x128xf32, #tpu.memory_space<vmem>>, %arg6: memref<1x128xf32, #tpu.memory_space<vmem>>, %arg7: memref<512x128xf32, #tpu.memory_space<vmem>>) attributes {dimension_semantics = [#tpu.dimension_semantics<arbitrary>], iteration_bounds = array<i64: 20>, scalar_prefetch = 0 : i64, scratch_operands = 0 : i64, tpu.core_type = #tpu.core_type<tc>, window_params = [{transform_indices = @transform_0, window_bounds = array<i64: 512, 128>}, {transform_indices = @transform_1, window_bounds = array<i64: 512, 128>}, {transform_indices = @transform_2, window_bounds = array<i64: 512, 128>}, {pipeline_mode = #tpu.pipeline_mode<synchronous>, transform_indices = @transform_3, window_bounds = array<i64: 128, 128>}, {pipeline_mode = #tpu.pipeline_mode<synchronous>, transform_indices = @transform_4, window_bounds = array<i64: 128, 128>}, {pipeline_mode = #tpu.pipeline_mode<synchronous>, transform_indices = @transform_5, window_bounds = array<i64: 1, 128>}, {transform_indices = @transform_6, window_bounds = array<i64: 512, 128>}]} {
    %get3A = arith.constant 0 : index
    %get3A_0 = arith.constant 0 : index
    %get3A_1 = vector.load %arg1[%get3A, %get3A_0] : memref<512x128xf32, #tpu.memory_space<vmem>>, vector<512x128xf32>
    %get3A_2 = arith.constant 0 : index
    %get3A_3 = arith.constant 0 : index
    %get3A_4 = vector.load %arg2[%get3A_2, %get3A_3] : memref<512x128xf32, #tpu.memory_space<vmem>>, vector<512x128xf32>
    %add3A = arith.addf %get3A_1, %get3A_4 : vector<512x128xf32>
    %get3A_5 = arith.constant 0 : index
    %get3A_6 = arith.constant 0 : index
    %get3A_7 = vector.load %arg4[%get3A_5, %get3A_6] : memref<128x128xf32, #tpu.memory_space<vmem>>, vector<128x128xf32>
    %dot_general3A = arith.constant dense<0.000000e+00> : vector<512x128xf32>
    %dot_general3A_8 = tpu.matmul %add3A, %get3A_7, %dot_general3A {dimension_numbers = #tpu.dot_dimension_numbers<[1], [0], [0], [1], [0, 0, 1, 1], [], []>, transpose_lhs_hint = false} : vector<512x128xf32>, vector<128x128xf32>, vector<512x128xf32> -> vector<512x128xf32>
    %get3A_9 = arith.constant 0 : index
    %get3A_10 = arith.constant 0 : index
    %get3A_11 = vector.load %arg3[%get3A_9, %get3A_10] : memref<512x128xf32, #tpu.memory_space<vmem>>, vector<512x128xf32>
    %get3A_12 = arith.constant 0 : index
    %get3A_13 = arith.constant 0 : index
    %get3A_14 = vector.load %arg5[%get3A_12, %get3A_13] : memref<128x128xf32, #tpu.memory_space<vmem>>, vector<128x128xf32>
    %dot_general3A_15 = arith.constant dense<0.000000e+00> : vector<512x128xf32>
    %dot_general3A_16 = tpu.matmul %get3A_11, %get3A_14, %dot_general3A_15 {dimension_numbers = #tpu.dot_dimension_numbers<[1], [0], [0], [1], [0, 0, 1, 1], [], []>, transpose_lhs_hint = false} : vector<512x128xf32>, vector<128x128xf32>, vector<512x128xf32> -> vector<512x128xf32>
    %add3A_17 = arith.addf %dot_general3A_8, %dot_general3A_16 : vector<512x128xf32>
    %get3A_18 = arith.constant 0 : index
    %get3A_19 = arith.constant 0 : index
    %get3A_20 = vector.load %arg6[%get3A_18, %get3A_19] : memref<1x128xf32, #tpu.memory_space<vmem>>, vector<1x128xf32>
    %add3A_21 = vector.broadcast %get3A_20 : vector<1x128xf32> to vector<512x128xf32>
    %add3A_22 = arith.addf %add3A_17, %add3A_21 : vector<512x128xf32>
    %swap3A = arith.constant 0 : index
    %swap3A_23 = arith.constant 0 : index
    %swap3A_24 = vector.load %arg7[%swap3A, %swap3A_23] : memref<512x128xf32, #tpu.memory_space<vmem>>, vector<512x128xf32>
    tpu.vector_store %arg7[%swap3A, %swap3A_23], %add3A_22 {strides = array<i32>} : memref<512x128xf32, #tpu.memory_space<vmem>>, vector<512x128xf32>,
    return
  }
  func.func @transform_0(%arg0: i32) -> (i32, i32) {
    %c0_i32 = arith.constant 0 : i32
    %c0_i32_0 = arith.constant 0 : i32
    return %arg0, %c0_i32 : i32, i32
  }
  func.func @transform_1(%arg0: i32) -> (i32, i32) {
    %c0_i32 = arith.constant 0 : i32
    %c0_i32_0 = arith.constant 0 : i32
    return %arg0, %c0_i32 : i32, i32
  }
  func.func @transform_2(%arg0: i32) -> (i32, i32) {
    %c0_i32 = arith.constant 0 : i32
    %c0_i32_0 = arith.constant 0 : i32
    return %arg0, %c0_i32 : i32, i32
  }
  func.func @transform_3(%arg0: i32) -> (i32, i32) {
    %c0_i32 = arith.constant 0 : i32
    %c0_i32_0 = arith.constant 0 : i32
    %c0_i32_1 = arith.constant 0 : i32
    return %c0_i32, %c0_i32_0 : i32, i32
  }
  func.func @transform_4(%arg0: i32) -> (i32, i32) {
    %c0_i32 = arith.constant 0 : i32
    %c0_i32_0 = arith.constant 0 : i32
    %c0_i32_1 = arith.constant 0 : i32
    return %c0_i32, %c0_i32_0 : i32, i32
  }
  func.func @transform_5(%arg0: i32) -> (i32, i32) {
    %c0_i32 = arith.constant 0 : i32
    %c0_i32_0 = arith.constant 0 : i32
    %c0_i32_1 = arith.constant 0 : i32
    return %c0_i32, %c0_i32_0 : i32, i32
  }
  func.func @transform_6(%arg0: i32) -> (i32, i32) {
    %c0_i32 = arith.constant 0 : i32
    %c0_i32_0 = arith.constant 0 : i32
    return %arg0, %c0_i32 : i32, i32
  }
}

module attributes {stable_mosaic.version = 14 : i64} {
  func.func @_head_body(%arg0: i32, %arg1: memref<512x128xf32, #tpu.memory_space<vmem>>, %arg2: memref<128x40xf32, #tpu.memory_space<vmem>>, %arg3: memref<1x40xf32, #tpu.memory_space<vmem>>, %arg4: memref<1x40xf32, #tpu.memory_space<vmem>>, %arg5: memref<1x128xf32, #tpu.memory_space<vmem>>) attributes {dimension_semantics = [#tpu.dimension_semantics<arbitrary>], iteration_bounds = array<i64: 20>, scalar_prefetch = 0 : i64, scratch_operands = 1 : i64, tpu.core_type = #tpu.core_type<tc>, window_params = [{transform_indices = @transform_0, window_bounds = array<i64: 512, 128>}, {pipeline_mode = #tpu.pipeline_mode<synchronous>, transform_indices = @transform_1, window_bounds = array<i64: 128, 40>}, {pipeline_mode = #tpu.pipeline_mode<synchronous>, transform_indices = @transform_2, window_bounds = array<i64: 1, 40>}, {pipeline_mode = #tpu.pipeline_mode<synchronous>, transform_indices = @transform_3, window_bounds = array<i64: 1, 40>}]} {
    %eq3A = arith.constant 0 : i32
    %eq3A_0 = arith.cmpi eq, %arg0, %eq3A : i32
    %convert_element_type3A = arith.extui %eq3A_0 : i1 to i32
    %cond3A = arith.constant 0 : i32
    %cond3A_1 = arith.cmpi ne, %convert_element_type3A, %cond3A : i32
    scf.if %cond3A_1 {
      %broadcast_in_dim3A_23 = arith.constant 0.000000e+00 : f32
      %broadcast_in_dim3A_24 = vector.broadcast %broadcast_in_dim3A_23 : f32 to vector<1x128xf32>
      %swap3A_25 = arith.constant 0 : index
      %swap3A_26 = arith.constant 0 : index
      %swap3A_27 = vector.load %arg5[%swap3A_25, %swap3A_26] : memref<1x128xf32, #tpu.memory_space<vmem>>, vector<1x128xf32>
      tpu.vector_store %arg5[%swap3A_25, %swap3A_26], %broadcast_in_dim3A_24 {strides = array<i32>} : memref<1x128xf32, #tpu.memory_space<vmem>>, vector<1x128xf32>,
    } else {
    }
    %mul3A = arith.constant 512 : i32
    %mul3A_2 = arith.muli %arg0, %mul3A : i32
    %iota3A = tpu.iota {dimensions = array<i32: 0>} : vector<512x1xi32>
    %add3A = vector.broadcast %mul3A_2 : i32 to vector<512x1xi32>
    %add3A_3 = arith.addi %add3A, %iota3A : vector<512x1xi32>
    %lt3A = arith.constant 10000 : i32
    %lt3A_4 = vector.broadcast %lt3A : i32 to vector<512x1xi32>
    %lt3A_5 = arith.cmpi slt, %add3A_3, %lt3A_4 : vector<512x1xi32>
    %get3A = arith.constant 0 : index
    %get3A_6 = arith.constant 0 : index
    %get3A_7 = vector.load %arg1[%get3A, %get3A_6] : memref<512x128xf32, #tpu.memory_space<vmem>>, vector<512x128xf32>
    %jit3A = arith.constant 0.000000e+00 : f32
    %broadcast_in_dim3A = vector.shape_cast %lt3A_5 : vector<512x1xi1> to vector<512x1xi1>
    %broadcast_in_dim3A_8 = vector.broadcast %broadcast_in_dim3A : vector<512x1xi1> to vector<512x128xi1>
    %broadcast_in_dim3A_9 = vector.broadcast %jit3A : f32 to vector<512x128xf32>
    %select_n3A = arith.select %broadcast_in_dim3A_8, %get3A_7, %broadcast_in_dim3A_9 : vector<512x128xi1>, vector<512x128xf32>
    %get3A_10 = arith.constant 0 : index
    %get3A_11 = arith.constant 0 : index
    %get3A_12 = vector.load %arg5[%get3A_10, %get3A_11] : memref<1x128xf32, #tpu.memory_space<vmem>>, vector<1x128xf32>
    %reduce_sum3A = arith.constant dense<0.000000e+00> : vector<128xf32>
    %reduce_sum3A_13 = vector.multi_reduction <add>, %select_n3A, %reduce_sum3A [0] : vector<512x128xf32> to vector<128xf32>
    %broadcast_in_dim3A_14 = vector.shape_cast %reduce_sum3A_13 : vector<128xf32> to vector<1x128xf32>
    %add3A_15 = arith.addf %get3A_12, %broadcast_in_dim3A_14 : vector<1x128xf32>
    %swap3A = arith.constant 0 : index
    %swap3A_16 = arith.constant 0 : index
    %swap3A_17 = vector.load %arg5[%swap3A, %swap3A_16] : memref<1x128xf32, #tpu.memory_space<vmem>>, vector<1x128xf32>
    tpu.vector_store %arg5[%swap3A, %swap3A_16], %add3A_15 {strides = array<i32>} : memref<1x128xf32, #tpu.memory_space<vmem>>, vector<1x128xf32>,
    %eq3A_18 = arith.constant 19 : i32
    %eq3A_19 = arith.cmpi eq, %arg0, %eq3A_18 : i32
    %convert_element_type3A_20 = arith.extui %eq3A_19 : i1 to i32
    %cond3A_21 = arith.constant 0 : i32
    %cond3A_22 = arith.cmpi ne, %convert_element_type3A_20, %cond3A_21 : i32
    scf.if %cond3A_22 {
      %get3A_23 = arith.constant 0 : index
      %get3A_24 = arith.constant 0 : index
      %get3A_25 = vector.load %arg5[%get3A_23, %get3A_24] : memref<1x128xf32, #tpu.memory_space<vmem>>, vector<1x128xf32>
      %mul3A_26 = arith.constant 9.99999974E-5 : f32
      %mul3A_27 = vector.broadcast %mul3A_26 : f32 to vector<1x128xf32>
      %mul3A_28 = arith.mulf %get3A_25, %mul3A_27 : vector<1x128xf32>
      %get3A_29 = arith.constant 0 : index
      %get3A_30 = arith.constant 0 : index
      %get3A_31 = vector.load %arg2[%get3A_29, %get3A_30] : memref<128x40xf32, #tpu.memory_space<vmem>>, vector<128x40xf32>
      %dot_general3A = arith.constant dense<0.000000e+00> : vector<1x40xf32>
      %dot_general3A_32 = tpu.matmul %mul3A_28, %get3A_31, %dot_general3A {dimension_numbers = #tpu.dot_dimension_numbers<[1], [0], [0], [1], [0, 0, 1, 1], [], []>, transpose_lhs_hint = false} : vector<1x128xf32>, vector<128x40xf32>, vector<1x40xf32> -> vector<1x40xf32>
      %get3A_33 = arith.constant 0 : index
      %get3A_34 = arith.constant 0 : index
      %get3A_35 = vector.load %arg3[%get3A_33, %get3A_34] : memref<1x40xf32, #tpu.memory_space<vmem>>, vector<1x40xf32>
      %add3A_36 = arith.addf %dot_general3A_32, %get3A_35 : vector<1x40xf32>
      %swap3A_37 = arith.constant 0 : index
      %swap3A_38 = arith.constant 0 : index
      %swap3A_39 = vector.load %arg4[%swap3A_37, %swap3A_38] : memref<1x40xf32, #tpu.memory_space<vmem>>, vector<1x40xf32>
      tpu.vector_store %arg4[%swap3A_37, %swap3A_38], %add3A_36 {strides = array<i32>} : memref<1x40xf32, #tpu.memory_space<vmem>>, vector<1x40xf32>,
    } else {
    }
    return
  }
  func.func @transform_0(%arg0: i32) -> (i32, i32) {
    %c0_i32 = arith.constant 0 : i32
    %c0_i32_0 = arith.constant 0 : i32
    return %arg0, %c0_i32 : i32, i32
  }
  func.func @transform_1(%arg0: i32) -> (i32, i32) {
    %c0_i32 = arith.constant 0 : i32
    %c0_i32_0 = arith.constant 0 : i32
    %c0_i32_1 = arith.constant 0 : i32
    return %c0_i32, %c0_i32_0 : i32, i32
  }
  func.func @transform_2(%arg0: i32) -> (i32, i32) {
    %c0_i32 = arith.constant 0 : i32
    %c0_i32_0 = arith.constant 0 : i32
    %c0_i32_1 = arith.constant 0 : i32
    return %c0_i32, %c0_i32_0 : i32, i32
  }
  func.func @transform_3(%arg0: i32) -> (i32, i32) {
    %c0_i32 = arith.constant 0 : i32
    %c0_i32_0 = arith.constant 0 : i32
    %c0_i32_1 = arith.constant 0 : i32
    return %c0_i32, %c0_i32_0 : i32, i32
  }
}

</mosaic_0001>

<sc_bundles>
// kernel: kernel.13.cloned.1.call-start
scs
__scs_entry_jumppad:
0x0: {  	(pc) =	sbr.rel $0x88, $3  }
0x1: {  	(tag) =	ssettag $0x0;
	lr =	simm.s32 $0x1  }
0x2: {  	[smem:$0x3F8F] =	sst lr;
	_ =	strace $0xD0000000  }
0x3: {  	_ = 	snop  }
0x4: {  	_ = 	snop  }
0x5: {  	_ = 	snop  }
0x6: {  	_ = 	snop  }
0x7: {  	_ = 	snop  }
__scs_overlays_trampoline_lowered:
0x8: {  	[smem:$0x3F9E] =	sst s0  }
0x9: {  	[smem:$0x3F9F] =	sst s1  }
0xa: {  	[smem:$0x3FA0] =	sst s2  }
0xb: {  	[smem:$0x3FA1] =	sst s3  }
0xc: {  	[smem:$0x3FA2] =	sst s4  }
0xd: {  	[smem:$0x3FA3] =	sst s5  }
0xe: {  	[smem:$0x3FA4] =	sst s6  }
0xf: {  	[smem:$0x3FA5] =	sst s7  }
0x10: {  	[smem:$0x3FA6] =	sst s8  }
0x11: {  	[smem:$0x3FA7] =	sst s9;
	s0 =	simm.s32 @!p0 $0x0  }
0x12: {  	s1 =	sld [smem:$0x3F8D];
	s0 =	simm.s32 @p0 $0x1  }
0x13: {  	[smem:$0x3FA8] =	sst s0;
	s0 =	simm.s32 @!p1 $0x0  }
0x14: {  	s2 =	sld [smem:$0x3F8C];
	s0 =	simm.s32 @p1 $0x1  }
0x15: {  	[smem:$0x3FA9] =	sst s0;
	s0 =	simm.s32 @!p2 $0x0  }
0x16: {  	s3 =	sld [smem:$0x3FDB];
	s0 =	simm.s32 @p2 $0x1  }
0x17: {  	s4 =	simm.s32 $0x1BF5;
	[smem:$0x3FAB] =	sst s0  }
0x18: {  	s0 =	sld [smem:$0x3F8E];
	_ =	swait.ge [sflag:s4], $0x0  }
0x19: {  	s7 =	sld [smem:$0x3F8F]  }
0x1a: {  	s8 =	sadd.s32 $0xFFFFE003, lr  }
0x1b: {  	s9 =	sadd.s32 $0xFFFFFEF7, lr;
	s5 =	simm.s32 $0xFFFFFFFF;
	p2 =	slt.u32 s8, $0xFFFFF086  }
0x1c: {  	p1 =	slt.u32 s9, $0xF7A;
	s5 =	simm.s32 @!p2 $0x0  }
0x1d: {  	s5 =	simm.s32 @p1 $0x1;
	p0 =	seq.s32 s7, s2  }
0x1e: {  	s7 =	smul.u32 @!p0 $0xF7A, s2;
	p2 =	seq.s32 @!p0 s5, $0x0  }
0x1f: {  	s9 =	smul.u32 $0xF7A, s1;
	s8 =	simm.s32 @!p0 $0x1BF5;
	p2 =	por !p2, p0  }
0x20: {  	[sflag:s8] =	ssyncset.s32 @!p0 $0xFFFFF086;
	s6 =	sadd.s32 @!p0 s3, s7;
	s7 =	simm.s32 @!p0 $0x108  }
0x21: {  	s3 =	sadd.s32 s3, s9;
	s6 =	sadd.s32 @!p0 $0x88, s6;
	s7 =	simm.s32 @p2 $0x1082  }
0x22: {  	[simem:s7], [sflag:s8] =	dma.local @!p0 [hbm:s6], $0xF7A  }
0x23: {  	s9 =	sor.u32 $0xD0000000, s2;
	s6 =	simm.s32 $0x108;
	_ =	swait.ge @!p0 [sflag:s8], $0x0  }
0x24: {  	s3 =	sadd.s32 $0x88, s3;
	s6 =	simm.s32 @!p1 $0x1082;
	[sflag:s4] =	ssyncset.s32 $0xFFFFF086  }
0x25: {  	[simem:s6], [sflag:s4] =	dma.local [hbm:s3], $0xF7A  }
0x26: {  	[smem:$0x3F8F] =	sst s1;
	(tag) =	ssettag s2;
	_ =	strace s9  }
0x27: {  	s1 =	sld [smem:$0x3F9F]  }
0x28: {  	s2 =	sld [smem:$0x3FA0]  }
0x29: {  	s4 =	sld [smem:$0x3FA2]  }
0x2a: {  	p0 =	seq.s32 s5, $0x0;
	s5 =	sld [smem:$0x3FA3]  }
0x2b: {  	s6 =	sld [smem:$0x3FA4]  }
0x2c: {  	s7 =	sld [smem:$0x3FA5]  }
0x2d: {  	s3 =	simm.s32 $0x108;
	s8 =	sld [smem:$0x3FA6]  }
0x2e: {  	s3 =	simm.s32 @!p0 $0x1082;
	s9 =	sld [smem:$0x3FA7]  }
0x2f: {  	lr =	sadd.s32 s0, s3;
	s0 =	sld [smem:$0x3F9E]  }
0x30: {  	s3 =	sld [smem:$0x3FA1]  }
0x31: {  	[smem:$0x3FAA] =	sst s10  }
0x32: {  	s10 =	sld [smem:$0x3FA8];
	_ =	sdelay $0x3  }
0x33: {  	p0 =	seq.s32 s10, $0x1;
	s10 =	sld [smem:$0x3FAA];
	_ =	sdelay $0x3  }
0x34: {  	[smem:$0x3FAA] =	sst s10  }
0x35: {  	s10 =	sld [smem:$0x3FA9];
	_ =	sdelay $0x3  }
0x36: {  	p1 =	seq.s32 s10, $0x1;
	s10 =	sld [smem:$0x3FAA];
	_ =	sdelay $0x3  }
0x37: {  	[smem:$0x3FAA] =	sst s10  }
0x38: {  	s10 =	sld [smem:$0x3FAB]  }
0x39: {  	_ = 	snop;
	(pc) =	sbr.ind lr, $3  }
0x3a: {  	_ = 	snop  }
0x3b: {  	_ = 	snop  }
0x3c: {  	p2 =	seq.s32 s10, $0x1;
	s10 =	sld [smem:$0x3FAA]  }
0x3d: {  	_ =	shalt  }
0x3e: {  	_ =	shalt  }
0x3f: {  	_ =	shalt  }
0x40: {  	_ =	shalt  }
0x41: {  	_ =	shalt  }
0x42: {  	_ =	shalt  }
0x43: {  	_ =	shalt  }
0x44: {  	_ =	shalt  }
0x45: {  	_ =	shalt  }
0x46: {  	_ =	shalt  }
0x47: {  	_ =	shalt  }
0x48: {  	_ =	shalt  }
0x49: {  	_ =	shalt  }
0x4a: {  	_ =	shalt  }
0x4b: {  	_ =	shalt  }
0x4c: {  	_ =	shalt  }
0x4d: {  	_ =	shalt  }
0x4e: {  	_ =	shalt  }
0x4f: {  	_ =	shalt  }
0x50: {  	_ =	shalt  }
0x51: {  	_ =	shalt  }
0x52: {  	_ =	shalt  }
0x53: {  	_ =	shalt  }
0x54: {  	_ =	shalt  }
0x55: {  	_ =	shalt  }
0x56: {  	_ =	shalt  }
0x57: {  	_ =	shalt  }
0x58: {  	_ =	shalt  }
0x59: {  	_ =	shalt  }
0x5a: {  	_ =	shalt  }
0x5b: {  	_ =	shalt  }
0x5c: {  	_ =	shalt  }
0x5d: {  	_ =	shalt  }
0x5e: {  	_ =	shalt  }
0x5f: {  	_ =	shalt  }
0x60: {  	_ =	shalt  }
0x61: {  	_ =	shalt  }
0x62: {  	_ =	shalt  }
0x63: {  	_ =	shalt  }
0x64: {  	_ =	shalt  }
0x65: {  	_ =	shalt  }
0x66: {  	_ =	shalt  }
0x67: {  	_ =	shalt  }
0x68: {  	_ =	shalt  }
0x69: {  	_ =	shalt  }
0x6a: {  	_ =	shalt  }
0x6b: {  	_ =	shalt  }
0x6c: {  	_ =	shalt  }
0x6d: {  	_ =	shalt  }
0x6e: {  	_ =	shalt  }
0x6f: {  	_ =	shalt  }
0x70: {  	_ =	shalt  }
0x71: {  	_ =	shalt  }
0x72: {  	_ =	shalt  }
0x73: {  	_ =	shalt  }
0x74: {  	_ =	shalt  }
0x75: {  	_ =	shalt  }
0x76: {  	_ =	shalt  }
0x77: {  	_ =	shalt  }
0x78: {  	_ =	shalt  }
0x79: {  	_ =	shalt  }
0x7a: {  	_ =	shalt  }
0x7b: {  	_ =	shalt  }
0x7c: {  	_ =	shalt  }
0x7d: {  	_ =	shalt  }
0x7e: {  	_ =	shalt  }
0x7f: {  	_ =	shalt  }
0x80: {  	_ =	shalt  }
0x81: {  	_ =	shalt  }
0x82: {  	_ =	shalt  }
0x83: {  	_ =	shalt  }
0x84: {  	_ =	shalt  }
0x85: {  	_ =	shalt  }
0x86: {  	_ =	shalt  }
0x87: {  	_ =	shalt  }
.Lfunc_end0:
.L_simem_size_0:
called_computation_lowered:
.L_overlay_start_0:
0x88: {  	s2 =	sld [smem:$0x3FD9]  }
0x89: {  	s3 =	sld [smem:$0x3FFE];
	_ =	sdelay $0x1  }
0x8a: {  	s1 =	srdreg.scid  }
0x8b: {  	s0 =	sand.u32 $0x1, s1  }
0x8c: {  	s16 =	sshll.u32 s0, $0xA;
	s2 =	sadd.s32 s3, s2  }
0x8d: {  	s2 =	sadd.s32 s2, s16  }
0x8e: {  	[smem:$0x3FB6] =	sst s2  }
0x8f: {  	_ = 	snop  }
0x90: {  	(tm) =	ssettm $0x1  }
0x91: {  	s17 =	sld [smem:$0x3FFB];
	_ =	sdelay $0x3  }
0x92: {  	_ =	strace s17  }
0x93: {  	s2 =	sld [smem:$0x3FFC];
	_ =	sdelay $0x3  }
0x94: {  	_ =	strace s2  }
0x95: {  	s2 =	sld [smem:$0x3FFD];
	_ =	sdelay $0x3  }
0x96: {  	_ =	strace s2  }
0x97: {  	_ =	strace $0x8FFFFFFF  }
0x98: {  	s18 =	sld [smem:$0x3FDB];
	_ =	sdelay $0x1  }
0x99: {  	s19 =	simm.s32 $_scs_section_size  }
0x9a: {  	s4 =	simm.s32 $_size__tile_overlayer_lowered;
	s5 =	simm.s32 $_tile_overlayer_lowered  }
0x9b: {  	s22 =	simm.s32 $0x1BFF;
	s21 =	sshll.u32 s5, $0x1;
	s2 =	sadd.s32 s19, s18  }
0x9c: {  	s6 =	simm.s32 $0x0;
	s20 =	sshll.u32 s4, $0x1;
	s4 =	sadd.s32 s21, s2  }
0x9d: {  	[timem:s6], [sflag:s22] =	dma.local [hbm:s4], s20  }
0x9e: {  	_ =	swait.ge [sflag:s22], s20  }
0x9f: {  	s3 =	ssub.s32 $0x0, s20;
	[sflag:s22] =	ssyncset.done $0x0  }
0xa0: {  	[sflag:s22] =	ssyncadd.s32 s3;
	_ =	sdelay $0x1  }
0xa1: {  	s23 =	simm.s32 $0x1B8B  }
0xa2: {  	_ =	swait.ge [sflag:s23], $0x1  }
0xa3: {  	[sflag:s23] =	ssyncset.done $0x0  }
0xa4: {  	s25 =	simm.s32 $0x1B8E;
	s24 =	sld [smem:$0x3FFE];
	[sflag:s23] =	ssyncadd.s32 $0xFFFFFFFF  }
0xa5: {  	s26 =	simm.s32 $execute0_lowered;
	[smem:$0x3FD2] =	sst s25  }
0xa6: {  	s4 =	sshll.u32 s26, $0x1;
	_ =	strace $0x80000046;
	[dreg:$0x1] =	wrdreg $0xFFFFFFFF  }
0xa7: {  	s28 =	simm.s32 $_size_execute0_lowered;
	s2 =	sadd.s32 s2, s4;
	[dreg:$0x0] =	wrdreg $0x0  }
0xa8: {  	s4 =	sshll.u32 s28, $0x1;
	[dreg:$0x2] =	wrdreg s2  }
0xa9: {  	[dreg:$0x3] =	wrdreg s4  }
0xaa: {  	[dreg:$0x4] =	wrdreg $0xC0  }
0xab: {  	_ =	task [dreg:s6], $0x5FFFF  }
0xac: {  	[dreg:$0x1] =	wrdreg $0xFFFFFFFF  }
0xad: {  	[dreg:$0x0] =	wrdreg $0x60  }
0xae: {  	[dreg:$0x2] =	wrdreg s24  }
0xaf: {  	[dreg:$0x3] =	wrdreg $0xA8000  }
0xb0: {  	[dreg:$0x4] =	wrdreg $0x9  }
0xb1: {  	_ =	task.clear_ibuf [dreg:s6], $0x5FFFF;
	_ =	strace $0x90000046  }
0xb2: {  	s29 =	simm.s32 $0x9;
	_ =	strace $0x80000048  }
0xb3: {  	_ =	swait.ge [sflag:s29], $0x1  }
0xb4: {  	[sflag:s29] =	ssyncadd.s32 $0xFFFFFFFF  }
0xb5: {  	_ =	strace $0x90000048  }
0xb6: {  	_ =	sfence  }
0xb7: {  	s30 =	sld [smem:$0x0];
	_ =	sdelay $0x2  }
0xb8: {  	s31 =	sshll.u32 s1, $0xD;
	s1 =	sshrl.u32 s1, $0x2  }
0xb9: {  	s3 =	sand.u32 $0x4000, s31;
	s1 =	sadd.s32 s1, s30  }
0xba: {  	s0 =	sor.u32 s3, s0;
	s1 =	sshll.u32 s1, $0x11  }
0xbb: {  	s0 =	sor.u32 s1, s0  }
0xbc: {  	s0 =	sadd.s32 $0x8F2B, s0  }
0xbd: {  	[sflag:s0] =	ssyncadd.remote.s32 $0x1  }
0xbe: {  	_ =	sfence.sel $0xFFFF  }
0xbf: {  	[dreg:$0x0] =	wrdreg $0xFFFFFFFF;
	(pc) =	sbr.abs _section_cstart, $3  }
0xc0: {  	[dreg:$0x1] =	wrdreg $0xFFFFFFFF  }
0xc1: {  	_ =	task.clear_ibuf [dreg:s6], $0x2FFFF;
	_ =	strace $0x9FFFFFFF  }
0xc2: {  	(tm) =	ssettm $0x7FFFFFFF  }
0xc3: {  	_ =	shalt  }
tec
execute0_lowered:
.L_overlay_start_1:
0x0: {  	(tag) =	ssettag $0x1  }
0x1: {  	s0 =	rddreg [dreg:$0x0]  }
0x2: {  	s1 =	rddreg [dreg:$0x1];
	s2 =	simm.s32 $0x0;
	s5 =	srdreg.scid  }
0x3: {  	s19 =	stileid.u32;
	s28 =	simm.s32 $0x2;
	s29 =	simm.s32 $0x1380  }
0x4: {  	s30 =	simm.s32 $0x2700;
	s31 =	simm.s32 $0x2780;
	[smem:$0x7FF] =	sst s2  }
0x5: {  	s4 =	sadd.s32 $0x19C00, s0;
	s3 =	sadd.s32 $0xFC00, s0;
	s20 =	sadd.s32 $0x5C00, s0  }
0x6: {  	s5 =	sand.u32 $0x1, s5;
	s10 =	smul.u32 $0x280, s19;
	s6 =	sadd.s32 $0x41C00, s0  }
0x7: {  	s7 =	smul.u32 $0x50000, s19;
	s0 =	sadd.s32 $0x42400, s0;
	_ =	strace $0x80000047  }
0x8: {  	[dreg:$0x3] =	wrdreg s6;
	s13 =	ssub.s32 $0x2, s5;
	p0 =	seq.s32 s5, $0x0  }
0x9: {  	s8 =	sshrl.u32 s13, $0x1;
	s12 =	sadd.s32 $0x80, s10;
	s14 =	sshrl.u32 s7, $0x2  }
0xa: {  	s16 =	ssub.s32 s13, s8;
	s15 =	sshll.u32 s12, $0x7;
	s6 =	sadd.s32 s14, s1  }
0xb: {  	s13 =	sadd.s32 $0x100, s10;
	s14 =	sadd.s32 $0x180, s10;
	s7 =	sadd.s32 s15, s1  }
0xc: {  	s17 =	sshll.u32 s13, $0x7;
	s15 =	smul.u32 $0x2800, s5;
	s9 =	sshll.u32 s14, $0x7  }
0xd: {  	s16 =	smax.u32 s16, $0x1;
	s8 =	sadd.s32 s17, s1;
	s17 =	sadd.s32 $0x200, s10  }
0xe: {  	s9 =	sadd.s32 s9, s1;
	s11 =	sshll.u32 s17, $0x7;
	s18 =	sadd.s32 s10, s15  }
0xf: {  	s21 =	sadd.s32 s15, s12;
	s22 =	sadd.s32 s15, s13;
	s24 =	sadd.s32 s15, s14  }
0x10: {  	s15 =	sadd.s32 s15, s17;
	s10 =	sadd.s32 s11, s1;
	s18 =	sshll.u32 s18, $0x4  }
0x11: {  	s13 =	sshll.u32 s22, $0x4;
	s25 =	sshll.u32 s15, $0x4;
	s22 =	simm.s32 $0x3  }
0x12: {  	s5 =	sadd.s32 s0, s18;
	s18 =	smul.u32 $0x500, s19;
	s23 =	sadd.s32 s0, s13  }
0x13: {  	s15 =	sadd.s32 s0, s25;
	s25 =	simm.s32 $0x6800;
	[dreg:$0x4] =	wrdreg s5  }
0x14: {  	s5 =	sshll.u32 s21, $0x4;
	[dreg:$0x6] =	wrdreg s23;
	s21 =	simm.s32 $0x2800  }
0x15: {  	s23 =	simm.s32 $0x1400;
	s5 =	sadd.s32 s0, s5;
	s19 =	sadd.s32 $0x5000, s18  }
0x16: {  	[dreg:$0x5] =	wrdreg s5;
	s5 =	sshll.u32 s24, $0x4;
	s19 =	smov.u32 @p0 s18  }
0x17: {  	s24 =	simm.s32 $0x80;
	s14 =	sadd.s32 s0, s5;
	s26 =	sadd.s32 $0x280, s19  }
0x18: {  	s17 =	sadd.s32 s3, s19;
	s18 =	sadd.s32 s20, s19;
	s0 =	simm.s32 $0x0  }
0x19: {  	s19 =	sadd.s32 s3, s26;
	s20 =	sadd.s32 s20, s26;
	s26 =	simm.s32 $0x1  }
.LBB2_1:
0x1a: {  	s3 =	rddreg [dreg:$0x3]  }
0x1b: {  	[tilespmem:s21], [sflag:$0x3] =	stream.linear.gather [hbm4b:s3+s2], $0x4000, $0x38;
	[tilespmem:$0x1E800] =	vst v63  }
0x1c: {  	_ =	swait.ge [sflag:s22], $0x4000  }
0x1d: {  	[sflag:s22] =	ssyncset.done $0x0  }
0x1e: {  	[sflag:s22] =	ssyncadd.s32 $0xFFFFC000  }
0x1f: {  	[spmem:s6] =	stream.linear.scatter [tilespmem:s21], [sflag:$0x3], $0x4000, $0x38;
	[tilespmem:$0x1E800] =	vst v63  }
0x20: {  	_ =	swait.ge [sflag:s22], $0x4000  }
0x21: {  	[sflag:s22] =	ssyncset.done $0x0  }
0x22: {  	[sflag:s22] =	ssyncadd.s32 $0xFFFFC000  }
0x23: {  	[spmem:s7] =	stream.linear.scatter [tilespmem:s21], [sflag:$0x3], $0x4000, $0x38;
	[tilespmem:$0x1E800] =	vst v63  }
0x24: {  	_ =	swait.ge [sflag:s22], $0x4000  }
0x25: {  	[sflag:s22] =	ssyncset.done $0x0  }
0x26: {  	[sflag:s22] =	ssyncadd.s32 $0xFFFFC000  }
0x27: {  	[spmem:s8] =	stream.linear.scatter [tilespmem:s21], [sflag:$0x3], $0x4000, $0x38;
	[tilespmem:$0x1E800] =	vst v63  }
0x28: {  	_ =	swait.ge [sflag:s22], $0x4000  }
0x29: {  	[sflag:s22] =	ssyncset.done $0x0  }
0x2a: {  	[sflag:s22] =	ssyncadd.s32 $0xFFFFC000  }
0x2b: {  	[spmem:s9] =	stream.linear.scatter [tilespmem:s21], [sflag:$0x3], $0x4000, $0x38;
	[tilespmem:$0x1E800] =	vst v63  }
0x2c: {  	_ =	swait.ge [sflag:s22], $0x4000  }
0x2d: {  	[sflag:s22] =	ssyncset.done $0x0  }
0x2e: {  	[sflag:s22] =	ssyncadd.s32 $0xFFFFC000  }
0x2f: {  	[spmem:s10] =	stream.linear.scatter [tilespmem:s21], [sflag:$0x3], $0x4000, $0x38;
	[tilespmem:$0x1E800] =	vst v63  }
0x30: {  	_ =	swait.ge [sflag:s22], $0x4000  }
0x31: {  	[sflag:s22] =	ssyncset.done $0x0  }
0x32: {  	[sflag:s22] =	ssyncadd.s32 $0xFFFFC000  }
0x33: {  	[bflag:$0x0] =	sbarrier.arrive $0xFFFF  }
0x34: {  	[tilespmem:s2], [sflag:$0x3] =	stream.linear.gather [hbm4b:s17+s2], $0x1400, $0x38;
	[tilespmem:$0x1E800] =	vst v63  }
0x35: {  	_ =	swait.ge [sflag:s22], $0x1400  }
0x36: {  	[sflag:s22] =	ssyncset.done $0x0  }
0x37: {  	[sflag:s22] =	ssyncadd.s32 $0xFFFFEC00  }
0x38: {  	[tilespmem:s23], [sflag:$0x3] =	stream.linear.gather [hbm4b:s18+s2], $0x1400, $0x38;
	[tilespmem:$0x1E800] =	vst v63  }
0x39: {  	_ =	swait.ge [sflag:s22], $0x1400  }
0x3a: {  	[sflag:s22] =	ssyncset.done $0x0  }
0x3b: {  	[sflag:s22] =	ssyncadd.s32 $0xFFFFEC00  }
0x3c: {  	[tilespmem:s21], [sflag:$0x1] =	stream.indirect.gather [hbm4b:s4+s24], $0x80, s2, s24, $0xb8;
	[tilespmem:$0x1E800] =	vst v63  }
0x3d: {  	s5 =	simm.s32 $0x80  }
0x3e: {  	[tilespmem:s25], [sflag:$0x2] =	stream.indirect.gather [hbm4b:s4+s24], $0x80, s5, s24, $0xb8;
	[tilespmem:$0x1E800] =	vst v63  }
0x3f: {  	_ =	swait.ge [sflag:s26], $0x4000  }
0x40: {  	[sflag:s26] =	ssyncset.done $0x0  }
0x41: {  	s11 =	simm.s32 $0x1400;
	[sflag:s26] =	ssyncadd.s32 $0xFFFFC000  }
0x42: {  	[spmem:s1] =	stream.indirect.scatter.add.f32 [tilespmem:s21], [sflag:$0x3], $0x80, s11, s24, $0xb8;
	[tilespmem:$0x1E800] =	vst v63  }
0x43: {  	_ =	swait.ge [sflag:s22], $0x4000  }
0x44: {  	[sflag:s22] =	ssyncset.done $0x0  }
0x45: {  	s12 =	simm.s32 $0x100;
	[sflag:s22] =	ssyncadd.s32 $0xFFFFC000  }
0x46: {  	[tilespmem:s21], [sflag:$0x1] =	stream.indirect.gather [hbm4b:s4+s24], $0x80, s12, s24, $0xb8;
	[tilespmem:$0x1E800] =	vst v63  }
0x47: {  	_ =	swait.ge [sflag:s28], $0x4000  }
0x48: {  	[sflag:s28] =	ssyncset.done $0x0  }
0x49: {  	s13 =	simm.s32 $0x1480;
	[sflag:s28] =	ssyncadd.s32 $0xFFFFC000  }
0x4a: {  	[spmem:s1] =	stream.indirect.scatter.add.f32 [tilespmem:s25], [sflag:$0x3], $0x80, s13, s24, $0xb8;
	[tilespmem:$0x1E800] =	vst v63  }
0x4b: {  	_ =	swait.ge [sflag:s22], $0x4000  }
0x4c: {  	s3 =	simm.s32 $0x100;
	s5 =	simm.s32 $0x800;
	[sflag:s22] =	ssyncset.done $0x0  }
.LBB2_2:
0x4d: {  	s11 =	sadd.s32 $0x80, s3  }
0x4e: {  	[sflag:s22] =	ssyncadd.s32 $0xFFFFC000;
	s12 =	smov.u32 s5;
	s13 =	sadd.s32 $0x400, s5  }
0x4f: {  	[tilespmem:s25], [sflag:$0x2] =	stream.indirect.gather [hbm4b:s4+s24], $0x80, s11, s24, $0xb8;
	[tilespmem:$0x1E800] =	vst v63  }
0x50: {  	p0 =	sne.s32 s5, $0x4800;
	_ =	swait.ge [sflag:s26], $0x4000  }
0x51: {  	[sflag:s26] =	ssyncset.done $0x0  }
0x52: {  	s5 =	sadd.s32 $0x1400, s3;
	[sflag:s26] =	ssyncadd.s32 $0xFFFFC000  }
0x53: {  	[spmem:s1] =	stream.indirect.scatter.add.f32 [tilespmem:s21], [sflag:$0x3], $0x80, s5, s24, $0xb8;
	[tilespmem:$0x1E800] =	vst v63  }
0x54: {  	_ =	swait.ge [sflag:s22], $0x4000  }
0x55: {  	[sflag:s22] =	ssyncset.done $0x0  }
0x56: {  	s5 =	sadd.s32 $0x100, s3;
	[sflag:s22] =	ssyncadd.s32 $0xFFFFC000  }
0x57: {  	[tilespmem:s21], [sflag:$0x1] =	stream.indirect.gather [hbm4b:s4+s24], $0x80, s5, s24, $0xb8;
	[tilespmem:$0x1E800] =	vst v63  }
0x58: {  	_ =	swait.ge [sflag:s28], $0x4000  }
.Ltmp0:
0x59: {  	[sflag:s28] =	ssyncset.done $0x0;
	(pc) =	sbr.rel @p0 .LBB2_2-.Ltmp0, $4  }
0x5a: {  	s3 =	sadd.s32 $0x1480, s3;
	[sflag:s28] =	ssyncadd.s32 $0xFFFFC000  }
0x5b: {  	[spmem:s1] =	stream.indirect.scatter.add.f32 [tilespmem:s25], [sflag:$0x3], $0x80, s3, s24, $0xb8;
	[tilespmem:$0x1E800] =	vst v63  }
0x5c: {  	_ =	swait.ge [sflag:s22], $0x4000  }
0x5d: {  	s5 =	smov.u32 s13;
	s3 =	sshra.s32 s12, $0x2;
	[sflag:s22] =	ssyncset.done $0x0  }
0x5e: {  	s5 =	sadd.s32 $0x80, s3;
	[sflag:s22] =	ssyncadd.s32 $0xFFFFC000  }
0x5f: {  	[tilespmem:s25], [sflag:$0x2] =	stream.indirect.gather [hbm4b:s4+s24], $0x80, s5, s24, $0xb8;
	[tilespmem:$0x1E800] =	vst v63  }
0x60: {  	_ =	swait.ge [sflag:s26], $0x4000  }
0x61: {  	[sflag:s26] =	ssyncset.done $0x0  }
0x62: {  	s13 =	sadd.s32 $0x1400, s3;
	[sflag:s26] =	ssyncadd.s32 $0xFFFFC000  }
0x63: {  	[spmem:s1] =	stream.indirect.scatter.add.f32 [tilespmem:s21], [sflag:$0x3], $0x80, s13, s24, $0xb8;
	[tilespmem:$0x1E800] =	vst v63  }
0x64: {  	_ =	swait.ge [sflag:s22], $0x4000  }
0x65: {  	[sflag:s22] =	ssyncset.done $0x0  }
0x66: {  	s11 =	sadd.s32 $0x100, s3;
	[sflag:s22] =	ssyncadd.s32 $0xFFFFC000  }
0x67: {  	[tilespmem:s21], [sflag:$0x1] =	stream.indirect.gather [hbm4b:s4+s24], $0x80, s11, s24, $0xb8;
	[tilespmem:$0x1E800] =	vst v63  }
0x68: {  	_ =	swait.ge [sflag:s28], $0x4000  }
0x69: {  	[sflag:s28] =	ssyncset.done $0x0  }
0x6a: {  	s12 =	sadd.s32 $0x1480, s3;
	[sflag:s28] =	ssyncadd.s32 $0xFFFFC000  }
0x6b: {  	[spmem:s1] =	stream.indirect.scatter.add.f32 [tilespmem:s25], [sflag:$0x3], $0x80, s12, s24, $0xb8;
	[tilespmem:$0x1E800] =	vst v63  }
0x6c: {  	_ =	swait.ge [sflag:s22], $0x4000  }
0x6d: {  	[sflag:s22] =	ssyncset.done $0x0  }
0x6e: {  	[sflag:s22] =	ssyncadd.s32 $0xFFFFC000  }
0x6f: {  	[tilespmem:s25], [sflag:$0x2] =	stream.indirect.gather [hbm4b:s4+s24], $0x80, s29, s24, $0xb8;
	[tilespmem:$0x1E800] =	vst v63  }
0x70: {  	_ =	swait.ge [sflag:s26], $0x4000  }
0x71: {  	[sflag:s26] =	ssyncset.done $0x0  }
0x72: {  	[sflag:s26] =	ssyncadd.s32 $0xFFFFC000  }
0x73: {  	[spmem:s1] =	stream.indirect.scatter.add.f32 [tilespmem:s21], [sflag:$0x3], $0x80, s30, s24, $0xb8;
	[tilespmem:$0x1E800] =	vst v63  }
0x74: {  	_ =	swait.ge [sflag:s22], $0x4000  }
0x75: {  	[sflag:s22] =	ssyncset.done $0x0  }
0x76: {  	[sflag:s22] =	ssyncadd.s32 $0xFFFFC000  }
0x77: {  	_ =	swait.ge [sflag:s28], $0x4000  }
0x78: {  	[sflag:s28] =	ssyncset.done $0x0  }
0x79: {  	[sflag:s28] =	ssyncadd.s32 $0xFFFFC000  }
0x7a: {  	[spmem:s1] =	stream.indirect.scatter.add.f32 [tilespmem:s25], [sflag:$0x3], $0x80, s31, s24, $0xb8;
	[tilespmem:$0x1E800] =	vst v63  }
0x7b: {  	_ =	swait.ge [sflag:s22], $0x4000  }
0x7c: {  	[sflag:s22] =	ssyncset.done $0x0  }
0x7d: {  	s13 =	simm.s32 $0x0;
	[sflag:s22] =	ssyncadd.s32 $0xFFFFC000  }
0x7e: {  	[tilespmem:s13], [sflag:$0x3] =	stream.linear.gather [hbm4b:s19+s13], $0x1400, $0x38;
	[tilespmem:$0x1E800] =	vst v63  }
0x7f: {  	_ =	swait.ge [sflag:s22], $0x1400  }
0x80: {  	[sflag:s22] =	ssyncset.done $0x0  }
0x81: {  	[sflag:s22] =	ssyncadd.s32 $0xFFFFEC00  }
0x82: {  	[tilespmem:s23], [sflag:$0x3] =	stream.linear.gather [hbm4b:s20+s13], $0x1400, $0x38;
	[tilespmem:$0x1E800] =	vst v63  }
0x83: {  	_ =	swait.ge [sflag:s22], $0x1400  }
0x84: {  	[sflag:s22] =	ssyncset.done $0x0  }
0x85: {  	[sflag:s22] =	ssyncadd.s32 $0xFFFFEC00  }
0x86: {  	[tilespmem:s21], [sflag:$0x1] =	stream.indirect.gather [hbm4b:s4+s24], $0x80, s13, s24, $0xb8;
	[tilespmem:$0x1E800] =	vst v63  }
0x87: {  	s5 =	simm.s32 $0x80  }
0x88: {  	[tilespmem:s25], [sflag:$0x2] =	stream.indirect.gather [hbm4b:s4+s24], $0x80, s5, s24, $0xb8;
	[tilespmem:$0x1E800] =	vst v63  }
0x89: {  	_ =	swait.ge [sflag:s26], $0x4000  }
0x8a: {  	[sflag:s26] =	ssyncset.done $0x0  }
0x8b: {  	s11 =	simm.s32 $0x1400;
	[sflag:s26] =	ssyncadd.s32 $0xFFFFC000  }
0x8c: {  	[spmem:s1] =	stream.indirect.scatter.add.f32 [tilespmem:s21], [sflag:$0x3], $0x80, s11, s24, $0xb8;
	[tilespmem:$0x1E800] =	vst v63  }
0x8d: {  	_ =	swait.ge [sflag:s22], $0x4000  }
0x8e: {  	[sflag:s22] =	ssyncset.done $0x0  }
0x8f: {  	s12 =	simm.s32 $0x100;
	[sflag:s22] =	ssyncadd.s32 $0xFFFFC000  }
0x90: {  	[tilespmem:s21], [sflag:$0x1] =	stream.indirect.gather [hbm4b:s4+s24], $0x80, s12, s24, $0xb8;
	[tilespmem:$0x1E800] =	vst v63  }
0x91: {  	_ =	swait.ge [sflag:s28], $0x4000  }
0x92: {  	[sflag:s28] =	ssyncset.done $0x0  }
0x93: {  	s13 =	simm.s32 $0x1480;
	[sflag:s28] =	ssyncadd.s32 $0xFFFFC000  }
0x94: {  	[spmem:s1] =	stream.indirect.scatter.add.f32 [tilespmem:s25], [sflag:$0x3], $0x80, s13, s24, $0xb8;
	[tilespmem:$0x1E800] =	vst v63  }
0x95: {  	_ =	swait.ge [sflag:s22], $0x4000  }
0x96: {  	s3 =	simm.s32 $0x100;
	s5 =	simm.s32 $0x800;
	[sflag:s22] =	ssyncset.done $0x0  }
.LBB2_4:
0x97: {  	s11 =	sadd.s32 $0x80, s3  }
0x98: {  	[sflag:s22] =	ssyncadd.s32 $0xFFFFC000;
	s12 =	smov.u32 s5;
	s13 =	sadd.s32 $0x400, s5  }
0x99: {  	[tilespmem:s25], [sflag:$0x2] =	stream.indirect.gather [hbm4b:s4+s24], $0x80, s11, s24, $0xb8;
	[tilespmem:$0x1E800] =	vst v63  }
0x9a: {  	p0 =	sne.s32 s5, $0x4800;
	_ =	swait.ge [sflag:s26], $0x4000  }
0x9b: {  	[sflag:s26] =	ssyncset.done $0x0  }
0x9c: {  	s5 =	sadd.s32 $0x1400, s3;
	[sflag:s26] =	ssyncadd.s32 $0xFFFFC000  }
0x9d: {  	[spmem:s1] =	stream.indirect.scatter.add.f32 [tilespmem:s21], [sflag:$0x3], $0x80, s5, s24, $0xb8;
	[tilespmem:$0x1E800] =	vst v63  }
0x9e: {  	_ =	swait.ge [sflag:s22], $0x4000  }
0x9f: {  	[sflag:s22] =	ssyncset.done $0x0  }
0xa0: {  	s5 =	sadd.s32 $0x100, s3;
	[sflag:s22] =	ssyncadd.s32 $0xFFFFC000  }
0xa1: {  	[tilespmem:s21], [sflag:$0x1] =	stream.indirect.gather [hbm4b:s4+s24], $0x80, s5, s24, $0xb8;
	[tilespmem:$0x1E800] =	vst v63  }
0xa2: {  	_ =	swait.ge [sflag:s28], $0x4000  }
.Ltmp1:
0xa3: {  	[sflag:s28] =	ssyncset.done $0x0;
	(pc) =	sbr.rel @p0 .LBB2_4-.Ltmp1, $4  }
0xa4: {  	s3 =	sadd.s32 $0x1480, s3;
	[sflag:s28] =	ssyncadd.s32 $0xFFFFC000  }
0xa5: {  	[spmem:s1] =	stream.indirect.scatter.add.f32 [tilespmem:s25], [sflag:$0x3], $0x80, s3, s24, $0xb8;
	[tilespmem:$0x1E800] =	vst v63  }
0xa6: {  	_ =	swait.ge [sflag:s22], $0x4000  }
0xa7: {  	s5 =	smov.u32 s13;
	s3 =	sshra.s32 s12, $0x2;
	[sflag:s22] =	ssyncset.done $0x0  }
0xa8: {  	s5 =	sadd.s32 $0x80, s3;
	[sflag:s22] =	ssyncadd.s32 $0xFFFFC000  }
0xa9: {  	[tilespmem:s25], [sflag:$0x2] =	stream.indirect.gather [hbm4b:s4+s24], $0x80, s5, s24, $0xb8;
	[tilespmem:$0x1E800] =	vst v63  }
0xaa: {  	_ =	swait.ge [sflag:s26], $0x4000  }
0xab: {  	[sflag:s26] =	ssyncset.done $0x0  }
0xac: {  	s12 =	sadd.s32 $0x1400, s3;
	[sflag:s26] =	ssyncadd.s32 $0xFFFFC000  }
0xad: {  	[spmem:s1] =	stream.indirect.scatter.add.f32 [tilespmem:s21], [sflag:$0x3], $0x80, s12, s24, $0xb8;
	[tilespmem:$0x1E800] =	vst v63  }
0xae: {  	_ =	swait.ge [sflag:s22], $0x4000  }
0xaf: {  	[sflag:s22] =	ssyncset.done $0x0  }
0xb0: {  	s13 =	sadd.s32 $0x100, s3;
	[sflag:s22] =	ssyncadd.s32 $0xFFFFC000  }
0xb1: {  	[tilespmem:s21], [sflag:$0x1] =	stream.indirect.gather [hbm4b:s4+s24], $0x80, s13, s24, $0xb8;
	[tilespmem:$0x1E800] =	vst v63  }
0xb2: {  	_ =	swait.ge [sflag:s28], $0x4000  }
0xb3: {  	[sflag:s28] =	ssyncset.done $0x0  }
0xb4: {  	s5 =	sadd.s32 $0x1480, s3;
	[sflag:s28] =	ssyncadd.s32 $0xFFFFC000  }
0xb5: {  	[spmem:s1] =	stream.indirect.scatter.add.f32 [tilespmem:s25], [sflag:$0x3], $0x80, s5, s24, $0xb8;
	[tilespmem:$0x1E800] =	vst v63  }
0xb6: {  	_ =	swait.ge [sflag:s22], $0x4000  }
0xb7: {  	[sflag:s22] =	ssyncset.done $0x0  }
0xb8: {  	[sflag:s22] =	ssyncadd.s32 $0xFFFFC000  }
0xb9: {  	[tilespmem:s25], [sflag:$0x2] =	stream.indirect.gather [hbm4b:s4+s24], $0x80, s29, s24, $0xb8;
	[tilespmem:$0x1E800] =	vst v63  }
0xba: {  	_ =	swait.ge [sflag:s26], $0x4000  }
0xbb: {  	[sflag:s26] =	ssyncset.done $0x0  }
0xbc: {  	[sflag:s26] =	ssyncadd.s32 $0xFFFFC000  }
0xbd: {  	[spmem:s1] =	stream.indirect.scatter.add.f32 [tilespmem:s21], [sflag:$0x3], $0x80, s30, s24, $0xb8;
	[tilespmem:$0x1E800] =	vst v63  }
0xbe: {  	_ =	swait.ge [sflag:s22], $0x4000  }
0xbf: {  	[sflag:s22] =	ssyncset.done $0x0  }
0xc0: {  	[sflag:s22] =	ssyncadd.s32 $0xFFFFC000  }
0xc1: {  	_ =	swait.ge [sflag:s28], $0x4000  }
0xc2: {  	[sflag:s28] =	ssyncset.done $0x0  }
0xc3: {  	[sflag:s28] =	ssyncadd.s32 $0xFFFFC000  }
0xc4: {  	[spmem:s1] =	stream.indirect.scatter.add.f32 [tilespmem:s25], [sflag:$0x3], $0x80, s31, s24, $0xb8;
	[tilespmem:$0x1E800] =	vst v63  }
0xc5: {  	_ =	swait.ge [sflag:s22], $0x4000  }
0xc6: {  	[sflag:s22] =	ssyncset.done $0x0  }
0xc7: {  	[sflag:s22] =	ssyncadd.s32 $0xFFFFC000  }
0xc8: {  	[bflag:$0x0] =	sbarrier.arrive $0xFFFF  }
0xc9: {  	[tilespmem:s21], [sflag:$0x3] =	stream.linear.gather [spmem:s6], $0x4000, $0x38;
	[tilespmem:$0x1E800] =	vst v63  }
0xca: {  	_ =	swait.ge [sflag:s22], $0x4000  }
0xcb: {  	[sflag:s22] =	ssyncset.done $0x0  }
0xcc: {  	s11 =	rddreg [dreg:$0x4];
	[sflag:s22] =	ssyncadd.s32 $0xFFFFC000  }
0xcd: {  	[hbm4b:s11+s2] =	stream.linear.scatter [tilespmem:s21], [sflag:$0x3], $0x4000, $0x38;
	[tilespmem:$0x1E800] =	vst v63  }
0xce: {  	_ =	swait.ge [sflag:s22], $0x4000  }
0xcf: {  	[sflag:s22] =	ssyncset.done $0x0  }
0xd0: {  	[sflag:s22] =	ssyncadd.s32 $0xFFFFC000  }
0xd1: {  	[tilespmem:s21], [sflag:$0x3] =	stream.linear.gather [spmem:s7], $0x4000, $0x38;
	[tilespmem:$0x1E800] =	vst v63  }
0xd2: {  	_ =	swait.ge [sflag:s22], $0x4000  }
0xd3: {  	[sflag:s22] =	ssyncset.done $0x0  }
0xd4: {  	s12 =	rddreg [dreg:$0x5];
	[sflag:s22] =	ssyncadd.s32 $0xFFFFC000  }
0xd5: {  	[hbm4b:s12+s2] =	stream.linear.scatter [tilespmem:s21], [sflag:$0x3], $0x4000, $0x38;
	[tilespmem:$0x1E800] =	vst v63  }
0xd6: {  	_ =	swait.ge [sflag:s22], $0x4000  }
0xd7: {  	[sflag:s22] =	ssyncset.done $0x0  }
0xd8: {  	[sflag:s22] =	ssyncadd.s32 $0xFFFFC000  }
0xd9: {  	[tilespmem:s21], [sflag:$0x3] =	stream.linear.gather [spmem:s8], $0x4000, $0x38;
	[tilespmem:$0x1E800] =	vst v63  }
0xda: {  	_ =	swait.ge [sflag:s22], $0x4000  }
0xdb: {  	[sflag:s22] =	ssyncset.done $0x0  }
0xdc: {  	s13 =	rddreg [dreg:$0x6];
	[sflag:s22] =	ssyncadd.s32 $0xFFFFC000  }
0xdd: {  	[hbm4b:s13+s2] =	stream.linear.scatter [tilespmem:s21], [sflag:$0x3], $0x4000, $0x38;
	[tilespmem:$0x1E800] =	vst v63  }
0xde: {  	_ =	swait.ge [sflag:s22], $0x4000  }
0xdf: {  	[sflag:s22] =	ssyncset.done $0x0  }
0xe0: {  	[sflag:s22] =	ssyncadd.s32 $0xFFFFC000  }
0xe1: {  	[tilespmem:s21], [sflag:$0x3] =	stream.linear.gather [spmem:s9], $0x4000, $0x38;
	[tilespmem:$0x1E800] =	vst v63  }
0xe2: {  	_ =	swait.ge [sflag:s22], $0x4000  }
0xe3: {  	[sflag:s22] =	ssyncset.done $0x0  }
0xe4: {  	[sflag:s22] =	ssyncadd.s32 $0xFFFFC000  }
0xe5: {  	[hbm4b:s14+s2] =	stream.linear.scatter [tilespmem:s21], [sflag:$0x3], $0x4000, $0x38;
	[tilespmem:$0x1E800] =	vst v63  }
0xe6: {  	_ =	swait.ge [sflag:s22], $0x4000  }
0xe7: {  	[sflag:s22] =	ssyncset.done $0x0  }
0xe8: {  	[sflag:s22] =	ssyncadd.s32 $0xFFFFC000  }
0xe9: {  	[tilespmem:s21], [sflag:$0x3] =	stream.linear.gather [spmem:s10], $0x4000, $0x38;
	[tilespmem:$0x1E800] =	vst v63  }
0xea: {  	s0 =	sadd.s32 $0x1, s0;
	_ =	swait.ge [sflag:s22], $0x4000  }
0xeb: {  	p0 =	sne.s32 s0, s16;
	[sflag:s22] =	ssyncset.done $0x0  }
.Ltmp2:
0xec: {  	[sflag:s22] =	ssyncadd.s32 $0xFFFFC000;
	(pc) =	sbr.rel @p0 .LBB2_1-.Ltmp2, $4  }
0xed: {  	[hbm4b:s15+s2] =	stream.linear.scatter [tilespmem:s21], [sflag:$0x3], $0x4000, $0x38;
	[tilespmem:$0x1E800] =	vst v63  }
0xee: {  	_ =	swait.ge [sflag:s22], $0x4000  }
0xef: {  	[sflag:s22] =	ssyncset.done $0x0  }
0xf0: {  	[sflag:s22] =	ssyncadd.s32 $0xFFFFC000  }
0xf1: {  	_ =	sfence.sel $0x180000  }
0xf2: {  	[bflag:$0x0] =	sbarrier.arrive $0xFFFF  }
0xf3: {  	_ =	strace $0x90000047  }
0xf4: {  	s0 =	stileid.u32;
	[bflag:$0x2] =	sbarrier.arrive $0xFFFF  }
0xf5: {  	p0 =	sne.s32 s0, $0x0;
	s0 =	rddreg [dreg:$0x2]  }
0xf6: {  	s0 =	sadd.s32 @!p0 $0x100000, s0  }
0xf7: {  	[sflag:s0] =	ssyncadd.tile.s32 @!p0 $0x1;
	_ =	shalt  }
.Lfunc_end2:
_tile_overlayer_lowered:
.L_overlay_start_2:
0xf8: {  	(tag) =	ssettag $0x2  }
0xf9: {  	s0 =	rddreg [dreg:$0x0];
	s2 =	stileid.u32  }
0xfa: {  	s1 =	rddreg [dreg:$0x1];
	p0 =	sne.s32 s2, $0x0  }
0xfb: {  	s3 =	rddreg [dreg:$0x2];
	[bflag:$0x3] =	sbarrier.arrive $0xFFFF;
	s2 =	simm.s32 @!p0 $0x1C03  }
0xfc: {  	[timem:s3], [sflag:s2] =	dma.local @!p0 [hbm:s0], s1  }
0xfd: {  	s0 =	simm.s32 @!p0 $0x3  }
0xfe: {  	_ =	swait.ge @!p0 [sflag:s0], s1  }
0xff: {  	s1 =	ssub.s32 @!p0 $0x0, s1;
	[sflag:s0] =	ssyncset.done @!p0 $0x0  }
0x100: {  	[sflag:s0] =	ssyncadd.s32 @!p0 s1  }
0x101: {  	[bflag:$0x3] =	sbarrier.arrive $0xFFFF  }
0x102: {  	_ =	shalt  }

// kernel: kernel.16.cloned.1.call-start
scs
__scs_entry_jumppad:
0x0: {  	(pc) =	sbr.rel $0x88, $3  }
0x1: {  	(tag) =	ssettag $0x0;
	lr =	simm.s32 $0x1  }
0x2: {  	[smem:$0x3F8F] =	sst lr;
	_ =	strace $0xD0000000  }
0x3: {  	_ = 	snop  }
0x4: {  	_ = 	snop  }
0x5: {  	_ = 	snop  }
0x6: {  	_ = 	snop  }
0x7: {  	_ = 	snop  }
__scs_overlays_trampoline_lowered:
0x8: {  	[smem:$0x3F9E] =	sst s0  }
0x9: {  	[smem:$0x3F9F] =	sst s1  }
0xa: {  	[smem:$0x3FA0] =	sst s2  }
0xb: {  	[smem:$0x3FA1] =	sst s3  }
0xc: {  	[smem:$0x3FA2] =	sst s4  }
0xd: {  	[smem:$0x3FA3] =	sst s5  }
0xe: {  	[smem:$0x3FA4] =	sst s6  }
0xf: {  	[smem:$0x3FA5] =	sst s7  }
0x10: {  	[smem:$0x3FA6] =	sst s8  }
0x11: {  	[smem:$0x3FA7] =	sst s9;
	s0 =	simm.s32 @!p0 $0x0  }
0x12: {  	s1 =	sld [smem:$0x3F8D];
	s0 =	simm.s32 @p0 $0x1  }
0x13: {  	[smem:$0x3FA8] =	sst s0;
	s0 =	simm.s32 @!p1 $0x0  }
0x14: {  	s2 =	sld [smem:$0x3F8C];
	s0 =	simm.s32 @p1 $0x1  }
0x15: {  	[smem:$0x3FA9] =	sst s0;
	s0 =	simm.s32 @!p2 $0x0  }
0x16: {  	s3 =	sld [smem:$0x3FDB];
	s0 =	simm.s32 @p2 $0x1  }
0x17: {  	s4 =	simm.s32 $0x1BF5;
	[smem:$0x3FAB] =	sst s0  }
0x18: {  	s0 =	sld [smem:$0x3F8E];
	_ =	swait.ge [sflag:s4], $0x0  }
0x19: {  	s7 =	sld [smem:$0x3F8F]  }
0x1a: {  	s8 =	sadd.s32 $0xFFFFE003, lr  }
0x1b: {  	s9 =	sadd.s32 $0xFFFFFEF7, lr;
	s5 =	simm.s32 $0xFFFFFFFF;
	p2 =	slt.u32 s8, $0xFFFFF086  }
0x1c: {  	p1 =	slt.u32 s9, $0xF7A;
	s5 =	simm.s32 @!p2 $0x0  }
0x1d: {  	s5 =	simm.s32 @p1 $0x1;
	p0 =	seq.s32 s7, s2  }
0x1e: {  	s7 =	smul.u32 @!p0 $0xF7A, s2;
	p2 =	seq.s32 @!p0 s5, $0x0  }
0x1f: {  	s9 =	smul.u32 $0xF7A, s1;
	s8 =	simm.s32 @!p0 $0x1BF5;
	p2 =	por !p2, p0  }
0x20: {  	[sflag:s8] =	ssyncset.s32 @!p0 $0xFFFFF086;
	s6 =	sadd.s32 @!p0 s3, s7;
	s7 =	simm.s32 @!p0 $0x108  }
0x21: {  	s3 =	sadd.s32 s3, s9;
	s6 =	sadd.s32 @!p0 $0x88, s6;
	s7 =	simm.s32 @p2 $0x1082  }
0x22: {  	[simem:s7], [sflag:s8] =	dma.local @!p0 [hbm:s6], $0xF7A  }
0x23: {  	s9 =	sor.u32 $0xD0000000, s2;
	s6 =	simm.s32 $0x108;
	_ =	swait.ge @!p0 [sflag:s8], $0x0  }
0x24: {  	s3 =	sadd.s32 $0x88, s3;
	s6 =	simm.s32 @!p1 $0x1082;
	[sflag:s4] =	ssyncset.s32 $0xFFFFF086  }
0x25: {  	[simem:s6], [sflag:s4] =	dma.local [hbm:s3], $0xF7A  }
0x26: {  	[smem:$0x3F8F] =	sst s1;
	(tag) =	ssettag s2;
	_ =	strace s9  }
0x27: {  	s1 =	sld [smem:$0x3F9F]  }
0x28: {  	s2 =	sld [smem:$0x3FA0]  }
0x29: {  	s4 =	sld [smem:$0x3FA2]  }
0x2a: {  	p0 =	seq.s32 s5, $0x0;
	s5 =	sld [smem:$0x3FA3]  }
0x2b: {  	s6 =	sld [smem:$0x3FA4]  }
0x2c: {  	s7 =	sld [smem:$0x3FA5]  }
0x2d: {  	s3 =	simm.s32 $0x108;
	s8 =	sld [smem:$0x3FA6]  }
0x2e: {  	s3 =	simm.s32 @!p0 $0x1082;
	s9 =	sld [smem:$0x3FA7]  }
0x2f: {  	lr =	sadd.s32 s0, s3;
	s0 =	sld [smem:$0x3F9E]  }
0x30: {  	s3 =	sld [smem:$0x3FA1]  }
0x31: {  	[smem:$0x3FAA] =	sst s10  }
0x32: {  	s10 =	sld [smem:$0x3FA8];
	_ =	sdelay $0x3  }
0x33: {  	p0 =	seq.s32 s10, $0x1;
	s10 =	sld [smem:$0x3FAA];
	_ =	sdelay $0x3  }
0x34: {  	[smem:$0x3FAA] =	sst s10  }
0x35: {  	s10 =	sld [smem:$0x3FA9];
	_ =	sdelay $0x3  }
0x36: {  	p1 =	seq.s32 s10, $0x1;
	s10 =	sld [smem:$0x3FAA];
	_ =	sdelay $0x3  }
0x37: {  	[smem:$0x3FAA] =	sst s10  }
0x38: {  	s10 =	sld [smem:$0x3FAB]  }
0x39: {  	_ = 	snop;
	(pc) =	sbr.ind lr, $3  }
0x3a: {  	_ = 	snop  }
0x3b: {  	_ = 	snop  }
0x3c: {  	p2 =	seq.s32 s10, $0x1;
	s10 =	sld [smem:$0x3FAA]  }
0x3d: {  	_ =	shalt  }
0x3e: {  	_ =	shalt  }
0x3f: {  	_ =	shalt  }
0x40: {  	_ =	shalt  }
0x41: {  	_ =	shalt  }
0x42: {  	_ =	shalt  }
0x43: {  	_ =	shalt  }
0x44: {  	_ =	shalt  }
0x45: {  	_ =	shalt  }
0x46: {  	_ =	shalt  }
0x47: {  	_ =	shalt  }
0x48: {  	_ =	shalt  }
0x49: {  	_ =	shalt  }
0x4a: {  	_ =	shalt  }
0x4b: {  	_ =	shalt  }
0x4c: {  	_ =	shalt  }
0x4d: {  	_ =	shalt  }
0x4e: {  	_ =	shalt  }
0x4f: {  	_ =	shalt  }
0x50: {  	_ =	shalt  }
0x51: {  	_ =	shalt  }
0x52: {  	_ =	shalt  }
0x53: {  	_ =	shalt  }
0x54: {  	_ =	shalt  }
0x55: {  	_ =	shalt  }
0x56: {  	_ =	shalt  }
0x57: {  	_ =	shalt  }
0x58: {  	_ =	shalt  }
0x59: {  	_ =	shalt  }
0x5a: {  	_ =	shalt  }
0x5b: {  	_ =	shalt  }
0x5c: {  	_ =	shalt  }
0x5d: {  	_ =	shalt  }
0x5e: {  	_ =	shalt  }
0x5f: {  	_ =	shalt  }
0x60: {  	_ =	shalt  }
0x61: {  	_ =	shalt  }
0x62: {  	_ =	shalt  }
0x63: {  	_ =	shalt  }
0x64: {  	_ =	shalt  }
0x65: {  	_ =	shalt  }
0x66: {  	_ =	shalt  }
0x67: {  	_ =	shalt  }
0x68: {  	_ =	shalt  }
0x69: {  	_ =	shalt  }
0x6a: {  	_ =	shalt  }
0x6b: {  	_ =	shalt  }
0x6c: {  	_ =	shalt  }
0x6d: {  	_ =	shalt  }
0x6e: {  	_ =	shalt  }
0x6f: {  	_ =	shalt  }
0x70: {  	_ =	shalt  }
0x71: {  	_ =	shalt  }
0x72: {  	_ =	shalt  }
0x73: {  	_ =	shalt  }
0x74: {  	_ =	shalt  }
0x75: {  	_ =	shalt  }
0x76: {  	_ =	shalt  }
0x77: {  	_ =	shalt  }
0x78: {  	_ =	shalt  }
0x79: {  	_ =	shalt  }
0x7a: {  	_ =	shalt  }
0x7b: {  	_ =	shalt  }
0x7c: {  	_ =	shalt  }
0x7d: {  	_ =	shalt  }
0x7e: {  	_ =	shalt  }
0x7f: {  	_ =	shalt  }
0x80: {  	_ =	shalt  }
0x81: {  	_ =	shalt  }
0x82: {  	_ =	shalt  }
0x83: {  	_ =	shalt  }
0x84: {  	_ =	shalt  }
0x85: {  	_ =	shalt  }
0x86: {  	_ =	shalt  }
0x87: {  	_ =	shalt  }
.Lfunc_end0:
.L_simem_size_0:
called_computation.1_lowered:
.L_overlay_start_0:
0x88: {  	s2 =	sld [smem:$0x3FD9]  }
0x89: {  	s3 =	sld [smem:$0x3FFE];
	_ =	sdelay $0x1  }
0x8a: {  	s1 =	srdreg.scid  }
0x8b: {  	s0 =	sand.u32 $0x1, s1  }
0x8c: {  	s16 =	sshll.u32 s0, $0xA;
	s2 =	sadd.s32 s3, s2  }
0x8d: {  	s2 =	sadd.s32 s2, s16  }
0x8e: {  	[smem:$0x3FB6] =	sst s2  }
0x8f: {  	_ = 	snop  }
0x90: {  	(tm) =	ssettm $0x1  }
0x91: {  	s17 =	sld [smem:$0x3FFB];
	_ =	sdelay $0x3  }
0x92: {  	_ =	strace s17  }
0x93: {  	s2 =	sld [smem:$0x3FFC];
	_ =	sdelay $0x3  }
0x94: {  	_ =	strace s2  }
0x95: {  	s2 =	sld [smem:$0x3FFD];
	_ =	sdelay $0x3  }
0x96: {  	_ =	strace s2  }
0x97: {  	_ =	strace $0x8FFFFFFF  }
0x98: {  	s18 =	sld [smem:$0x3FDB];
	_ =	sdelay $0x1  }
0x99: {  	s19 =	simm.s32 $_scs_section_size  }
0x9a: {  	s4 =	simm.s32 $_size__tile_overlayer_lowered;
	s5 =	simm.s32 $_tile_overlayer_lowered  }
0x9b: {  	s22 =	simm.s32 $0x1BFF;
	s21 =	sshll.u32 s5, $0x1;
	s2 =	sadd.s32 s19, s18  }
0x9c: {  	s6 =	simm.s32 $0x0;
	s20 =	sshll.u32 s4, $0x1;
	s4 =	sadd.s32 s21, s2  }
0x9d: {  	[timem:s6], [sflag:s22] =	dma.local [hbm:s4], s20  }
0x9e: {  	_ =	swait.ge [sflag:s22], s20  }
0x9f: {  	s3 =	ssub.s32 $0x0, s20;
	[sflag:s22] =	ssyncset.done $0x0  }
0xa0: {  	[sflag:s22] =	ssyncadd.s32 s3;
	_ =	sdelay $0x1  }
0xa1: {  	s23 =	simm.s32 $0x1B8B  }
0xa2: {  	_ =	swait.ge [sflag:s23], $0x1  }
0xa3: {  	[sflag:s23] =	ssyncset.done $0x0  }
0xa4: {  	s25 =	simm.s32 $0x1B8E;
	s24 =	sld [smem:$0x3FFE];
	[sflag:s23] =	ssyncadd.s32 $0xFFFFFFFF  }
0xa5: {  	s26 =	simm.s32 $execute0_lowered;
	[smem:$0x3FD2] =	sst s25  }
0xa6: {  	s4 =	sshll.u32 s26, $0x1;
	_ =	strace $0x80000049;
	[dreg:$0x1] =	wrdreg $0xFFFFFFFF  }
0xa7: {  	s28 =	simm.s32 $_size_execute0_lowered;
	s2 =	sadd.s32 s2, s4;
	[dreg:$0x0] =	wrdreg $0x0  }
0xa8: {  	s4 =	sshll.u32 s28, $0x1;
	[dreg:$0x2] =	wrdreg s2  }
0xa9: {  	[dreg:$0x3] =	wrdreg s4  }
0xaa: {  	[dreg:$0x4] =	wrdreg $0xC0  }
0xab: {  	_ =	task [dreg:s6], $0x5FFFF  }
0xac: {  	[dreg:$0x1] =	wrdreg $0xFFFFFFFF  }
0xad: {  	[dreg:$0x0] =	wrdreg $0x60  }
0xae: {  	[dreg:$0x2] =	wrdreg s24  }
0xaf: {  	[dreg:$0x3] =	wrdreg $0xA8000  }
0xb0: {  	[dreg:$0x4] =	wrdreg $0x9  }
0xb1: {  	_ =	task.clear_ibuf [dreg:s6], $0x5FFFF;
	_ =	strace $0x90000049  }
0xb2: {  	s29 =	simm.s32 $0x9;
	_ =	strace $0x8000004B  }
0xb3: {  	_ =	swait.ge [sflag:s29], $0x1  }
0xb4: {  	[sflag:s29] =	ssyncadd.s32 $0xFFFFFFFF  }
0xb5: {  	_ =	strace $0x9000004B  }
0xb6: {  	_ =	sfence  }
0xb7: {  	s30 =	sld [smem:$0x0];
	_ =	sdelay $0x2  }
0xb8: {  	s31 =	sshll.u32 s1, $0xD;
	s1 =	sshrl.u32 s1, $0x2  }
0xb9: {  	s3 =	sand.u32 $0x4000, s31;
	s1 =	sadd.s32 s1, s30  }
0xba: {  	s0 =	sor.u32 s3, s0;
	s1 =	sshll.u32 s1, $0x11  }
0xbb: {  	s0 =	sor.u32 s1, s0  }
0xbc: {  	s0 =	sadd.s32 $0x8F2B, s0  }
0xbd: {  	[sflag:s0] =	ssyncadd.remote.s32 $0x1  }
0xbe: {  	_ =	sfence.sel $0xFFFF  }
0xbf: {  	[dreg:$0x0] =	wrdreg $0xFFFFFFFF;
	(pc) =	sbr.abs _section_cstart, $3  }
0xc0: {  	[dreg:$0x1] =	wrdreg $0xFFFFFFFF  }
0xc1: {  	_ =	task.clear_ibuf [dreg:s6], $0x2FFFF;
	_ =	strace $0x9FFFFFFF  }
0xc2: {  	(tm) =	ssettm $0x7FFFFFFF  }
0xc3: {  	_ =	shalt  }
tec
execute0_lowered:
.L_overlay_start_1:
0x0: {  	(tag) =	ssettag $0x1  }
0x1: {  	s0 =	rddreg [dreg:$0x0]  }
0x2: {  	s1 =	rddreg [dreg:$0x1];
	s2 =	simm.s32 $0x0;
	s5 =	srdreg.scid  }
0x3: {  	s19 =	stileid.u32;
	s28 =	simm.s32 $0x2;
	s29 =	simm.s32 $0x1380  }
0x4: {  	s30 =	simm.s32 $0x2700;
	s31 =	simm.s32 $0x2780;
	[smem:$0x7FF] =	sst s2  }
0x5: {  	s4 =	sadd.s32 $0x19C00, s0;
	s3 =	sadd.s32 $0xFC00, s0;
	s20 =	sadd.s32 $0x5C00, s0  }
0x6: {  	s5 =	sand.u32 $0x1, s5;
	s10 =	smul.u32 $0x280, s19;
	s6 =	sadd.s32 $0x41C00, s0  }
0x7: {  	s7 =	smul.u32 $0x50000, s19;
	s0 =	sadd.s32 $0x42400, s0;
	_ =	strace $0x8000004A  }
0x8: {  	[dreg:$0x3] =	wrdreg s6;
	s13 =	ssub.s32 $0x2, s5;
	p0 =	seq.s32 s5, $0x0  }
0x9: {  	s8 =	sshrl.u32 s13, $0x1;
	s12 =	sadd.s32 $0x80, s10;
	s14 =	sshrl.u32 s7, $0x2  }
0xa: {  	s16 =	ssub.s32 s13, s8;
	s15 =	sshll.u32 s12, $0x7;
	s6 =	sadd.s32 s14, s1  }
0xb: {  	s13 =	sadd.s32 $0x100, s10;
	s14 =	sadd.s32 $0x180, s10;
	s7 =	sadd.s32 s15, s1  }
0xc: {  	s17 =	sshll.u32 s13, $0x7;
	s15 =	smul.u32 $0x2800, s5;
	s9 =	sshll.u32 s14, $0x7  }
0xd: {  	s16 =	smax.u32 s16, $0x1;
	s8 =	sadd.s32 s17, s1;
	s17 =	sadd.s32 $0x200, s10  }
0xe: {  	s9 =	sadd.s32 s9, s1;
	s11 =	sshll.u32 s17, $0x7;
	s18 =	sadd.s32 s10, s15  }
0xf: {  	s21 =	sadd.s32 s15, s12;
	s22 =	sadd.s32 s15, s13;
	s24 =	sadd.s32 s15, s14  }
0x10: {  	s15 =	sadd.s32 s15, s17;
	s10 =	sadd.s32 s11, s1;
	s18 =	sshll.u32 s18, $0x4  }
0x11: {  	s13 =	sshll.u32 s22, $0x4;
	s25 =	sshll.u32 s15, $0x4;
	s22 =	simm.s32 $0x3  }
0x12: {  	s5 =	sadd.s32 s0, s18;
	s18 =	smul.u32 $0x500, s19;
	s23 =	sadd.s32 s0, s13  }
0x13: {  	s15 =	sadd.s32 s0, s25;
	s25 =	simm.s32 $0x6800;
	[dreg:$0x4] =	wrdreg s5  }
0x14: {  	s5 =	sshll.u32 s21, $0x4;
	[dreg:$0x6] =	wrdreg s23;
	s21 =	simm.s32 $0x2800  }
0x15: {  	s23 =	simm.s32 $0x1400;
	s5 =	sadd.s32 s0, s5;
	s19 =	sadd.s32 $0x5000, s18  }
0x16: {  	[dreg:$0x5] =	wrdreg s5;
	s5 =	sshll.u32 s24, $0x4;
	s19 =	smov.u32 @p0 s18  }
0x17: {  	s24 =	simm.s32 $0x80;
	s14 =	sadd.s32 s0, s5;
	s26 =	sadd.s32 $0x280, s19  }
0x18: {  	s17 =	sadd.s32 s3, s19;
	s18 =	sadd.s32 s20, s19;
	s0 =	simm.s32 $0x0  }
0x19: {  	s19 =	sadd.s32 s3, s26;
	s20 =	sadd.s32 s20, s26;
	s26 =	simm.s32 $0x1  }
.LBB2_1:
0x1a: {  	s3 =	rddreg [dreg:$0x3]  }
0x1b: {  	[tilespmem:s21], [sflag:$0x3] =	stream.linear.gather [hbm4b:s3+s2], $0x4000, $0x38;
	[tilespmem:$0x1E800] =	vst v63  }
0x1c: {  	_ =	swait.ge [sflag:s22], $0x4000  }
0x1d: {  	[sflag:s22] =	ssyncset.done $0x0  }
0x1e: {  	[sflag:s22] =	ssyncadd.s32 $0xFFFFC000  }
0x1f: {  	[spmem:s6] =	stream.linear.scatter [tilespmem:s21], [sflag:$0x3], $0x4000, $0x38;
	[tilespmem:$0x1E800] =	vst v63  }
0x20: {  	_ =	swait.ge [sflag:s22], $0x4000  }
0x21: {  	[sflag:s22] =	ssyncset.done $0x0  }
0x22: {  	[sflag:s22] =	ssyncadd.s32 $0xFFFFC000  }
0x23: {  	[spmem:s7] =	stream.linear.scatter [tilespmem:s21], [sflag:$0x3], $0x4000, $0x38;
	[tilespmem:$0x1E800] =	vst v63  }
0x24: {  	_ =	swait.ge [sflag:s22], $0x4000  }
0x25: {  	[sflag:s22] =	ssyncset.done $0x0  }
0x26: {  	[sflag:s22] =	ssyncadd.s32 $0xFFFFC000  }
0x27: {  	[spmem:s8] =	stream.linear.scatter [tilespmem:s21], [sflag:$0x3], $0x4000, $0x38;
	[tilespmem:$0x1E800] =	vst v63  }
0x28: {  	_ =	swait.ge [sflag:s22], $0x4000  }
0x29: {  	[sflag:s22] =	ssyncset.done $0x0  }
0x2a: {  	[sflag:s22] =	ssyncadd.s32 $0xFFFFC000  }
0x2b: {  	[spmem:s9] =	stream.linear.scatter [tilespmem:s21], [sflag:$0x3], $0x4000, $0x38;
	[tilespmem:$0x1E800] =	vst v63  }
0x2c: {  	_ =	swait.ge [sflag:s22], $0x4000  }
0x2d: {  	[sflag:s22] =	ssyncset.done $0x0  }
0x2e: {  	[sflag:s22] =	ssyncadd.s32 $0xFFFFC000  }
0x2f: {  	[spmem:s10] =	stream.linear.scatter [tilespmem:s21], [sflag:$0x3], $0x4000, $0x38;
	[tilespmem:$0x1E800] =	vst v63  }
0x30: {  	_ =	swait.ge [sflag:s22], $0x4000  }
0x31: {  	[sflag:s22] =	ssyncset.done $0x0  }
0x32: {  	[sflag:s22] =	ssyncadd.s32 $0xFFFFC000  }
0x33: {  	[bflag:$0x0] =	sbarrier.arrive $0xFFFF  }
0x34: {  	[tilespmem:s2], [sflag:$0x3] =	stream.linear.gather [hbm4b:s17+s2], $0x1400, $0x38;
	[tilespmem:$0x1E800] =	vst v63  }
0x35: {  	_ =	swait.ge [sflag:s22], $0x1400  }
0x36: {  	[sflag:s22] =	ssyncset.done $0x0  }
0x37: {  	[sflag:s22] =	ssyncadd.s32 $0xFFFFEC00  }
0x38: {  	[tilespmem:s23], [sflag:$0x3] =	stream.linear.gather [hbm4b:s18+s2], $0x1400, $0x38;
	[tilespmem:$0x1E800] =	vst v63  }
0x39: {  	_ =	swait.ge [sflag:s22], $0x1400  }
0x3a: {  	[sflag:s22] =	ssyncset.done $0x0  }
0x3b: {  	[sflag:s22] =	ssyncadd.s32 $0xFFFFEC00  }
0x3c: {  	[tilespmem:s21], [sflag:$0x1] =	stream.indirect.gather [hbm4b:s4+s24], $0x80, s2, s24, $0xb8;
	[tilespmem:$0x1E800] =	vst v63  }
0x3d: {  	s5 =	simm.s32 $0x80  }
0x3e: {  	[tilespmem:s25], [sflag:$0x2] =	stream.indirect.gather [hbm4b:s4+s24], $0x80, s5, s24, $0xb8;
	[tilespmem:$0x1E800] =	vst v63  }
0x3f: {  	_ =	swait.ge [sflag:s26], $0x4000  }
0x40: {  	[sflag:s26] =	ssyncset.done $0x0  }
0x41: {  	s11 =	simm.s32 $0x1400;
	[sflag:s26] =	ssyncadd.s32 $0xFFFFC000  }
0x42: {  	[spmem:s1] =	stream.indirect.scatter.add.f32 [tilespmem:s21], [sflag:$0x3], $0x80, s11, s24, $0xb8;
	[tilespmem:$0x1E800] =	vst v63  }
0x43: {  	_ =	swait.ge [sflag:s22], $0x4000  }
0x44: {  	[sflag:s22] =	ssyncset.done $0x0  }
0x45: {  	s12 =	simm.s32 $0x100;
	[sflag:s22] =	ssyncadd.s32 $0xFFFFC000  }
0x46: {  	[tilespmem:s21], [sflag:$0x1] =	stream.indirect.gather [hbm4b:s4+s24], $0x80, s12, s24, $0xb8;
	[tilespmem:$0x1E800] =	vst v63  }
0x47: {  	_ =	swait.ge [sflag:s28], $0x4000  }
0x48: {  	[sflag:s28] =	ssyncset.done $0x0  }
0x49: {  	s13 =	simm.s32 $0x1480;
	[sflag:s28] =	ssyncadd.s32 $0xFFFFC000  }
0x4a: {  	[spmem:s1] =	stream.indirect.scatter.add.f32 [tilespmem:s25], [sflag:$0x3], $0x80, s13, s24, $0xb8;
	[tilespmem:$0x1E800] =	vst v63  }
0x4b: {  	_ =	swait.ge [sflag:s22], $0x4000  }
0x4c: {  	s3 =	simm.s32 $0x100;
	s5 =	simm.s32 $0x800;
	[sflag:s22] =	ssyncset.done $0x0  }
.LBB2_2:
0x4d: {  	s11 =	sadd.s32 $0x80, s3  }
0x4e: {  	[sflag:s22] =	ssyncadd.s32 $0xFFFFC000;
	s12 =	smov.u32 s5;
	s13 =	sadd.s32 $0x400, s5  }
0x4f: {  	[tilespmem:s25], [sflag:$0x2] =	stream.indirect.gather [hbm4b:s4+s24], $0x80, s11, s24, $0xb8;
	[tilespmem:$0x1E800] =	vst v63  }
0x50: {  	p0 =	sne.s32 s5, $0x4800;
	_ =	swait.ge [sflag:s26], $0x4000  }
0x51: {  	[sflag:s26] =	ssyncset.done $0x0  }
0x52: {  	s5 =	sadd.s32 $0x1400, s3;
	[sflag:s26] =	ssyncadd.s32 $0xFFFFC000  }
0x53: {  	[spmem:s1] =	stream.indirect.scatter.add.f32 [tilespmem:s21], [sflag:$0x3], $0x80, s5, s24, $0xb8;
	[tilespmem:$0x1E800] =	vst v63  }
0x54: {  	_ =	swait.ge [sflag:s22], $0x4000  }
0x55: {  	[sflag:s22] =	ssyncset.done $0x0  }
0x56: {  	s5 =	sadd.s32 $0x100, s3;
	[sflag:s22] =	ssyncadd.s32 $0xFFFFC000  }
0x57: {  	[tilespmem:s21], [sflag:$0x1] =	stream.indirect.gather [hbm4b:s4+s24], $0x80, s5, s24, $0xb8;
	[tilespmem:$0x1E800] =	vst v63  }
0x58: {  	_ =	swait.ge [sflag:s28], $0x4000  }
.Ltmp0:
0x59: {  	[sflag:s28] =	ssyncset.done $0x0;
	(pc) =	sbr.rel @p0 .LBB2_2-.Ltmp0, $4  }
0x5a: {  	s3 =	sadd.s32 $0x1480, s3;
	[sflag:s28] =	ssyncadd.s32 $0xFFFFC000  }
0x5b: {  	[spmem:s1] =	stream.indirect.scatter.add.f32 [tilespmem:s25], [sflag:$0x3], $0x80, s3, s24, $0xb8;
	[tilespmem:$0x1E800] =	vst v63  }
0x5c: {  	_ =	swait.ge [sflag:s22], $0x4000  }
0x5d: {  	s5 =	smov.u32 s13;
	s3 =	sshra.s32 s12, $0x2;
	[sflag:s22] =	ssyncset.done $0x0  }
0x5e: {  	s5 =	sadd.s32 $0x80, s3;
	[sflag:s22] =	ssyncadd.s32 $0xFFFFC000  }
0x5f: {  	[tilespmem:s25], [sflag:$0x2] =	stream.indirect.gather [hbm4b:s4+s24], $0x80, s5, s24, $0xb8;
	[tilespmem:$0x1E800] =	vst v63  }
0x60: {  	_ =	swait.ge [sflag:s26], $0x4000  }
0x61: {  	[sflag:s26] =	ssyncset.done $0x0  }
0x62: {  	s13 =	sadd.s32 $0x1400, s3;
	[sflag:s26] =	ssyncadd.s32 $0xFFFFC000  }
0x63: {  	[spmem:s1] =	stream.indirect.scatter.add.f32 [tilespmem:s21], [sflag:$0x3], $0x80, s13, s24, $0xb8;
	[tilespmem:$0x1E800] =	vst v63  }
0x64: {  	_ =	swait.ge [sflag:s22], $0x4000  }
0x65: {  	[sflag:s22] =	ssyncset.done $0x0  }
0x66: {  	s11 =	sadd.s32 $0x100, s3;
	[sflag:s22] =	ssyncadd.s32 $0xFFFFC000  }
0x67: {  	[tilespmem:s21], [sflag:$0x1] =	stream.indirect.gather [hbm4b:s4+s24], $0x80, s11, s24, $0xb8;
	[tilespmem:$0x1E800] =	vst v63  }
0x68: {  	_ =	swait.ge [sflag:s28], $0x4000  }
0x69: {  	[sflag:s28] =	ssyncset.done $0x0  }
0x6a: {  	s12 =	sadd.s32 $0x1480, s3;
	[sflag:s28] =	ssyncadd.s32 $0xFFFFC000  }
0x6b: {  	[spmem:s1] =	stream.indirect.scatter.add.f32 [tilespmem:s25], [sflag:$0x3], $0x80, s12, s24, $0xb8;
	[tilespmem:$0x1E800] =	vst v63  }
0x6c: {  	_ =	swait.ge [sflag:s22], $0x4000  }
0x6d: {  	[sflag:s22] =	ssyncset.done $0x0  }
0x6e: {  	[sflag:s22] =	ssyncadd.s32 $0xFFFFC000  }
0x6f: {  	[tilespmem:s25], [sflag:$0x2] =	stream.indirect.gather [hbm4b:s4+s24], $0x80, s29, s24, $0xb8;
	[tilespmem:$0x1E800] =	vst v63  }
0x70: {  	_ =	swait.ge [sflag:s26], $0x4000  }
0x71: {  	[sflag:s26] =	ssyncset.done $0x0  }
0x72: {  	[sflag:s26] =	ssyncadd.s32 $0xFFFFC000  }
0x73: {  	[spmem:s1] =	stream.indirect.scatter.add.f32 [tilespmem:s21], [sflag:$0x3], $0x80, s30, s24, $0xb8;
	[tilespmem:$0x1E800] =	vst v63  }
0x74: {  	_ =	swait.ge [sflag:s22], $0x4000  }
0x75: {  	[sflag:s22] =	ssyncset.done $0x0  }
0x76: {  	[sflag:s22] =	ssyncadd.s32 $0xFFFFC000  }
0x77: {  	_ =	swait.ge [sflag:s28], $0x4000  }
0x78: {  	[sflag:s28] =	ssyncset.done $0x0  }
0x79: {  	[sflag:s28] =	ssyncadd.s32 $0xFFFFC000  }
0x7a: {  	[spmem:s1] =	stream.indirect.scatter.add.f32 [tilespmem:s25], [sflag:$0x3], $0x80, s31, s24, $0xb8;
	[tilespmem:$0x1E800] =	vst v63  }
0x7b: {  	_ =	swait.ge [sflag:s22], $0x4000  }
0x7c: {  	[sflag:s22] =	ssyncset.done $0x0  }
0x7d: {  	s13 =	simm.s32 $0x0;
	[sflag:s22] =	ssyncadd.s32 $0xFFFFC000  }
0x7e: {  	[tilespmem:s13], [sflag:$0x3] =	stream.linear.gather [hbm4b:s19+s13], $0x1400, $0x38;
	[tilespmem:$0x1E800] =	vst v63  }
0x7f: {  	_ =	swait.ge [sflag:s22], $0x1400  }
0x80: {  	[sflag:s22] =	ssyncset.done $0x0  }
0x81: {  	[sflag:s22] =	ssyncadd.s32 $0xFFFFEC00  }
0x82: {  	[tilespmem:s23], [sflag:$0x3] =	stream.linear.gather [hbm4b:s20+s13], $0x1400, $0x38;
	[tilespmem:$0x1E800] =	vst v63  }
0x83: {  	_ =	swait.ge [sflag:s22], $0x1400  }
0x84: {  	[sflag:s22] =	ssyncset.done $0x0  }
0x85: {  	[sflag:s22] =	ssyncadd.s32 $0xFFFFEC00  }
0x86: {  	[tilespmem:s21], [sflag:$0x1] =	stream.indirect.gather [hbm4b:s4+s24], $0x80, s13, s24, $0xb8;
	[tilespmem:$0x1E800] =	vst v63  }
0x87: {  	s5 =	simm.s32 $0x80  }
0x88: {  	[tilespmem:s25], [sflag:$0x2] =	stream.indirect.gather [hbm4b:s4+s24], $0x80, s5, s24, $0xb8;
	[tilespmem:$0x1E800] =	vst v63  }
0x89: {  	_ =	swait.ge [sflag:s26], $0x4000  }
0x8a: {  	[sflag:s26] =	ssyncset.done $0x0  }
0x8b: {  	s11 =	simm.s32 $0x1400;
	[sflag:s26] =	ssyncadd.s32 $0xFFFFC000  }
0x8c: {  	[spmem:s1] =	stream.indirect.scatter.add.f32 [tilespmem:s21], [sflag:$0x3], $0x80, s11, s24, $0xb8;
	[tilespmem:$0x1E800] =	vst v63  }
0x8d: {  	_ =	swait.ge [sflag:s22], $0x4000  }
0x8e: {  	[sflag:s22] =	ssyncset.done $0x0  }
0x8f: {  	s12 =	simm.s32 $0x100;
	[sflag:s22] =	ssyncadd.s32 $0xFFFFC000  }
0x90: {  	[tilespmem:s21], [sflag:$0x1] =	stream.indirect.gather [hbm4b:s4+s24], $0x80, s12, s24, $0xb8;
	[tilespmem:$0x1E800] =	vst v63  }
0x91: {  	_ =	swait.ge [sflag:s28], $0x4000  }
0x92: {  	[sflag:s28] =	ssyncset.done $0x0  }
0x93: {  	s13 =	simm.s32 $0x1480;
	[sflag:s28] =	ssyncadd.s32 $0xFFFFC000  }
0x94: {  	[spmem:s1] =	stream.indirect.scatter.add.f32 [tilespmem:s25], [sflag:$0x3], $0x80, s13, s24, $0xb8;
	[tilespmem:$0x1E800] =	vst v63  }
0x95: {  	_ =	swait.ge [sflag:s22], $0x4000  }
0x96: {  	s3 =	simm.s32 $0x100;
	s5 =	simm.s32 $0x800;
	[sflag:s22] =	ssyncset.done $0x0  }
.LBB2_4:
0x97: {  	s11 =	sadd.s32 $0x80, s3  }
0x98: {  	[sflag:s22] =	ssyncadd.s32 $0xFFFFC000;
	s12 =	smov.u32 s5;
	s13 =	sadd.s32 $0x400, s5  }
0x99: {  	[tilespmem:s25], [sflag:$0x2] =	stream.indirect.gather [hbm4b:s4+s24], $0x80, s11, s24, $0xb8;
	[tilespmem:$0x1E800] =	vst v63  }
0x9a: {  	p0 =	sne.s32 s5, $0x4800;
	_ =	swait.ge [sflag:s26], $0x4000  }
0x9b: {  	[sflag:s26] =	ssyncset.done $0x0  }
0x9c: {  	s5 =	sadd.s32 $0x1400, s3;
	[sflag:s26] =	ssyncadd.s32 $0xFFFFC000  }
0x9d: {  	[spmem:s1] =	stream.indirect.scatter.add.f32 [tilespmem:s21], [sflag:$0x3], $0x80, s5, s24, $0xb8;
	[tilespmem:$0x1E800] =	vst v63  }
0x9e: {  	_ =	swait.ge [sflag:s22], $0x4000  }
0x9f: {  	[sflag:s22] =	ssyncset.done $0x0  }
0xa0: {  	s5 =	sadd.s32 $0x100, s3;
	[sflag:s22] =	ssyncadd.s32 $0xFFFFC000  }
0xa1: {  	[tilespmem:s21], [sflag:$0x1] =	stream.indirect.gather [hbm4b:s4+s24], $0x80, s5, s24, $0xb8;
	[tilespmem:$0x1E800] =	vst v63  }
0xa2: {  	_ =	swait.ge [sflag:s28], $0x4000  }
.Ltmp1:
0xa3: {  	[sflag:s28] =	ssyncset.done $0x0;
	(pc) =	sbr.rel @p0 .LBB2_4-.Ltmp1, $4  }
0xa4: {  	s3 =	sadd.s32 $0x1480, s3;
	[sflag:s28] =	ssyncadd.s32 $0xFFFFC000  }
0xa5: {  	[spmem:s1] =	stream.indirect.scatter.add.f32 [tilespmem:s25], [sflag:$0x3], $0x80, s3, s24, $0xb8;
	[tilespmem:$0x1E800] =	vst v63  }
0xa6: {  	_ =	swait.ge [sflag:s22], $0x4000  }
0xa7: {  	s5 =	smov.u32 s13;
	s3 =	sshra.s32 s12, $0x2;
	[sflag:s22] =	ssyncset.done $0x0  }
0xa8: {  	s5 =	sadd.s32 $0x80, s3;
	[sflag:s22] =	ssyncadd.s32 $0xFFFFC000  }
0xa9: {  	[tilespmem:s25], [sflag:$0x2] =	stream.indirect.gather [hbm4b:s4+s24], $0x80, s5, s24, $0xb8;
	[tilespmem:$0x1E800] =	vst v63  }
0xaa: {  	_ =	swait.ge [sflag:s26], $0x4000  }
0xab: {  	[sflag:s26] =	ssyncset.done $0x0  }
0xac: {  	s12 =	sadd.s32 $0x1400, s3;
	[sflag:s26] =	ssyncadd.s32 $0xFFFFC000  }
0xad: {  	[spmem:s1] =	stream.indirect.scatter.add.f32 [tilespmem:s21], [sflag:$0x3], $0x80, s12, s24, $0xb8;
	[tilespmem:$0x1E800] =	vst v63  }
0xae: {  	_ =	swait.ge [sflag:s22], $0x4000  }
0xaf: {  	[sflag:s22] =	ssyncset.done $0x0  }
0xb0: {  	s13 =	sadd.s32 $0x100, s3;
	[sflag:s22] =	ssyncadd.s32 $0xFFFFC000  }
0xb1: {  	[tilespmem:s21], [sflag:$0x1] =	stream.indirect.gather [hbm4b:s4+s24], $0x80, s13, s24, $0xb8;
	[tilespmem:$0x1E800] =	vst v63  }
0xb2: {  	_ =	swait.ge [sflag:s28], $0x4000  }
0xb3: {  	[sflag:s28] =	ssyncset.done $0x0  }
0xb4: {  	s5 =	sadd.s32 $0x1480, s3;
	[sflag:s28] =	ssyncadd.s32 $0xFFFFC000  }
0xb5: {  	[spmem:s1] =	stream.indirect.scatter.add.f32 [tilespmem:s25], [sflag:$0x3], $0x80, s5, s24, $0xb8;
	[tilespmem:$0x1E800] =	vst v63  }
0xb6: {  	_ =	swait.ge [sflag:s22], $0x4000  }
0xb7: {  	[sflag:s22] =	ssyncset.done $0x0  }
0xb8: {  	[sflag:s22] =	ssyncadd.s32 $0xFFFFC000  }
0xb9: {  	[tilespmem:s25], [sflag:$0x2] =	stream.indirect.gather [hbm4b:s4+s24], $0x80, s29, s24, $0xb8;
	[tilespmem:$0x1E800] =	vst v63  }
0xba: {  	_ =	swait.ge [sflag:s26], $0x4000  }
0xbb: {  	[sflag:s26] =	ssyncset.done $0x0  }
0xbc: {  	[sflag:s26] =	ssyncadd.s32 $0xFFFFC000  }
0xbd: {  	[spmem:s1] =	stream.indirect.scatter.add.f32 [tilespmem:s21], [sflag:$0x3], $0x80, s30, s24, $0xb8;
	[tilespmem:$0x1E800] =	vst v63  }
0xbe: {  	_ =	swait.ge [sflag:s22], $0x4000  }
0xbf: {  	[sflag:s22] =	ssyncset.done $0x0  }
0xc0: {  	[sflag:s22] =	ssyncadd.s32 $0xFFFFC000  }
0xc1: {  	_ =	swait.ge [sflag:s28], $0x4000  }
0xc2: {  	[sflag:s28] =	ssyncset.done $0x0  }
0xc3: {  	[sflag:s28] =	ssyncadd.s32 $0xFFFFC000  }
0xc4: {  	[spmem:s1] =	stream.indirect.scatter.add.f32 [tilespmem:s25], [sflag:$0x3], $0x80, s31, s24, $0xb8;
	[tilespmem:$0x1E800] =	vst v63  }
0xc5: {  	_ =	swait.ge [sflag:s22], $0x4000  }
0xc6: {  	[sflag:s22] =	ssyncset.done $0x0  }
0xc7: {  	[sflag:s22] =	ssyncadd.s32 $0xFFFFC000  }
0xc8: {  	[bflag:$0x0] =	sbarrier.arrive $0xFFFF  }
0xc9: {  	[tilespmem:s21], [sflag:$0x3] =	stream.linear.gather [spmem:s6], $0x4000, $0x38;
	[tilespmem:$0x1E800] =	vst v63  }
0xca: {  	_ =	swait.ge [sflag:s22], $0x4000  }
0xcb: {  	[sflag:s22] =	ssyncset.done $0x0  }
0xcc: {  	s11 =	rddreg [dreg:$0x4];
	[sflag:s22] =	ssyncadd.s32 $0xFFFFC000  }
0xcd: {  	[hbm4b:s11+s2] =	stream.linear.scatter [tilespmem:s21], [sflag:$0x3], $0x4000, $0x38;
	[tilespmem:$0x1E800] =	vst v63  }
0xce: {  	_ =	swait.ge [sflag:s22], $0x4000  }
0xcf: {  	[sflag:s22] =	ssyncset.done $0x0  }
0xd0: {  	[sflag:s22] =	ssyncadd.s32 $0xFFFFC000  }
0xd1: {  	[tilespmem:s21], [sflag:$0x3] =	stream.linear.gather [spmem:s7], $0x4000, $0x38;
	[tilespmem:$0x1E800] =	vst v63  }
0xd2: {  	_ =	swait.ge [sflag:s22], $0x4000  }
0xd3: {  	[sflag:s22] =	ssyncset.done $0x0  }
0xd4: {  	s12 =	rddreg [dreg:$0x5];
	[sflag:s22] =	ssyncadd.s32 $0xFFFFC000  }
0xd5: {  	[hbm4b:s12+s2] =	stream.linear.scatter [tilespmem:s21], [sflag:$0x3], $0x4000, $0x38;
	[tilespmem:$0x1E800] =	vst v63  }
0xd6: {  	_ =	swait.ge [sflag:s22], $0x4000  }
0xd7: {  	[sflag:s22] =	ssyncset.done $0x0  }
0xd8: {  	[sflag:s22] =	ssyncadd.s32 $0xFFFFC000  }
0xd9: {  	[tilespmem:s21], [sflag:$0x3] =	stream.linear.gather [spmem:s8], $0x4000, $0x38;
	[tilespmem:$0x1E800] =	vst v63  }
0xda: {  	_ =	swait.ge [sflag:s22], $0x4000  }
0xdb: {  	[sflag:s22] =	ssyncset.done $0x0  }
0xdc: {  	s13 =	rddreg [dreg:$0x6];
	[sflag:s22] =	ssyncadd.s32 $0xFFFFC000  }
0xdd: {  	[hbm4b:s13+s2] =	stream.linear.scatter [tilespmem:s21], [sflag:$0x3], $0x4000, $0x38;
	[tilespmem:$0x1E800] =	vst v63  }
0xde: {  	_ =	swait.ge [sflag:s22], $0x4000  }
0xdf: {  	[sflag:s22] =	ssyncset.done $0x0  }
0xe0: {  	[sflag:s22] =	ssyncadd.s32 $0xFFFFC000  }
0xe1: {  	[tilespmem:s21], [sflag:$0x3] =	stream.linear.gather [spmem:s9], $0x4000, $0x38;
	[tilespmem:$0x1E800] =	vst v63  }
0xe2: {  	_ =	swait.ge [sflag:s22], $0x4000  }
0xe3: {  	[sflag:s22] =	ssyncset.done $0x0  }
0xe4: {  	[sflag:s22] =	ssyncadd.s32 $0xFFFFC000  }
0xe5: {  	[hbm4b:s14+s2] =	stream.linear.scatter [tilespmem:s21], [sflag:$0x3], $0x4000, $0x38;
	[tilespmem:$0x1E800] =	vst v63  }
0xe6: {  	_ =	swait.ge [sflag:s22], $0x4000  }
0xe7: {  	[sflag:s22] =	ssyncset.done $0x0  }
0xe8: {  	[sflag:s22] =	ssyncadd.s32 $0xFFFFC000  }
0xe9: {  	[tilespmem:s21], [sflag:$0x3] =	stream.linear.gather [spmem:s10], $0x4000, $0x38;
	[tilespmem:$0x1E800] =	vst v63  }
0xea: {  	s0 =	sadd.s32 $0x1, s0;
	_ =	swait.ge [sflag:s22], $0x4000  }
0xeb: {  	p0 =	sne.s32 s0, s16;
	[sflag:s22] =	ssyncset.done $0x0  }
.Ltmp2:
0xec: {  	[sflag:s22] =	ssyncadd.s32 $0xFFFFC000;
	(pc) =	sbr.rel @p0 .LBB2_1-.Ltmp2, $4  }
0xed: {  	[hbm4b:s15+s2] =	stream.linear.scatter [tilespmem:s21], [sflag:$0x3], $0x4000, $0x38;
	[tilespmem:$0x1E800] =	vst v63  }
0xee: {  	_ =	swait.ge [sflag:s22], $0x4000  }
0xef: {  	[sflag:s22] =	ssyncset.done $0x0  }
0xf0: {  	[sflag:s22] =	ssyncadd.s32 $0xFFFFC000  }
0xf1: {  	_ =	sfence.sel $0x180000  }
0xf2: {  	[bflag:$0x0] =	sbarrier.arrive $0xFFFF  }
0xf3: {  	_ =	strace $0x9000004A  }
0xf4: {  	s0 =	stileid.u32;
	[bflag:$0x2] =	sbarrier.arrive $0xFFFF  }
0xf5: {  	p0 =	sne.s32 s0, $0x0;
	s0 =	rddreg [dreg:$0x2]  }
0xf6: {  	s0 =	sadd.s32 @!p0 $0x100000, s0  }
0xf7: {  	[sflag:s0] =	ssyncadd.tile.s32 @!p0 $0x1;
	_ =	shalt  }
.Lfunc_end2:
_tile_overlayer_lowered:
.L_overlay_start_2:
0xf8: {  	(tag) =	ssettag $0x2  }
0xf9: {  	s0 =	rddreg [dreg:$0x0];
	s2 =	stileid.u32  }
0xfa: {  	s1 =	rddreg [dreg:$0x1];
	p0 =	sne.s32 s2, $0x0  }
0xfb: {  	s3 =	rddreg [dreg:$0x2];
	[bflag:$0x3] =	sbarrier.arrive $0xFFFF;
	s2 =	simm.s32 @!p0 $0x1C03  }
0xfc: {  	[timem:s3], [sflag:s2] =	dma.local @!p0 [hbm:s0], s1  }
0xfd: {  	s0 =	simm.s32 @!p0 $0x3  }
0xfe: {  	_ =	swait.ge @!p0 [sflag:s0], s1  }
0xff: {  	s1 =	ssub.s32 @!p0 $0x0, s1;
	[sflag:s0] =	ssyncset.done @!p0 $0x0  }
0x100: {  	[sflag:s0] =	ssyncadd.s32 @!p0 s1  }
0x101: {  	[bflag:$0x3] =	sbarrier.arrive $0xFFFF  }
0x102: {  	_ =	shalt  }

// kernel: kernel.19.cloned.1.call-start
scs
__scs_entry_jumppad:
0x0: {  	(pc) =	sbr.rel $0x88, $3  }
0x1: {  	(tag) =	ssettag $0x0;
	lr =	simm.s32 $0x1  }
0x2: {  	[smem:$0x3F8F] =	sst lr;
	_ =	strace $0xD0000000  }
0x3: {  	_ = 	snop  }
0x4: {  	_ = 	snop  }
0x5: {  	_ = 	snop  }
0x6: {  	_ = 	snop  }
0x7: {  	_ = 	snop  }
__scs_overlays_trampoline_lowered:
0x8: {  	[smem:$0x3F9E] =	sst s0  }
0x9: {  	[smem:$0x3F9F] =	sst s1  }
0xa: {  	[smem:$0x3FA0] =	sst s2  }
0xb: {  	[smem:$0x3FA1] =	sst s3  }
0xc: {  	[smem:$0x3FA2] =	sst s4  }
0xd: {  	[smem:$0x3FA3] =	sst s5  }
0xe: {  	[smem:$0x3FA4] =	sst s6  }
0xf: {  	[smem:$0x3FA5] =	sst s7  }
0x10: {  	[smem:$0x3FA6] =	sst s8  }
0x11: {  	[smem:$0x3FA7] =	sst s9;
	s0 =	simm.s32 @!p0 $0x0  }
0x12: {  	s1 =	sld [smem:$0x3F8D];
	s0 =	simm.s32 @p0 $0x1  }
0x13: {  	[smem:$0x3FA8] =	sst s0;
	s0 =	simm.s32 @!p1 $0x0  }
0x14: {  	s2 =	sld [smem:$0x3F8C];
	s0 =	simm.s32 @p1 $0x1  }
0x15: {  	[smem:$0x3FA9] =	sst s0;
	s0 =	simm.s32 @!p2 $0x0  }
0x16: {  	s3 =	sld [smem:$0x3FDB];
	s0 =	simm.s32 @p2 $0x1  }
0x17: {  	s4 =	simm.s32 $0x1BF5;
	[smem:$0x3FAB] =	sst s0  }
0x18: {  	s0 =	sld [smem:$0x3F8E];
	_ =	swait.ge [sflag:s4], $0x0  }
0x19: {  	s7 =	sld [smem:$0x3F8F]  }
0x1a: {  	s8 =	sadd.s32 $0xFFFFE003, lr  }
0x1b: {  	s9 =	sadd.s32 $0xFFFFFEF7, lr;
	s5 =	simm.s32 $0xFFFFFFFF;
	p2 =	slt.u32 s8, $0xFFFFF086  }
0x1c: {  	p1 =	slt.u32 s9, $0xF7A;
	s5 =	simm.s32 @!p2 $0x0  }
0x1d: {  	s5 =	simm.s32 @p1 $0x1;
	p0 =	seq.s32 s7, s2  }
0x1e: {  	s7 =	smul.u32 @!p0 $0xF7A, s2;
	p2 =	seq.s32 @!p0 s5, $0x0  }
0x1f: {  	s9 =	smul.u32 $0xF7A, s1;
	s8 =	simm.s32 @!p0 $0x1BF5;
	p2 =	por !p2, p0  }
0x20: {  	[sflag:s8] =	ssyncset.s32 @!p0 $0xFFFFF086;
	s6 =	sadd.s32 @!p0 s3, s7;
	s7 =	simm.s32 @!p0 $0x108  }
0x21: {  	s3 =	sadd.s32 s3, s9;
	s6 =	sadd.s32 @!p0 $0x88, s6;
	s7 =	simm.s32 @p2 $0x1082  }
0x22: {  	[simem:s7], [sflag:s8] =	dma.local @!p0 [hbm:s6], $0xF7A  }
0x23: {  	s9 =	sor.u32 $0xD0000000, s2;
	s6 =	simm.s32 $0x108;
	_ =	swait.ge @!p0 [sflag:s8], $0x0  }
0x24: {  	s3 =	sadd.s32 $0x88, s3;
	s6 =	simm.s32 @!p1 $0x1082;
	[sflag:s4] =	ssyncset.s32 $0xFFFFF086  }
0x25: {  	[simem:s6], [sflag:s4] =	dma.local [hbm:s3], $0xF7A  }
0x26: {  	[smem:$0x3F8F] =	sst s1;
	(tag) =	ssettag s2;
	_ =	strace s9  }
0x27: {  	s1 =	sld [smem:$0x3F9F]  }
0x28: {  	s2 =	sld [smem:$0x3FA0]  }
0x29: {  	s4 =	sld [smem:$0x3FA2]  }
0x2a: {  	p0 =	seq.s32 s5, $0x0;
	s5 =	sld [smem:$0x3FA3]  }
0x2b: {  	s6 =	sld [smem:$0x3FA4]  }
0x2c: {  	s7 =	sld [smem:$0x3FA5]  }
0x2d: {  	s3 =	simm.s32 $0x108;
	s8 =	sld [smem:$0x3FA6]  }
0x2e: {  	s3 =	simm.s32 @!p0 $0x1082;
	s9 =	sld [smem:$0x3FA7]  }
0x2f: {  	lr =	sadd.s32 s0, s3;
	s0 =	sld [smem:$0x3F9E]  }
0x30: {  	s3 =	sld [smem:$0x3FA1]  }
0x31: {  	[smem:$0x3FAA] =	sst s10  }
0x32: {  	s10 =	sld [smem:$0x3FA8];
	_ =	sdelay $0x3  }
0x33: {  	p0 =	seq.s32 s10, $0x1;
	s10 =	sld [smem:$0x3FAA];
	_ =	sdelay $0x3  }
0x34: {  	[smem:$0x3FAA] =	sst s10  }
0x35: {  	s10 =	sld [smem:$0x3FA9];
	_ =	sdelay $0x3  }
0x36: {  	p1 =	seq.s32 s10, $0x1;
	s10 =	sld [smem:$0x3FAA];
	_ =	sdelay $0x3  }
0x37: {  	[smem:$0x3FAA] =	sst s10  }
0x38: {  	s10 =	sld [smem:$0x3FAB]  }
0x39: {  	_ = 	snop;
	(pc) =	sbr.ind lr, $3  }
0x3a: {  	_ = 	snop  }
0x3b: {  	_ = 	snop  }
0x3c: {  	p2 =	seq.s32 s10, $0x1;
	s10 =	sld [smem:$0x3FAA]  }
0x3d: {  	_ =	shalt  }
0x3e: {  	_ =	shalt  }
0x3f: {  	_ =	shalt  }
0x40: {  	_ =	shalt  }
0x41: {  	_ =	shalt  }
0x42: {  	_ =	shalt  }
0x43: {  	_ =	shalt  }
0x44: {  	_ =	shalt  }
0x45: {  	_ =	shalt  }
0x46: {  	_ =	shalt  }
0x47: {  	_ =	shalt  }
0x48: {  	_ =	shalt  }
0x49: {  	_ =	shalt  }
0x4a: {  	_ =	shalt  }
0x4b: {  	_ =	shalt  }
0x4c: {  	_ =	shalt  }
0x4d: {  	_ =	shalt  }
0x4e: {  	_ =	shalt  }
0x4f: {  	_ =	shalt  }
0x50: {  	_ =	shalt  }
0x51: {  	_ =	shalt  }
0x52: {  	_ =	shalt  }
0x53: {  	_ =	shalt  }
0x54: {  	_ =	shalt  }
0x55: {  	_ =	shalt  }
0x56: {  	_ =	shalt  }
0x57: {  	_ =	shalt  }
0x58: {  	_ =	shalt  }
0x59: {  	_ =	shalt  }
0x5a: {  	_ =	shalt  }
0x5b: {  	_ =	shalt  }
0x5c: {  	_ =	shalt  }
0x5d: {  	_ =	shalt  }
0x5e: {  	_ =	shalt  }
0x5f: {  	_ =	shalt  }
0x60: {  	_ =	shalt  }
0x61: {  	_ =	shalt  }
0x62: {  	_ =	shalt  }
0x63: {  	_ =	shalt  }
0x64: {  	_ =	shalt  }
0x65: {  	_ =	shalt  }
0x66: {  	_ =	shalt  }
0x67: {  	_ =	shalt  }
0x68: {  	_ =	shalt  }
0x69: {  	_ =	shalt  }
0x6a: {  	_ =	shalt  }
0x6b: {  	_ =	shalt  }
0x6c: {  	_ =	shalt  }
0x6d: {  	_ =	shalt  }
0x6e: {  	_ =	shalt  }
0x6f: {  	_ =	shalt  }
0x70: {  	_ =	shalt  }
0x71: {  	_ =	shalt  }
0x72: {  	_ =	shalt  }
0x73: {  	_ =	shalt  }
0x74: {  	_ =	shalt  }
0x75: {  	_ =	shalt  }
0x76: {  	_ =	shalt  }
0x77: {  	_ =	shalt  }
0x78: {  	_ =	shalt  }
0x79: {  	_ =	shalt  }
0x7a: {  	_ =	shalt  }
0x7b: {  	_ =	shalt  }
0x7c: {  	_ =	shalt  }
0x7d: {  	_ =	shalt  }
0x7e: {  	_ =	shalt  }
0x7f: {  	_ =	shalt  }
0x80: {  	_ =	shalt  }
0x81: {  	_ =	shalt  }
0x82: {  	_ =	shalt  }
0x83: {  	_ =	shalt  }
0x84: {  	_ =	shalt  }
0x85: {  	_ =	shalt  }
0x86: {  	_ =	shalt  }
0x87: {  	_ =	shalt  }
.Lfunc_end0:
.L_simem_size_0:
called_computation.2_lowered:
.L_overlay_start_0:
0x88: {  	s2 =	sld [smem:$0x3FD9]  }
0x89: {  	s3 =	sld [smem:$0x3FFE];
	_ =	sdelay $0x1  }
0x8a: {  	s1 =	srdreg.scid  }
0x8b: {  	s0 =	sand.u32 $0x1, s1  }
0x8c: {  	s16 =	sshll.u32 s0, $0xA;
	s2 =	sadd.s32 s3, s2  }
0x8d: {  	s2 =	sadd.s32 s2, s16  }
0x8e: {  	[smem:$0x3FB6] =	sst s2  }
0x8f: {  	_ = 	snop  }
0x90: {  	(tm) =	ssettm $0x1  }
0x91: {  	s17 =	sld [smem:$0x3FFB];
	_ =	sdelay $0x3  }
0x92: {  	_ =	strace s17  }
0x93: {  	s2 =	sld [smem:$0x3FFC];
	_ =	sdelay $0x3  }
0x94: {  	_ =	strace s2  }
0x95: {  	s2 =	sld [smem:$0x3FFD];
	_ =	sdelay $0x3  }
0x96: {  	_ =	strace s2  }
0x97: {  	_ =	strace $0x8FFFFFFF  }
0x98: {  	s18 =	sld [smem:$0x3FDB];
	_ =	sdelay $0x1  }
0x99: {  	s19 =	simm.s32 $_scs_section_size  }
0x9a: {  	s4 =	simm.s32 $_size__tile_overlayer_lowered;
	s5 =	simm.s32 $_tile_overlayer_lowered  }
0x9b: {  	s22 =	simm.s32 $0x1BFF;
	s21 =	sshll.u32 s5, $0x1;
	s2 =	sadd.s32 s19, s18  }
0x9c: {  	s6 =	simm.s32 $0x0;
	s20 =	sshll.u32 s4, $0x1;
	s4 =	sadd.s32 s21, s2  }
0x9d: {  	[timem:s6], [sflag:s22] =	dma.local [hbm:s4], s20  }
0x9e: {  	_ =	swait.ge [sflag:s22], s20  }
0x9f: {  	s3 =	ssub.s32 $0x0, s20;
	[sflag:s22] =	ssyncset.done $0x0  }
0xa0: {  	[sflag:s22] =	ssyncadd.s32 s3;
	_ =	sdelay $0x1  }
0xa1: {  	s23 =	simm.s32 $0x1B8B  }
0xa2: {  	_ =	swait.ge [sflag:s23], $0x1  }
0xa3: {  	[sflag:s23] =	ssyncset.done $0x0  }
0xa4: {  	s25 =	simm.s32 $0x1B8E;
	s24 =	sld [smem:$0x3FFE];
	[sflag:s23] =	ssyncadd.s32 $0xFFFFFFFF  }
0xa5: {  	s26 =	simm.s32 $execute0_lowered;
	[smem:$0x3FD2] =	sst s25  }
0xa6: {  	s4 =	sshll.u32 s26, $0x1;
	_ =	strace $0x8000004C;
	[dreg:$0x1] =	wrdreg $0xFFFFFFFF  }
0xa7: {  	s28 =	simm.s32 $_size_execute0_lowered;
	s2 =	sadd.s32 s2, s4;
	[dreg:$0x0] =	wrdreg $0x0  }
0xa8: {  	s4 =	sshll.u32 s28, $0x1;
	[dreg:$0x2] =	wrdreg s2  }
0xa9: {  	[dreg:$0x3] =	wrdreg s4  }
0xaa: {  	[dreg:$0x4] =	wrdreg $0xC0  }
0xab: {  	_ =	task [dreg:s6], $0x5FFFF  }
0xac: {  	[dreg:$0x1] =	wrdreg $0xFFFFFFFF  }
0xad: {  	[dreg:$0x0] =	wrdreg $0x60  }
0xae: {  	[dreg:$0x2] =	wrdreg s24  }
0xaf: {  	[dreg:$0x3] =	wrdreg $0xA8000  }
0xb0: {  	[dreg:$0x4] =	wrdreg $0x9  }
0xb1: {  	_ =	task.clear_ibuf [dreg:s6], $0x5FFFF;
	_ =	strace $0x9000004C  }
0xb2: {  	s29 =	simm.s32 $0x9;
	_ =	strace $0x8000004E  }
0xb3: {  	_ =	swait.ge [sflag:s29], $0x1  }
0xb4: {  	[sflag:s29] =	ssyncadd.s32 $0xFFFFFFFF  }
0xb5: {  	_ =	strace $0x9000004E  }
0xb6: {  	_ =	sfence  }
0xb7: {  	s30 =	sld [smem:$0x0];
	_ =	sdelay $0x2  }
0xb8: {  	s31 =	sshll.u32 s1, $0xD;
	s1 =	sshrl.u32 s1, $0x2  }
0xb9: {  	s3 =	sand.u32 $0x4000, s31;
	s1 =	sadd.s32 s1, s30  }
0xba: {  	s0 =	sor.u32 s3, s0;
	s1 =	sshll.u32 s1, $0x11  }
0xbb: {  	s0 =	sor.u32 s1, s0  }
0xbc: {  	s0 =	sadd.s32 $0x8F2B, s0  }
0xbd: {  	[sflag:s0] =	ssyncadd.remote.s32 $0x1  }
0xbe: {  	_ =	sfence.sel $0xFFFF  }
0xbf: {  	[dreg:$0x0] =	wrdreg $0xFFFFFFFF;
	(pc) =	sbr.abs _section_cstart, $3  }
0xc0: {  	[dreg:$0x1] =	wrdreg $0xFFFFFFFF  }
0xc1: {  	_ =	task.clear_ibuf [dreg:s6], $0x2FFFF;
	_ =	strace $0x9FFFFFFF  }
0xc2: {  	(tm) =	ssettm $0x7FFFFFFF  }
0xc3: {  	_ =	shalt  }
tec
execute0_lowered:
.L_overlay_start_1:
0x0: {  	(tag) =	ssettag $0x1  }
0x1: {  	s0 =	rddreg [dreg:$0x0]  }
0x2: {  	s1 =	rddreg [dreg:$0x1];
	s2 =	simm.s32 $0x0;
	s5 =	srdreg.scid  }
0x3: {  	s19 =	stileid.u32;
	s28 =	simm.s32 $0x2;
	s29 =	simm.s32 $0x1380  }
0x4: {  	s30 =	simm.s32 $0x2700;
	s31 =	simm.s32 $0x2780;
	[smem:$0x7FF] =	sst s2  }
0x5: {  	s4 =	sadd.s32 $0x19C00, s0;
	s3 =	sadd.s32 $0xFC00, s0;
	s20 =	sadd.s32 $0x5C00, s0  }
0x6: {  	s5 =	sand.u32 $0x1, s5;
	s10 =	smul.u32 $0x280, s19;
	s6 =	sadd.s32 $0x41C00, s0  }
0x7: {  	s7 =	smul.u32 $0x50000, s19;
	s0 =	sadd.s32 $0x42400, s0;
	_ =	strace $0x8000004D  }
0x8: {  	[dreg:$0x3] =	wrdreg s6;
	s13 =	ssub.s32 $0x2, s5;
	p0 =	seq.s32 s5, $0x0  }
0x9: {  	s8 =	sshrl.u32 s13, $0x1;
	s12 =	sadd.s32 $0x80, s10;
	s14 =	sshrl.u32 s7, $0x2  }
0xa: {  	s16 =	ssub.s32 s13, s8;
	s15 =	sshll.u32 s12, $0x7;
	s6 =	sadd.s32 s14, s1  }
0xb: {  	s13 =	sadd.s32 $0x100, s10;
	s14 =	sadd.s32 $0x180, s10;
	s7 =	sadd.s32 s15, s1  }
0xc: {  	s17 =	sshll.u32 s13, $0x7;
	s15 =	smul.u32 $0x2800, s5;
	s9 =	sshll.u32 s14, $0x7  }
0xd: {  	s16 =	smax.u32 s16, $0x1;
	s8 =	sadd.s32 s17, s1;
	s17 =	sadd.s32 $0x200, s10  }
0xe: {  	s9 =	sadd.s32 s9, s1;
	s11 =	sshll.u32 s17, $0x7;
	s18 =	sadd.s32 s10, s15  }
0xf: {  	s21 =	sadd.s32 s15, s12;
	s22 =	sadd.s32 s15, s13;
	s24 =	sadd.s32 s15, s14  }
0x10: {  	s15 =	sadd.s32 s15, s17;
	s10 =	sadd.s32 s11, s1;
	s18 =	sshll.u32 s18, $0x4  }
0x11: {  	s13 =	sshll.u32 s22, $0x4;
	s25 =	sshll.u32 s15, $0x4;
	s22 =	simm.s32 $0x3  }
0x12: {  	s5 =	sadd.s32 s0, s18;
	s18 =	smul.u32 $0x500, s19;
	s23 =	sadd.s32 s0, s13  }
0x13: {  	s15 =	sadd.s32 s0, s25;
	s25 =	simm.s32 $0x6800;
	[dreg:$0x4] =	wrdreg s5  }
0x14: {  	s5 =	sshll.u32 s21, $0x4;
	[dreg:$0x6] =	wrdreg s23;
	s21 =	simm.s32 $0x2800  }
0x15: {  	s23 =	simm.s32 $0x1400;
	s5 =	sadd.s32 s0, s5;
	s19 =	sadd.s32 $0x5000, s18  }
0x16: {  	[dreg:$0x5] =	wrdreg s5;
	s5 =	sshll.u32 s24, $0x4;
	s19 =	smov.u32 @p0 s18  }
0x17: {  	s24 =	simm.s32 $0x80;
	s14 =	sadd.s32 s0, s5;
	s26 =	sadd.s32 $0x280, s19  }
0x18: {  	s17 =	sadd.s32 s3, s19;
	s18 =	sadd.s32 s20, s19;
	s0 =	simm.s32 $0x0  }
0x19: {  	s19 =	sadd.s32 s3, s26;
	s20 =	sadd.s32 s20, s26;
	s26 =	simm.s32 $0x1  }
.LBB2_1:
0x1a: {  	s3 =	rddreg [dreg:$0x3]  }
0x1b: {  	[tilespmem:s21], [sflag:$0x3] =	stream.linear.gather [hbm4b:s3+s2], $0x4000, $0x38;
	[tilespmem:$0x1E800] =	vst v63  }
0x1c: {  	_ =	swait.ge [sflag:s22], $0x4000  }
0x1d: {  	[sflag:s22] =	ssyncset.done $0x0  }
0x1e: {  	[sflag:s22] =	ssyncadd.s32 $0xFFFFC000  }
0x1f: {  	[spmem:s6] =	stream.linear.scatter [tilespmem:s21], [sflag:$0x3], $0x4000, $0x38;
	[tilespmem:$0x1E800] =	vst v63  }
0x20: {  	_ =	swait.ge [sflag:s22], $0x4000  }
0x21: {  	[sflag:s22] =	ssyncset.done $0x0  }
0x22: {  	[sflag:s22] =	ssyncadd.s32 $0xFFFFC000  }
0x23: {  	[spmem:s7] =	stream.linear.scatter [tilespmem:s21], [sflag:$0x3], $0x4000, $0x38;
	[tilespmem:$0x1E800] =	vst v63  }
0x24: {  	_ =	swait.ge [sflag:s22], $0x4000  }
0x25: {  	[sflag:s22] =	ssyncset.done $0x0  }
0x26: {  	[sflag:s22] =	ssyncadd.s32 $0xFFFFC000  }
0x27: {  	[spmem:s8] =	stream.linear.scatter [tilespmem:s21], [sflag:$0x3], $0x4000, $0x38;
	[tilespmem:$0x1E800] =	vst v63  }
0x28: {  	_ =	swait.ge [sflag:s22], $0x4000  }
0x29: {  	[sflag:s22] =	ssyncset.done $0x0  }
0x2a: {  	[sflag:s22] =	ssyncadd.s32 $0xFFFFC000  }
0x2b: {  	[spmem:s9] =	stream.linear.scatter [tilespmem:s21], [sflag:$0x3], $0x4000, $0x38;
	[tilespmem:$0x1E800] =	vst v63  }
0x2c: {  	_ =	swait.ge [sflag:s22], $0x4000  }
0x2d: {  	[sflag:s22] =	ssyncset.done $0x0  }
0x2e: {  	[sflag:s22] =	ssyncadd.s32 $0xFFFFC000  }
0x2f: {  	[spmem:s10] =	stream.linear.scatter [tilespmem:s21], [sflag:$0x3], $0x4000, $0x38;
	[tilespmem:$0x1E800] =	vst v63  }
0x30: {  	_ =	swait.ge [sflag:s22], $0x4000  }
0x31: {  	[sflag:s22] =	ssyncset.done $0x0  }
0x32: {  	[sflag:s22] =	ssyncadd.s32 $0xFFFFC000  }
0x33: {  	[bflag:$0x0] =	sbarrier.arrive $0xFFFF  }
0x34: {  	[tilespmem:s2], [sflag:$0x3] =	stream.linear.gather [hbm4b:s17+s2], $0x1400, $0x38;
	[tilespmem:$0x1E800] =	vst v63  }
0x35: {  	_ =	swait.ge [sflag:s22], $0x1400  }
0x36: {  	[sflag:s22] =	ssyncset.done $0x0  }
0x37: {  	[sflag:s22] =	ssyncadd.s32 $0xFFFFEC00  }
0x38: {  	[tilespmem:s23], [sflag:$0x3] =	stream.linear.gather [hbm4b:s18+s2], $0x1400, $0x38;
	[tilespmem:$0x1E800] =	vst v63  }
0x39: {  	_ =	swait.ge [sflag:s22], $0x1400  }
0x3a: {  	[sflag:s22] =	ssyncset.done $0x0  }
0x3b: {  	[sflag:s22] =	ssyncadd.s32 $0xFFFFEC00  }
0x3c: {  	[tilespmem:s21], [sflag:$0x1] =	stream.indirect.gather [hbm4b:s4+s24], $0x80, s2, s24, $0xb8;
	[tilespmem:$0x1E800] =	vst v63  }
0x3d: {  	s5 =	simm.s32 $0x80  }
0x3e: {  	[tilespmem:s25], [sflag:$0x2] =	stream.indirect.gather [hbm4b:s4+s24], $0x80, s5, s24, $0xb8;
	[tilespmem:$0x1E800] =	vst v63  }
0x3f: {  	_ =	swait.ge [sflag:s26], $0x4000  }
0x40: {  	[sflag:s26] =	ssyncset.done $0x0  }
0x41: {  	s11 =	simm.s32 $0x1400;
	[sflag:s26] =	ssyncadd.s32 $0xFFFFC000  }
0x42: {  	[spmem:s1] =	stream.indirect.scatter.add.f32 [tilespmem:s21], [sflag:$0x3], $0x80, s11, s24, $0xb8;
	[tilespmem:$0x1E800] =	vst v63  }
0x43: {  	_ =	swait.ge [sflag:s22], $0x4000  }
0x44: {  	[sflag:s22] =	ssyncset.done $0x0  }
0x45: {  	s12 =	simm.s32 $0x100;
	[sflag:s22] =	ssyncadd.s32 $0xFFFFC000  }
0x46: {  	[tilespmem:s21], [sflag:$0x1] =	stream.indirect.gather [hbm4b:s4+s24], $0x80, s12, s24, $0xb8;
	[tilespmem:$0x1E800] =	vst v63  }
0x47: {  	_ =	swait.ge [sflag:s28], $0x4000  }
0x48: {  	[sflag:s28] =	ssyncset.done $0x0  }
0x49: {  	s13 =	simm.s32 $0x1480;
	[sflag:s28] =	ssyncadd.s32 $0xFFFFC000  }
0x4a: {  	[spmem:s1] =	stream.indirect.scatter.add.f32 [tilespmem:s25], [sflag:$0x3], $0x80, s13, s24, $0xb8;
	[tilespmem:$0x1E800] =	vst v63  }
0x4b: {  	_ =	swait.ge [sflag:s22], $0x4000  }
0x4c: {  	s3 =	simm.s32 $0x100;
	s5 =	simm.s32 $0x800;
	[sflag:s22] =	ssyncset.done $0x0  }
.LBB2_2:
0x4d: {  	s11 =	sadd.s32 $0x80, s3  }
0x4e: {  	[sflag:s22] =	ssyncadd.s32 $0xFFFFC000;
	s12 =	smov.u32 s5;
	s13 =	sadd.s32 $0x400, s5  }
0x4f: {  	[tilespmem:s25], [sflag:$0x2] =	stream.indirect.gather [hbm4b:s4+s24], $0x80, s11, s24, $0xb8;
	[tilespmem:$0x1E800] =	vst v63  }
0x50: {  	p0 =	sne.s32 s5, $0x4800;
	_ =	swait.ge [sflag:s26], $0x4000  }
0x51: {  	[sflag:s26] =	ssyncset.done $0x0  }
0x52: {  	s5 =	sadd.s32 $0x1400, s3;
	[sflag:s26] =	ssyncadd.s32 $0xFFFFC000  }
0x53: {  	[spmem:s1] =	stream.indirect.scatter.add.f32 [tilespmem:s21], [sflag:$0x3], $0x80, s5, s24, $0xb8;
	[tilespmem:$0x1E800] =	vst v63  }
0x54: {  	_ =	swait.ge [sflag:s22], $0x4000  }
0x55: {  	[sflag:s22] =	ssyncset.done $0x0  }
0x56: {  	s5 =	sadd.s32 $0x100, s3;
	[sflag:s22] =	ssyncadd.s32 $0xFFFFC000  }
0x57: {  	[tilespmem:s21], [sflag:$0x1] =	stream.indirect.gather [hbm4b:s4+s24], $0x80, s5, s24, $0xb8;
	[tilespmem:$0x1E800] =	vst v63  }
0x58: {  	_ =	swait.ge [sflag:s28], $0x4000  }
.Ltmp0:
0x59: {  	[sflag:s28] =	ssyncset.done $0x0;
	(pc) =	sbr.rel @p0 .LBB2_2-.Ltmp0, $4  }
0x5a: {  	s3 =	sadd.s32 $0x1480, s3;
	[sflag:s28] =	ssyncadd.s32 $0xFFFFC000  }
0x5b: {  	[spmem:s1] =	stream.indirect.scatter.add.f32 [tilespmem:s25], [sflag:$0x3], $0x80, s3, s24, $0xb8;
	[tilespmem:$0x1E800] =	vst v63  }
0x5c: {  	_ =	swait.ge [sflag:s22], $0x4000  }
0x5d: {  	s5 =	smov.u32 s13;
	s3 =	sshra.s32 s12, $0x2;
	[sflag:s22] =	ssyncset.done $0x0  }
0x5e: {  	s5 =	sadd.s32 $0x80, s3;
	[sflag:s22] =	ssyncadd.s32 $0xFFFFC000  }
0x5f: {  	[tilespmem:s25], [sflag:$0x2] =	stream.indirect.gather [hbm4b:s4+s24], $0x80, s5, s24, $0xb8;
	[tilespmem:$0x1E800] =	vst v63  }
0x60: {  	_ =	swait.ge [sflag:s26], $0x4000  }
0x61: {  	[sflag:s26] =	ssyncset.done $0x0  }
0x62: {  	s13 =	sadd.s32 $0x1400, s3;
	[sflag:s26] =	ssyncadd.s32 $0xFFFFC000  }
0x63: {  	[spmem:s1] =	stream.indirect.scatter.add.f32 [tilespmem:s21], [sflag:$0x3], $0x80, s13, s24, $0xb8;
	[tilespmem:$0x1E800] =	vst v63  }
0x64: {  	_ =	swait.ge [sflag:s22], $0x4000  }
0x65: {  	[sflag:s22] =	ssyncset.done $0x0  }
0x66: {  	s11 =	sadd.s32 $0x100, s3;
	[sflag:s22] =	ssyncadd.s32 $0xFFFFC000  }
0x67: {  	[tilespmem:s21], [sflag:$0x1] =	stream.indirect.gather [hbm4b:s4+s24], $0x80, s11, s24, $0xb8;
	[tilespmem:$0x1E800] =	vst v63  }
0x68: {  	_ =	swait.ge [sflag:s28], $0x4000  }
0x69: {  	[sflag:s28] =	ssyncset.done $0x0  }
0x6a: {  	s12 =	sadd.s32 $0x1480, s3;
	[sflag:s28] =	ssyncadd.s32 $0xFFFFC000  }
0x6b: {  	[spmem:s1] =	stream.indirect.scatter.add.f32 [tilespmem:s25], [sflag:$0x3], $0x80, s12, s24, $0xb8;
	[tilespmem:$0x1E800] =	vst v63  }
0x6c: {  	_ =	swait.ge [sflag:s22], $0x4000  }
0x6d: {  	[sflag:s22] =	ssyncset.done $0x0  }
0x6e: {  	[sflag:s22] =	ssyncadd.s32 $0xFFFFC000  }
0x6f: {  	[tilespmem:s25], [sflag:$0x2] =	stream.indirect.gather [hbm4b:s4+s24], $0x80, s29, s24, $0xb8;
	[tilespmem:$0x1E800] =	vst v63  }
0x70: {  	_ =	swait.ge [sflag:s26], $0x4000  }
0x71: {  	[sflag:s26] =	ssyncset.done $0x0  }
0x72: {  	[sflag:s26] =	ssyncadd.s32 $0xFFFFC000  }
0x73: {  	[spmem:s1] =	stream.indirect.scatter.add.f32 [tilespmem:s21], [sflag:$0x3], $0x80, s30, s24, $0xb8;
	[tilespmem:$0x1E800] =	vst v63  }
0x74: {  	_ =	swait.ge [sflag:s22], $0x4000  }
0x75: {  	[sflag:s22] =	ssyncset.done $0x0  }
0x76: {  	[sflag:s22] =	ssyncadd.s32 $0xFFFFC000  }
0x77: {  	_ =	swait.ge [sflag:s28], $0x4000  }
0x78: {  	[sflag:s28] =	ssyncset.done $0x0  }
0x79: {  	[sflag:s28] =	ssyncadd.s32 $0xFFFFC000  }
0x7a: {  	[spmem:s1] =	stream.indirect.scatter.add.f32 [tilespmem:s25], [sflag:$0x3], $0x80, s31, s24, $0xb8;
	[tilespmem:$0x1E800] =	vst v63  }
0x7b: {  	_ =	swait.ge [sflag:s22], $0x4000  }
0x7c: {  	[sflag:s22] =	ssyncset.done $0x0  }
0x7d: {  	s13 =	simm.s32 $0x0;
	[sflag:s22] =	ssyncadd.s32 $0xFFFFC000  }
0x7e: {  	[tilespmem:s13], [sflag:$0x3] =	stream.linear.gather [hbm4b:s19+s13], $0x1400, $0x38;
	[tilespmem:$0x1E800] =	vst v63  }
0x7f: {  	_ =	swait.ge [sflag:s22], $0x1400  }
0x80: {  	[sflag:s22] =	ssyncset.done $0x0  }
0x81: {  	[sflag:s22] =	ssyncadd.s32 $0xFFFFEC00  }
0x82: {  	[tilespmem:s23], [sflag:$0x3] =	stream.linear.gather [hbm4b:s20+s13], $0x1400, $0x38;
	[tilespmem:$0x1E800] =	vst v63  }
0x83: {  	_ =	swait.ge [sflag:s22], $0x1400  }
0x84: {  	[sflag:s22] =	ssyncset.done $0x0  }
0x85: {  	[sflag:s22] =	ssyncadd.s32 $0xFFFFEC00  }
0x86: {  	[tilespmem:s21], [sflag:$0x1] =	stream.indirect.gather [hbm4b:s4+s24], $0x80, s13, s24, $0xb8;
	[tilespmem:$0x1E800] =	vst v63  }
0x87: {  	s5 =	simm.s32 $0x80  }
0x88: {  	[tilespmem:s25], [sflag:$0x2] =	stream.indirect.gather [hbm4b:s4+s24], $0x80, s5, s24, $0xb8;
	[tilespmem:$0x1E800] =	vst v63  }
0x89: {  	_ =	swait.ge [sflag:s26], $0x4000  }
0x8a: {  	[sflag:s26] =	ssyncset.done $0x0  }
0x8b: {  	s11 =	simm.s32 $0x1400;
	[sflag:s26] =	ssyncadd.s32 $0xFFFFC000  }
0x8c: {  	[spmem:s1] =	stream.indirect.scatter.add.f32 [tilespmem:s21], [sflag:$0x3], $0x80, s11, s24, $0xb8;
	[tilespmem:$0x1E800] =	vst v63  }
0x8d: {  	_ =	swait.ge [sflag:s22], $0x4000  }
0x8e: {  	[sflag:s22] =	ssyncset.done $0x0  }
0x8f: {  	s12 =	simm.s32 $0x100;
	[sflag:s22] =	ssyncadd.s32 $0xFFFFC000  }
0x90: {  	[tilespmem:s21], [sflag:$0x1] =	stream.indirect.gather [hbm4b:s4+s24], $0x80, s12, s24, $0xb8;
	[tilespmem:$0x1E800] =	vst v63  }
0x91: {  	_ =	swait.ge [sflag:s28], $0x4000  }
0x92: {  	[sflag:s28] =	ssyncset.done $0x0  }
0x93: {  	s13 =	simm.s32 $0x1480;
	[sflag:s28] =	ssyncadd.s32 $0xFFFFC000  }
0x94: {  	[spmem:s1] =	stream.indirect.scatter.add.f32 [tilespmem:s25], [sflag:$0x3], $0x80, s13, s24, $0xb8;
	[tilespmem:$0x1E800] =	vst v63  }
0x95: {  	_ =	swait.ge [sflag:s22], $0x4000  }
0x96: {  	s3 =	simm.s32 $0x100;
	s5 =	simm.s32 $0x800;
	[sflag:s22] =	ssyncset.done $0x0  }
.LBB2_4:
0x97: {  	s11 =	sadd.s32 $0x80, s3  }
0x98: {  	[sflag:s22] =	ssyncadd.s32 $0xFFFFC000;
	s12 =	smov.u32 s5;
	s13 =	sadd.s32 $0x400, s5  }
0x99: {  	[tilespmem:s25], [sflag:$0x2] =	stream.indirect.gather [hbm4b:s4+s24], $0x80, s11, s24, $0xb8;
	[tilespmem:$0x1E800] =	vst v63  }
0x9a: {  	p0 =	sne.s32 s5, $0x4800;
	_ =	swait.ge [sflag:s26], $0x4000  }
0x9b: {  	[sflag:s26] =	ssyncset.done $0x0  }
0x9c: {  	s5 =	sadd.s32 $0x1400, s3;
	[sflag:s26] =	ssyncadd.s32 $0xFFFFC000  }
0x9d: {  	[spmem:s1] =	stream.indirect.scatter.add.f32 [tilespmem:s21], [sflag:$0x3], $0x80, s5, s24, $0xb8;
	[tilespmem:$0x1E800] =	vst v63  }
0x9e: {  	_ =	swait.ge [sflag:s22], $0x4000  }
0x9f: {  	[sflag:s22] =	ssyncset.done $0x0  }
0xa0: {  	s5 =	sadd.s32 $0x100, s3;
	[sflag:s22] =	ssyncadd.s32 $0xFFFFC000  }
0xa1: {  	[tilespmem:s21], [sflag:$0x1] =	stream.indirect.gather [hbm4b:s4+s24], $0x80, s5, s24, $0xb8;
	[tilespmem:$0x1E800] =	vst v63  }
0xa2: {  	_ =	swait.ge [sflag:s28], $0x4000  }
.Ltmp1:
0xa3: {  	[sflag:s28] =	ssyncset.done $0x0;
	(pc) =	sbr.rel @p0 .LBB2_4-.Ltmp1, $4  }
0xa4: {  	s3 =	sadd.s32 $0x1480, s3;
	[sflag:s28] =	ssyncadd.s32 $0xFFFFC000  }
0xa5: {  	[spmem:s1] =	stream.indirect.scatter.add.f32 [tilespmem:s25], [sflag:$0x3], $0x80, s3, s24, $0xb8;
	[tilespmem:$0x1E800] =	vst v63  }
0xa6: {  	_ =	swait.ge [sflag:s22], $0x4000  }
0xa7: {  	s5 =	smov.u32 s13;
	s3 =	sshra.s32 s12, $0x2;
	[sflag:s22] =	ssyncset.done $0x0  }
0xa8: {  	s5 =	sadd.s32 $0x80, s3;
	[sflag:s22] =	ssyncadd.s32 $0xFFFFC000  }
0xa9: {  	[tilespmem:s25], [sflag:$0x2] =	stream.indirect.gather [hbm4b:s4+s24], $0x80, s5, s24, $0xb8;
	[tilespmem:$0x1E800] =	vst v63  }
0xaa: {  	_ =	swait.ge [sflag:s26], $0x4000  }
0xab: {  	[sflag:s26] =	ssyncset.done $0x0  }
0xac: {  	s12 =	sadd.s32 $0x1400, s3;
	[sflag:s26] =	ssyncadd.s32 $0xFFFFC000  }
0xad: {  	[spmem:s1] =	stream.indirect.scatter.add.f32 [tilespmem:s21], [sflag:$0x3], $0x80, s12, s24, $0xb8;
	[tilespmem:$0x1E800] =	vst v63  }
0xae: {  	_ =	swait.ge [sflag:s22], $0x4000  }
0xaf: {  	[sflag:s22] =	ssyncset.done $0x0  }
0xb0: {  	s13 =	sadd.s32 $0x100, s3;
	[sflag:s22] =	ssyncadd.s32 $0xFFFFC000  }
0xb1: {  	[tilespmem:s21], [sflag:$0x1] =	stream.indirect.gather [hbm4b:s4+s24], $0x80, s13, s24, $0xb8;
	[tilespmem:$0x1E800] =	vst v63  }
0xb2: {  	_ =	swait.ge [sflag:s28], $0x4000  }
0xb3: {  	[sflag:s28] =	ssyncset.done $0x0  }
0xb4: {  	s5 =	sadd.s32 $0x1480, s3;
	[sflag:s28] =	ssyncadd.s32 $0xFFFFC000  }
0xb5: {  	[spmem:s1] =	stream.indirect.scatter.add.f32 [tilespmem:s25], [sflag:$0x3], $0x80, s5, s24, $0xb8;
	[tilespmem:$0x1E800] =	vst v63  }
0xb6: {  	_ =	swait.ge [sflag:s22], $0x4000  }
0xb7: {  	[sflag:s22] =	ssyncset.done $0x0  }
0xb8: {  	[sflag:s22] =	ssyncadd.s32 $0xFFFFC000  }
0xb9: {  	[tilespmem:s25], [sflag:$0x2] =	stream.indirect.gather [hbm4b:s4+s24], $0x80, s29, s24, $0xb8;
	[tilespmem:$0x1E800] =	vst v63  }
0xba: {  	_ =	swait.ge [sflag:s26], $0x4000  }
0xbb: {  	[sflag:s26] =	ssyncset.done $0x0  }
0xbc: {  	[sflag:s26] =	ssyncadd.s32 $0xFFFFC000  }
0xbd: {  	[spmem:s1] =	stream.indirect.scatter.add.f32 [tilespmem:s21], [sflag:$0x3], $0x80, s30, s24, $0xb8;
	[tilespmem:$0x1E800] =	vst v63  }
0xbe: {  	_ =	swait.ge [sflag:s22], $0x4000  }
0xbf: {  	[sflag:s22] =	ssyncset.done $0x0  }
0xc0: {  	[sflag:s22] =	ssyncadd.s32 $0xFFFFC000  }
0xc1: {  	_ =	swait.ge [sflag:s28], $0x4000  }
0xc2: {  	[sflag:s28] =	ssyncset.done $0x0  }
0xc3: {  	[sflag:s28] =	ssyncadd.s32 $0xFFFFC000  }
0xc4: {  	[spmem:s1] =	stream.indirect.scatter.add.f32 [tilespmem:s25], [sflag:$0x3], $0x80, s31, s24, $0xb8;
	[tilespmem:$0x1E800] =	vst v63  }
0xc5: {  	_ =	swait.ge [sflag:s22], $0x4000  }
0xc6: {  	[sflag:s22] =	ssyncset.done $0x0  }
0xc7: {  	[sflag:s22] =	ssyncadd.s32 $0xFFFFC000  }
0xc8: {  	[bflag:$0x0] =	sbarrier.arrive $0xFFFF  }
0xc9: {  	[tilespmem:s21], [sflag:$0x3] =	stream.linear.gather [spmem:s6], $0x4000, $0x38;
	[tilespmem:$0x1E800] =	vst v63  }
0xca: {  	_ =	swait.ge [sflag:s22], $0x4000  }
0xcb: {  	[sflag:s22] =	ssyncset.done $0x0  }
0xcc: {  	s11 =	rddreg [dreg:$0x4];
	[sflag:s22] =	ssyncadd.s32 $0xFFFFC000  }
0xcd: {  	[hbm4b:s11+s2] =	stream.linear.scatter [tilespmem:s21], [sflag:$0x3], $0x4000, $0x38;
	[tilespmem:$0x1E800] =	vst v63  }
0xce: {  	_ =	swait.ge [sflag:s22], $0x4000  }
0xcf: {  	[sflag:s22] =	ssyncset.done $0x0  }
0xd0: {  	[sflag:s22] =	ssyncadd.s32 $0xFFFFC000  }
0xd1: {  	[tilespmem:s21], [sflag:$0x3] =	stream.linear.gather [spmem:s7], $0x4000, $0x38;
	[tilespmem:$0x1E800] =	vst v63  }
0xd2: {  	_ =	swait.ge [sflag:s22], $0x4000  }
0xd3: {  	[sflag:s22] =	ssyncset.done $0x0  }
0xd4: {  	s12 =	rddreg [dreg:$0x5];
	[sflag:s22] =	ssyncadd.s32 $0xFFFFC000  }
0xd5: {  	[hbm4b:s12+s2] =	stream.linear.scatter [tilespmem:s21], [sflag:$0x3], $0x4000, $0x38;
	[tilespmem:$0x1E800] =	vst v63  }
0xd6: {  	_ =	swait.ge [sflag:s22], $0x4000  }
0xd7: {  	[sflag:s22] =	ssyncset.done $0x0  }
0xd8: {  	[sflag:s22] =	ssyncadd.s32 $0xFFFFC000  }
0xd9: {  	[tilespmem:s21], [sflag:$0x3] =	stream.linear.gather [spmem:s8], $0x4000, $0x38;
	[tilespmem:$0x1E800] =	vst v63  }
0xda: {  	_ =	swait.ge [sflag:s22], $0x4000  }
0xdb: {  	[sflag:s22] =	ssyncset.done $0x0  }
0xdc: {  	s13 =	rddreg [dreg:$0x6];
	[sflag:s22] =	ssyncadd.s32 $0xFFFFC000  }
0xdd: {  	[hbm4b:s13+s2] =	stream.linear.scatter [tilespmem:s21], [sflag:$0x3], $0x4000, $0x38;
	[tilespmem:$0x1E800] =	vst v63  }
0xde: {  	_ =	swait.ge [sflag:s22], $0x4000  }
0xdf: {  	[sflag:s22] =	ssyncset.done $0x0  }
0xe0: {  	[sflag:s22] =	ssyncadd.s32 $0xFFFFC000  }
0xe1: {  	[tilespmem:s21], [sflag:$0x3] =	stream.linear.gather [spmem:s9], $0x4000, $0x38;
	[tilespmem:$0x1E800] =	vst v63  }
0xe2: {  	_ =	swait.ge [sflag:s22], $0x4000  }
0xe3: {  	[sflag:s22] =	ssyncset.done $0x0  }
0xe4: {  	[sflag:s22] =	ssyncadd.s32 $0xFFFFC000  }
0xe5: {  	[hbm4b:s14+s2] =	stream.linear.scatter [tilespmem:s21], [sflag:$0x3], $0x4000, $0x38;
	[tilespmem:$0x1E800] =	vst v63  }
0xe6: {  	_ =	swait.ge [sflag:s22], $0x4000  }
0xe7: {  	[sflag:s22] =	ssyncset.done $0x0  }
0xe8: {  	[sflag:s22] =	ssyncadd.s32 $0xFFFFC000  }
0xe9: {  	[tilespmem:s21], [sflag:$0x3] =	stream.linear.gather [spmem:s10], $0x4000, $0x38;
	[tilespmem:$0x1E800] =	vst v63  }
0xea: {  	s0 =	sadd.s32 $0x1, s0;
	_ =	swait.ge [sflag:s22], $0x4000  }
0xeb: {  	p0 =	sne.s32 s0, s16;
	[sflag:s22] =	ssyncset.done $0x0  }
.Ltmp2:
0xec: {  	[sflag:s22] =	ssyncadd.s32 $0xFFFFC000;
	(pc) =	sbr.rel @p0 .LBB2_1-.Ltmp2, $4  }
0xed: {  	[hbm4b:s15+s2] =	stream.linear.scatter [tilespmem:s21], [sflag:$0x3], $0x4000, $0x38;
	[tilespmem:$0x1E800] =	vst v63  }
0xee: {  	_ =	swait.ge [sflag:s22], $0x4000  }
0xef: {  	[sflag:s22] =	ssyncset.done $0x0  }
0xf0: {  	[sflag:s22] =	ssyncadd.s32 $0xFFFFC000  }
0xf1: {  	_ =	sfence.sel $0x180000  }
0xf2: {  	[bflag:$0x0] =	sbarrier.arrive $0xFFFF  }
0xf3: {  	_ =	strace $0x9000004D  }
0xf4: {  	s0 =	stileid.u32;
	[bflag:$0x2] =	sbarrier.arrive $0xFFFF  }
0xf5: {  	p0 =	sne.s32 s0, $0x0;
	s0 =	rddreg [dreg:$0x2]  }
0xf6: {  	s0 =	sadd.s32 @!p0 $0x100000, s0  }
0xf7: {  	[sflag:s0] =	ssyncadd.tile.s32 @!p0 $0x1;
	_ =	shalt  }
.Lfunc_end2:
_tile_overlayer_lowered:
.L_overlay_start_2:
0xf8: {  	(tag) =	ssettag $0x2  }
0xf9: {  	s0 =	rddreg [dreg:$0x0];
	s2 =	stileid.u32  }
0xfa: {  	s1 =	rddreg [dreg:$0x1];
	p0 =	sne.s32 s2, $0x0  }
0xfb: {  	s3 =	rddreg [dreg:$0x2];
	[bflag:$0x3] =	sbarrier.arrive $0xFFFF;
	s2 =	simm.s32 @!p0 $0x1C03  }
0xfc: {  	[timem:s3], [sflag:s2] =	dma.local @!p0 [hbm:s0], s1  }
0xfd: {  	s0 =	simm.s32 @!p0 $0x3  }
0xfe: {  	_ =	swait.ge @!p0 [sflag:s0], s1  }
0xff: {  	s1 =	ssub.s32 @!p0 $0x0, s1;
	[sflag:s0] =	ssyncset.done @!p0 $0x0  }
0x100: {  	[sflag:s0] =	ssyncadd.s32 @!p0 s1  }
0x101: {  	[bflag:$0x3] =	sbarrier.arrive $0xFFFF  }
0x102: {  	_ =	shalt  }

// kernel: kernel.22.cloned.1.call-start
scs
__scs_entry_jumppad:
0x0: {  	(pc) =	sbr.rel $0x88, $3  }
0x1: {  	(tag) =	ssettag $0x0;
	lr =	simm.s32 $0x1  }
0x2: {  	[smem:$0x3F8F] =	sst lr;
	_ =	strace $0xD0000000  }
0x3: {  	_ = 	snop  }
0x4: {  	_ = 	snop  }
0x5: {  	_ = 	snop  }
0x6: {  	_ = 	snop  }
0x7: {  	_ = 	snop  }
__scs_overlays_trampoline_lowered:
0x8: {  	[smem:$0x3F9E] =	sst s0  }
0x9: {  	[smem:$0x3F9F] =	sst s1  }
0xa: {  	[smem:$0x3FA0] =	sst s2  }
0xb: {  	[smem:$0x3FA1] =	sst s3  }
0xc: {  	[smem:$0x3FA2] =	sst s4  }
0xd: {  	[smem:$0x3FA3] =	sst s5  }
0xe: {  	[smem:$0x3FA4] =	sst s6  }
0xf: {  	[smem:$0x3FA5] =	sst s7  }
0x10: {  	[smem:$0x3FA6] =	sst s8  }
0x11: {  	[smem:$0x3FA7] =	sst s9;
	s0 =	simm.s32 @!p0 $0x0  }
0x12: {  	s1 =	sld [smem:$0x3F8D];
	s0 =	simm.s32 @p0 $0x1  }
0x13: {  	[smem:$0x3FA8] =	sst s0;
	s0 =	simm.s32 @!p1 $0x0  }
0x14: {  	s2 =	sld [smem:$0x3F8C];
	s0 =	simm.s32 @p1 $0x1  }
0x15: {  	[smem:$0x3FA9] =	sst s0;
	s0 =	simm.s32 @!p2 $0x0  }
0x16: {  	s3 =	sld [smem:$0x3FDB];
	s0 =	simm.s32 @p2 $0x1  }
0x17: {  	s4 =	simm.s32 $0x1BF5;
	[smem:$0x3FAB] =	sst s0  }
0x18: {  	s0 =	sld [smem:$0x3F8E];
	_ =	swait.ge [sflag:s4], $0x0  }
0x19: {  	s7 =	sld [smem:$0x3F8F]  }
0x1a: {  	s8 =	sadd.s32 $0xFFFFE003, lr  }
0x1b: {  	s9 =	sadd.s32 $0xFFFFFEF7, lr;
	s5 =	simm.s32 $0xFFFFFFFF;
	p2 =	slt.u32 s8, $0xFFFFF086  }
0x1c: {  	p1 =	slt.u32 s9, $0xF7A;
	s5 =	simm.s32 @!p2 $0x0  }
0x1d: {  	s5 =	simm.s32 @p1 $0x1;
	p0 =	seq.s32 s7, s2  }
0x1e: {  	s7 =	smul.u32 @!p0 $0xF7A, s2;
	p2 =	seq.s32 @!p0 s5, $0x0  }
0x1f: {  	s9 =	smul.u32 $0xF7A, s1;
	s8 =	simm.s32 @!p0 $0x1BF5;
	p2 =	por !p2, p0  }
0x20: {  	[sflag:s8] =	ssyncset.s32 @!p0 $0xFFFFF086;
	s6 =	sadd.s32 @!p0 s3, s7;
	s7 =	simm.s32 @!p0 $0x108  }
0x21: {  	s3 =	sadd.s32 s3, s9;
	s6 =	sadd.s32 @!p0 $0x88, s6;
	s7 =	simm.s32 @p2 $0x1082  }
0x22: {  	[simem:s7], [sflag:s8] =	dma.local @!p0 [hbm:s6], $0xF7A  }
0x23: {  	s9 =	sor.u32 $0xD0000000, s2;
	s6 =	simm.s32 $0x108;
	_ =	swait.ge @!p0 [sflag:s8], $0x0  }
0x24: {  	s3 =	sadd.s32 $0x88, s3;
	s6 =	simm.s32 @!p1 $0x1082;
	[sflag:s4] =	ssyncset.s32 $0xFFFFF086  }
0x25: {  	[simem:s6], [sflag:s4] =	dma.local [hbm:s3], $0xF7A  }
0x26: {  	[smem:$0x3F8F] =	sst s1;
	(tag) =	ssettag s2;
	_ =	strace s9  }
0x27: {  	s1 =	sld [smem:$0x3F9F]  }
0x28: {  	s2 =	sld [smem:$0x3FA0]  }
0x29: {  	s4 =	sld [smem:$0x3FA2]  }
0x2a: {  	p0 =	seq.s32 s5, $0x0;
	s5 =	sld [smem:$0x3FA3]  }
0x2b: {  	s6 =	sld [smem:$0x3FA4]  }
0x2c: {  	s7 =	sld [smem:$0x3FA5]  }
0x2d: {  	s3 =	simm.s32 $0x108;
	s8 =	sld [smem:$0x3FA6]  }
0x2e: {  	s3 =	simm.s32 @!p0 $0x1082;
	s9 =	sld [smem:$0x3FA7]  }
0x2f: {  	lr =	sadd.s32 s0, s3;
	s0 =	sld [smem:$0x3F9E]  }
0x30: {  	s3 =	sld [smem:$0x3FA1]  }
0x31: {  	[smem:$0x3FAA] =	sst s10  }
0x32: {  	s10 =	sld [smem:$0x3FA8];
	_ =	sdelay $0x3  }
0x33: {  	p0 =	seq.s32 s10, $0x1;
	s10 =	sld [smem:$0x3FAA];
	_ =	sdelay $0x3  }
0x34: {  	[smem:$0x3FAA] =	sst s10  }
0x35: {  	s10 =	sld [smem:$0x3FA9];
	_ =	sdelay $0x3  }
0x36: {  	p1 =	seq.s32 s10, $0x1;
	s10 =	sld [smem:$0x3FAA];
	_ =	sdelay $0x3  }
0x37: {  	[smem:$0x3FAA] =	sst s10  }
0x38: {  	s10 =	sld [smem:$0x3FAB]  }
0x39: {  	_ = 	snop;
	(pc) =	sbr.ind lr, $3  }
0x3a: {  	_ = 	snop  }
0x3b: {  	_ = 	snop  }
0x3c: {  	p2 =	seq.s32 s10, $0x1;
	s10 =	sld [smem:$0x3FAA]  }
0x3d: {  	_ =	shalt  }
0x3e: {  	_ =	shalt  }
0x3f: {  	_ =	shalt  }
0x40: {  	_ =	shalt  }
0x41: {  	_ =	shalt  }
0x42: {  	_ =	shalt  }
0x43: {  	_ =	shalt  }
0x44: {  	_ =	shalt  }
0x45: {  	_ =	shalt  }
0x46: {  	_ =	shalt  }
0x47: {  	_ =	shalt  }
0x48: {  	_ =	shalt  }
0x49: {  	_ =	shalt  }
0x4a: {  	_ =	shalt  }
0x4b: {  	_ =	shalt  }
0x4c: {  	_ =	shalt  }
0x4d: {  	_ =	shalt  }
0x4e: {  	_ =	shalt  }
0x4f: {  	_ =	shalt  }
0x50: {  	_ =	shalt  }
0x51: {  	_ =	shalt  }
0x52: {  	_ =	shalt  }
0x53: {  	_ =	shalt  }
0x54: {  	_ =	shalt  }
0x55: {  	_ =	shalt  }
0x56: {  	_ =	shalt  }
0x57: {  	_ =	shalt  }
0x58: {  	_ =	shalt  }
0x59: {  	_ =	shalt  }
0x5a: {  	_ =	shalt  }
0x5b: {  	_ =	shalt  }
0x5c: {  	_ =	shalt  }
0x5d: {  	_ =	shalt  }
0x5e: {  	_ =	shalt  }
0x5f: {  	_ =	shalt  }
0x60: {  	_ =	shalt  }
0x61: {  	_ =	shalt  }
0x62: {  	_ =	shalt  }
0x63: {  	_ =	shalt  }
0x64: {  	_ =	shalt  }
0x65: {  	_ =	shalt  }
0x66: {  	_ =	shalt  }
0x67: {  	_ =	shalt  }
0x68: {  	_ =	shalt  }
0x69: {  	_ =	shalt  }
0x6a: {  	_ =	shalt  }
0x6b: {  	_ =	shalt  }
0x6c: {  	_ =	shalt  }
0x6d: {  	_ =	shalt  }
0x6e: {  	_ =	shalt  }
0x6f: {  	_ =	shalt  }
0x70: {  	_ =	shalt  }
0x71: {  	_ =	shalt  }
0x72: {  	_ =	shalt  }
0x73: {  	_ =	shalt  }
0x74: {  	_ =	shalt  }
0x75: {  	_ =	shalt  }
0x76: {  	_ =	shalt  }
0x77: {  	_ =	shalt  }
0x78: {  	_ =	shalt  }
0x79: {  	_ =	shalt  }
0x7a: {  	_ =	shalt  }
0x7b: {  	_ =	shalt  }
0x7c: {  	_ =	shalt  }
0x7d: {  	_ =	shalt  }
0x7e: {  	_ =	shalt  }
0x7f: {  	_ =	shalt  }
0x80: {  	_ =	shalt  }
0x81: {  	_ =	shalt  }
0x82: {  	_ =	shalt  }
0x83: {  	_ =	shalt  }
0x84: {  	_ =	shalt  }
0x85: {  	_ =	shalt  }
0x86: {  	_ =	shalt  }
0x87: {  	_ =	shalt  }
.Lfunc_end0:
.L_simem_size_0:
called_computation.3_lowered:
.L_overlay_start_0:
0x88: {  	s2 =	sld [smem:$0x3FD9]  }
0x89: {  	s3 =	sld [smem:$0x3FFE];
	_ =	sdelay $0x1  }
0x8a: {  	s1 =	srdreg.scid  }
0x8b: {  	s0 =	sand.u32 $0x1, s1  }
0x8c: {  	s16 =	sshll.u32 s0, $0xA;
	s2 =	sadd.s32 s3, s2  }
0x8d: {  	s2 =	sadd.s32 s2, s16  }
0x8e: {  	[smem:$0x3FB6] =	sst s2  }
0x8f: {  	_ = 	snop  }
0x90: {  	(tm) =	ssettm $0x1  }
0x91: {  	s17 =	sld [smem:$0x3FFB];
	_ =	sdelay $0x3  }
0x92: {  	_ =	strace s17  }
0x93: {  	s2 =	sld [smem:$0x3FFC];
	_ =	sdelay $0x3  }
0x94: {  	_ =	strace s2  }
0x95: {  	s2 =	sld [smem:$0x3FFD];
	_ =	sdelay $0x3  }
0x96: {  	_ =	strace s2  }
0x97: {  	_ =	strace $0x8FFFFFFF  }
0x98: {  	s18 =	sld [smem:$0x3FDB];
	_ =	sdelay $0x1  }
0x99: {  	s19 =	simm.s32 $_scs_section_size  }
0x9a: {  	s4 =	simm.s32 $_size__tile_overlayer_lowered;
	s5 =	simm.s32 $_tile_overlayer_lowered  }
0x9b: {  	s22 =	simm.s32 $0x1BFF;
	s21 =	sshll.u32 s5, $0x1;
	s2 =	sadd.s32 s19, s18  }
0x9c: {  	s6 =	simm.s32 $0x0;
	s20 =	sshll.u32 s4, $0x1;
	s4 =	sadd.s32 s21, s2  }
0x9d: {  	[timem:s6], [sflag:s22] =	dma.local [hbm:s4], s20  }
0x9e: {  	_ =	swait.ge [sflag:s22], s20  }
0x9f: {  	s3 =	ssub.s32 $0x0, s20;
	[sflag:s22] =	ssyncset.done $0x0  }
0xa0: {  	[sflag:s22] =	ssyncadd.s32 s3;
	_ =	sdelay $0x1  }
0xa1: {  	s23 =	simm.s32 $0x1B8B  }
0xa2: {  	_ =	swait.ge [sflag:s23], $0x1  }
0xa3: {  	[sflag:s23] =	ssyncset.done $0x0  }
0xa4: {  	s25 =	simm.s32 $0x1B8E;
	s24 =	sld [smem:$0x3FFE];
	[sflag:s23] =	ssyncadd.s32 $0xFFFFFFFF  }
0xa5: {  	s26 =	simm.s32 $execute0_lowered;
	[smem:$0x3FD2] =	sst s25  }
0xa6: {  	s4 =	sshll.u32 s26, $0x1;
	_ =	strace $0x8000004F;
	[dreg:$0x1] =	wrdreg $0xFFFFFFFF  }
0xa7: {  	s28 =	simm.s32 $_size_execute0_lowered;
	s2 =	sadd.s32 s2, s4;
	[dreg:$0x0] =	wrdreg $0x0  }
0xa8: {  	s4 =	sshll.u32 s28, $0x1;
	[dreg:$0x2] =	wrdreg s2  }
0xa9: {  	[dreg:$0x3] =	wrdreg s4  }
0xaa: {  	[dreg:$0x4] =	wrdreg $0xC0  }
0xab: {  	_ =	task [dreg:s6], $0x5FFFF  }
0xac: {  	[dreg:$0x1] =	wrdreg $0xFFFFFFFF  }
0xad: {  	[dreg:$0x0] =	wrdreg $0x60  }
0xae: {  	[dreg:$0x2] =	wrdreg s24  }
0xaf: {  	[dreg:$0x3] =	wrdreg $0xA8000  }
0xb0: {  	[dreg:$0x4] =	wrdreg $0x9  }
0xb1: {  	_ =	task.clear_ibuf [dreg:s6], $0x5FFFF;
	_ =	strace $0x9000004F  }
0xb2: {  	s29 =	simm.s32 $0x9;
	_ =	strace $0x80000051  }
0xb3: {  	_ =	swait.ge [sflag:s29], $0x1  }
0xb4: {  	[sflag:s29] =	ssyncadd.s32 $0xFFFFFFFF  }
0xb5: {  	_ =	strace $0x90000051  }
0xb6: {  	_ =	sfence  }
0xb7: {  	s30 =	sld [smem:$0x0];
	_ =	sdelay $0x2  }
0xb8: {  	s31 =	sshll.u32 s1, $0xD;
	s1 =	sshrl.u32 s1, $0x2  }
0xb9: {  	s3 =	sand.u32 $0x4000, s31;
	s1 =	sadd.s32 s1, s30  }
0xba: {  	s0 =	sor.u32 s3, s0;
	s1 =	sshll.u32 s1, $0x11  }
0xbb: {  	s0 =	sor.u32 s1, s0  }
0xbc: {  	s0 =	sadd.s32 $0x8F2B, s0  }
0xbd: {  	[sflag:s0] =	ssyncadd.remote.s32 $0x1  }
0xbe: {  	_ =	sfence.sel $0xFFFF  }
0xbf: {  	[dreg:$0x0] =	wrdreg $0xFFFFFFFF;
	(pc) =	sbr.abs _section_cstart, $3  }
0xc0: {  	[dreg:$0x1] =	wrdreg $0xFFFFFFFF  }
0xc1: {  	_ =	task.clear_ibuf [dreg:s6], $0x2FFFF;
	_ =	strace $0x9FFFFFFF  }
0xc2: {  	(tm) =	ssettm $0x7FFFFFFF  }
0xc3: {  	_ =	shalt  }
tec
execute0_lowered:
.L_overlay_start_1:
0x0: {  	(tag) =	ssettag $0x1  }
0x1: {  	s0 =	rddreg [dreg:$0x0]  }
0x2: {  	s1 =	rddreg [dreg:$0x1];
	s2 =	simm.s32 $0x0;
	s5 =	srdreg.scid  }
0x3: {  	s19 =	stileid.u32;
	s28 =	simm.s32 $0x2;
	s29 =	simm.s32 $0x1380  }
0x4: {  	s30 =	simm.s32 $0x2700;
	s31 =	simm.s32 $0x2780;
	[smem:$0x7FF] =	sst s2  }
0x5: {  	s4 =	sadd.s32 $0x19C00, s0;
	s3 =	sadd.s32 $0xFC00, s0;
	s20 =	sadd.s32 $0x5C00, s0  }
0x6: {  	s5 =	sand.u32 $0x1, s5;
	s10 =	smul.u32 $0x280, s19;
	s6 =	sadd.s32 $0x41C00, s0  }
0x7: {  	s7 =	smul.u32 $0x50000, s19;
	s0 =	sadd.s32 $0x42400, s0;
	_ =	strace $0x80000050  }
0x8: {  	[dreg:$0x3] =	wrdreg s6;
	s13 =	ssub.s32 $0x2, s5;
	p0 =	seq.s32 s5, $0x0  }
0x9: {  	s8 =	sshrl.u32 s13, $0x1;
	s12 =	sadd.s32 $0x80, s10;
	s14 =	sshrl.u32 s7, $0x2  }
0xa: {  	s16 =	ssub.s32 s13, s8;
	s15 =	sshll.u32 s12, $0x7;
	s6 =	sadd.s32 s14, s1  }
0xb: {  	s13 =	sadd.s32 $0x100, s10;
	s14 =	sadd.s32 $0x180, s10;
	s7 =	sadd.s32 s15, s1  }
0xc: {  	s17 =	sshll.u32 s13, $0x7;
	s15 =	smul.u32 $0x2800, s5;
	s9 =	sshll.u32 s14, $0x7  }
0xd: {  	s16 =	smax.u32 s16, $0x1;
	s8 =	sadd.s32 s17, s1;
	s17 =	sadd.s32 $0x200, s10  }
0xe: {  	s9 =	sadd.s32 s9, s1;
	s11 =	sshll.u32 s17, $0x7;
	s18 =	sadd.s32 s10, s15  }
0xf: {  	s21 =	sadd.s32 s15, s12;
	s22 =	sadd.s32 s15, s13;
	s24 =	sadd.s32 s15, s14  }
0x10: {  	s15 =	sadd.s32 s15, s17;
	s10 =	sadd.s32 s11, s1;
	s18 =	sshll.u32 s18, $0x4  }
0x11: {  	s13 =	sshll.u32 s22, $0x4;
	s25 =	sshll.u32 s15, $0x4;
	s22 =	simm.s32 $0x3  }
0x12: {  	s5 =	sadd.s32 s0, s18;
	s18 =	smul.u32 $0x500, s19;
	s23 =	sadd.s32 s0, s13  }
0x13: {  	s15 =	sadd.s32 s0, s25;
	s25 =	simm.s32 $0x6800;
	[dreg:$0x4] =	wrdreg s5  }
0x14: {  	s5 =	sshll.u32 s21, $0x4;
	[dreg:$0x6] =	wrdreg s23;
	s21 =	simm.s32 $0x2800  }
0x15: {  	s23 =	simm.s32 $0x1400;
	s5 =	sadd.s32 s0, s5;
	s19 =	sadd.s32 $0x5000, s18  }
0x16: {  	[dreg:$0x5] =	wrdreg s5;
	s5 =	sshll.u32 s24, $0x4;
	s19 =	smov.u32 @p0 s18  }
0x17: {  	s24 =	simm.s32 $0x80;
	s14 =	sadd.s32 s0, s5;
	s26 =	sadd.s32 $0x280, s19  }
0x18: {  	s17 =	sadd.s32 s3, s19;
	s18 =	sadd.s32 s20, s19;
	s0 =	simm.s32 $0x0  }
0x19: {  	s19 =	sadd.s32 s3, s26;
	s20 =	sadd.s32 s20, s26;
	s26 =	simm.s32 $0x1  }
.LBB2_1:
0x1a: {  	s3 =	rddreg [dreg:$0x3]  }
0x1b: {  	[tilespmem:s21], [sflag:$0x3] =	stream.linear.gather [hbm4b:s3+s2], $0x4000, $0x38;
	[tilespmem:$0x1E800] =	vst v63  }
0x1c: {  	_ =	swait.ge [sflag:s22], $0x4000  }
0x1d: {  	[sflag:s22] =	ssyncset.done $0x0  }
0x1e: {  	[sflag:s22] =	ssyncadd.s32 $0xFFFFC000  }
0x1f: {  	[spmem:s6] =	stream.linear.scatter [tilespmem:s21], [sflag:$0x3], $0x4000, $0x38;
	[tilespmem:$0x1E800] =	vst v63  }
0x20: {  	_ =	swait.ge [sflag:s22], $0x4000  }
0x21: {  	[sflag:s22] =	ssyncset.done $0x0  }
0x22: {  	[sflag:s22] =	ssyncadd.s32 $0xFFFFC000  }
0x23: {  	[spmem:s7] =	stream.linear.scatter [tilespmem:s21], [sflag:$0x3], $0x4000, $0x38;
	[tilespmem:$0x1E800] =	vst v63  }
0x24: {  	_ =	swait.ge [sflag:s22], $0x4000  }
0x25: {  	[sflag:s22] =	ssyncset.done $0x0  }
0x26: {  	[sflag:s22] =	ssyncadd.s32 $0xFFFFC000  }
0x27: {  	[spmem:s8] =	stream.linear.scatter [tilespmem:s21], [sflag:$0x3], $0x4000, $0x38;
	[tilespmem:$0x1E800] =	vst v63  }
0x28: {  	_ =	swait.ge [sflag:s22], $0x4000  }
0x29: {  	[sflag:s22] =	ssyncset.done $0x0  }
0x2a: {  	[sflag:s22] =	ssyncadd.s32 $0xFFFFC000  }
0x2b: {  	[spmem:s9] =	stream.linear.scatter [tilespmem:s21], [sflag:$0x3], $0x4000, $0x38;
	[tilespmem:$0x1E800] =	vst v63  }
0x2c: {  	_ =	swait.ge [sflag:s22], $0x4000  }
0x2d: {  	[sflag:s22] =	ssyncset.done $0x0  }
0x2e: {  	[sflag:s22] =	ssyncadd.s32 $0xFFFFC000  }
0x2f: {  	[spmem:s10] =	stream.linear.scatter [tilespmem:s21], [sflag:$0x3], $0x4000, $0x38;
	[tilespmem:$0x1E800] =	vst v63  }
0x30: {  	_ =	swait.ge [sflag:s22], $0x4000  }
0x31: {  	[sflag:s22] =	ssyncset.done $0x0  }
0x32: {  	[sflag:s22] =	ssyncadd.s32 $0xFFFFC000  }
0x33: {  	[bflag:$0x0] =	sbarrier.arrive $0xFFFF  }
0x34: {  	[tilespmem:s2], [sflag:$0x3] =	stream.linear.gather [hbm4b:s17+s2], $0x1400, $0x38;
	[tilespmem:$0x1E800] =	vst v63  }
0x35: {  	_ =	swait.ge [sflag:s22], $0x1400  }
0x36: {  	[sflag:s22] =	ssyncset.done $0x0  }
0x37: {  	[sflag:s22] =	ssyncadd.s32 $0xFFFFEC00  }
0x38: {  	[tilespmem:s23], [sflag:$0x3] =	stream.linear.gather [hbm4b:s18+s2], $0x1400, $0x38;
	[tilespmem:$0x1E800] =	vst v63  }
0x39: {  	_ =	swait.ge [sflag:s22], $0x1400  }
0x3a: {  	[sflag:s22] =	ssyncset.done $0x0  }
0x3b: {  	[sflag:s22] =	ssyncadd.s32 $0xFFFFEC00  }
0x3c: {  	[tilespmem:s21], [sflag:$0x1] =	stream.indirect.gather [hbm4b:s4+s24], $0x80, s2, s24, $0xb8;
	[tilespmem:$0x1E800] =	vst v63  }
0x3d: {  	s5 =	simm.s32 $0x80  }
0x3e: {  	[tilespmem:s25], [sflag:$0x2] =	stream.indirect.gather [hbm4b:s4+s24], $0x80, s5, s24, $0xb8;
	[tilespmem:$0x1E800] =	vst v63  }
0x3f: {  	_ =	swait.ge [sflag:s26], $0x4000  }
0x40: {  	[sflag:s26] =	ssyncset.done $0x0  }
0x41: {  	s11 =	simm.s32 $0x1400;
	[sflag:s26] =	ssyncadd.s32 $0xFFFFC000  }
0x42: {  	[spmem:s1] =	stream.indirect.scatter.add.f32 [tilespmem:s21], [sflag:$0x3], $0x80, s11, s24, $0xb8;
	[tilespmem:$0x1E800] =	vst v63  }
0x43: {  	_ =	swait.ge [sflag:s22], $0x4000  }
0x44: {  	[sflag:s22] =	ssyncset.done $0x0  }
0x45: {  	s12 =	simm.s32 $0x100;
	[sflag:s22] =	ssyncadd.s32 $0xFFFFC000  }
0x46: {  	[tilespmem:s21], [sflag:$0x1] =	stream.indirect.gather [hbm4b:s4+s24], $0x80, s12, s24, $0xb8;
	[tilespmem:$0x1E800] =	vst v63  }
0x47: {  	_ =	swait.ge [sflag:s28], $0x4000  }
0x48: {  	[sflag:s28] =	ssyncset.done $0x0  }
0x49: {  	s13 =	simm.s32 $0x1480;
	[sflag:s28] =	ssyncadd.s32 $0xFFFFC000  }
0x4a: {  	[spmem:s1] =	stream.indirect.scatter.add.f32 [tilespmem:s25], [sflag:$0x3], $0x80, s13, s24, $0xb8;
	[tilespmem:$0x1E800] =	vst v63  }
0x4b: {  	_ =	swait.ge [sflag:s22], $0x4000  }
0x4c: {  	s3 =	simm.s32 $0x100;
	s5 =	simm.s32 $0x800;
	[sflag:s22] =	ssyncset.done $0x0  }
.LBB2_2:
0x4d: {  	s11 =	sadd.s32 $0x80, s3  }
0x4e: {  	[sflag:s22] =	ssyncadd.s32 $0xFFFFC000;
	s12 =	smov.u32 s5;
	s13 =	sadd.s32 $0x400, s5  }
0x4f: {  	[tilespmem:s25], [sflag:$0x2] =	stream.indirect.gather [hbm4b:s4+s24], $0x80, s11, s24, $0xb8;
	[tilespmem:$0x1E800] =	vst v63  }
0x50: {  	p0 =	sne.s32 s5, $0x4800;
	_ =	swait.ge [sflag:s26], $0x4000  }
0x51: {  	[sflag:s26] =	ssyncset.done $0x0  }
0x52: {  	s5 =	sadd.s32 $0x1400, s3;
	[sflag:s26] =	ssyncadd.s32 $0xFFFFC000  }
0x53: {  	[spmem:s1] =	stream.indirect.scatter.add.f32 [tilespmem:s21], [sflag:$0x3], $0x80, s5, s24, $0xb8;
	[tilespmem:$0x1E800] =	vst v63  }
0x54: {  	_ =	swait.ge [sflag:s22], $0x4000  }
0x55: {  	[sflag:s22] =	ssyncset.done $0x0  }
0x56: {  	s5 =	sadd.s32 $0x100, s3;
	[sflag:s22] =	ssyncadd.s32 $0xFFFFC000  }
0x57: {  	[tilespmem:s21], [sflag:$0x1] =	stream.indirect.gather [hbm4b:s4+s24], $0x80, s5, s24, $0xb8;
	[tilespmem:$0x1E800] =	vst v63  }
0x58: {  	_ =	swait.ge [sflag:s28], $0x4000  }
.Ltmp0:
0x59: {  	[sflag:s28] =	ssyncset.done $0x0;
	(pc) =	sbr.rel @p0 .LBB2_2-.Ltmp0, $4  }
0x5a: {  	s3 =	sadd.s32 $0x1480, s3;
	[sflag:s28] =	ssyncadd.s32 $0xFFFFC000  }
0x5b: {  	[spmem:s1] =	stream.indirect.scatter.add.f32 [tilespmem:s25], [sflag:$0x3], $0x80, s3, s24, $0xb8;
	[tilespmem:$0x1E800] =	vst v63  }
0x5c: {  	_ =	swait.ge [sflag:s22], $0x4000  }
0x5d: {  	s5 =	smov.u32 s13;
	s3 =	sshra.s32 s12, $0x2;
	[sflag:s22] =	ssyncset.done $0x0  }
0x5e: {  	s5 =	sadd.s32 $0x80, s3;
	[sflag:s22] =	ssyncadd.s32 $0xFFFFC000  }
0x5f: {  	[tilespmem:s25], [sflag:$0x2] =	stream.indirect.gather [hbm4b:s4+s24], $0x80, s5, s24, $0xb8;
	[tilespmem:$0x1E800] =	vst v63  }
0x60: {  	_ =	swait.ge [sflag:s26], $0x4000  }
0x61: {  	[sflag:s26] =	ssyncset.done $0x0  }
0x62: {  	s13 =	sadd.s32 $0x1400, s3;
	[sflag:s26] =	ssyncadd.s32 $0xFFFFC000  }
0x63: {  	[spmem:s1] =	stream.indirect.scatter.add.f32 [tilespmem:s21], [sflag:$0x3], $0x80, s13, s24, $0xb8;
	[tilespmem:$0x1E800] =	vst v63  }
0x64: {  	_ =	swait.ge [sflag:s22], $0x4000  }
0x65: {  	[sflag:s22] =	ssyncset.done $0x0  }
0x66: {  	s11 =	sadd.s32 $0x100, s3;
	[sflag:s22] =	ssyncadd.s32 $0xFFFFC000  }
0x67: {  	[tilespmem:s21], [sflag:$0x1] =	stream.indirect.gather [hbm4b:s4+s24], $0x80, s11, s24, $0xb8;
	[tilespmem:$0x1E800] =	vst v63  }
0x68: {  	_ =	swait.ge [sflag:s28], $0x4000  }
0x69: {  	[sflag:s28] =	ssyncset.done $0x0  }
0x6a: {  	s12 =	sadd.s32 $0x1480, s3;
	[sflag:s28] =	ssyncadd.s32 $0xFFFFC000  }
0x6b: {  	[spmem:s1] =	stream.indirect.scatter.add.f32 [tilespmem:s25], [sflag:$0x3], $0x80, s12, s24, $0xb8;
	[tilespmem:$0x1E800] =	vst v63  }
0x6c: {  	_ =	swait.ge [sflag:s22], $0x4000  }
0x6d: {  	[sflag:s22] =	ssyncset.done $0x0  }
0x6e: {  	[sflag:s22] =	ssyncadd.s32 $0xFFFFC000  }
0x6f: {  	[tilespmem:s25], [sflag:$0x2] =	stream.indirect.gather [hbm4b:s4+s24], $0x80, s29, s24, $0xb8;
	[tilespmem:$0x1E800] =	vst v63  }
0x70: {  	_ =	swait.ge [sflag:s26], $0x4000  }
0x71: {  	[sflag:s26] =	ssyncset.done $0x0  }
0x72: {  	[sflag:s26] =	ssyncadd.s32 $0xFFFFC000  }
0x73: {  	[spmem:s1] =	stream.indirect.scatter.add.f32 [tilespmem:s21], [sflag:$0x3], $0x80, s30, s24, $0xb8;
	[tilespmem:$0x1E800] =	vst v63  }
0x74: {  	_ =	swait.ge [sflag:s22], $0x4000  }
0x75: {  	[sflag:s22] =	ssyncset.done $0x0  }
0x76: {  	[sflag:s22] =	ssyncadd.s32 $0xFFFFC000  }
0x77: {  	_ =	swait.ge [sflag:s28], $0x4000  }
0x78: {  	[sflag:s28] =	ssyncset.done $0x0  }
0x79: {  	[sflag:s28] =	ssyncadd.s32 $0xFFFFC000  }
0x7a: {  	[spmem:s1] =	stream.indirect.scatter.add.f32 [tilespmem:s25], [sflag:$0x3], $0x80, s31, s24, $0xb8;
	[tilespmem:$0x1E800] =	vst v63  }
0x7b: {  	_ =	swait.ge [sflag:s22], $0x4000  }
0x7c: {  	[sflag:s22] =	ssyncset.done $0x0  }
0x7d: {  	s13 =	simm.s32 $0x0;
	[sflag:s22] =	ssyncadd.s32 $0xFFFFC000  }
0x7e: {  	[tilespmem:s13], [sflag:$0x3] =	stream.linear.gather [hbm4b:s19+s13], $0x1400, $0x38;
	[tilespmem:$0x1E800] =	vst v63  }
0x7f: {  	_ =	swait.ge [sflag:s22], $0x1400  }
0x80: {  	[sflag:s22] =	ssyncset.done $0x0  }
0x81: {  	[sflag:s22] =	ssyncadd.s32 $0xFFFFEC00  }
0x82: {  	[tilespmem:s23], [sflag:$0x3] =	stream.linear.gather [hbm4b:s20+s13], $0x1400, $0x38;
	[tilespmem:$0x1E800] =	vst v63  }
0x83: {  	_ =	swait.ge [sflag:s22], $0x1400  }
0x84: {  	[sflag:s22] =	ssyncset.done $0x0  }
0x85: {  	[sflag:s22] =	ssyncadd.s32 $0xFFFFEC00  }
0x86: {  	[tilespmem:s21], [sflag:$0x1] =	stream.indirect.gather [hbm4b:s4+s24], $0x80, s13, s24, $0xb8;
	[tilespmem:$0x1E800] =	vst v63  }
0x87: {  	s5 =	simm.s32 $0x80  }
0x88: {  	[tilespmem:s25], [sflag:$0x2] =	stream.indirect.gather [hbm4b:s4+s24], $0x80, s5, s24, $0xb8;
	[tilespmem:$0x1E800] =	vst v63  }
0x89: {  	_ =	swait.ge [sflag:s26], $0x4000  }
0x8a: {  	[sflag:s26] =	ssyncset.done $0x0  }
0x8b: {  	s11 =	simm.s32 $0x1400;
	[sflag:s26] =	ssyncadd.s32 $0xFFFFC000  }
0x8c: {  	[spmem:s1] =	stream.indirect.scatter.add.f32 [tilespmem:s21], [sflag:$0x3], $0x80, s11, s24, $0xb8;
	[tilespmem:$0x1E800] =	vst v63  }
0x8d: {  	_ =	swait.ge [sflag:s22], $0x4000  }
0x8e: {  	[sflag:s22] =	ssyncset.done $0x0  }
0x8f: {  	s12 =	simm.s32 $0x100;
	[sflag:s22] =	ssyncadd.s32 $0xFFFFC000  }
0x90: {  	[tilespmem:s21], [sflag:$0x1] =	stream.indirect.gather [hbm4b:s4+s24], $0x80, s12, s24, $0xb8;
	[tilespmem:$0x1E800] =	vst v63  }
0x91: {  	_ =	swait.ge [sflag:s28], $0x4000  }
0x92: {  	[sflag:s28] =	ssyncset.done $0x0  }
0x93: {  	s13 =	simm.s32 $0x1480;
	[sflag:s28] =	ssyncadd.s32 $0xFFFFC000  }
0x94: {  	[spmem:s1] =	stream.indirect.scatter.add.f32 [tilespmem:s25], [sflag:$0x3], $0x80, s13, s24, $0xb8;
	[tilespmem:$0x1E800] =	vst v63  }
0x95: {  	_ =	swait.ge [sflag:s22], $0x4000  }
0x96: {  	s3 =	simm.s32 $0x100;
	s5 =	simm.s32 $0x800;
	[sflag:s22] =	ssyncset.done $0x0  }
.LBB2_4:
0x97: {  	s11 =	sadd.s32 $0x80, s3  }
0x98: {  	[sflag:s22] =	ssyncadd.s32 $0xFFFFC000;
	s12 =	smov.u32 s5;
	s13 =	sadd.s32 $0x400, s5  }
0x99: {  	[tilespmem:s25], [sflag:$0x2] =	stream.indirect.gather [hbm4b:s4+s24], $0x80, s11, s24, $0xb8;
	[tilespmem:$0x1E800] =	vst v63  }
0x9a: {  	p0 =	sne.s32 s5, $0x4800;
	_ =	swait.ge [sflag:s26], $0x4000  }
0x9b: {  	[sflag:s26] =	ssyncset.done $0x0  }
0x9c: {  	s5 =	sadd.s32 $0x1400, s3;
	[sflag:s26] =	ssyncadd.s32 $0xFFFFC000  }
0x9d: {  	[spmem:s1] =	stream.indirect.scatter.add.f32 [tilespmem:s21], [sflag:$0x3], $0x80, s5, s24, $0xb8;
	[tilespmem:$0x1E800] =	vst v63  }
0x9e: {  	_ =	swait.ge [sflag:s22], $0x4000  }
0x9f: {  	[sflag:s22] =	ssyncset.done $0x0  }
0xa0: {  	s5 =	sadd.s32 $0x100, s3;
	[sflag:s22] =	ssyncadd.s32 $0xFFFFC000  }
0xa1: {  	[tilespmem:s21], [sflag:$0x1] =	stream.indirect.gather [hbm4b:s4+s24], $0x80, s5, s24, $0xb8;
	[tilespmem:$0x1E800] =	vst v63  }
0xa2: {  	_ =	swait.ge [sflag:s28], $0x4000  }
.Ltmp1:
0xa3: {  	[sflag:s28] =	ssyncset.done $0x0;
	(pc) =	sbr.rel @p0 .LBB2_4-.Ltmp1, $4  }
0xa4: {  	s3 =	sadd.s32 $0x1480, s3;
	[sflag:s28] =	ssyncadd.s32 $0xFFFFC000  }
0xa5: {  	[spmem:s1] =	stream.indirect.scatter.add.f32 [tilespmem:s25], [sflag:$0x3], $0x80, s3, s24, $0xb8;
	[tilespmem:$0x1E800] =	vst v63  }
0xa6: {  	_ =	swait.ge [sflag:s22], $0x4000  }
0xa7: {  	s5 =	smov.u32 s13;
	s3 =	sshra.s32 s12, $0x2;
	[sflag:s22] =	ssyncset.done $0x0  }
0xa8: {  	s5 =	sadd.s32 $0x80, s3;
	[sflag:s22] =	ssyncadd.s32 $0xFFFFC000  }
0xa9: {  	[tilespmem:s25], [sflag:$0x2] =	stream.indirect.gather [hbm4b:s4+s24], $0x80, s5, s24, $0xb8;
	[tilespmem:$0x1E800] =	vst v63  }
0xaa: {  	_ =	swait.ge [sflag:s26], $0x4000  }
0xab: {  	[sflag:s26] =	ssyncset.done $0x0  }
0xac: {  	s12 =	sadd.s32 $0x1400, s3;
	[sflag:s26] =	ssyncadd.s32 $0xFFFFC000  }
0xad: {  	[spmem:s1] =	stream.indirect.scatter.add.f32 [tilespmem:s21], [sflag:$0x3], $0x80, s12, s24, $0xb8;
	[tilespmem:$0x1E800] =	vst v63  }
0xae: {  	_ =	swait.ge [sflag:s22], $0x4000  }
0xaf: {  	[sflag:s22] =	ssyncset.done $0x0  }
0xb0: {  	s13 =	sadd.s32 $0x100, s3;
	[sflag:s22] =	ssyncadd.s32 $0xFFFFC000  }
0xb1: {  	[tilespmem:s21], [sflag:$0x1] =	stream.indirect.gather [hbm4b:s4+s24], $0x80, s13, s24, $0xb8;
	[tilespmem:$0x1E800] =	vst v63  }
0xb2: {  	_ =	swait.ge [sflag:s28], $0x4000  }
0xb3: {  	[sflag:s28] =	ssyncset.done $0x0  }
0xb4: {  	s5 =	sadd.s32 $0x1480, s3;
	[sflag:s28] =	ssyncadd.s32 $0xFFFFC000  }
0xb5: {  	[spmem:s1] =	stream.indirect.scatter.add.f32 [tilespmem:s25], [sflag:$0x3], $0x80, s5, s24, $0xb8;
	[tilespmem:$0x1E800] =	vst v63  }
0xb6: {  	_ =	swait.ge [sflag:s22], $0x4000  }
0xb7: {  	[sflag:s22] =	ssyncset.done $0x0  }
0xb8: {  	[sflag:s22] =	ssyncadd.s32 $0xFFFFC000  }
0xb9: {  	[tilespmem:s25], [sflag:$0x2] =	stream.indirect.gather [hbm4b:s4+s24], $0x80, s29, s24, $0xb8;
	[tilespmem:$0x1E800] =	vst v63  }
0xba: {  	_ =	swait.ge [sflag:s26], $0x4000  }
0xbb: {  	[sflag:s26] =	ssyncset.done $0x0  }
0xbc: {  	[sflag:s26] =	ssyncadd.s32 $0xFFFFC000  }
0xbd: {  	[spmem:s1] =	stream.indirect.scatter.add.f32 [tilespmem:s21], [sflag:$0x3], $0x80, s30, s24, $0xb8;
	[tilespmem:$0x1E800] =	vst v63  }
0xbe: {  	_ =	swait.ge [sflag:s22], $0x4000  }
0xbf: {  	[sflag:s22] =	ssyncset.done $0x0  }
0xc0: {  	[sflag:s22] =	ssyncadd.s32 $0xFFFFC000  }
0xc1: {  	_ =	swait.ge [sflag:s28], $0x4000  }
0xc2: {  	[sflag:s28] =	ssyncset.done $0x0  }
0xc3: {  	[sflag:s28] =	ssyncadd.s32 $0xFFFFC000  }
0xc4: {  	[spmem:s1] =	stream.indirect.scatter.add.f32 [tilespmem:s25], [sflag:$0x3], $0x80, s31, s24, $0xb8;
	[tilespmem:$0x1E800] =	vst v63  }
0xc5: {  	_ =	swait.ge [sflag:s22], $0x4000  }
0xc6: {  	[sflag:s22] =	ssyncset.done $0x0  }
0xc7: {  	[sflag:s22] =	ssyncadd.s32 $0xFFFFC000  }
0xc8: {  	[bflag:$0x0] =	sbarrier.arrive $0xFFFF  }
0xc9: {  	[tilespmem:s21], [sflag:$0x3] =	stream.linear.gather [spmem:s6], $0x4000, $0x38;
	[tilespmem:$0x1E800] =	vst v63  }
0xca: {  	_ =	swait.ge [sflag:s22], $0x4000  }
0xcb: {  	[sflag:s22] =	ssyncset.done $0x0  }
0xcc: {  	s11 =	rddreg [dreg:$0x4];
	[sflag:s22] =	ssyncadd.s32 $0xFFFFC000  }
0xcd: {  	[hbm4b:s11+s2] =	stream.linear.scatter [tilespmem:s21], [sflag:$0x3], $0x4000, $0x38;
	[tilespmem:$0x1E800] =	vst v63  }
0xce: {  	_ =	swait.ge [sflag:s22], $0x4000  }
0xcf: {  	[sflag:s22] =	ssyncset.done $0x0  }
0xd0: {  	[sflag:s22] =	ssyncadd.s32 $0xFFFFC000  }
0xd1: {  	[tilespmem:s21], [sflag:$0x3] =	stream.linear.gather [spmem:s7], $0x4000, $0x38;
	[tilespmem:$0x1E800] =	vst v63  }
0xd2: {  	_ =	swait.ge [sflag:s22], $0x4000  }
0xd3: {  	[sflag:s22] =	ssyncset.done $0x0  }
0xd4: {  	s12 =	rddreg [dreg:$0x5];
	[sflag:s22] =	ssyncadd.s32 $0xFFFFC000  }
0xd5: {  	[hbm4b:s12+s2] =	stream.linear.scatter [tilespmem:s21], [sflag:$0x3], $0x4000, $0x38;
	[tilespmem:$0x1E800] =	vst v63  }
0xd6: {  	_ =	swait.ge [sflag:s22], $0x4000  }
0xd7: {  	[sflag:s22] =	ssyncset.done $0x0  }
0xd8: {  	[sflag:s22] =	ssyncadd.s32 $0xFFFFC000  }
0xd9: {  	[tilespmem:s21], [sflag:$0x3] =	stream.linear.gather [spmem:s8], $0x4000, $0x38;
	[tilespmem:$0x1E800] =	vst v63  }
0xda: {  	_ =	swait.ge [sflag:s22], $0x4000  }
0xdb: {  	[sflag:s22] =	ssyncset.done $0x0  }
0xdc: {  	s13 =	rddreg [dreg:$0x6];
	[sflag:s22] =	ssyncadd.s32 $0xFFFFC000  }
0xdd: {  	[hbm4b:s13+s2] =	stream.linear.scatter [tilespmem:s21], [sflag:$0x3], $0x4000, $0x38;
	[tilespmem:$0x1E800] =	vst v63  }
0xde: {  	_ =	swait.ge [sflag:s22], $0x4000  }
0xdf: {  	[sflag:s22] =	ssyncset.done $0x0  }
0xe0: {  	[sflag:s22] =	ssyncadd.s32 $0xFFFFC000  }
0xe1: {  	[tilespmem:s21], [sflag:$0x3] =	stream.linear.gather [spmem:s9], $0x4000, $0x38;
	[tilespmem:$0x1E800] =	vst v63  }
0xe2: {  	_ =	swait.ge [sflag:s22], $0x4000  }
0xe3: {  	[sflag:s22] =	ssyncset.done $0x0  }
0xe4: {  	[sflag:s22] =	ssyncadd.s32 $0xFFFFC000  }
0xe5: {  	[hbm4b:s14+s2] =	stream.linear.scatter [tilespmem:s21], [sflag:$0x3], $0x4000, $0x38;
	[tilespmem:$0x1E800] =	vst v63  }
0xe6: {  	_ =	swait.ge [sflag:s22], $0x4000  }
0xe7: {  	[sflag:s22] =	ssyncset.done $0x0  }
0xe8: {  	[sflag:s22] =	ssyncadd.s32 $0xFFFFC000  }
0xe9: {  	[tilespmem:s21], [sflag:$0x3] =	stream.linear.gather [spmem:s10], $0x4000, $0x38;
	[tilespmem:$0x1E800] =	vst v63  }
0xea: {  	s0 =	sadd.s32 $0x1, s0;
	_ =	swait.ge [sflag:s22], $0x4000  }
0xeb: {  	p0 =	sne.s32 s0, s16;
	[sflag:s22] =	ssyncset.done $0x0  }
.Ltmp2:
0xec: {  	[sflag:s22] =	ssyncadd.s32 $0xFFFFC000;
	(pc) =	sbr.rel @p0 .LBB2_1-.Ltmp2, $4  }
0xed: {  	[hbm4b:s15+s2] =	stream.linear.scatter [tilespmem:s21], [sflag:$0x3], $0x4000, $0x38;
	[tilespmem:$0x1E800] =	vst v63  }
0xee: {  	_ =	swait.ge [sflag:s22], $0x4000  }
0xef: {  	[sflag:s22] =	ssyncset.done $0x0  }
0xf0: {  	[sflag:s22] =	ssyncadd.s32 $0xFFFFC000  }
0xf1: {  	_ =	sfence.sel $0x180000  }
0xf2: {  	[bflag:$0x0] =	sbarrier.arrive $0xFFFF  }
0xf3: {  	_ =	strace $0x90000050  }
0xf4: {  	s0 =	stileid.u32;
	[bflag:$0x2] =	sbarrier.arrive $0xFFFF  }
0xf5: {  	p0 =	sne.s32 s0, $0x0;
	s0 =	rddreg [dreg:$0x2]  }
0xf6: {  	s0 =	sadd.s32 @!p0 $0x100000, s0  }
0xf7: {  	[sflag:s0] =	ssyncadd.tile.s32 @!p0 $0x1;
	_ =	shalt  }
.Lfunc_end2:
_tile_overlayer_lowered:
.L_overlay_start_2:
0xf8: {  	(tag) =	ssettag $0x2  }
0xf9: {  	s0 =	rddreg [dreg:$0x0];
	s2 =	stileid.u32  }
0xfa: {  	s1 =	rddreg [dreg:$0x1];
	p0 =	sne.s32 s2, $0x0  }
0xfb: {  	s3 =	rddreg [dreg:$0x2];
	[bflag:$0x3] =	sbarrier.arrive $0xFFFF;
	s2 =	simm.s32 @!p0 $0x1C03  }
0xfc: {  	[timem:s3], [sflag:s2] =	dma.local @!p0 [hbm:s0], s1  }
0xfd: {  	s0 =	simm.s32 @!p0 $0x3  }
0xfe: {  	_ =	swait.ge @!p0 [sflag:s0], s1  }
0xff: {  	s1 =	ssub.s32 @!p0 $0x0, s1;
	[sflag:s0] =	ssyncset.done @!p0 $0x0  }
0x100: {  	[sflag:s0] =	ssyncadd.s32 @!p0 s1  }
0x101: {  	[bflag:$0x3] =	sbarrier.arrive $0xFFFF  }
0x102: {  	_ =	shalt  }

</sc_bundles>
